<compile_context>
chip_gen: v7x
topology: tpu7x:2x2x1
jax: 0.10.2.dev20260603
libtpu: 0.0.44.dev20260713+nightly
codegen_flags: <defaults>
</compile_context>

<pallas_src>
import functools

import jax
import jax.numpy as jnp
from jax import lax
from jax.experimental import pallas as pl
from jax.experimental.pallas import tpu as pltpu
from jax.experimental.pallas import tpu_sc as plsc

NC = 2
NS = 16
K = 128
NB = 2
IDXB = 16


def _sc_agg_kernel(blocks0, blocks1, rows_per_tile, n_pad, dh,
                   src_hbm, dst_hbm, x0_hbm, x1_hbm, out0_hbm, out1_hbm,
                   src_v, dst_v, rows_v, shm, gsems):
    cid = lax.axis_index("c")
    sid = lax.axis_index("s")
    on0 = cid == 0
    nblocks = jnp.where(on0, blocks0, blocks1)
    base_chunk = IDXB * jnp.where(on0, sid * blocks0,
                                  NS * blocks0 + sid * blocks1)

    xbase = NS * rows_per_tile
    zv = jnp.zeros((16,), jnp.float32)
    nrt = n_pad // NS
    for xp_hbm, outp_hbm in ((x0_hbm, out0_hbm), (x1_hbm, out1_hbm)):
        def zero_body(i, carry):
            for jj in range(dh // 16):
                rows_v[0][i, pl.ds(jj * 16, 16)] = zv
            return carry

        lax.fori_loop(0, K, zero_body, 0)
        for c in range(rows_per_tile // K):
            pltpu.sync_copy(rows_v[0],
                            shm.at[pl.ds(sid * rows_per_tile + c * K, K)])
        for c in range(nrt // K):
            pltpu.sync_copy(xp_hbm.at[pl.ds(sid * nrt + c * K, K)],
                            rows_v[1])
            pltpu.sync_copy(rows_v[1],
                            shm.at[pl.ds(xbase + sid * nrt + c * K, K)])
        plsc.subcore_barrier()

        def body(bi, carry):
            cbase = base_chunk + bi * IDXB
            pltpu.sync_copy(src_hbm.at[pl.ds(cbase, IDXB)], src_v)
            pltpu.sync_copy(dst_hbm.at[pl.ds(cbase, IDXB)], dst_v)
            for b in range(NB):
                pltpu.async_copy(shm.at[src_v.at[b]], rows_v[b], gsems[b])
            for j in range(IDXB):
                b = j % NB
                pltpu.make_async_copy(shm.at[pl.ds(0, K)], rows_v[b],
                                      gsems[b]).wait()
                pltpu.sync_copy(rows_v[b], shm.at[dst_v.at[j]], add=True)
                if j + NB < IDXB:
                    pltpu.async_copy(shm.at[src_v.at[j + NB]], rows_v[b],
                                     gsems[b])
            return carry

        lax.fori_loop(0, nblocks, body, 0)
        plsc.subcore_barrier()

        r0 = sid * rows_per_tile
        pltpu.sync_copy(shm.at[pl.ds(r0, rows_per_tile)],
                        outp_hbm.at[cid, pl.ds(r0, rows_per_tile)])


def _sc_aggregate(src, dst, x0, x1, acc_rows, rows_per_tile,
                  blocks0, blocks1):
    n_pad, dh = x0.shape
    mesh = plsc.VectorSubcoreMesh(core_axis_name="c", subcore_axis_name="s")
    kern = pl.kernel(
        functools.partial(_sc_agg_kernel, blocks0, blocks1, rows_per_tile,
                          n_pad, dh),
        out_type=[jax.ShapeDtypeStruct((NC, acc_rows, dh), jnp.float32),
                  jax.ShapeDtypeStruct((NC, acc_rows, dh), jnp.float32)],
        mesh=mesh,
        scratch_types=[
            pltpu.VMEM((IDXB, K), jnp.int32),
            pltpu.VMEM((IDXB, K), jnp.int32),
            [pltpu.VMEM((K, dh), jnp.float32) for _ in range(NB)],
            pltpu.VMEM_SHARED((acc_rows + n_pad, dh), jnp.float32),
            [pltpu.SemaphoreType.DMA for _ in range(NB)],
        ],
        compiler_params=pltpu.CompilerParams(use_tc_tiling_on_sc=False),
    )
    return kern(src, dst, x0, x1)


def _mlp_body(x_ref, a00_ref, a01_ref, a10_ref, a11_ref,
              w1_ref, b1_ref, w2_ref, b2_ref, wc_ref, bc_ref, o_ref):
    agg = jnp.concatenate(
        [a00_ref[0] + a01_ref[0], a10_ref[0] + a11_ref[0]], axis=1)
    h = x_ref[...] + agg
    h = jnp.maximum(
        jnp.dot(h, w1_ref[...], preferred_element_type=jnp.float32)
        + b1_ref[...], 0.0)
    h = jnp.dot(h, w2_ref[...], preferred_element_type=jnp.float32) + b2_ref[...]
    o_ref[...] = (
        jnp.dot(jnp.maximum(h, 0.0), wc_ref[...],
                preferred_element_type=jnp.float32) + bc_ref[...])


def _mlp(x, p0, p1, W1, b1, W2, b2, Wc, bc, blk):
    n, d = x.shape
    dh = d // 2
    d_out = Wc.shape[1]
    grid = n // blk
    w_spec = pl.BlockSpec((d, d), lambda i: (0, 0))
    b_spec = pl.BlockSpec((1, d), lambda i: (0, 0))
    half0 = pl.BlockSpec((1, blk, dh), lambda i: (0, i, 0))
    half1 = pl.BlockSpec((1, blk, dh), lambda i: (1, i, 0))
    return pl.pallas_call(
        _mlp_body,
        grid=(grid,),
        in_specs=[
            pl.BlockSpec((blk, d), lambda i: (i, 0)),
            half0, half1, half0, half1,
            w_spec, b_spec, w_spec, b_spec, w_spec,
            pl.BlockSpec((1, d_out), lambda i: (0, 0)),
        ],
        out_specs=pl.BlockSpec((blk, d_out), lambda i: (i, 0)),
        out_shape=jax.ShapeDtypeStruct((n, d_out), jnp.float32),
    )(x, p0, p0, p1, p1, W1, b1.reshape(1, -1), W2, b2.reshape(1, -1),
      Wc, bc.reshape(1, -1))


def kernel(x, edge_index, W1, b1, W2, b2, Wc, bc):
    n, d = x.shape
    dh = d // 2
    e = edge_index.shape[1]

    total_blocks = NC * NS * (-(-e // (NC * NS * K * IDXB)))
    per_tile_blocks = total_blocks // NS
    blocks0 = per_tile_blocks // 2
    blocks1 = per_tile_blocks - blocks0
    rows_per_tile = K * (-(-(n + 1) // (NS * K)))
    acc_rows = NS * rows_per_tile

    e_pad = total_blocks * IDXB * K - e
    src = edge_index[0].astype(jnp.int32) + acc_rows
    dst = edge_index[1].astype(jnp.int32)
    if e_pad:
        src = jnp.concatenate([src, jnp.full((e_pad,), acc_rows, jnp.int32)])
        dst = jnp.concatenate([dst, jnp.full((e_pad,), n, jnp.int32)])
    src = src.reshape(total_blocks * IDXB, K)
    dst = dst.reshape(total_blocks * IDXB, K)

    n_pad = K * NS * (-(-n // (K * NS)))
    x0 = x[:, :dh]
    x1 = x[:, dh:]
    if n_pad != n:
        x0 = jnp.pad(x0, ((0, n_pad - n), (0, 0)))
        x1 = jnp.pad(x1, ((0, n_pad - n), (0, 0)))

    p0, p1 = _sc_aggregate(src, dst, x0, x1, acc_rows, rows_per_tile,
                           blocks0, blocks1)

    blk = 2000 if n % 2000 == 0 else (1000 if n % 1000 == 0 else 8)
    return _mlp(x, p0, p1, W1, b1, W2, b2, Wc, bc, blk)

# --- scband reference (transcript-rebuilt; emitter-appended) ---
"""Pipeline reference for scband-gin-46377056862924 (READ-ONLY COPY).

The authoritative reference and input builder live on the scoring server;
editing this copy changes nothing except your own understanding.
"""

import jax, jax.numpy as jnp
import numpy as np

N = 10000
E = 320000
D_IN = 128
D_HID = 128
D_OUT = 128

def setup_inputs(seed: int = 0) -> dict:
    key = jax.random.key(seed)
    ks = jax.random.split(key, 10)
    x = jax.random.normal(ks[0], (N, D_IN), dtype=jnp.float32)
    edge_index = jax.random.randint(ks[1], (2, E), 0, N, dtype=jnp.int64)
    s1 = 1.0 / np.sqrt(D_IN)
    W1 = jax.random.uniform(ks[2], (D_IN, D_HID), minval=-s1, maxval=s1, dtype=jnp.float32)
    b1 = jax.random.uniform(ks[3], (D_HID,), minval=-s1, maxval=s1, dtype=jnp.float32)
    s2 = 1.0 / np.sqrt(D_HID)
    W2 = jax.random.uniform(ks[4], (D_HID, D_HID), minval=-s2, maxval=s2, dtype=jnp.float32)
    b2 = jax.random.uniform(ks[5], (D_HID,), minval=-s2, maxval=s2, dtype=jnp.float32)
    sc = 1.0 / np.sqrt(D_HID)
    Wc = jax.random.uniform(ks[6], (D_HID, D_OUT), minval=-sc, maxval=sc, dtype=jnp.float32)
    bc = jax.random.uniform(ks[7], (D_OUT,), minval=-sc, maxval=sc, dtype=jnp.float32)
    return {"x": x, "edge_index": edge_index, "W1": W1, "b1": b1, "W2": W2, "b2": b2, "Wc": Wc, "bc": bc}

def reference(x, edge_index, W1, b1, W2, b2, Wc, bc):
    # GINConv with eps=0: h = mlp((1 + eps) * x + sum_{j in N(i)} x_j)
    src = edge_index[0]
    dst = edge_index[1]
    agg = jnp.zeros_like(x).at[dst].add(x[src])  # scatter-add aggregation
    h = x + agg  # (1 + 0) * x + agg
    h = jnp.maximum(h @ W1 + b1, 0.0)
    h = h @ W2 + b2
    out = jnp.maximum(h, 0.0) @ Wc + bc
    return out

if __name__ == "__main__":
    import jax
    _d = setup_inputs()
    print(jax.jit(kernel)(*tuple(_d.values())))

</pallas_src>

<mosaic_0001>
#map = affine_map<(d0, d1) -> (0, 0)>
#map1 = affine_map<(d0, d1) -> (0, 0, 0)>
module attributes {stable_mosaic.version = 14 : i64} {
  func.func @_sc_agg_kernel(%arg0: i32, %arg1: i32, %arg2: memref<2560x128xi32, #tpu.memory_space<hbm>>, %arg3: memref<2560x128xi32, #tpu.memory_space<hbm>>, %arg4: memref<10240x64xf32, #tpu.memory_space<hbm>>, %arg5: memref<10240x64xf32, #tpu.memory_space<hbm>>, %arg6: memref<2x10240x64xf32, #tpu.memory_space<hbm>>, %arg7: memref<2x10240x64xf32, #tpu.memory_space<hbm>>, %arg8: memref<16x128xi32, #tpu.memory_space<vmem>>, %arg9: memref<16x128xi32, #tpu.memory_space<vmem>>, %arg10: memref<128x64xf32, #tpu.memory_space<vmem>>, %arg11: memref<128x64xf32, #tpu.memory_space<vmem>>, %arg12: memref<20480x64xf32, #tpu.memory_space<vmem_shared>>, %arg13: memref<!tpu.dma_semaphore, #tpu.memory_space<semaphore_mem>>, %arg14: memref<!tpu.dma_semaphore, #tpu.memory_space<semaphore_mem>>) attributes {dimension_semantics = [#tpu.dimension_semantics<core_parallel>, #tpu.dimension_semantics<subcore_parallel>], iteration_bounds = array<i64: 2, 16>, scalar_prefetch = 0 : i64, scratch_operands = 7 : i64, tpu.core_type = #tpu.core_type<sc_vector_subcore>, window_params = [{transform_indices = #map}, {transform_indices = #map}, {transform_indices = #map}, {transform_indices = #map}, {transform_indices = #map1}, {transform_indices = #map1}]} {
    %eq3A = arith.constant 0 : i32
    %eq3A_0 = arith.cmpi eq, %arg0, %eq3A : i32
    %jit3A = arith.constant 5 : i32
    %jit3A_1 = arith.constant 5 : i32
    %select_n3A = arith.select %eq3A_0, %jit3A, %jit3A_1 : i32
    %mul3A = arith.constant 5 : i32
    %mul3A_2 = arith.muli %arg1, %mul3A : i32
    %mul3A_3 = arith.constant 5 : i32
    %mul3A_4 = arith.muli %arg1, %mul3A_3 : i32
    %add3A = arith.constant 80 : i32
    %add3A_5 = arith.addi %add3A, %mul3A_4 : i32
    %select_n3A_6 = arith.select %eq3A_0, %mul3A_2, %add3A_5 : i32
    %mul3A_7 = arith.constant 16 : i32
    %mul3A_8 = arith.muli %mul3A_7, %select_n3A_6 : i32
    %broadcast_in_dim3A = arith.constant 0.000000e+00 : f32
    %broadcast_in_dim3A_9 = vector.broadcast %broadcast_in_dim3A : f32 to vector<16xf32>
    %scan3A = arith.constant 0 : i32
    %scan3A_10 = arith.constant 0 : i32
    %scan3A_11 = arith.constant 128 : i32
    %scan3A_12 = arith.addi %scan3A_10, %scan3A_11 : i32
    %scan3A_13 = arith.constant 1 : i32
    scf.for %scan3A_187 = %scan3A_10 to %scan3A_12 step %scan3A_13  : i32 {
      %swap3A = arith.index_cast %scan3A_187 : i32 to index
      %swap3A_188 = arith.constant 0 : index
      %swap3A_189 = tpu.vector_load %arg10[%swap3A, %swap3A_188] {strides = array<i32>} : memref<128x64xf32, #tpu.memory_space<vmem>>, vector<1x16xf32>,
      %swap3A_190 = vector.shape_cast %swap3A_189 : vector<1x16xf32> to vector<16xf32>
      %swap3A_191 = vector.shape_cast %broadcast_in_dim3A_9 : vector<16xf32> to vector<1x16xf32>
      tpu.vector_store %arg10[%swap3A, %swap3A_188], %swap3A_191 {strides = array<i32>} : memref<128x64xf32, #tpu.memory_space<vmem>>, vector<1x16xf32>,
      %swap3A_192 = arith.index_cast %scan3A_187 : i32 to index
      %swap3A_193 = arith.constant 16 : index
      %swap3A_194 = tpu.vector_load %arg10[%swap3A_192, %swap3A_193] {strides = array<i32>} : memref<128x64xf32, #tpu.memory_space<vmem>>, vector<1x16xf32>,
      %swap3A_195 = vector.shape_cast %swap3A_194 : vector<1x16xf32> to vector<16xf32>
      %swap3A_196 = vector.shape_cast %broadcast_in_dim3A_9 : vector<16xf32> to vector<1x16xf32>
      tpu.vector_store %arg10[%swap3A_192, %swap3A_193], %swap3A_196 {strides = array<i32>} : memref<128x64xf32, #tpu.memory_space<vmem>>, vector<1x16xf32>,
      %swap3A_197 = arith.index_cast %scan3A_187 : i32 to index
      %swap3A_198 = arith.constant 32 : index
      %swap3A_199 = tpu.vector_load %arg10[%swap3A_197, %swap3A_198] {strides = array<i32>} : memref<128x64xf32, #tpu.memory_space<vmem>>, vector<1x16xf32>,
      %swap3A_200 = vector.shape_cast %swap3A_199 : vector<1x16xf32> to vector<16xf32>
      %swap3A_201 = vector.shape_cast %broadcast_in_dim3A_9 : vector<16xf32> to vector<1x16xf32>
      tpu.vector_store %arg10[%swap3A_197, %swap3A_198], %swap3A_201 {strides = array<i32>} : memref<128x64xf32, #tpu.memory_space<vmem>>, vector<1x16xf32>,
      %swap3A_202 = arith.index_cast %scan3A_187 : i32 to index
      %swap3A_203 = arith.constant 48 : index
      %swap3A_204 = tpu.vector_load %arg10[%swap3A_202, %swap3A_203] {strides = array<i32>} : memref<128x64xf32, #tpu.memory_space<vmem>>, vector<1x16xf32>,
      %swap3A_205 = vector.shape_cast %swap3A_204 : vector<1x16xf32> to vector<16xf32>
      %swap3A_206 = vector.shape_cast %broadcast_in_dim3A_9 : vector<16xf32> to vector<1x16xf32>
      tpu.vector_store %arg10[%swap3A_202, %swap3A_203], %swap3A_206 {strides = array<i32>} : memref<128x64xf32, #tpu.memory_space<vmem>>, vector<1x16xf32>,
    }
    %scan3A_14 = arith.constant 128 : i32
    %mul3A_15 = arith.constant 640 : i32
    %mul3A_16 = arith.muli %arg1, %mul3A_15 : i32
    %add3A_17 = arith.constant 0 : i32
    %add3A_18 = arith.addi %mul3A_16, %add3A_17 : i32
    "tpu.region"() ({
      %run_scoped3A = tpu.sem_alloc : memref<!tpu.dma_semaphore, #tpu.memory_space<semaphore_mem>>
      %dma_start3A = arith.constant 0 : i32
      %dma_start3A_187 = tpu.memref_slice %arg12[%add3A_18, %dma_start3A] : memref<20480x64xf32, #tpu.memory_space<vmem_shared>> -> memref<128x64xf32, #tpu.memory_space<vmem_shared>>
      %dma_start3A_188 = arith.constant 0 : i32
      %dma_start3A_189 = tpu.memref_slice %arg12[%add3A_18, %dma_start3A_188] : memref<20480x64xf32, #tpu.memory_space<vmem_shared>> -> memref<128x64xf32, #tpu.memory_space<vmem_shared>>
      tpu.enqueue_dma source(%arg10 : memref<128x64xf32, #tpu.memory_space<vmem>>) target(%dma_start3A_189 : memref<128x64xf32, #tpu.memory_space<vmem_shared>>) target_semaphore(%run_scoped3A : memref<!tpu.dma_semaphore, #tpu.memory_space<semaphore_mem>>)
      %dma_wait3A = arith.constant 0 : i32
      %dma_wait3A_190 = tpu.memref_slice %arg12[%add3A_18, %dma_wait3A] : memref<20480x64xf32, #tpu.memory_space<vmem_shared>> -> memref<128x64xf32, #tpu.memory_space<vmem_shared>>
      %dma_wait3A_191 = arith.constant 0 : i32
      %dma_wait3A_192 = tpu.memref_slice %arg12[%add3A_18, %dma_wait3A_191] : memref<20480x64xf32, #tpu.memory_space<vmem_shared>> -> memref<128x64xf32, #tpu.memory_space<vmem_shared>>
      tpu.wait_dma2 semaphore(%run_scoped3A : memref<!tpu.dma_semaphore, #tpu.memory_space<semaphore_mem>>) src(%arg10 : memref<128x64xf32, #tpu.memory_space<vmem>>) dst(%dma_wait3A_192 : memref<128x64xf32, #tpu.memory_space<vmem_shared>>)
      tpu.yield
    }) : () -> ()
    %mul3A_19 = arith.constant 640 : i32
    %mul3A_20 = arith.muli %arg1, %mul3A_19 : i32
    %add3A_21 = arith.constant 128 : i32
    %add3A_22 = arith.addi %mul3A_20, %add3A_21 : i32
    "tpu.region"() ({
      %run_scoped3A = tpu.sem_alloc : memref<!tpu.dma_semaphore, #tpu.memory_space<semaphore_mem>>
      %dma_start3A = arith.constant 0 : i32
      %dma_start3A_187 = tpu.memref_slice %arg12[%add3A_22, %dma_start3A] : memref<20480x64xf32, #tpu.memory_space<vmem_shared>> -> memref<128x64xf32, #tpu.memory_space<vmem_shared>>
      %dma_start3A_188 = arith.constant 0 : i32
      %dma_start3A_189 = tpu.memref_slice %arg12[%add3A_22, %dma_start3A_188] : memref<20480x64xf32, #tpu.memory_space<vmem_shared>> -> memref<128x64xf32, #tpu.memory_space<vmem_shared>>
      tpu.enqueue_dma source(%arg10 : memref<128x64xf32, #tpu.memory_space<vmem>>) target(%dma_start3A_189 : memref<128x64xf32, #tpu.memory_space<vmem_shared>>) target_semaphore(%run_scoped3A : memref<!tpu.dma_semaphore, #tpu.memory_space<semaphore_mem>>)
      %dma_wait3A = arith.constant 0 : i32
      %dma_wait3A_190 = tpu.memref_slice %arg12[%add3A_22, %dma_wait3A] : memref<20480x64xf32, #tpu.memory_space<vmem_shared>> -> memref<128x64xf32, #tpu.memory_space<vmem_shared>>
      %dma_wait3A_191 = arith.constant 0 : i32
      %dma_wait3A_192 = tpu.memref_slice %arg12[%add3A_22, %dma_wait3A_191] : memref<20480x64xf32, #tpu.memory_space<vmem_shared>> -> memref<128x64xf32, #tpu.memory_space<vmem_shared>>
      tpu.wait_dma2 semaphore(%run_scoped3A : memref<!tpu.dma_semaphore, #tpu.memory_space<semaphore_mem>>) src(%arg10 : memref<128x64xf32, #tpu.memory_space<vmem>>) dst(%dma_wait3A_192 : memref<128x64xf32, #tpu.memory_space<vmem_shared>>)
      tpu.yield
    }) : () -> ()
    %mul3A_23 = arith.constant 640 : i32
    %mul3A_24 = arith.muli %arg1, %mul3A_23 : i32
    %add3A_25 = arith.constant 256 : i32
    %add3A_26 = arith.addi %mul3A_24, %add3A_25 : i32
    "tpu.region"() ({
      %run_scoped3A = tpu.sem_alloc : memref<!tpu.dma_semaphore, #tpu.memory_space<semaphore_mem>>
      %dma_start3A = arith.constant 0 : i32
      %dma_start3A_187 = tpu.memref_slice %arg12[%add3A_26, %dma_start3A] : memref<20480x64xf32, #tpu.memory_space<vmem_shared>> -> memref<128x64xf32, #tpu.memory_space<vmem_shared>>
      %dma_start3A_188 = arith.constant 0 : i32
      %dma_start3A_189 = tpu.memref_slice %arg12[%add3A_26, %dma_start3A_188] : memref<20480x64xf32, #tpu.memory_space<vmem_shared>> -> memref<128x64xf32, #tpu.memory_space<vmem_shared>>
      tpu.enqueue_dma source(%arg10 : memref<128x64xf32, #tpu.memory_space<vmem>>) target(%dma_start3A_189 : memref<128x64xf32, #tpu.memory_space<vmem_shared>>) target_semaphore(%run_scoped3A : memref<!tpu.dma_semaphore, #tpu.memory_space<semaphore_mem>>)
      %dma_wait3A = arith.constant 0 : i32
      %dma_wait3A_190 = tpu.memref_slice %arg12[%add3A_26, %dma_wait3A] : memref<20480x64xf32, #tpu.memory_space<vmem_shared>> -> memref<128x64xf32, #tpu.memory_space<vmem_shared>>
      %dma_wait3A_191 = arith.constant 0 : i32
      %dma_wait3A_192 = tpu.memref_slice %arg12[%add3A_26, %dma_wait3A_191] : memref<20480x64xf32, #tpu.memory_space<vmem_shared>> -> memref<128x64xf32, #tpu.memory_space<vmem_shared>>
      tpu.wait_dma2 semaphore(%run_scoped3A : memref<!tpu.dma_semaphore, #tpu.memory_space<semaphore_mem>>) src(%arg10 : memref<128x64xf32, #tpu.memory_space<vmem>>) dst(%dma_wait3A_192 : memref<128x64xf32, #tpu.memory_space<vmem_shared>>)
      tpu.yield
    }) : () -> ()
    %mul3A_27 = arith.constant 640 : i32
    %mul3A_28 = arith.muli %arg1, %mul3A_27 : i32
    %add3A_29 = arith.constant 384 : i32
    %add3A_30 = arith.addi %mul3A_28, %add3A_29 : i32
    "tpu.region"() ({
      %run_scoped3A = tpu.sem_alloc : memref<!tpu.dma_semaphore, #tpu.memory_space<semaphore_mem>>
      %dma_start3A = arith.constant 0 : i32
      %dma_start3A_187 = tpu.memref_slice %arg12[%add3A_30, %dma_start3A] : memref<20480x64xf32, #tpu.memory_space<vmem_shared>> -> memref<128x64xf32, #tpu.memory_space<vmem_shared>>
      %dma_start3A_188 = arith.constant 0 : i32
      %dma_start3A_189 = tpu.memref_slice %arg12[%add3A_30, %dma_start3A_188] : memref<20480x64xf32, #tpu.memory_space<vmem_shared>> -> memref<128x64xf32, #tpu.memory_space<vmem_shared>>
      tpu.enqueue_dma source(%arg10 : memref<128x64xf32, #tpu.memory_space<vmem>>) target(%dma_start3A_189 : memref<128x64xf32, #tpu.memory_space<vmem_shared>>) target_semaphore(%run_scoped3A : memref<!tpu.dma_semaphore, #tpu.memory_space<semaphore_mem>>)
      %dma_wait3A = arith.constant 0 : i32
      %dma_wait3A_190 = tpu.memref_slice %arg12[%add3A_30, %dma_wait3A] : memref<20480x64xf32, #tpu.memory_space<vmem_shared>> -> memref<128x64xf32, #tpu.memory_space<vmem_shared>>
      %dma_wait3A_191 = arith.constant 0 : i32
      %dma_wait3A_192 = tpu.memref_slice %arg12[%add3A_30, %dma_wait3A_191] : memref<20480x64xf32, #tpu.memory_space<vmem_shared>> -> memref<128x64xf32, #tpu.memory_space<vmem_shared>>
      tpu.wait_dma2 semaphore(%run_scoped3A : memref<!tpu.dma_semaphore, #tpu.memory_space<semaphore_mem>>) src(%arg10 : memref<128x64xf32, #tpu.memory_space<vmem>>) dst(%dma_wait3A_192 : memref<128x64xf32, #tpu.memory_space<vmem_shared>>)
      tpu.yield
    }) : () -> ()
    %mul3A_31 = arith.constant 640 : i32
    %mul3A_32 = arith.muli %arg1, %mul3A_31 : i32
    %add3A_33 = arith.constant 512 : i32
    %add3A_34 = arith.addi %mul3A_32, %add3A_33 : i32
    "tpu.region"() ({
      %run_scoped3A = tpu.sem_alloc : memref<!tpu.dma_semaphore, #tpu.memory_space<semaphore_mem>>
      %dma_start3A = arith.constant 0 : i32
      %dma_start3A_187 = tpu.memref_slice %arg12[%add3A_34, %dma_start3A] : memref<20480x64xf32, #tpu.memory_space<vmem_shared>> -> memref<128x64xf32, #tpu.memory_space<vmem_shared>>
      %dma_start3A_188 = arith.constant 0 : i32
      %dma_start3A_189 = tpu.memref_slice %arg12[%add3A_34, %dma_start3A_188] : memref<20480x64xf32, #tpu.memory_space<vmem_shared>> -> memref<128x64xf32, #tpu.memory_space<vmem_shared>>
      tpu.enqueue_dma source(%arg10 : memref<128x64xf32, #tpu.memory_space<vmem>>) target(%dma_start3A_189 : memref<128x64xf32, #tpu.memory_space<vmem_shared>>) target_semaphore(%run_scoped3A : memref<!tpu.dma_semaphore, #tpu.memory_space<semaphore_mem>>)
      %dma_wait3A = arith.constant 0 : i32
      %dma_wait3A_190 = tpu.memref_slice %arg12[%add3A_34, %dma_wait3A] : memref<20480x64xf32, #tpu.memory_space<vmem_shared>> -> memref<128x64xf32, #tpu.memory_space<vmem_shared>>
      %dma_wait3A_191 = arith.constant 0 : i32
      %dma_wait3A_192 = tpu.memref_slice %arg12[%add3A_34, %dma_wait3A_191] : memref<20480x64xf32, #tpu.memory_space<vmem_shared>> -> memref<128x64xf32, #tpu.memory_space<vmem_shared>>
      tpu.wait_dma2 semaphore(%run_scoped3A : memref<!tpu.dma_semaphore, #tpu.memory_space<semaphore_mem>>) src(%arg10 : memref<128x64xf32, #tpu.memory_space<vmem>>) dst(%dma_wait3A_192 : memref<128x64xf32, #tpu.memory_space<vmem_shared>>)
      tpu.yield
    }) : () -> ()
    %mul3A_35 = arith.constant 640 : i32
    %mul3A_36 = arith.muli %arg1, %mul3A_35 : i32
    %add3A_37 = arith.constant 0 : i32
    %add3A_38 = arith.addi %mul3A_36, %add3A_37 : i32
    "tpu.region"() ({
      %run_scoped3A = tpu.sem_alloc : memref<!tpu.dma_semaphore, #tpu.memory_space<semaphore_mem>>
      %dma_start3A = arith.constant 0 : i32
      %dma_start3A_187 = tpu.memref_slice %arg4[%add3A_38, %dma_start3A] : memref<10240x64xf32, #tpu.memory_space<hbm>> -> memref<128x64xf32, #tpu.memory_space<hbm>>
      %dma_start3A_188 = arith.constant 0 : i32
      %dma_start3A_189 = tpu.memref_slice %arg4[%add3A_38, %dma_start3A_188] : memref<10240x64xf32, #tpu.memory_space<hbm>> -> memref<128x64xf32, #tpu.memory_space<hbm>>
      tpu.enqueue_dma source(%dma_start3A_189 : memref<128x64xf32, #tpu.memory_space<hbm>>) target(%arg11 : memref<128x64xf32, #tpu.memory_space<vmem>>) target_semaphore(%run_scoped3A : memref<!tpu.dma_semaphore, #tpu.memory_space<semaphore_mem>>)
      %dma_wait3A = arith.constant 0 : i32
      %dma_wait3A_190 = tpu.memref_slice %arg4[%add3A_38, %dma_wait3A] : memref<10240x64xf32, #tpu.memory_space<hbm>> -> memref<128x64xf32, #tpu.memory_space<hbm>>
      %dma_wait3A_191 = arith.constant 0 : i32
      %dma_wait3A_192 = tpu.memref_slice %arg4[%add3A_38, %dma_wait3A_191] : memref<10240x64xf32, #tpu.memory_space<hbm>> -> memref<128x64xf32, #tpu.memory_space<hbm>>
      tpu.wait_dma2 semaphore(%run_scoped3A : memref<!tpu.dma_semaphore, #tpu.memory_space<semaphore_mem>>) src(%dma_wait3A_192 : memref<128x64xf32, #tpu.memory_space<hbm>>) dst(%arg11 : memref<128x64xf32, #tpu.memory_space<vmem>>)
      tpu.yield
    }) : () -> ()
    %mul3A_39 = arith.constant 640 : i32
    %mul3A_40 = arith.muli %arg1, %mul3A_39 : i32
    %add3A_41 = arith.constant 10240 : i32
    %add3A_42 = arith.addi %add3A_41, %mul3A_40 : i32
    %add3A_43 = arith.constant 0 : i32
    %add3A_44 = arith.addi %add3A_42, %add3A_43 : i32
    "tpu.region"() ({
      %run_scoped3A = tpu.sem_alloc : memref<!tpu.dma_semaphore, #tpu.memory_space<semaphore_mem>>
      %dma_start3A = arith.constant 0 : i32
      %dma_start3A_187 = tpu.memref_slice %arg12[%add3A_44, %dma_start3A] : memref<20480x64xf32, #tpu.memory_space<vmem_shared>> -> memref<128x64xf32, #tpu.memory_space<vmem_shared>>
      %dma_start3A_188 = arith.constant 0 : i32
      %dma_start3A_189 = tpu.memref_slice %arg12[%add3A_44, %dma_start3A_188] : memref<20480x64xf32, #tpu.memory_space<vmem_shared>> -> memref<128x64xf32, #tpu.memory_space<vmem_shared>>
      tpu.enqueue_dma source(%arg11 : memref<128x64xf32, #tpu.memory_space<vmem>>) target(%dma_start3A_189 : memref<128x64xf32, #tpu.memory_space<vmem_shared>>) target_semaphore(%run_scoped3A : memref<!tpu.dma_semaphore, #tpu.memory_space<semaphore_mem>>)
      %dma_wait3A = arith.constant 0 : i32
      %dma_wait3A_190 = tpu.memref_slice %arg12[%add3A_44, %dma_wait3A] : memref<20480x64xf32, #tpu.memory_space<vmem_shared>> -> memref<128x64xf32, #tpu.memory_space<vmem_shared>>
      %dma_wait3A_191 = arith.constant 0 : i32
      %dma_wait3A_192 = tpu.memref_slice %arg12[%add3A_44, %dma_wait3A_191] : memref<20480x64xf32, #tpu.memory_space<vmem_shared>> -> memref<128x64xf32, #tpu.memory_space<vmem_shared>>
      tpu.wait_dma2 semaphore(%run_scoped3A : memref<!tpu.dma_semaphore, #tpu.memory_space<semaphore_mem>>) src(%arg11 : memref<128x64xf32, #tpu.memory_space<vmem>>) dst(%dma_wait3A_192 : memref<128x64xf32, #tpu.memory_space<vmem_shared>>)
      tpu.yield
    }) : () -> ()
    %mul3A_45 = arith.constant 640 : i32
    %mul3A_46 = arith.muli %arg1, %mul3A_45 : i32
    %add3A_47 = arith.constant 128 : i32
    %add3A_48 = arith.addi %mul3A_46, %add3A_47 : i32
    "tpu.region"() ({
      %run_scoped3A = tpu.sem_alloc : memref<!tpu.dma_semaphore, #tpu.memory_space<semaphore_mem>>
      %dma_start3A = arith.constant 0 : i32
      %dma_start3A_187 = tpu.memref_slice %arg4[%add3A_48, %dma_start3A] : memref<10240x64xf32, #tpu.memory_space<hbm>> -> memref<128x64xf32, #tpu.memory_space<hbm>>
      %dma_start3A_188 = arith.constant 0 : i32
      %dma_start3A_189 = tpu.memref_slice %arg4[%add3A_48, %dma_start3A_188] : memref<10240x64xf32, #tpu.memory_space<hbm>> -> memref<128x64xf32, #tpu.memory_space<hbm>>
      tpu.enqueue_dma source(%dma_start3A_189 : memref<128x64xf32, #tpu.memory_space<hbm>>) target(%arg11 : memref<128x64xf32, #tpu.memory_space<vmem>>) target_semaphore(%run_scoped3A : memref<!tpu.dma_semaphore, #tpu.memory_space<semaphore_mem>>)
      %dma_wait3A = arith.constant 0 : i32
      %dma_wait3A_190 = tpu.memref_slice %arg4[%add3A_48, %dma_wait3A] : memref<10240x64xf32, #tpu.memory_space<hbm>> -> memref<128x64xf32, #tpu.memory_space<hbm>>
      %dma_wait3A_191 = arith.constant 0 : i32
      %dma_wait3A_192 = tpu.memref_slice %arg4[%add3A_48, %dma_wait3A_191] : memref<10240x64xf32, #tpu.memory_space<hbm>> -> memref<128x64xf32, #tpu.memory_space<hbm>>
      tpu.wait_dma2 semaphore(%run_scoped3A : memref<!tpu.dma_semaphore, #tpu.memory_space<semaphore_mem>>) src(%dma_wait3A_192 : memref<128x64xf32, #tpu.memory_space<hbm>>) dst(%arg11 : memref<128x64xf32, #tpu.memory_space<vmem>>)
      tpu.yield
    }) : () -> ()
    %mul3A_49 = arith.constant 640 : i32
    %mul3A_50 = arith.muli %arg1, %mul3A_49 : i32
    %add3A_51 = arith.constant 10240 : i32
    %add3A_52 = arith.addi %add3A_51, %mul3A_50 : i32
    %add3A_53 = arith.constant 128 : i32
    %add3A_54 = arith.addi %add3A_52, %add3A_53 : i32
    "tpu.region"() ({
      %run_scoped3A = tpu.sem_alloc : memref<!tpu.dma_semaphore, #tpu.memory_space<semaphore_mem>>
      %dma_start3A = arith.constant 0 : i32
      %dma_start3A_187 = tpu.memref_slice %arg12[%add3A_54, %dma_start3A] : memref<20480x64xf32, #tpu.memory_space<vmem_shared>> -> memref<128x64xf32, #tpu.memory_space<vmem_shared>>
      %dma_start3A_188 = arith.constant 0 : i32
      %dma_start3A_189 = tpu.memref_slice %arg12[%add3A_54, %dma_start3A_188] : memref<20480x64xf32, #tpu.memory_space<vmem_shared>> -> memref<128x64xf32, #tpu.memory_space<vmem_shared>>
      tpu.enqueue_dma source(%arg11 : memref<128x64xf32, #tpu.memory_space<vmem>>) target(%dma_start3A_189 : memref<128x64xf32, #tpu.memory_space<vmem_shared>>) target_semaphore(%run_scoped3A : memref<!tpu.dma_semaphore, #tpu.memory_space<semaphore_mem>>)
      %dma_wait3A = arith.constant 0 : i32
      %dma_wait3A_190 = tpu.memref_slice %arg12[%add3A_54, %dma_wait3A] : memref<20480x64xf32, #tpu.memory_space<vmem_shared>> -> memref<128x64xf32, #tpu.memory_space<vmem_shared>>
      %dma_wait3A_191 = arith.constant 0 : i32
      %dma_wait3A_192 = tpu.memref_slice %arg12[%add3A_54, %dma_wait3A_191] : memref<20480x64xf32, #tpu.memory_space<vmem_shared>> -> memref<128x64xf32, #tpu.memory_space<vmem_shared>>
      tpu.wait_dma2 semaphore(%run_scoped3A : memref<!tpu.dma_semaphore, #tpu.memory_space<semaphore_mem>>) src(%arg11 : memref<128x64xf32, #tpu.memory_space<vmem>>) dst(%dma_wait3A_192 : memref<128x64xf32, #tpu.memory_space<vmem_shared>>)
      tpu.yield
    }) : () -> ()
    %mul3A_55 = arith.constant 640 : i32
    %mul3A_56 = arith.muli %arg1, %mul3A_55 : i32
    %add3A_57 = arith.constant 256 : i32
    %add3A_58 = arith.addi %mul3A_56, %add3A_57 : i32
    "tpu.region"() ({
      %run_scoped3A = tpu.sem_alloc : memref<!tpu.dma_semaphore, #tpu.memory_space<semaphore_mem>>
      %dma_start3A = arith.constant 0 : i32
      %dma_start3A_187 = tpu.memref_slice %arg4[%add3A_58, %dma_start3A] : memref<10240x64xf32, #tpu.memory_space<hbm>> -> memref<128x64xf32, #tpu.memory_space<hbm>>
      %dma_start3A_188 = arith.constant 0 : i32
      %dma_start3A_189 = tpu.memref_slice %arg4[%add3A_58, %dma_start3A_188] : memref<10240x64xf32, #tpu.memory_space<hbm>> -> memref<128x64xf32, #tpu.memory_space<hbm>>
      tpu.enqueue_dma source(%dma_start3A_189 : memref<128x64xf32, #tpu.memory_space<hbm>>) target(%arg11 : memref<128x64xf32, #tpu.memory_space<vmem>>) target_semaphore(%run_scoped3A : memref<!tpu.dma_semaphore, #tpu.memory_space<semaphore_mem>>)
      %dma_wait3A = arith.constant 0 : i32
      %dma_wait3A_190 = tpu.memref_slice %arg4[%add3A_58, %dma_wait3A] : memref<10240x64xf32, #tpu.memory_space<hbm>> -> memref<128x64xf32, #tpu.memory_space<hbm>>
      %dma_wait3A_191 = arith.constant 0 : i32
      %dma_wait3A_192 = tpu.memref_slice %arg4[%add3A_58, %dma_wait3A_191] : memref<10240x64xf32, #tpu.memory_space<hbm>> -> memref<128x64xf32, #tpu.memory_space<hbm>>
      tpu.wait_dma2 semaphore(%run_scoped3A : memref<!tpu.dma_semaphore, #tpu.memory_space<semaphore_mem>>) src(%dma_wait3A_192 : memref<128x64xf32, #tpu.memory_space<hbm>>) dst(%arg11 : memref<128x64xf32, #tpu.memory_space<vmem>>)
      tpu.yield
    }) : () -> ()
    %mul3A_59 = arith.constant 640 : i32
    %mul3A_60 = arith.muli %arg1, %mul3A_59 : i32
    %add3A_61 = arith.constant 10240 : i32
    %add3A_62 = arith.addi %add3A_61, %mul3A_60 : i32
    %add3A_63 = arith.constant 256 : i32
    %add3A_64 = arith.addi %add3A_62, %add3A_63 : i32
    "tpu.region"() ({
      %run_scoped3A = tpu.sem_alloc : memref<!tpu.dma_semaphore, #tpu.memory_space<semaphore_mem>>
      %dma_start3A = arith.constant 0 : i32
      %dma_start3A_187 = tpu.memref_slice %arg12[%add3A_64, %dma_start3A] : memref<20480x64xf32, #tpu.memory_space<vmem_shared>> -> memref<128x64xf32, #tpu.memory_space<vmem_shared>>
      %dma_start3A_188 = arith.constant 0 : i32
      %dma_start3A_189 = tpu.memref_slice %arg12[%add3A_64, %dma_start3A_188] : memref<20480x64xf32, #tpu.memory_space<vmem_shared>> -> memref<128x64xf32, #tpu.memory_space<vmem_shared>>
      tpu.enqueue_dma source(%arg11 : memref<128x64xf32, #tpu.memory_space<vmem>>) target(%dma_start3A_189 : memref<128x64xf32, #tpu.memory_space<vmem_shared>>) target_semaphore(%run_scoped3A : memref<!tpu.dma_semaphore, #tpu.memory_space<semaphore_mem>>)
      %dma_wait3A = arith.constant 0 : i32
      %dma_wait3A_190 = tpu.memref_slice %arg12[%add3A_64, %dma_wait3A] : memref<20480x64xf32, #tpu.memory_space<vmem_shared>> -> memref<128x64xf32, #tpu.memory_space<vmem_shared>>
      %dma_wait3A_191 = arith.constant 0 : i32
      %dma_wait3A_192 = tpu.memref_slice %arg12[%add3A_64, %dma_wait3A_191] : memref<20480x64xf32, #tpu.memory_space<vmem_shared>> -> memref<128x64xf32, #tpu.memory_space<vmem_shared>>
      tpu.wait_dma2 semaphore(%run_scoped3A : memref<!tpu.dma_semaphore, #tpu.memory_space<semaphore_mem>>) src(%arg11 : memref<128x64xf32, #tpu.memory_space<vmem>>) dst(%dma_wait3A_192 : memref<128x64xf32, #tpu.memory_space<vmem_shared>>)
      tpu.yield
    }) : () -> ()
    %mul3A_65 = arith.constant 640 : i32
    %mul3A_66 = arith.muli %arg1, %mul3A_65 : i32
    %add3A_67 = arith.constant 384 : i32
    %add3A_68 = arith.addi %mul3A_66, %add3A_67 : i32
    "tpu.region"() ({
      %run_scoped3A = tpu.sem_alloc : memref<!tpu.dma_semaphore, #tpu.memory_space<semaphore_mem>>
      %dma_start3A = arith.constant 0 : i32
      %dma_start3A_187 = tpu.memref_slice %arg4[%add3A_68, %dma_start3A] : memref<10240x64xf32, #tpu.memory_space<hbm>> -> memref<128x64xf32, #tpu.memory_space<hbm>>
      %dma_start3A_188 = arith.constant 0 : i32
      %dma_start3A_189 = tpu.memref_slice %arg4[%add3A_68, %dma_start3A_188] : memref<10240x64xf32, #tpu.memory_space<hbm>> -> memref<128x64xf32, #tpu.memory_space<hbm>>
      tpu.enqueue_dma source(%dma_start3A_189 : memref<128x64xf32, #tpu.memory_space<hbm>>) target(%arg11 : memref<128x64xf32, #tpu.memory_space<vmem>>) target_semaphore(%run_scoped3A : memref<!tpu.dma_semaphore, #tpu.memory_space<semaphore_mem>>)
      %dma_wait3A = arith.constant 0 : i32
      %dma_wait3A_190 = tpu.memref_slice %arg4[%add3A_68, %dma_wait3A] : memref<10240x64xf32, #tpu.memory_space<hbm>> -> memref<128x64xf32, #tpu.memory_space<hbm>>
      %dma_wait3A_191 = arith.constant 0 : i32
      %dma_wait3A_192 = tpu.memref_slice %arg4[%add3A_68, %dma_wait3A_191] : memref<10240x64xf32, #tpu.memory_space<hbm>> -> memref<128x64xf32, #tpu.memory_space<hbm>>
      tpu.wait_dma2 semaphore(%run_scoped3A : memref<!tpu.dma_semaphore, #tpu.memory_space<semaphore_mem>>) src(%dma_wait3A_192 : memref<128x64xf32, #tpu.memory_space<hbm>>) dst(%arg11 : memref<128x64xf32, #tpu.memory_space<vmem>>)
      tpu.yield
    }) : () -> ()
    %mul3A_69 = arith.constant 640 : i32
    %mul3A_70 = arith.muli %arg1, %mul3A_69 : i32
    %add3A_71 = arith.constant 10240 : i32
    %add3A_72 = arith.addi %add3A_71, %mul3A_70 : i32
    %add3A_73 = arith.constant 384 : i32
    %add3A_74 = arith.addi %add3A_72, %add3A_73 : i32
    "tpu.region"() ({
      %run_scoped3A = tpu.sem_alloc : memref<!tpu.dma_semaphore, #tpu.memory_space<semaphore_mem>>
      %dma_start3A = arith.constant 0 : i32
      %dma_start3A_187 = tpu.memref_slice %arg12[%add3A_74, %dma_start3A] : memref<20480x64xf32, #tpu.memory_space<vmem_shared>> -> memref<128x64xf32, #tpu.memory_space<vmem_shared>>
      %dma_start3A_188 = arith.constant 0 : i32
      %dma_start3A_189 = tpu.memref_slice %arg12[%add3A_74, %dma_start3A_188] : memref<20480x64xf32, #tpu.memory_space<vmem_shared>> -> memref<128x64xf32, #tpu.memory_space<vmem_shared>>
      tpu.enqueue_dma source(%arg11 : memref<128x64xf32, #tpu.memory_space<vmem>>) target(%dma_start3A_189 : memref<128x64xf32, #tpu.memory_space<vmem_shared>>) target_semaphore(%run_scoped3A : memref<!tpu.dma_semaphore, #tpu.memory_space<semaphore_mem>>)
      %dma_wait3A = arith.constant 0 : i32
      %dma_wait3A_190 = tpu.memref_slice %arg12[%add3A_74, %dma_wait3A] : memref<20480x64xf32, #tpu.memory_space<vmem_shared>> -> memref<128x64xf32, #tpu.memory_space<vmem_shared>>
      %dma_wait3A_191 = arith.constant 0 : i32
      %dma_wait3A_192 = tpu.memref_slice %arg12[%add3A_74, %dma_wait3A_191] : memref<20480x64xf32, #tpu.memory_space<vmem_shared>> -> memref<128x64xf32, #tpu.memory_space<vmem_shared>>
      tpu.wait_dma2 semaphore(%run_scoped3A : memref<!tpu.dma_semaphore, #tpu.memory_space<semaphore_mem>>) src(%arg11 : memref<128x64xf32, #tpu.memory_space<vmem>>) dst(%dma_wait3A_192 : memref<128x64xf32, #tpu.memory_space<vmem_shared>>)
      tpu.yield
    }) : () -> ()
    %mul3A_75 = arith.constant 640 : i32
    %mul3A_76 = arith.muli %arg1, %mul3A_75 : i32
    %add3A_77 = arith.constant 512 : i32
    %add3A_78 = arith.addi %mul3A_76, %add3A_77 : i32
    "tpu.region"() ({
      %run_scoped3A = tpu.sem_alloc : memref<!tpu.dma_semaphore, #tpu.memory_space<semaphore_mem>>
      %dma_start3A = arith.constant 0 : i32
      %dma_start3A_187 = tpu.memref_slice %arg4[%add3A_78, %dma_start3A] : memref<10240x64xf32, #tpu.memory_space<hbm>> -> memref<128x64xf32, #tpu.memory_space<hbm>>
      %dma_start3A_188 = arith.constant 0 : i32
      %dma_start3A_189 = tpu.memref_slice %arg4[%add3A_78, %dma_start3A_188] : memref<10240x64xf32, #tpu.memory_space<hbm>> -> memref<128x64xf32, #tpu.memory_space<hbm>>
      tpu.enqueue_dma source(%dma_start3A_189 : memref<128x64xf32, #tpu.memory_space<hbm>>) target(%arg11 : memref<128x64xf32, #tpu.memory_space<vmem>>) target_semaphore(%run_scoped3A : memref<!tpu.dma_semaphore, #tpu.memory_space<semaphore_mem>>)
      %dma_wait3A = arith.constant 0 : i32
      %dma_wait3A_190 = tpu.memref_slice %arg4[%add3A_78, %dma_wait3A] : memref<10240x64xf32, #tpu.memory_space<hbm>> -> memref<128x64xf32, #tpu.memory_space<hbm>>
      %dma_wait3A_191 = arith.constant 0 : i32
      %dma_wait3A_192 = tpu.memref_slice %arg4[%add3A_78, %dma_wait3A_191] : memref<10240x64xf32, #tpu.memory_space<hbm>> -> memref<128x64xf32, #tpu.memory_space<hbm>>
      tpu.wait_dma2 semaphore(%run_scoped3A : memref<!tpu.dma_semaphore, #tpu.memory_space<semaphore_mem>>) src(%dma_wait3A_192 : memref<128x64xf32, #tpu.memory_space<hbm>>) dst(%arg11 : memref<128x64xf32, #tpu.memory_space<vmem>>)
      tpu.yield
    }) : () -> ()
    %mul3A_79 = arith.constant 640 : i32
    %mul3A_80 = arith.muli %arg1, %mul3A_79 : i32
    %add3A_81 = arith.constant 10240 : i32
    %add3A_82 = arith.addi %add3A_81, %mul3A_80 : i32
    %add3A_83 = arith.constant 512 : i32
    %add3A_84 = arith.addi %add3A_82, %add3A_83 : i32
    "tpu.region"() ({
      %run_scoped3A = tpu.sem_alloc : memref<!tpu.dma_semaphore, #tpu.memory_space<semaphore_mem>>
      %dma_start3A = arith.constant 0 : i32
      %dma_start3A_187 = tpu.memref_slice %arg12[%add3A_84, %dma_start3A] : memref<20480x64xf32, #tpu.memory_space<vmem_shared>> -> memref<128x64xf32, #tpu.memory_space<vmem_shared>>
      %dma_start3A_188 = arith.constant 0 : i32
      %dma_start3A_189 = tpu.memref_slice %arg12[%add3A_84, %dma_start3A_188] : memref<20480x64xf32, #tpu.memory_space<vmem_shared>> -> memref<128x64xf32, #tpu.memory_space<vmem_shared>>
      tpu.enqueue_dma source(%arg11 : memref<128x64xf32, #tpu.memory_space<vmem>>) target(%dma_start3A_189 : memref<128x64xf32, #tpu.memory_space<vmem_shared>>) target_semaphore(%run_scoped3A : memref<!tpu.dma_semaphore, #tpu.memory_space<semaphore_mem>>)
      %dma_wait3A = arith.constant 0 : i32
      %dma_wait3A_190 = tpu.memref_slice %arg12[%add3A_84, %dma_wait3A] : memref<20480x64xf32, #tpu.memory_space<vmem_shared>> -> memref<128x64xf32, #tpu.memory_space<vmem_shared>>
      %dma_wait3A_191 = arith.constant 0 : i32
      %dma_wait3A_192 = tpu.memref_slice %arg12[%add3A_84, %dma_wait3A_191] : memref<20480x64xf32, #tpu.memory_space<vmem_shared>> -> memref<128x64xf32, #tpu.memory_space<vmem_shared>>
      tpu.wait_dma2 semaphore(%run_scoped3A : memref<!tpu.dma_semaphore, #tpu.memory_space<semaphore_mem>>) src(%arg11 : memref<128x64xf32, #tpu.memory_space<vmem>>) dst(%dma_wait3A_192 : memref<128x64xf32, #tpu.memory_space<vmem_shared>>)
      tpu.yield
    }) : () -> ()
    %barrier3A = arith.constant 0 : index
    tpu.barrier barrier_id(%barrier3A)
    %while3A = arith.constant 0 : i32
    %while3A_85 = arith.constant 0 : i32
    %while3A_86 = arith.subi %select_n3A, %while3A_85 : i32
    %while3A_87 = arith.addi %while3A_85, %while3A_86 : i32
    %while3A_88 = arith.constant 1 : i32
    %while3A_89 = arith.divsi %while3A_86, %while3A_88 : i32
    %while3A_90 = arith.muli %while3A_89, %while3A_88 : i32
    %while3A_91 = arith.addi %while3A_85, %while3A_90 : i32
    %while3A_92 = arith.constant 1 : i32
    scf.for %while3A_187 = %while3A_85 to %while3A_91 step %while3A_92  : i32 {
      %mul3A_188 = arith.constant 16 : i32
      %mul3A_189 = arith.muli %while3A_187, %mul3A_188 : i32
      %add3A_190 = arith.addi %mul3A_8, %mul3A_189 : i32
      "tpu.region"() ({
        %run_scoped3A_412 = tpu.sem_alloc : memref<!tpu.dma_semaphore, #tpu.memory_space<semaphore_mem>>
        %dma_start3A_413 = arith.constant 0 : i32
        %dma_start3A_414 = tpu.memref_slice %arg2[%add3A_190, %dma_start3A_413] : memref<2560x128xi32, #tpu.memory_space<hbm>> -> memref<16x128xi32, #tpu.memory_space<hbm>>
        %dma_start3A_415 = arith.constant 0 : i32
        %dma_start3A_416 = tpu.memref_slice %arg2[%add3A_190, %dma_start3A_415] : memref<2560x128xi32, #tpu.memory_space<hbm>> -> memref<16x128xi32, #tpu.memory_space<hbm>>
        tpu.enqueue_dma source(%dma_start3A_416 : memref<16x128xi32, #tpu.memory_space<hbm>>) target(%arg8 : memref<16x128xi32, #tpu.memory_space<vmem>>) target_semaphore(%run_scoped3A_412 : memref<!tpu.dma_semaphore, #tpu.memory_space<semaphore_mem>>)
        %dma_wait3A_417 = arith.constant 0 : i32
        %dma_wait3A_418 = tpu.memref_slice %arg2[%add3A_190, %dma_wait3A_417] : memref<2560x128xi32, #tpu.memory_space<hbm>> -> memref<16x128xi32, #tpu.memory_space<hbm>>
        %dma_wait3A_419 = arith.constant 0 : i32
        %dma_wait3A_420 = tpu.memref_slice %arg2[%add3A_190, %dma_wait3A_419] : memref<2560x128xi32, #tpu.memory_space<hbm>> -> memref<16x128xi32, #tpu.memory_space<hbm>>
        tpu.wait_dma2 semaphore(%run_scoped3A_412 : memref<!tpu.dma_semaphore, #tpu.memory_space<semaphore_mem>>) src(%dma_wait3A_420 : memref<16x128xi32, #tpu.memory_space<hbm>>) dst(%arg8 : memref<16x128xi32, #tpu.memory_space<vmem>>)
        tpu.yield
      }) : () -> ()
      "tpu.region"() ({
        %run_scoped3A_412 = tpu.sem_alloc : memref<!tpu.dma_semaphore, #tpu.memory_space<semaphore_mem>>
        %dma_start3A_413 = arith.constant 0 : i32
        %dma_start3A_414 = tpu.memref_slice %arg3[%add3A_190, %dma_start3A_413] : memref<2560x128xi32, #tpu.memory_space<hbm>> -> memref<16x128xi32, #tpu.memory_space<hbm>>
        %dma_start3A_415 = arith.constant 0 : i32
        %dma_start3A_416 = tpu.memref_slice %arg3[%add3A_190, %dma_start3A_415] : memref<2560x128xi32, #tpu.memory_space<hbm>> -> memref<16x128xi32, #tpu.memory_space<hbm>>
        tpu.enqueue_dma source(%dma_start3A_416 : memref<16x128xi32, #tpu.memory_space<hbm>>) target(%arg9 : memref<16x128xi32, #tpu.memory_space<vmem>>) target_semaphore(%run_scoped3A_412 : memref<!tpu.dma_semaphore, #tpu.memory_space<semaphore_mem>>)
        %dma_wait3A_417 = arith.constant 0 : i32
        %dma_wait3A_418 = tpu.memref_slice %arg3[%add3A_190, %dma_wait3A_417] : memref<2560x128xi32, #tpu.memory_space<hbm>> -> memref<16x128xi32, #tpu.memory_space<hbm>>
        %dma_wait3A_419 = arith.constant 0 : i32
        %dma_wait3A_420 = tpu.memref_slice %arg3[%add3A_190, %dma_wait3A_419] : memref<2560x128xi32, #tpu.memory_space<hbm>> -> memref<16x128xi32, #tpu.memory_space<hbm>>
        tpu.wait_dma2 semaphore(%run_scoped3A_412 : memref<!tpu.dma_semaphore, #tpu.memory_space<semaphore_mem>>) src(%dma_wait3A_420 : memref<16x128xi32, #tpu.memory_space<hbm>>) dst(%arg9 : memref<16x128xi32, #tpu.memory_space<vmem>>)
        tpu.yield
      }) : () -> ()
      %dma_start3A = arith.constant 0 : i32
      %dma_start3A_191 = arith.constant 0 : i32
      %dma_start3A_192 = tpu.memref_slice %arg8[%dma_start3A, %dma_start3A_191] : memref<16x128xi32, #tpu.memory_space<vmem>> -> memref<1x128xi32, #tpu.memory_space<vmem>>
      %dma_start3A_193 = tpu.memref_squeeze %dma_start3A_192 : memref<1x128xi32, #tpu.memory_space<vmem>> -> memref<128xi32, #tpu.memory_space<vmem>>
      %dma_start3A_194 = arith.constant 0 : i32
      %dma_start3A_195 = arith.constant 0 : i32
      %dma_start3A_196 = tpu.memref_slice %arg12[%dma_start3A_194, %dma_start3A_195] : memref<20480x64xf32, #tpu.memory_space<vmem_shared>> -> memref<20480x64xf32, #tpu.memory_space<vmem_shared>>
      tpu.enqueue_indirect_dma source(%dma_start3A_196 : memref<20480x64xf32, #tpu.memory_space<vmem_shared>>) target(%arg10 : memref<128x64xf32, #tpu.memory_space<vmem>>) offsets(%dma_start3A_193 : memref<128xi32, #tpu.memory_space<vmem>>) semaphore(%arg13 : memref<!tpu.dma_semaphore, #tpu.memory_space<semaphore_mem>>)
      %dma_start3A_197 = arith.constant 1 : i32
      %dma_start3A_198 = arith.constant 0 : i32
      %dma_start3A_199 = tpu.memref_slice %arg8[%dma_start3A_197, %dma_start3A_198] : memref<16x128xi32, #tpu.memory_space<vmem>> -> memref<1x128xi32, #tpu.memory_space<vmem>>
      %dma_start3A_200 = tpu.memref_squeeze %dma_start3A_199 : memref<1x128xi32, #tpu.memory_space<vmem>> -> memref<128xi32, #tpu.memory_space<vmem>>
      %dma_start3A_201 = arith.constant 0 : i32
      %dma_start3A_202 = arith.constant 0 : i32
      %dma_start3A_203 = tpu.memref_slice %arg12[%dma_start3A_201, %dma_start3A_202] : memref<20480x64xf32, #tpu.memory_space<vmem_shared>> -> memref<20480x64xf32, #tpu.memory_space<vmem_shared>>
      tpu.enqueue_indirect_dma source(%dma_start3A_203 : memref<20480x64xf32, #tpu.memory_space<vmem_shared>>) target(%arg11 : memref<128x64xf32, #tpu.memory_space<vmem>>) offsets(%dma_start3A_200 : memref<128xi32, #tpu.memory_space<vmem>>) semaphore(%arg14 : memref<!tpu.dma_semaphore, #tpu.memory_space<semaphore_mem>>)
      %dma_wait3A = arith.constant 0 : i32
      %dma_wait3A_204 = arith.constant 0 : i32
      %dma_wait3A_205 = tpu.memref_slice %arg12[%dma_wait3A, %dma_wait3A_204] : memref<20480x64xf32, #tpu.memory_space<vmem_shared>> -> memref<128x64xf32, #tpu.memory_space<vmem_shared>>
      %dma_wait3A_206 = arith.constant 0 : i32
      %dma_wait3A_207 = arith.constant 0 : i32
      %dma_wait3A_208 = tpu.memref_slice %arg12[%dma_wait3A_206, %dma_wait3A_207] : memref<20480x64xf32, #tpu.memory_space<vmem_shared>> -> memref<128x64xf32, #tpu.memory_space<vmem_shared>>
      tpu.wait_dma2 semaphore(%arg13 : memref<!tpu.dma_semaphore, #tpu.memory_space<semaphore_mem>>) src(%dma_wait3A_208 : memref<128x64xf32, #tpu.memory_space<vmem_shared>>) dst(%arg10 : memref<128x64xf32, #tpu.memory_space<vmem>>)
      %run_scoped3A = arith.constant 0 : i32
      "tpu.region"() ({
        %run_scoped3A_412 = tpu.sem_alloc : memref<!tpu.dma_semaphore, #tpu.memory_space<semaphore_mem>>
        %dma_start3A_413 = arith.constant 0 : i32
        %dma_start3A_414 = tpu.memref_slice %arg9[%run_scoped3A, %dma_start3A_413] : memref<16x128xi32, #tpu.memory_space<vmem>> -> memref<1x128xi32, #tpu.memory_space<vmem>>
        %dma_start3A_415 = tpu.memref_squeeze %dma_start3A_414 : memref<1x128xi32, #tpu.memory_space<vmem>> -> memref<128xi32, #tpu.memory_space<vmem>>
        %dma_start3A_416 = arith.constant 0 : i32
        %dma_start3A_417 = arith.constant 0 : i32
        %dma_start3A_418 = tpu.memref_slice %arg12[%dma_start3A_416, %dma_start3A_417] : memref<20480x64xf32, #tpu.memory_space<vmem_shared>> -> memref<20480x64xf32, #tpu.memory_space<vmem_shared>>
        tpu.enqueue_indirect_dma source(%arg10 : memref<128x64xf32, #tpu.memory_space<vmem>>) target(%dma_start3A_418 : memref<20480x64xf32, #tpu.memory_space<vmem_shared>>) offsets(%dma_start3A_415 : memref<128xi32, #tpu.memory_space<vmem>>) semaphore(%run_scoped3A_412 : memref<!tpu.dma_semaphore, #tpu.memory_space<semaphore_mem>>) {add = true}
        %dma_wait3A_419 = arith.constant 0 : i32
        %dma_wait3A_420 = tpu.memref_slice %arg9[%run_scoped3A, %dma_wait3A_419] : memref<16x128xi32, #tpu.memory_space<vmem>> -> memref<1x128xi32, #tpu.memory_space<vmem>>
        %dma_wait3A_421 = tpu.memref_squeeze %dma_wait3A_420 : memref<1x128xi32, #tpu.memory_space<vmem>> -> memref<128xi32, #tpu.memory_space<vmem>>
        %dma_wait3A_422 = arith.constant 0 : i32
        %dma_wait3A_423 = arith.constant 0 : i32
        %dma_wait3A_424 = tpu.memref_slice %arg12[%dma_wait3A_422, %dma_wait3A_423] : memref<20480x64xf32, #tpu.memory_space<vmem_shared>> -> memref<20480x64xf32, #tpu.memory_space<vmem_shared>>
        tpu.wait_indirect_dma semaphore(%run_scoped3A_412 : memref<!tpu.dma_semaphore, #tpu.memory_space<semaphore_mem>>) src(%arg10 : memref<128x64xf32, #tpu.memory_space<vmem>>) dst(%dma_wait3A_424 : memref<20480x64xf32, #tpu.memory_space<vmem_shared>>)
        tpu.yield
      }) : () -> ()
      %dma_start3A_209 = arith.constant 2 : i32
      %dma_start3A_210 = arith.constant 0 : i32
      %dma_start3A_211 = tpu.memref_slice %arg8[%dma_start3A_209, %dma_start3A_210] : memref<16x128xi32, #tpu.memory_space<vmem>> -> memref<1x128xi32, #tpu.memory_space<vmem>>
      %dma_start3A_212 = tpu.memref_squeeze %dma_start3A_211 : memref<1x128xi32, #tpu.memory_space<vmem>> -> memref<128xi32, #tpu.memory_space<vmem>>
      %dma_start3A_213 = arith.constant 0 : i32
      %dma_start3A_214 = arith.constant 0 : i32
      %dma_start3A_215 = tpu.memref_slice %arg12[%dma_start3A_213, %dma_start3A_214] : memref<20480x64xf32, #tpu.memory_space<vmem_shared>> -> memref<20480x64xf32, #tpu.memory_space<vmem_shared>>
      tpu.enqueue_indirect_dma source(%dma_start3A_215 : memref<20480x64xf32, #tpu.memory_space<vmem_shared>>) target(%arg10 : memref<128x64xf32, #tpu.memory_space<vmem>>) offsets(%dma_start3A_212 : memref<128xi32, #tpu.memory_space<vmem>>) semaphore(%arg13 : memref<!tpu.dma_semaphore, #tpu.memory_space<semaphore_mem>>)
      %dma_wait3A_216 = arith.constant 0 : i32
      %dma_wait3A_217 = arith.constant 0 : i32
      %dma_wait3A_218 = tpu.memref_slice %arg12[%dma_wait3A_216, %dma_wait3A_217] : memref<20480x64xf32, #tpu.memory_space<vmem_shared>> -> memref<128x64xf32, #tpu.memory_space<vmem_shared>>
      %dma_wait3A_219 = arith.constant 0 : i32
      %dma_wait3A_220 = arith.constant 0 : i32
      %dma_wait3A_221 = tpu.memref_slice %arg12[%dma_wait3A_219, %dma_wait3A_220] : memref<20480x64xf32, #tpu.memory_space<vmem_shared>> -> memref<128x64xf32, #tpu.memory_space<vmem_shared>>
      tpu.wait_dma2 semaphore(%arg14 : memref<!tpu.dma_semaphore, #tpu.memory_space<semaphore_mem>>) src(%dma_wait3A_221 : memref<128x64xf32, #tpu.memory_space<vmem_shared>>) dst(%arg11 : memref<128x64xf32, #tpu.memory_space<vmem>>)
      %run_scoped3A_222 = arith.constant 1 : i32
      "tpu.region"() ({
        %run_scoped3A_412 = tpu.sem_alloc : memref<!tpu.dma_semaphore, #tpu.memory_space<semaphore_mem>>
        %dma_start3A_413 = arith.constant 0 : i32
        %dma_start3A_414 = tpu.memref_slice %arg9[%run_scoped3A_222, %dma_start3A_413] : memref<16x128xi32, #tpu.memory_space<vmem>> -> memref<1x128xi32, #tpu.memory_space<vmem>>
        %dma_start3A_415 = tpu.memref_squeeze %dma_start3A_414 : memref<1x128xi32, #tpu.memory_space<vmem>> -> memref<128xi32, #tpu.memory_space<vmem>>
        %dma_start3A_416 = arith.constant 0 : i32
        %dma_start3A_417 = arith.constant 0 : i32
        %dma_start3A_418 = tpu.memref_slice %arg12[%dma_start3A_416, %dma_start3A_417] : memref<20480x64xf32, #tpu.memory_space<vmem_shared>> -> memref<20480x64xf32, #tpu.memory_space<vmem_shared>>
        tpu.enqueue_indirect_dma source(%arg11 : memref<128x64xf32, #tpu.memory_space<vmem>>) target(%dma_start3A_418 : memref<20480x64xf32, #tpu.memory_space<vmem_shared>>) offsets(%dma_start3A_415 : memref<128xi32, #tpu.memory_space<vmem>>) semaphore(%run_scoped3A_412 : memref<!tpu.dma_semaphore, #tpu.memory_space<semaphore_mem>>) {add = true}
        %dma_wait3A_419 = arith.constant 0 : i32
        %dma_wait3A_420 = tpu.memref_slice %arg9[%run_scoped3A_222, %dma_wait3A_419] : memref<16x128xi32, #tpu.memory_space<vmem>> -> memref<1x128xi32, #tpu.memory_space<vmem>>
        %dma_wait3A_421 = tpu.memref_squeeze %dma_wait3A_420 : memref<1x128xi32, #tpu.memory_space<vmem>> -> memref<128xi32, #tpu.memory_space<vmem>>
        %dma_wait3A_422 = arith.constant 0 : i32
        %dma_wait3A_423 = arith.constant 0 : i32
        %dma_wait3A_424 = tpu.memref_slice %arg12[%dma_wait3A_422, %dma_wait3A_423] : memref<20480x64xf32, #tpu.memory_space<vmem_shared>> -> memref<20480x64xf32, #tpu.memory_space<vmem_shared>>
        tpu.wait_indirect_dma semaphore(%run_scoped3A_412 : memref<!tpu.dma_semaphore, #tpu.memory_space<semaphore_mem>>) src(%arg11 : memref<128x64xf32, #tpu.memory_space<vmem>>) dst(%dma_wait3A_424 : memref<20480x64xf32, #tpu.memory_space<vmem_shared>>)
        tpu.yield
      }) : () -> ()
      %dma_start3A_223 = arith.constant 3 : i32
      %dma_start3A_224 = arith.constant 0 : i32
      %dma_start3A_225 = tpu.memref_slice %arg8[%dma_start3A_223, %dma_start3A_224] : memref<16x128xi32, #tpu.memory_space<vmem>> -> memref<1x128xi32, #tpu.memory_space<vmem>>
      %dma_start3A_226 = tpu.memref_squeeze %dma_start3A_225 : memref<1x128xi32, #tpu.memory_space<vmem>> -> memref<128xi32, #tpu.memory_space<vmem>>
      %dma_start3A_227 = arith.constant 0 : i32
      %dma_start3A_228 = arith.constant 0 : i32
      %dma_start3A_229 = tpu.memref_slice %arg12[%dma_start3A_227, %dma_start3A_228] : memref<20480x64xf32, #tpu.memory_space<vmem_shared>> -> memref<20480x64xf32, #tpu.memory_space<vmem_shared>>
      tpu.enqueue_indirect_dma source(%dma_start3A_229 : memref<20480x64xf32, #tpu.memory_space<vmem_shared>>) target(%arg11 : memref<128x64xf32, #tpu.memory_space<vmem>>) offsets(%dma_start3A_226 : memref<128xi32, #tpu.memory_space<vmem>>) semaphore(%arg14 : memref<!tpu.dma_semaphore, #tpu.memory_space<semaphore_mem>>)
      %dma_wait3A_230 = arith.constant 0 : i32
      %dma_wait3A_231 = arith.constant 0 : i32
      %dma_wait3A_232 = tpu.memref_slice %arg12[%dma_wait3A_230, %dma_wait3A_231] : memref<20480x64xf32, #tpu.memory_space<vmem_shared>> -> memref<128x64xf32, #tpu.memory_space<vmem_shared>>
      %dma_wait3A_233 = arith.constant 0 : i32
      %dma_wait3A_234 = arith.constant 0 : i32
      %dma_wait3A_235 = tpu.memref_slice %arg12[%dma_wait3A_233, %dma_wait3A_234] : memref<20480x64xf32, #tpu.memory_space<vmem_shared>> -> memref<128x64xf32, #tpu.memory_space<vmem_shared>>
      tpu.wait_dma2 semaphore(%arg13 : memref<!tpu.dma_semaphore, #tpu.memory_space<semaphore_mem>>) src(%dma_wait3A_235 : memref<128x64xf32, #tpu.memory_space<vmem_shared>>) dst(%arg10 : memref<128x64xf32, #tpu.memory_space<vmem>>)
      %run_scoped3A_236 = arith.constant 2 : i32
      "tpu.region"() ({
        %run_scoped3A_412 = tpu.sem_alloc : memref<!tpu.dma_semaphore, #tpu.memory_space<semaphore_mem>>
        %dma_start3A_413 = arith.constant 0 : i32
        %dma_start3A_414 = tpu.memref_slice %arg9[%run_scoped3A_236, %dma_start3A_413] : memref<16x128xi32, #tpu.memory_space<vmem>> -> memref<1x128xi32, #tpu.memory_space<vmem>>
        %dma_start3A_415 = tpu.memref_squeeze %dma_start3A_414 : memref<1x128xi32, #tpu.memory_space<vmem>> -> memref<128xi32, #tpu.memory_space<vmem>>
        %dma_start3A_416 = arith.constant 0 : i32
        %dma_start3A_417 = arith.constant 0 : i32
        %dma_start3A_418 = tpu.memref_slice %arg12[%dma_start3A_416, %dma_start3A_417] : memref<20480x64xf32, #tpu.memory_space<vmem_shared>> -> memref<20480x64xf32, #tpu.memory_space<vmem_shared>>
        tpu.enqueue_indirect_dma source(%arg10 : memref<128x64xf32, #tpu.memory_space<vmem>>) target(%dma_start3A_418 : memref<20480x64xf32, #tpu.memory_space<vmem_shared>>) offsets(%dma_start3A_415 : memref<128xi32, #tpu.memory_space<vmem>>) semaphore(%run_scoped3A_412 : memref<!tpu.dma_semaphore, #tpu.memory_space<semaphore_mem>>) {add = true}
        %dma_wait3A_419 = arith.constant 0 : i32
        %dma_wait3A_420 = tpu.memref_slice %arg9[%run_scoped3A_236, %dma_wait3A_419] : memref<16x128xi32, #tpu.memory_space<vmem>> -> memref<1x128xi32, #tpu.memory_space<vmem>>
        %dma_wait3A_421 = tpu.memref_squeeze %dma_wait3A_420 : memref<1x128xi32, #tpu.memory_space<vmem>> -> memref<128xi32, #tpu.memory_space<vmem>>
        %dma_wait3A_422 = arith.constant 0 : i32
        %dma_wait3A_423 = arith.constant 0 : i32
        %dma_wait3A_424 = tpu.memref_slice %arg12[%dma_wait3A_422, %dma_wait3A_423] : memref<20480x64xf32, #tpu.memory_space<vmem_shared>> -> memref<20480x64xf32, #tpu.memory_space<vmem_shared>>
        tpu.wait_indirect_dma semaphore(%run_scoped3A_412 : memref<!tpu.dma_semaphore, #tpu.memory_space<semaphore_mem>>) src(%arg10 : memref<128x64xf32, #tpu.memory_space<vmem>>) dst(%dma_wait3A_424 : memref<20480x64xf32, #tpu.memory_space<vmem_shared>>)
        tpu.yield
      }) : () -> ()
      %dma_start3A_237 = arith.constant 4 : i32
      %dma_start3A_238 = arith.constant 0 : i32
      %dma_start3A_239 = tpu.memref_slice %arg8[%dma_start3A_237, %dma_start3A_238] : memref<16x128xi32, #tpu.memory_space<vmem>> -> memref<1x128xi32, #tpu.memory_space<vmem>>
      %dma_start3A_240 = tpu.memref_squeeze %dma_start3A_239 : memref<1x128xi32, #tpu.memory_space<vmem>> -> memref<128xi32, #tpu.memory_space<vmem>>
      %dma_start3A_241 = arith.constant 0 : i32
      %dma_start3A_242 = arith.constant 0 : i32
      %dma_start3A_243 = tpu.memref_slice %arg12[%dma_start3A_241, %dma_start3A_242] : memref<20480x64xf32, #tpu.memory_space<vmem_shared>> -> memref<20480x64xf32, #tpu.memory_space<vmem_shared>>
      tpu.enqueue_indirect_dma source(%dma_start3A_243 : memref<20480x64xf32, #tpu.memory_space<vmem_shared>>) target(%arg10 : memref<128x64xf32, #tpu.memory_space<vmem>>) offsets(%dma_start3A_240 : memref<128xi32, #tpu.memory_space<vmem>>) semaphore(%arg13 : memref<!tpu.dma_semaphore, #tpu.memory_space<semaphore_mem>>)
      %dma_wait3A_244 = arith.constant 0 : i32
      %dma_wait3A_245 = arith.constant 0 : i32
      %dma_wait3A_246 = tpu.memref_slice %arg12[%dma_wait3A_244, %dma_wait3A_245] : memref<20480x64xf32, #tpu.memory_space<vmem_shared>> -> memref<128x64xf32, #tpu.memory_space<vmem_shared>>
      %dma_wait3A_247 = arith.constant 0 : i32
      %dma_wait3A_248 = arith.constant 0 : i32
      %dma_wait3A_249 = tpu.memref_slice %arg12[%dma_wait3A_247, %dma_wait3A_248] : memref<20480x64xf32, #tpu.memory_space<vmem_shared>> -> memref<128x64xf32, #tpu.memory_space<vmem_shared>>
      tpu.wait_dma2 semaphore(%arg14 : memref<!tpu.dma_semaphore, #tpu.memory_space<semaphore_mem>>) src(%dma_wait3A_249 : memref<128x64xf32, #tpu.memory_space<vmem_shared>>) dst(%arg11 : memref<128x64xf32, #tpu.memory_space<vmem>>)
      %run_scoped3A_250 = arith.constant 3 : i32
      "tpu.region"() ({
        %run_scoped3A_412 = tpu.sem_alloc : memref<!tpu.dma_semaphore, #tpu.memory_space<semaphore_mem>>
        %dma_start3A_413 = arith.constant 0 : i32
        %dma_start3A_414 = tpu.memref_slice %arg9[%run_scoped3A_250, %dma_start3A_413] : memref<16x128xi32, #tpu.memory_space<vmem>> -> memref<1x128xi32, #tpu.memory_space<vmem>>
        %dma_start3A_415 = tpu.memref_squeeze %dma_start3A_414 : memref<1x128xi32, #tpu.memory_space<vmem>> -> memref<128xi32, #tpu.memory_space<vmem>>
        %dma_start3A_416 = arith.constant 0 : i32
        %dma_start3A_417 = arith.constant 0 : i32
        %dma_start3A_418 = tpu.memref_slice %arg12[%dma_start3A_416, %dma_start3A_417] : memref<20480x64xf32, #tpu.memory_space<vmem_shared>> -> memref<20480x64xf32, #tpu.memory_space<vmem_shared>>
        tpu.enqueue_indirect_dma source(%arg11 : memref<128x64xf32, #tpu.memory_space<vmem>>) target(%dma_start3A_418 : memref<20480x64xf32, #tpu.memory_space<vmem_shared>>) offsets(%dma_start3A_415 : memref<128xi32, #tpu.memory_space<vmem>>) semaphore(%run_scoped3A_412 : memref<!tpu.dma_semaphore, #tpu.memory_space<semaphore_mem>>) {add = true}
        %dma_wait3A_419 = arith.constant 0 : i32
        %dma_wait3A_420 = tpu.memref_slice %arg9[%run_scoped3A_250, %dma_wait3A_419] : memref<16x128xi32, #tpu.memory_space<vmem>> -> memref<1x128xi32, #tpu.memory_space<vmem>>
        %dma_wait3A_421 = tpu.memref_squeeze %dma_wait3A_420 : memref<1x128xi32, #tpu.memory_space<vmem>> -> memref<128xi32, #tpu.memory_space<vmem>>
        %dma_wait3A_422 = arith.constant 0 : i32
        %dma_wait3A_423 = arith.constant 0 : i32
        %dma_wait3A_424 = tpu.memref_slice %arg12[%dma_wait3A_422, %dma_wait3A_423] : memref<20480x64xf32, #tpu.memory_space<vmem_shared>> -> memref<20480x64xf32, #tpu.memory_space<vmem_shared>>
        tpu.wait_indirect_dma semaphore(%run_scoped3A_412 : memref<!tpu.dma_semaphore, #tpu.memory_space<semaphore_mem>>) src(%arg11 : memref<128x64xf32, #tpu.memory_space<vmem>>) dst(%dma_wait3A_424 : memref<20480x64xf32, #tpu.memory_space<vmem_shared>>)
        tpu.yield
      }) : () -> ()
      %dma_start3A_251 = arith.constant 5 : i32
      %dma_start3A_252 = arith.constant 0 : i32
      %dma_start3A_253 = tpu.memref_slice %arg8[%dma_start3A_251, %dma_start3A_252] : memref<16x128xi32, #tpu.memory_space<vmem>> -> memref<1x128xi32, #tpu.memory_space<vmem>>
      %dma_start3A_254 = tpu.memref_squeeze %dma_start3A_253 : memref<1x128xi32, #tpu.memory_space<vmem>> -> memref<128xi32, #tpu.memory_space<vmem>>
      %dma_start3A_255 = arith.constant 0 : i32
      %dma_start3A_256 = arith.constant 0 : i32
      %dma_start3A_257 = tpu.memref_slice %arg12[%dma_start3A_255, %dma_start3A_256] : memref<20480x64xf32, #tpu.memory_space<vmem_shared>> -> memref<20480x64xf32, #tpu.memory_space<vmem_shared>>
      tpu.enqueue_indirect_dma source(%dma_start3A_257 : memref<20480x64xf32, #tpu.memory_space<vmem_shared>>) target(%arg11 : memref<128x64xf32, #tpu.memory_space<vmem>>) offsets(%dma_start3A_254 : memref<128xi32, #tpu.memory_space<vmem>>) semaphore(%arg14 : memref<!tpu.dma_semaphore, #tpu.memory_space<semaphore_mem>>)
      %dma_wait3A_258 = arith.constant 0 : i32
      %dma_wait3A_259 = arith.constant 0 : i32
      %dma_wait3A_260 = tpu.memref_slice %arg12[%dma_wait3A_258, %dma_wait3A_259] : memref<20480x64xf32, #tpu.memory_space<vmem_shared>> -> memref<128x64xf32, #tpu.memory_space<vmem_shared>>
      %dma_wait3A_261 = arith.constant 0 : i32
      %dma_wait3A_262 = arith.constant 0 : i32
      %dma_wait3A_263 = tpu.memref_slice %arg12[%dma_wait3A_261, %dma_wait3A_262] : memref<20480x64xf32, #tpu.memory_space<vmem_shared>> -> memref<128x64xf32, #tpu.memory_space<vmem_shared>>
      tpu.wait_dma2 semaphore(%arg13 : memref<!tpu.dma_semaphore, #tpu.memory_space<semaphore_mem>>) src(%dma_wait3A_263 : memref<128x64xf32, #tpu.memory_space<vmem_shared>>) dst(%arg10 : memref<128x64xf32, #tpu.memory_space<vmem>>)
      %run_scoped3A_264 = arith.constant 4 : i32
      "tpu.region"() ({
        %run_scoped3A_412 = tpu.sem_alloc : memref<!tpu.dma_semaphore, #tpu.memory_space<semaphore_mem>>
        %dma_start3A_413 = arith.constant 0 : i32
        %dma_start3A_414 = tpu.memref_slice %arg9[%run_scoped3A_264, %dma_start3A_413] : memref<16x128xi32, #tpu.memory_space<vmem>> -> memref<1x128xi32, #tpu.memory_space<vmem>>
        %dma_start3A_415 = tpu.memref_squeeze %dma_start3A_414 : memref<1x128xi32, #tpu.memory_space<vmem>> -> memref<128xi32, #tpu.memory_space<vmem>>
        %dma_start3A_416 = arith.constant 0 : i32
        %dma_start3A_417 = arith.constant 0 : i32
        %dma_start3A_418 = tpu.memref_slice %arg12[%dma_start3A_416, %dma_start3A_417] : memref<20480x64xf32, #tpu.memory_space<vmem_shared>> -> memref<20480x64xf32, #tpu.memory_space<vmem_shared>>
        tpu.enqueue_indirect_dma source(%arg10 : memref<128x64xf32, #tpu.memory_space<vmem>>) target(%dma_start3A_418 : memref<20480x64xf32, #tpu.memory_space<vmem_shared>>) offsets(%dma_start3A_415 : memref<128xi32, #tpu.memory_space<vmem>>) semaphore(%run_scoped3A_412 : memref<!tpu.dma_semaphore, #tpu.memory_space<semaphore_mem>>) {add = true}
        %dma_wait3A_419 = arith.constant 0 : i32
        %dma_wait3A_420 = tpu.memref_slice %arg9[%run_scoped3A_264, %dma_wait3A_419] : memref<16x128xi32, #tpu.memory_space<vmem>> -> memref<1x128xi32, #tpu.memory_space<vmem>>
        %dma_wait3A_421 = tpu.memref_squeeze %dma_wait3A_420 : memref<1x128xi32, #tpu.memory_space<vmem>> -> memref<128xi32, #tpu.memory_space<vmem>>
        %dma_wait3A_422 = arith.constant 0 : i32
        %dma_wait3A_423 = arith.constant 0 : i32
        %dma_wait3A_424 = tpu.memref_slice %arg12[%dma_wait3A_422, %dma_wait3A_423] : memref<20480x64xf32, #tpu.memory_space<vmem_shared>> -> memref<20480x64xf32, #tpu.memory_space<vmem_shared>>
        tpu.wait_indirect_dma semaphore(%run_scoped3A_412 : memref<!tpu.dma_semaphore, #tpu.memory_space<semaphore_mem>>) src(%arg10 : memref<128x64xf32, #tpu.memory_space<vmem>>) dst(%dma_wait3A_424 : memref<20480x64xf32, #tpu.memory_space<vmem_shared>>)
        tpu.yield
      }) : () -> ()
      %dma_start3A_265 = arith.constant 6 : i32
      %dma_start3A_266 = arith.constant 0 : i32
      %dma_start3A_267 = tpu.memref_slice %arg8[%dma_start3A_265, %dma_start3A_266] : memref<16x128xi32, #tpu.memory_space<vmem>> -> memref<1x128xi32, #tpu.memory_space<vmem>>
      %dma_start3A_268 = tpu.memref_squeeze %dma_start3A_267 : memref<1x128xi32, #tpu.memory_space<vmem>> -> memref<128xi32, #tpu.memory_space<vmem>>
      %dma_start3A_269 = arith.constant 0 : i32
      %dma_start3A_270 = arith.constant 0 : i32
      %dma_start3A_271 = tpu.memref_slice %arg12[%dma_start3A_269, %dma_start3A_270] : memref<20480x64xf32, #tpu.memory_space<vmem_shared>> -> memref<20480x64xf32, #tpu.memory_space<vmem_shared>>
      tpu.enqueue_indirect_dma source(%dma_start3A_271 : memref<20480x64xf32, #tpu.memory_space<vmem_shared>>) target(%arg10 : memref<128x64xf32, #tpu.memory_space<vmem>>) offsets(%dma_start3A_268 : memref<128xi32, #tpu.memory_space<vmem>>) semaphore(%arg13 : memref<!tpu.dma_semaphore, #tpu.memory_space<semaphore_mem>>)
      %dma_wait3A_272 = arith.constant 0 : i32
      %dma_wait3A_273 = arith.constant 0 : i32
      %dma_wait3A_274 = tpu.memref_slice %arg12[%dma_wait3A_272, %dma_wait3A_273] : memref<20480x64xf32, #tpu.memory_space<vmem_shared>> -> memref<128x64xf32, #tpu.memory_space<vmem_shared>>
      %dma_wait3A_275 = arith.constant 0 : i32
      %dma_wait3A_276 = arith.constant 0 : i32
      %dma_wait3A_277 = tpu.memref_slice %arg12[%dma_wait3A_275, %dma_wait3A_276] : memref<20480x64xf32, #tpu.memory_space<vmem_shared>> -> memref<128x64xf32, #tpu.memory_space<vmem_shared>>
      tpu.wait_dma2 semaphore(%arg14 : memref<!tpu.dma_semaphore, #tpu.memory_space<semaphore_mem>>) src(%dma_wait3A_277 : memref<128x64xf32, #tpu.memory_space<vmem_shared>>) dst(%arg11 : memref<128x64xf32, #tpu.memory_space<vmem>>)
      %run_scoped3A_278 = arith.constant 5 : i32
      "tpu.region"() ({
        %run_scoped3A_412 = tpu.sem_alloc : memref<!tpu.dma_semaphore, #tpu.memory_space<semaphore_mem>>
        %dma_start3A_413 = arith.constant 0 : i32
        %dma_start3A_414 = tpu.memref_slice %arg9[%run_scoped3A_278, %dma_start3A_413] : memref<16x128xi32, #tpu.memory_space<vmem>> -> memref<1x128xi32, #tpu.memory_space<vmem>>
        %dma_start3A_415 = tpu.memref_squeeze %dma_start3A_414 : memref<1x128xi32, #tpu.memory_space<vmem>> -> memref<128xi32, #tpu.memory_space<vmem>>
        %dma_start3A_416 = arith.constant 0 : i32
        %dma_start3A_417 = arith.constant 0 : i32
        %dma_start3A_418 = tpu.memref_slice %arg12[%dma_start3A_416, %dma_start3A_417] : memref<20480x64xf32, #tpu.memory_space<vmem_shared>> -> memref<20480x64xf32, #tpu.memory_space<vmem_shared>>
        tpu.enqueue_indirect_dma source(%arg11 : memref<128x64xf32, #tpu.memory_space<vmem>>) target(%dma_start3A_418 : memref<20480x64xf32, #tpu.memory_space<vmem_shared>>) offsets(%dma_start3A_415 : memref<128xi32, #tpu.memory_space<vmem>>) semaphore(%run_scoped3A_412 : memref<!tpu.dma_semaphore, #tpu.memory_space<semaphore_mem>>) {add = true}
        %dma_wait3A_419 = arith.constant 0 : i32
        %dma_wait3A_420 = tpu.memref_slice %arg9[%run_scoped3A_278, %dma_wait3A_419] : memref<16x128xi32, #tpu.memory_space<vmem>> -> memref<1x128xi32, #tpu.memory_space<vmem>>
        %dma_wait3A_421 = tpu.memref_squeeze %dma_wait3A_420 : memref<1x128xi32, #tpu.memory_space<vmem>> -> memref<128xi32, #tpu.memory_space<vmem>>
        %dma_wait3A_422 = arith.constant 0 : i32
        %dma_wait3A_423 = arith.constant 0 : i32
        %dma_wait3A_424 = tpu.memref_slice %arg12[%dma_wait3A_422, %dma_wait3A_423] : memref<20480x64xf32, #tpu.memory_space<vmem_shared>> -> memref<20480x64xf32, #tpu.memory_space<vmem_shared>>
        tpu.wait_indirect_dma semaphore(%run_scoped3A_412 : memref<!tpu.dma_semaphore, #tpu.memory_space<semaphore_mem>>) src(%arg11 : memref<128x64xf32, #tpu.memory_space<vmem>>) dst(%dma_wait3A_424 : memref<20480x64xf32, #tpu.memory_space<vmem_shared>>)
        tpu.yield
      }) : () -> ()
      %dma_start3A_279 = arith.constant 7 : i32
      %dma_start3A_280 = arith.constant 0 : i32
      %dma_start3A_281 = tpu.memref_slice %arg8[%dma_start3A_279, %dma_start3A_280] : memref<16x128xi32, #tpu.memory_space<vmem>> -> memref<1x128xi32, #tpu.memory_space<vmem>>
      %dma_start3A_282 = tpu.memref_squeeze %dma_start3A_281 : memref<1x128xi32, #tpu.memory_space<vmem>> -> memref<128xi32, #tpu.memory_space<vmem>>
      %dma_start3A_283 = arith.constant 0 : i32
      %dma_start3A_284 = arith.constant 0 : i32
      %dma_start3A_285 = tpu.memref_slice %arg12[%dma_start3A_283, %dma_start3A_284] : memref<20480x64xf32, #tpu.memory_space<vmem_shared>> -> memref<20480x64xf32, #tpu.memory_space<vmem_shared>>
      tpu.enqueue_indirect_dma source(%dma_start3A_285 : memref<20480x64xf32, #tpu.memory_space<vmem_shared>>) target(%arg11 : memref<128x64xf32, #tpu.memory_space<vmem>>) offsets(%dma_start3A_282 : memref<128xi32, #tpu.memory_space<vmem>>) semaphore(%arg14 : memref<!tpu.dma_semaphore, #tpu.memory_space<semaphore_mem>>)
      %dma_wait3A_286 = arith.constant 0 : i32
      %dma_wait3A_287 = arith.constant 0 : i32
      %dma_wait3A_288 = tpu.memref_slice %arg12[%dma_wait3A_286, %dma_wait3A_287] : memref<20480x64xf32, #tpu.memory_space<vmem_shared>> -> memref<128x64xf32, #tpu.memory_space<vmem_shared>>
      %dma_wait3A_289 = arith.constant 0 : i32
      %dma_wait3A_290 = arith.constant 0 : i32
      %dma_wait3A_291 = tpu.memref_slice %arg12[%dma_wait3A_289, %dma_wait3A_290] : memref<20480x64xf32, #tpu.memory_space<vmem_shared>> -> memref<128x64xf32, #tpu.memory_space<vmem_shared>>
      tpu.wait_dma2 semaphore(%arg13 : memref<!tpu.dma_semaphore, #tpu.memory_space<semaphore_mem>>) src(%dma_wait3A_291 : memref<128x64xf32, #tpu.memory_space<vmem_shared>>) dst(%arg10 : memref<128x64xf32, #tpu.memory_space<vmem>>)
      %run_scoped3A_292 = arith.constant 6 : i32
      "tpu.region"() ({
        %run_scoped3A_412 = tpu.sem_alloc : memref<!tpu.dma_semaphore, #tpu.memory_space<semaphore_mem>>
        %dma_start3A_413 = arith.constant 0 : i32
        %dma_start3A_414 = tpu.memref_slice %arg9[%run_scoped3A_292, %dma_start3A_413] : memref<16x128xi32, #tpu.memory_space<vmem>> -> memref<1x128xi32, #tpu.memory_space<vmem>>
        %dma_start3A_415 = tpu.memref_squeeze %dma_start3A_414 : memref<1x128xi32, #tpu.memory_space<vmem>> -> memref<128xi32, #tpu.memory_space<vmem>>
        %dma_start3A_416 = arith.constant 0 : i32
        %dma_start3A_417 = arith.constant 0 : i32
        %dma_start3A_418 = tpu.memref_slice %arg12[%dma_start3A_416, %dma_start3A_417] : memref<20480x64xf32, #tpu.memory_space<vmem_shared>> -> memref<20480x64xf32, #tpu.memory_space<vmem_shared>>
        tpu.enqueue_indirect_dma source(%arg10 : memref<128x64xf32, #tpu.memory_space<vmem>>) target(%dma_start3A_418 : memref<20480x64xf32, #tpu.memory_space<vmem_shared>>) offsets(%dma_start3A_415 : memref<128xi32, #tpu.memory_space<vmem>>) semaphore(%run_scoped3A_412 : memref<!tpu.dma_semaphore, #tpu.memory_space<semaphore_mem>>) {add = true}
        %dma_wait3A_419 = arith.constant 0 : i32
        %dma_wait3A_420 = tpu.memref_slice %arg9[%run_scoped3A_292, %dma_wait3A_419] : memref<16x128xi32, #tpu.memory_space<vmem>> -> memref<1x128xi32, #tpu.memory_space<vmem>>
        %dma_wait3A_421 = tpu.memref_squeeze %dma_wait3A_420 : memref<1x128xi32, #tpu.memory_space<vmem>> -> memref<128xi32, #tpu.memory_space<vmem>>
        %dma_wait3A_422 = arith.constant 0 : i32
        %dma_wait3A_423 = arith.constant 0 : i32
        %dma_wait3A_424 = tpu.memref_slice %arg12[%dma_wait3A_422, %dma_wait3A_423] : memref<20480x64xf32, #tpu.memory_space<vmem_shared>> -> memref<20480x64xf32, #tpu.memory_space<vmem_shared>>
        tpu.wait_indirect_dma semaphore(%run_scoped3A_412 : memref<!tpu.dma_semaphore, #tpu.memory_space<semaphore_mem>>) src(%arg10 : memref<128x64xf32, #tpu.memory_space<vmem>>) dst(%dma_wait3A_424 : memref<20480x64xf32, #tpu.memory_space<vmem_shared>>)
        tpu.yield
      }) : () -> ()
      %dma_start3A_293 = arith.constant 8 : i32
      %dma_start3A_294 = arith.constant 0 : i32
      %dma_start3A_295 = tpu.memref_slice %arg8[%dma_start3A_293, %dma_start3A_294] : memref<16x128xi32, #tpu.memory_space<vmem>> -> memref<1x128xi32, #tpu.memory_space<vmem>>
      %dma_start3A_296 = tpu.memref_squeeze %dma_start3A_295 : memref<1x128xi32, #tpu.memory_space<vmem>> -> memref<128xi32, #tpu.memory_space<vmem>>
      %dma_start3A_297 = arith.constant 0 : i32
      %dma_start3A_298 = arith.constant 0 : i32
      %dma_start3A_299 = tpu.memref_slice %arg12[%dma_start3A_297, %dma_start3A_298] : memref<20480x64xf32, #tpu.memory_space<vmem_shared>> -> memref<20480x64xf32, #tpu.memory_space<vmem_shared>>
      tpu.enqueue_indirect_dma source(%dma_start3A_299 : memref<20480x64xf32, #tpu.memory_space<vmem_shared>>) target(%arg10 : memref<128x64xf32, #tpu.memory_space<vmem>>) offsets(%dma_start3A_296 : memref<128xi32, #tpu.memory_space<vmem>>) semaphore(%arg13 : memref<!tpu.dma_semaphore, #tpu.memory_space<semaphore_mem>>)
      %dma_wait3A_300 = arith.constant 0 : i32
      %dma_wait3A_301 = arith.constant 0 : i32
      %dma_wait3A_302 = tpu.memref_slice %arg12[%dma_wait3A_300, %dma_wait3A_301] : memref<20480x64xf32, #tpu.memory_space<vmem_shared>> -> memref<128x64xf32, #tpu.memory_space<vmem_shared>>
      %dma_wait3A_303 = arith.constant 0 : i32
      %dma_wait3A_304 = arith.constant 0 : i32
      %dma_wait3A_305 = tpu.memref_slice %arg12[%dma_wait3A_303, %dma_wait3A_304] : memref<20480x64xf32, #tpu.memory_space<vmem_shared>> -> memref<128x64xf32, #tpu.memory_space<vmem_shared>>
      tpu.wait_dma2 semaphore(%arg14 : memref<!tpu.dma_semaphore, #tpu.memory_space<semaphore_mem>>) src(%dma_wait3A_305 : memref<128x64xf32, #tpu.memory_space<vmem_shared>>) dst(%arg11 : memref<128x64xf32, #tpu.memory_space<vmem>>)
      %run_scoped3A_306 = arith.constant 7 : i32
      "tpu.region"() ({
        %run_scoped3A_412 = tpu.sem_alloc : memref<!tpu.dma_semaphore, #tpu.memory_space<semaphore_mem>>
        %dma_start3A_413 = arith.constant 0 : i32
        %dma_start3A_414 = tpu.memref_slice %arg9[%run_scoped3A_306, %dma_start3A_413] : memref<16x128xi32, #tpu.memory_space<vmem>> -> memref<1x128xi32, #tpu.memory_space<vmem>>
        %dma_start3A_415 = tpu.memref_squeeze %dma_start3A_414 : memref<1x128xi32, #tpu.memory_space<vmem>> -> memref<128xi32, #tpu.memory_space<vmem>>
        %dma_start3A_416 = arith.constant 0 : i32
        %dma_start3A_417 = arith.constant 0 : i32
        %dma_start3A_418 = tpu.memref_slice %arg12[%dma_start3A_416, %dma_start3A_417] : memref<20480x64xf32, #tpu.memory_space<vmem_shared>> -> memref<20480x64xf32, #tpu.memory_space<vmem_shared>>
        tpu.enqueue_indirect_dma source(%arg11 : memref<128x64xf32, #tpu.memory_space<vmem>>) target(%dma_start3A_418 : memref<20480x64xf32, #tpu.memory_space<vmem_shared>>) offsets(%dma_start3A_415 : memref<128xi32, #tpu.memory_space<vmem>>) semaphore(%run_scoped3A_412 : memref<!tpu.dma_semaphore, #tpu.memory_space<semaphore_mem>>) {add = true}
        %dma_wait3A_419 = arith.constant 0 : i32
        %dma_wait3A_420 = tpu.memref_slice %arg9[%run_scoped3A_306, %dma_wait3A_419] : memref<16x128xi32, #tpu.memory_space<vmem>> -> memref<1x128xi32, #tpu.memory_space<vmem>>
        %dma_wait3A_421 = tpu.memref_squeeze %dma_wait3A_420 : memref<1x128xi32, #tpu.memory_space<vmem>> -> memref<128xi32, #tpu.memory_space<vmem>>
        %dma_wait3A_422 = arith.constant 0 : i32
        %dma_wait3A_423 = arith.constant 0 : i32
        %dma_wait3A_424 = tpu.memref_slice %arg12[%dma_wait3A_422, %dma_wait3A_423] : memref<20480x64xf32, #tpu.memory_space<vmem_shared>> -> memref<20480x64xf32, #tpu.memory_space<vmem_shared>>
        tpu.wait_indirect_dma semaphore(%run_scoped3A_412 : memref<!tpu.dma_semaphore, #tpu.memory_space<semaphore_mem>>) src(%arg11 : memref<128x64xf32, #tpu.memory_space<vmem>>) dst(%dma_wait3A_424 : memref<20480x64xf32, #tpu.memory_space<vmem_shared>>)
        tpu.yield
      }) : () -> ()
      %dma_start3A_307 = arith.constant 9 : i32
      %dma_start3A_308 = arith.constant 0 : i32
      %dma_start3A_309 = tpu.memref_slice %arg8[%dma_start3A_307, %dma_start3A_308] : memref<16x128xi32, #tpu.memory_space<vmem>> -> memref<1x128xi32, #tpu.memory_space<vmem>>
      %dma_start3A_310 = tpu.memref_squeeze %dma_start3A_309 : memref<1x128xi32, #tpu.memory_space<vmem>> -> memref<128xi32, #tpu.memory_space<vmem>>
      %dma_start3A_311 = arith.constant 0 : i32
      %dma_start3A_312 = arith.constant 0 : i32
      %dma_start3A_313 = tpu.memref_slice %arg12[%dma_start3A_311, %dma_start3A_312] : memref<20480x64xf32, #tpu.memory_space<vmem_shared>> -> memref<20480x64xf32, #tpu.memory_space<vmem_shared>>
      tpu.enqueue_indirect_dma source(%dma_start3A_313 : memref<20480x64xf32, #tpu.memory_space<vmem_shared>>) target(%arg11 : memref<128x64xf32, #tpu.memory_space<vmem>>) offsets(%dma_start3A_310 : memref<128xi32, #tpu.memory_space<vmem>>) semaphore(%arg14 : memref<!tpu.dma_semaphore, #tpu.memory_space<semaphore_mem>>)
      %dma_wait3A_314 = arith.constant 0 : i32
      %dma_wait3A_315 = arith.constant 0 : i32
      %dma_wait3A_316 = tpu.memref_slice %arg12[%dma_wait3A_314, %dma_wait3A_315] : memref<20480x64xf32, #tpu.memory_space<vmem_shared>> -> memref<128x64xf32, #tpu.memory_space<vmem_shared>>
      %dma_wait3A_317 = arith.constant 0 : i32
      %dma_wait3A_318 = arith.constant 0 : i32
      %dma_wait3A_319 = tpu.memref_slice %arg12[%dma_wait3A_317, %dma_wait3A_318] : memref<20480x64xf32, #tpu.memory_space<vmem_shared>> -> memref<128x64xf32, #tpu.memory_space<vmem_shared>>
      tpu.wait_dma2 semaphore(%arg13 : memref<!tpu.dma_semaphore, #tpu.memory_space<semaphore_mem>>) src(%dma_wait3A_319 : memref<128x64xf32, #tpu.memory_space<vmem_shared>>) dst(%arg10 : memref<128x64xf32, #tpu.memory_space<vmem>>)
      %run_scoped3A_320 = arith.constant 8 : i32
      "tpu.region"() ({
        %run_scoped3A_412 = tpu.sem_alloc : memref<!tpu.dma_semaphore, #tpu.memory_space<semaphore_mem>>
        %dma_start3A_413 = arith.constant 0 : i32
        %dma_start3A_414 = tpu.memref_slice %arg9[%run_scoped3A_320, %dma_start3A_413] : memref<16x128xi32, #tpu.memory_space<vmem>> -> memref<1x128xi32, #tpu.memory_space<vmem>>
        %dma_start3A_415 = tpu.memref_squeeze %dma_start3A_414 : memref<1x128xi32, #tpu.memory_space<vmem>> -> memref<128xi32, #tpu.memory_space<vmem>>
        %dma_start3A_416 = arith.constant 0 : i32
        %dma_start3A_417 = arith.constant 0 : i32
        %dma_start3A_418 = tpu.memref_slice %arg12[%dma_start3A_416, %dma_start3A_417] : memref<20480x64xf32, #tpu.memory_space<vmem_shared>> -> memref<20480x64xf32, #tpu.memory_space<vmem_shared>>
        tpu.enqueue_indirect_dma source(%arg10 : memref<128x64xf32, #tpu.memory_space<vmem>>) target(%dma_start3A_418 : memref<20480x64xf32, #tpu.memory_space<vmem_shared>>) offsets(%dma_start3A_415 : memref<128xi32, #tpu.memory_space<vmem>>) semaphore(%run_scoped3A_412 : memref<!tpu.dma_semaphore, #tpu.memory_space<semaphore_mem>>) {add = true}
        %dma_wait3A_419 = arith.constant 0 : i32
        %dma_wait3A_420 = tpu.memref_slice %arg9[%run_scoped3A_320, %dma_wait3A_419] : memref<16x128xi32, #tpu.memory_space<vmem>> -> memref<1x128xi32, #tpu.memory_space<vmem>>
        %dma_wait3A_421 = tpu.memref_squeeze %dma_wait3A_420 : memref<1x128xi32, #tpu.memory_space<vmem>> -> memref<128xi32, #tpu.memory_space<vmem>>
        %dma_wait3A_422 = arith.constant 0 : i32
        %dma_wait3A_423 = arith.constant 0 : i32
        %dma_wait3A_424 = tpu.memref_slice %arg12[%dma_wait3A_422, %dma_wait3A_423] : memref<20480x64xf32, #tpu.memory_space<vmem_shared>> -> memref<20480x64xf32, #tpu.memory_space<vmem_shared>>
        tpu.wait_indirect_dma semaphore(%run_scoped3A_412 : memref<!tpu.dma_semaphore, #tpu.memory_space<semaphore_mem>>) src(%arg10 : memref<128x64xf32, #tpu.memory_space<vmem>>) dst(%dma_wait3A_424 : memref<20480x64xf32, #tpu.memory_space<vmem_shared>>)
        tpu.yield
      }) : () -> ()
      %dma_start3A_321 = arith.constant 10 : i32
      %dma_start3A_322 = arith.constant 0 : i32
      %dma_start3A_323 = tpu.memref_slice %arg8[%dma_start3A_321, %dma_start3A_322] : memref<16x128xi32, #tpu.memory_space<vmem>> -> memref<1x128xi32, #tpu.memory_space<vmem>>
      %dma_start3A_324 = tpu.memref_squeeze %dma_start3A_323 : memref<1x128xi32, #tpu.memory_space<vmem>> -> memref<128xi32, #tpu.memory_space<vmem>>
      %dma_start3A_325 = arith.constant 0 : i32
      %dma_start3A_326 = arith.constant 0 : i32
      %dma_start3A_327 = tpu.memref_slice %arg12[%dma_start3A_325, %dma_start3A_326] : memref<20480x64xf32, #tpu.memory_space<vmem_shared>> -> memref<20480x64xf32, #tpu.memory_space<vmem_shared>>
      tpu.enqueue_indirect_dma source(%dma_start3A_327 : memref<20480x64xf32, #tpu.memory_space<vmem_shared>>) target(%arg10 : memref<128x64xf32, #tpu.memory_space<vmem>>) offsets(%dma_start3A_324 : memref<128xi32, #tpu.memory_space<vmem>>) semaphore(%arg13 : memref<!tpu.dma_semaphore, #tpu.memory_space<semaphore_mem>>)
      %dma_wait3A_328 = arith.constant 0 : i32
      %dma_wait3A_329 = arith.constant 0 : i32
      %dma_wait3A_330 = tpu.memref_slice %arg12[%dma_wait3A_328, %dma_wait3A_329] : memref<20480x64xf32, #tpu.memory_space<vmem_shared>> -> memref<128x64xf32, #tpu.memory_space<vmem_shared>>
      %dma_wait3A_331 = arith.constant 0 : i32
      %dma_wait3A_332 = arith.constant 0 : i32
      %dma_wait3A_333 = tpu.memref_slice %arg12[%dma_wait3A_331, %dma_wait3A_332] : memref<20480x64xf32, #tpu.memory_space<vmem_shared>> -> memref<128x64xf32, #tpu.memory_space<vmem_shared>>
      tpu.wait_dma2 semaphore(%arg14 : memref<!tpu.dma_semaphore, #tpu.memory_space<semaphore_mem>>) src(%dma_wait3A_333 : memref<128x64xf32, #tpu.memory_space<vmem_shared>>) dst(%arg11 : memref<128x64xf32, #tpu.memory_space<vmem>>)
      %run_scoped3A_334 = arith.constant 9 : i32
      "tpu.region"() ({
        %run_scoped3A_412 = tpu.sem_alloc : memref<!tpu.dma_semaphore, #tpu.memory_space<semaphore_mem>>
        %dma_start3A_413 = arith.constant 0 : i32
        %dma_start3A_414 = tpu.memref_slice %arg9[%run_scoped3A_334, %dma_start3A_413] : memref<16x128xi32, #tpu.memory_space<vmem>> -> memref<1x128xi32, #tpu.memory_space<vmem>>
        %dma_start3A_415 = tpu.memref_squeeze %dma_start3A_414 : memref<1x128xi32, #tpu.memory_space<vmem>> -> memref<128xi32, #tpu.memory_space<vmem>>
        %dma_start3A_416 = arith.constant 0 : i32
        %dma_start3A_417 = arith.constant 0 : i32
        %dma_start3A_418 = tpu.memref_slice %arg12[%dma_start3A_416, %dma_start3A_417] : memref<20480x64xf32, #tpu.memory_space<vmem_shared>> -> memref<20480x64xf32, #tpu.memory_space<vmem_shared>>
        tpu.enqueue_indirect_dma source(%arg11 : memref<128x64xf32, #tpu.memory_space<vmem>>) target(%dma_start3A_418 : memref<20480x64xf32, #tpu.memory_space<vmem_shared>>) offsets(%dma_start3A_415 : memref<128xi32, #tpu.memory_space<vmem>>) semaphore(%run_scoped3A_412 : memref<!tpu.dma_semaphore, #tpu.memory_space<semaphore_mem>>) {add = true}
        %dma_wait3A_419 = arith.constant 0 : i32
        %dma_wait3A_420 = tpu.memref_slice %arg9[%run_scoped3A_334, %dma_wait3A_419] : memref<16x128xi32, #tpu.memory_space<vmem>> -> memref<1x128xi32, #tpu.memory_space<vmem>>
        %dma_wait3A_421 = tpu.memref_squeeze %dma_wait3A_420 : memref<1x128xi32, #tpu.memory_space<vmem>> -> memref<128xi32, #tpu.memory_space<vmem>>
        %dma_wait3A_422 = arith.constant 0 : i32
        %dma_wait3A_423 = arith.constant 0 : i32
        %dma_wait3A_424 = tpu.memref_slice %arg12[%dma_wait3A_422, %dma_wait3A_423] : memref<20480x64xf32, #tpu.memory_space<vmem_shared>> -> memref<20480x64xf32, #tpu.memory_space<vmem_shared>>
        tpu.wait_indirect_dma semaphore(%run_scoped3A_412 : memref<!tpu.dma_semaphore, #tpu.memory_space<semaphore_mem>>) src(%arg11 : memref<128x64xf32, #tpu.memory_space<vmem>>) dst(%dma_wait3A_424 : memref<20480x64xf32, #tpu.memory_space<vmem_shared>>)
        tpu.yield
      }) : () -> ()
      %dma_start3A_335 = arith.constant 11 : i32
      %dma_start3A_336 = arith.constant 0 : i32
      %dma_start3A_337 = tpu.memref_slice %arg8[%dma_start3A_335, %dma_start3A_336] : memref<16x128xi32, #tpu.memory_space<vmem>> -> memref<1x128xi32, #tpu.memory_space<vmem>>
      %dma_start3A_338 = tpu.memref_squeeze %dma_start3A_337 : memref<1x128xi32, #tpu.memory_space<vmem>> -> memref<128xi32, #tpu.memory_space<vmem>>
      %dma_start3A_339 = arith.constant 0 : i32
      %dma_start3A_340 = arith.constant 0 : i32
      %dma_start3A_341 = tpu.memref_slice %arg12[%dma_start3A_339, %dma_start3A_340] : memref<20480x64xf32, #tpu.memory_space<vmem_shared>> -> memref<20480x64xf32, #tpu.memory_space<vmem_shared>>
      tpu.enqueue_indirect_dma source(%dma_start3A_341 : memref<20480x64xf32, #tpu.memory_space<vmem_shared>>) target(%arg11 : memref<128x64xf32, #tpu.memory_space<vmem>>) offsets(%dma_start3A_338 : memref<128xi32, #tpu.memory_space<vmem>>) semaphore(%arg14 : memref<!tpu.dma_semaphore, #tpu.memory_space<semaphore_mem>>)
      %dma_wait3A_342 = arith.constant 0 : i32
      %dma_wait3A_343 = arith.constant 0 : i32
      %dma_wait3A_344 = tpu.memref_slice %arg12[%dma_wait3A_342, %dma_wait3A_343] : memref<20480x64xf32, #tpu.memory_space<vmem_shared>> -> memref<128x64xf32, #tpu.memory_space<vmem_shared>>
      %dma_wait3A_345 = arith.constant 0 : i32
      %dma_wait3A_346 = arith.constant 0 : i32
      %dma_wait3A_347 = tpu.memref_slice %arg12[%dma_wait3A_345, %dma_wait3A_346] : memref<20480x64xf32, #tpu.memory_space<vmem_shared>> -> memref<128x64xf32, #tpu.memory_space<vmem_shared>>
      tpu.wait_dma2 semaphore(%arg13 : memref<!tpu.dma_semaphore, #tpu.memory_space<semaphore_mem>>) src(%dma_wait3A_347 : memref<128x64xf32, #tpu.memory_space<vmem_shared>>) dst(%arg10 : memref<128x64xf32, #tpu.memory_space<vmem>>)
      %run_scoped3A_348 = arith.constant 10 : i32
      "tpu.region"() ({
        %run_scoped3A_412 = tpu.sem_alloc : memref<!tpu.dma_semaphore, #tpu.memory_space<semaphore_mem>>
        %dma_start3A_413 = arith.constant 0 : i32
        %dma_start3A_414 = tpu.memref_slice %arg9[%run_scoped3A_348, %dma_start3A_413] : memref<16x128xi32, #tpu.memory_space<vmem>> -> memref<1x128xi32, #tpu.memory_space<vmem>>
        %dma_start3A_415 = tpu.memref_squeeze %dma_start3A_414 : memref<1x128xi32, #tpu.memory_space<vmem>> -> memref<128xi32, #tpu.memory_space<vmem>>
        %dma_start3A_416 = arith.constant 0 : i32
        %dma_start3A_417 = arith.constant 0 : i32
        %dma_start3A_418 = tpu.memref_slice %arg12[%dma_start3A_416, %dma_start3A_417] : memref<20480x64xf32, #tpu.memory_space<vmem_shared>> -> memref<20480x64xf32, #tpu.memory_space<vmem_shared>>
        tpu.enqueue_indirect_dma source(%arg10 : memref<128x64xf32, #tpu.memory_space<vmem>>) target(%dma_start3A_418 : memref<20480x64xf32, #tpu.memory_space<vmem_shared>>) offsets(%dma_start3A_415 : memref<128xi32, #tpu.memory_space<vmem>>) semaphore(%run_scoped3A_412 : memref<!tpu.dma_semaphore, #tpu.memory_space<semaphore_mem>>) {add = true}
        %dma_wait3A_419 = arith.constant 0 : i32
        %dma_wait3A_420 = tpu.memref_slice %arg9[%run_scoped3A_348, %dma_wait3A_419] : memref<16x128xi32, #tpu.memory_space<vmem>> -> memref<1x128xi32, #tpu.memory_space<vmem>>
        %dma_wait3A_421 = tpu.memref_squeeze %dma_wait3A_420 : memref<1x128xi32, #tpu.memory_space<vmem>> -> memref<128xi32, #tpu.memory_space<vmem>>
        %dma_wait3A_422 = arith.constant 0 : i32
        %dma_wait3A_423 = arith.constant 0 : i32
        %dma_wait3A_424 = tpu.memref_slice %arg12[%dma_wait3A_422, %dma_wait3A_423] : memref<20480x64xf32, #tpu.memory_space<vmem_shared>> -> memref<20480x64xf32, #tpu.memory_space<vmem_shared>>
        tpu.wait_indirect_dma semaphore(%run_scoped3A_412 : memref<!tpu.dma_semaphore, #tpu.memory_space<semaphore_mem>>) src(%arg10 : memref<128x64xf32, #tpu.memory_space<vmem>>) dst(%dma_wait3A_424 : memref<20480x64xf32, #tpu.memory_space<vmem_shared>>)
        tpu.yield
      }) : () -> ()
      %dma_start3A_349 = arith.constant 12 : i32
      %dma_start3A_350 = arith.constant 0 : i32
      %dma_start3A_351 = tpu.memref_slice %arg8[%dma_start3A_349, %dma_start3A_350] : memref<16x128xi32, #tpu.memory_space<vmem>> -> memref<1x128xi32, #tpu.memory_space<vmem>>
      %dma_start3A_352 = tpu.memref_squeeze %dma_start3A_351 : memref<1x128xi32, #tpu.memory_space<vmem>> -> memref<128xi32, #tpu.memory_space<vmem>>
      %dma_start3A_353 = arith.constant 0 : i32
      %dma_start3A_354 = arith.constant 0 : i32
      %dma_start3A_355 = tpu.memref_slice %arg12[%dma_start3A_353, %dma_start3A_354] : memref<20480x64xf32, #tpu.memory_space<vmem_shared>> -> memref<20480x64xf32, #tpu.memory_space<vmem_shared>>
      tpu.enqueue_indirect_dma source(%dma_start3A_355 : memref<20480x64xf32, #tpu.memory_space<vmem_shared>>) target(%arg10 : memref<128x64xf32, #tpu.memory_space<vmem>>) offsets(%dma_start3A_352 : memref<128xi32, #tpu.memory_space<vmem>>) semaphore(%arg13 : memref<!tpu.dma_semaphore, #tpu.memory_space<semaphore_mem>>)
      %dma_wait3A_356 = arith.constant 0 : i32
      %dma_wait3A_357 = arith.constant 0 : i32
      %dma_wait3A_358 = tpu.memref_slice %arg12[%dma_wait3A_356, %dma_wait3A_357] : memref<20480x64xf32, #tpu.memory_space<vmem_shared>> -> memref<128x64xf32, #tpu.memory_space<vmem_shared>>
      %dma_wait3A_359 = arith.constant 0 : i32
      %dma_wait3A_360 = arith.constant 0 : i32
      %dma_wait3A_361 = tpu.memref_slice %arg12[%dma_wait3A_359, %dma_wait3A_360] : memref<20480x64xf32, #tpu.memory_space<vmem_shared>> -> memref<128x64xf32, #tpu.memory_space<vmem_shared>>
      tpu.wait_dma2 semaphore(%arg14 : memref<!tpu.dma_semaphore, #tpu.memory_space<semaphore_mem>>) src(%dma_wait3A_361 : memref<128x64xf32, #tpu.memory_space<vmem_shared>>) dst(%arg11 : memref<128x64xf32, #tpu.memory_space<vmem>>)
      %run_scoped3A_362 = arith.constant 11 : i32
      "tpu.region"() ({
        %run_scoped3A_412 = tpu.sem_alloc : memref<!tpu.dma_semaphore, #tpu.memory_space<semaphore_mem>>
        %dma_start3A_413 = arith.constant 0 : i32
        %dma_start3A_414 = tpu.memref_slice %arg9[%run_scoped3A_362, %dma_start3A_413] : memref<16x128xi32, #tpu.memory_space<vmem>> -> memref<1x128xi32, #tpu.memory_space<vmem>>
        %dma_start3A_415 = tpu.memref_squeeze %dma_start3A_414 : memref<1x128xi32, #tpu.memory_space<vmem>> -> memref<128xi32, #tpu.memory_space<vmem>>
        %dma_start3A_416 = arith.constant 0 : i32
        %dma_start3A_417 = arith.constant 0 : i32
        %dma_start3A_418 = tpu.memref_slice %arg12[%dma_start3A_416, %dma_start3A_417] : memref<20480x64xf32, #tpu.memory_space<vmem_shared>> -> memref<20480x64xf32, #tpu.memory_space<vmem_shared>>
        tpu.enqueue_indirect_dma source(%arg11 : memref<128x64xf32, #tpu.memory_space<vmem>>) target(%dma_start3A_418 : memref<20480x64xf32, #tpu.memory_space<vmem_shared>>) offsets(%dma_start3A_415 : memref<128xi32, #tpu.memory_space<vmem>>) semaphore(%run_scoped3A_412 : memref<!tpu.dma_semaphore, #tpu.memory_space<semaphore_mem>>) {add = true}
        %dma_wait3A_419 = arith.constant 0 : i32
        %dma_wait3A_420 = tpu.memref_slice %arg9[%run_scoped3A_362, %dma_wait3A_419] : memref<16x128xi32, #tpu.memory_space<vmem>> -> memref<1x128xi32, #tpu.memory_space<vmem>>
        %dma_wait3A_421 = tpu.memref_squeeze %dma_wait3A_420 : memref<1x128xi32, #tpu.memory_space<vmem>> -> memref<128xi32, #tpu.memory_space<vmem>>
        %dma_wait3A_422 = arith.constant 0 : i32
        %dma_wait3A_423 = arith.constant 0 : i32
        %dma_wait3A_424 = tpu.memref_slice %arg12[%dma_wait3A_422, %dma_wait3A_423] : memref<20480x64xf32, #tpu.memory_space<vmem_shared>> -> memref<20480x64xf32, #tpu.memory_space<vmem_shared>>
        tpu.wait_indirect_dma semaphore(%run_scoped3A_412 : memref<!tpu.dma_semaphore, #tpu.memory_space<semaphore_mem>>) src(%arg11 : memref<128x64xf32, #tpu.memory_space<vmem>>) dst(%dma_wait3A_424 : memref<20480x64xf32, #tpu.memory_space<vmem_shared>>)
        tpu.yield
      }) : () -> ()
      %dma_start3A_363 = arith.constant 13 : i32
      %dma_start3A_364 = arith.constant 0 : i32
      %dma_start3A_365 = tpu.memref_slice %arg8[%dma_start3A_363, %dma_start3A_364] : memref<16x128xi32, #tpu.memory_space<vmem>> -> memref<1x128xi32, #tpu.memory_space<vmem>>
      %dma_start3A_366 = tpu.memref_squeeze %dma_start3A_365 : memref<1x128xi32, #tpu.memory_space<vmem>> -> memref<128xi32, #tpu.memory_space<vmem>>
      %dma_start3A_367 = arith.constant 0 : i32
      %dma_start3A_368 = arith.constant 0 : i32
      %dma_start3A_369 = tpu.memref_slice %arg12[%dma_start3A_367, %dma_start3A_368] : memref<20480x64xf32, #tpu.memory_space<vmem_shared>> -> memref<20480x64xf32, #tpu.memory_space<vmem_shared>>
      tpu.enqueue_indirect_dma source(%dma_start3A_369 : memref<20480x64xf32, #tpu.memory_space<vmem_shared>>) target(%arg11 : memref<128x64xf32, #tpu.memory_space<vmem>>) offsets(%dma_start3A_366 : memref<128xi32, #tpu.memory_space<vmem>>) semaphore(%arg14 : memref<!tpu.dma_semaphore, #tpu.memory_space<semaphore_mem>>)
      %dma_wait3A_370 = arith.constant 0 : i32
      %dma_wait3A_371 = arith.constant 0 : i32
      %dma_wait3A_372 = tpu.memref_slice %arg12[%dma_wait3A_370, %dma_wait3A_371] : memref<20480x64xf32, #tpu.memory_space<vmem_shared>> -> memref<128x64xf32, #tpu.memory_space<vmem_shared>>
      %dma_wait3A_373 = arith.constant 0 : i32
      %dma_wait3A_374 = arith.constant 0 : i32
      %dma_wait3A_375 = tpu.memref_slice %arg12[%dma_wait3A_373, %dma_wait3A_374] : memref<20480x64xf32, #tpu.memory_space<vmem_shared>> -> memref<128x64xf32, #tpu.memory_space<vmem_shared>>
      tpu.wait_dma2 semaphore(%arg13 : memref<!tpu.dma_semaphore, #tpu.memory_space<semaphore_mem>>) src(%dma_wait3A_375 : memref<128x64xf32, #tpu.memory_space<vmem_shared>>) dst(%arg10 : memref<128x64xf32, #tpu.memory_space<vmem>>)
      %run_scoped3A_376 = arith.constant 12 : i32
      "tpu.region"() ({
        %run_scoped3A_412 = tpu.sem_alloc : memref<!tpu.dma_semaphore, #tpu.memory_space<semaphore_mem>>
        %dma_start3A_413 = arith.constant 0 : i32
        %dma_start3A_414 = tpu.memref_slice %arg9[%run_scoped3A_376, %dma_start3A_413] : memref<16x128xi32, #tpu.memory_space<vmem>> -> memref<1x128xi32, #tpu.memory_space<vmem>>
        %dma_start3A_415 = tpu.memref_squeeze %dma_start3A_414 : memref<1x128xi32, #tpu.memory_space<vmem>> -> memref<128xi32, #tpu.memory_space<vmem>>
        %dma_start3A_416 = arith.constant 0 : i32
        %dma_start3A_417 = arith.constant 0 : i32
        %dma_start3A_418 = tpu.memref_slice %arg12[%dma_start3A_416, %dma_start3A_417] : memref<20480x64xf32, #tpu.memory_space<vmem_shared>> -> memref<20480x64xf32, #tpu.memory_space<vmem_shared>>
        tpu.enqueue_indirect_dma source(%arg10 : memref<128x64xf32, #tpu.memory_space<vmem>>) target(%dma_start3A_418 : memref<20480x64xf32, #tpu.memory_space<vmem_shared>>) offsets(%dma_start3A_415 : memref<128xi32, #tpu.memory_space<vmem>>) semaphore(%run_scoped3A_412 : memref<!tpu.dma_semaphore, #tpu.memory_space<semaphore_mem>>) {add = true}
        %dma_wait3A_419 = arith.constant 0 : i32
        %dma_wait3A_420 = tpu.memref_slice %arg9[%run_scoped3A_376, %dma_wait3A_419] : memref<16x128xi32, #tpu.memory_space<vmem>> -> memref<1x128xi32, #tpu.memory_space<vmem>>
        %dma_wait3A_421 = tpu.memref_squeeze %dma_wait3A_420 : memref<1x128xi32, #tpu.memory_space<vmem>> -> memref<128xi32, #tpu.memory_space<vmem>>
        %dma_wait3A_422 = arith.constant 0 : i32
        %dma_wait3A_423 = arith.constant 0 : i32
        %dma_wait3A_424 = tpu.memref_slice %arg12[%dma_wait3A_422, %dma_wait3A_423] : memref<20480x64xf32, #tpu.memory_space<vmem_shared>> -> memref<20480x64xf32, #tpu.memory_space<vmem_shared>>
        tpu.wait_indirect_dma semaphore(%run_scoped3A_412 : memref<!tpu.dma_semaphore, #tpu.memory_space<semaphore_mem>>) src(%arg10 : memref<128x64xf32, #tpu.memory_space<vmem>>) dst(%dma_wait3A_424 : memref<20480x64xf32, #tpu.memory_space<vmem_shared>>)
        tpu.yield
      }) : () -> ()
      %dma_start3A_377 = arith.constant 14 : i32
      %dma_start3A_378 = arith.constant 0 : i32
      %dma_start3A_379 = tpu.memref_slice %arg8[%dma_start3A_377, %dma_start3A_378] : memref<16x128xi32, #tpu.memory_space<vmem>> -> memref<1x128xi32, #tpu.memory_space<vmem>>
      %dma_start3A_380 = tpu.memref_squeeze %dma_start3A_379 : memref<1x128xi32, #tpu.memory_space<vmem>> -> memref<128xi32, #tpu.memory_space<vmem>>
      %dma_start3A_381 = arith.constant 0 : i32
      %dma_start3A_382 = arith.constant 0 : i32
      %dma_start3A_383 = tpu.memref_slice %arg12[%dma_start3A_381, %dma_start3A_382] : memref<20480x64xf32, #tpu.memory_space<vmem_shared>> -> memref<20480x64xf32, #tpu.memory_space<vmem_shared>>
      tpu.enqueue_indirect_dma source(%dma_start3A_383 : memref<20480x64xf32, #tpu.memory_space<vmem_shared>>) target(%arg10 : memref<128x64xf32, #tpu.memory_space<vmem>>) offsets(%dma_start3A_380 : memref<128xi32, #tpu.memory_space<vmem>>) semaphore(%arg13 : memref<!tpu.dma_semaphore, #tpu.memory_space<semaphore_mem>>)
      %dma_wait3A_384 = arith.constant 0 : i32
      %dma_wait3A_385 = arith.constant 0 : i32
      %dma_wait3A_386 = tpu.memref_slice %arg12[%dma_wait3A_384, %dma_wait3A_385] : memref<20480x64xf32, #tpu.memory_space<vmem_shared>> -> memref<128x64xf32, #tpu.memory_space<vmem_shared>>
      %dma_wait3A_387 = arith.constant 0 : i32
      %dma_wait3A_388 = arith.constant 0 : i32
      %dma_wait3A_389 = tpu.memref_slice %arg12[%dma_wait3A_387, %dma_wait3A_388] : memref<20480x64xf32, #tpu.memory_space<vmem_shared>> -> memref<128x64xf32, #tpu.memory_space<vmem_shared>>
      tpu.wait_dma2 semaphore(%arg14 : memref<!tpu.dma_semaphore, #tpu.memory_space<semaphore_mem>>) src(%dma_wait3A_389 : memref<128x64xf32, #tpu.memory_space<vmem_shared>>) dst(%arg11 : memref<128x64xf32, #tpu.memory_space<vmem>>)
      %run_scoped3A_390 = arith.constant 13 : i32
      "tpu.region"() ({
        %run_scoped3A_412 = tpu.sem_alloc : memref<!tpu.dma_semaphore, #tpu.memory_space<semaphore_mem>>
        %dma_start3A_413 = arith.constant 0 : i32
        %dma_start3A_414 = tpu.memref_slice %arg9[%run_scoped3A_390, %dma_start3A_413] : memref<16x128xi32, #tpu.memory_space<vmem>> -> memref<1x128xi32, #tpu.memory_space<vmem>>
        %dma_start3A_415 = tpu.memref_squeeze %dma_start3A_414 : memref<1x128xi32, #tpu.memory_space<vmem>> -> memref<128xi32, #tpu.memory_space<vmem>>
        %dma_start3A_416 = arith.constant 0 : i32
        %dma_start3A_417 = arith.constant 0 : i32
        %dma_start3A_418 = tpu.memref_slice %arg12[%dma_start3A_416, %dma_start3A_417] : memref<20480x64xf32, #tpu.memory_space<vmem_shared>> -> memref<20480x64xf32, #tpu.memory_space<vmem_shared>>
        tpu.enqueue_indirect_dma source(%arg11 : memref<128x64xf32, #tpu.memory_space<vmem>>) target(%dma_start3A_418 : memref<20480x64xf32, #tpu.memory_space<vmem_shared>>) offsets(%dma_start3A_415 : memref<128xi32, #tpu.memory_space<vmem>>) semaphore(%run_scoped3A_412 : memref<!tpu.dma_semaphore, #tpu.memory_space<semaphore_mem>>) {add = true}
        %dma_wait3A_419 = arith.constant 0 : i32
        %dma_wait3A_420 = tpu.memref_slice %arg9[%run_scoped3A_390, %dma_wait3A_419] : memref<16x128xi32, #tpu.memory_space<vmem>> -> memref<1x128xi32, #tpu.memory_space<vmem>>
        %dma_wait3A_421 = tpu.memref_squeeze %dma_wait3A_420 : memref<1x128xi32, #tpu.memory_space<vmem>> -> memref<128xi32, #tpu.memory_space<vmem>>
        %dma_wait3A_422 = arith.constant 0 : i32
        %dma_wait3A_423 = arith.constant 0 : i32
        %dma_wait3A_424 = tpu.memref_slice %arg12[%dma_wait3A_422, %dma_wait3A_423] : memref<20480x64xf32, #tpu.memory_space<vmem_shared>> -> memref<20480x64xf32, #tpu.memory_space<vmem_shared>>
        tpu.wait_indirect_dma semaphore(%run_scoped3A_412 : memref<!tpu.dma_semaphore, #tpu.memory_space<semaphore_mem>>) src(%arg11 : memref<128x64xf32, #tpu.memory_space<vmem>>) dst(%dma_wait3A_424 : memref<20480x64xf32, #tpu.memory_space<vmem_shared>>)
        tpu.yield
      }) : () -> ()
      %dma_start3A_391 = arith.constant 15 : i32
      %dma_start3A_392 = arith.constant 0 : i32
      %dma_start3A_393 = tpu.memref_slice %arg8[%dma_start3A_391, %dma_start3A_392] : memref<16x128xi32, #tpu.memory_space<vmem>> -> memref<1x128xi32, #tpu.memory_space<vmem>>
      %dma_start3A_394 = tpu.memref_squeeze %dma_start3A_393 : memref<1x128xi32, #tpu.memory_space<vmem>> -> memref<128xi32, #tpu.memory_space<vmem>>
      %dma_start3A_395 = arith.constant 0 : i32
      %dma_start3A_396 = arith.constant 0 : i32
      %dma_start3A_397 = tpu.memref_slice %arg12[%dma_start3A_395, %dma_start3A_396] : memref<20480x64xf32, #tpu.memory_space<vmem_shared>> -> memref<20480x64xf32, #tpu.memory_space<vmem_shared>>
      tpu.enqueue_indirect_dma source(%dma_start3A_397 : memref<20480x64xf32, #tpu.memory_space<vmem_shared>>) target(%arg11 : memref<128x64xf32, #tpu.memory_space<vmem>>) offsets(%dma_start3A_394 : memref<128xi32, #tpu.memory_space<vmem>>) semaphore(%arg14 : memref<!tpu.dma_semaphore, #tpu.memory_space<semaphore_mem>>)
      %dma_wait3A_398 = arith.constant 0 : i32
      %dma_wait3A_399 = arith.constant 0 : i32
      %dma_wait3A_400 = tpu.memref_slice %arg12[%dma_wait3A_398, %dma_wait3A_399] : memref<20480x64xf32, #tpu.memory_space<vmem_shared>> -> memref<128x64xf32, #tpu.memory_space<vmem_shared>>
      %dma_wait3A_401 = arith.constant 0 : i32
      %dma_wait3A_402 = arith.constant 0 : i32
      %dma_wait3A_403 = tpu.memref_slice %arg12[%dma_wait3A_401, %dma_wait3A_402] : memref<20480x64xf32, #tpu.memory_space<vmem_shared>> -> memref<128x64xf32, #tpu.memory_space<vmem_shared>>
      tpu.wait_dma2 semaphore(%arg13 : memref<!tpu.dma_semaphore, #tpu.memory_space<semaphore_mem>>) src(%dma_wait3A_403 : memref<128x64xf32, #tpu.memory_space<vmem_shared>>) dst(%arg10 : memref<128x64xf32, #tpu.memory_space<vmem>>)
      %run_scoped3A_404 = arith.constant 14 : i32
      "tpu.region"() ({
        %run_scoped3A_412 = tpu.sem_alloc : memref<!tpu.dma_semaphore, #tpu.memory_space<semaphore_mem>>
        %dma_start3A_413 = arith.constant 0 : i32
        %dma_start3A_414 = tpu.memref_slice %arg9[%run_scoped3A_404, %dma_start3A_413] : memref<16x128xi32, #tpu.memory_space<vmem>> -> memref<1x128xi32, #tpu.memory_space<vmem>>
        %dma_start3A_415 = tpu.memref_squeeze %dma_start3A_414 : memref<1x128xi32, #tpu.memory_space<vmem>> -> memref<128xi32, #tpu.memory_space<vmem>>
        %dma_start3A_416 = arith.constant 0 : i32
        %dma_start3A_417 = arith.constant 0 : i32
        %dma_start3A_418 = tpu.memref_slice %arg12[%dma_start3A_416, %dma_start3A_417] : memref<20480x64xf32, #tpu.memory_space<vmem_shared>> -> memref<20480x64xf32, #tpu.memory_space<vmem_shared>>
        tpu.enqueue_indirect_dma source(%arg10 : memref<128x64xf32, #tpu.memory_space<vmem>>) target(%dma_start3A_418 : memref<20480x64xf32, #tpu.memory_space<vmem_shared>>) offsets(%dma_start3A_415 : memref<128xi32, #tpu.memory_space<vmem>>) semaphore(%run_scoped3A_412 : memref<!tpu.dma_semaphore, #tpu.memory_space<semaphore_mem>>) {add = true}
        %dma_wait3A_419 = arith.constant 0 : i32
        %dma_wait3A_420 = tpu.memref_slice %arg9[%run_scoped3A_404, %dma_wait3A_419] : memref<16x128xi32, #tpu.memory_space<vmem>> -> memref<1x128xi32, #tpu.memory_space<vmem>>
        %dma_wait3A_421 = tpu.memref_squeeze %dma_wait3A_420 : memref<1x128xi32, #tpu.memory_space<vmem>> -> memref<128xi32, #tpu.memory_space<vmem>>
        %dma_wait3A_422 = arith.constant 0 : i32
        %dma_wait3A_423 = arith.constant 0 : i32
        %dma_wait3A_424 = tpu.memref_slice %arg12[%dma_wait3A_422, %dma_wait3A_423] : memref<20480x64xf32, #tpu.memory_space<vmem_shared>> -> memref<20480x64xf32, #tpu.memory_space<vmem_shared>>
        tpu.wait_indirect_dma semaphore(%run_scoped3A_412 : memref<!tpu.dma_semaphore, #tpu.memory_space<semaphore_mem>>) src(%arg10 : memref<128x64xf32, #tpu.memory_space<vmem>>) dst(%dma_wait3A_424 : memref<20480x64xf32, #tpu.memory_space<vmem_shared>>)
        tpu.yield
      }) : () -> ()
      %dma_wait3A_405 = arith.constant 0 : i32
      %dma_wait3A_406 = arith.constant 0 : i32
      %dma_wait3A_407 = tpu.memref_slice %arg12[%dma_wait3A_405, %dma_wait3A_406] : memref<20480x64xf32, #tpu.memory_space<vmem_shared>> -> memref<128x64xf32, #tpu.memory_space<vmem_shared>>
      %dma_wait3A_408 = arith.constant 0 : i32
      %dma_wait3A_409 = arith.constant 0 : i32
      %dma_wait3A_410 = tpu.memref_slice %arg12[%dma_wait3A_408, %dma_wait3A_409] : memref<20480x64xf32, #tpu.memory_space<vmem_shared>> -> memref<128x64xf32, #tpu.memory_space<vmem_shared>>
      tpu.wait_dma2 semaphore(%arg14 : memref<!tpu.dma_semaphore, #tpu.memory_space<semaphore_mem>>) src(%dma_wait3A_410 : memref<128x64xf32, #tpu.memory_space<vmem_shared>>) dst(%arg11 : memref<128x64xf32, #tpu.memory_space<vmem>>)
      %run_scoped3A_411 = arith.constant 15 : i32
      "tpu.region"() ({
        %run_scoped3A_412 = tpu.sem_alloc : memref<!tpu.dma_semaphore, #tpu.memory_space<semaphore_mem>>
        %dma_start3A_413 = arith.constant 0 : i32
        %dma_start3A_414 = tpu.memref_slice %arg9[%run_scoped3A_411, %dma_start3A_413] : memref<16x128xi32, #tpu.memory_space<vmem>> -> memref<1x128xi32, #tpu.memory_space<vmem>>
        %dma_start3A_415 = tpu.memref_squeeze %dma_start3A_414 : memref<1x128xi32, #tpu.memory_space<vmem>> -> memref<128xi32, #tpu.memory_space<vmem>>
        %dma_start3A_416 = arith.constant 0 : i32
        %dma_start3A_417 = arith.constant 0 : i32
        %dma_start3A_418 = tpu.memref_slice %arg12[%dma_start3A_416, %dma_start3A_417] : memref<20480x64xf32, #tpu.memory_space<vmem_shared>> -> memref<20480x64xf32, #tpu.memory_space<vmem_shared>>
        tpu.enqueue_indirect_dma source(%arg11 : memref<128x64xf32, #tpu.memory_space<vmem>>) target(%dma_start3A_418 : memref<20480x64xf32, #tpu.memory_space<vmem_shared>>) offsets(%dma_start3A_415 : memref<128xi32, #tpu.memory_space<vmem>>) semaphore(%run_scoped3A_412 : memref<!tpu.dma_semaphore, #tpu.memory_space<semaphore_mem>>) {add = true}
        %dma_wait3A_419 = arith.constant 0 : i32
        %dma_wait3A_420 = tpu.memref_slice %arg9[%run_scoped3A_411, %dma_wait3A_419] : memref<16x128xi32, #tpu.memory_space<vmem>> -> memref<1x128xi32, #tpu.memory_space<vmem>>
        %dma_wait3A_421 = tpu.memref_squeeze %dma_wait3A_420 : memref<1x128xi32, #tpu.memory_space<vmem>> -> memref<128xi32, #tpu.memory_space<vmem>>
        %dma_wait3A_422 = arith.constant 0 : i32
        %dma_wait3A_423 = arith.constant 0 : i32
        %dma_wait3A_424 = tpu.memref_slice %arg12[%dma_wait3A_422, %dma_wait3A_423] : memref<20480x64xf32, #tpu.memory_space<vmem_shared>> -> memref<20480x64xf32, #tpu.memory_space<vmem_shared>>
        tpu.wait_indirect_dma semaphore(%run_scoped3A_412 : memref<!tpu.dma_semaphore, #tpu.memory_space<semaphore_mem>>) src(%arg11 : memref<128x64xf32, #tpu.memory_space<vmem>>) dst(%dma_wait3A_424 : memref<20480x64xf32, #tpu.memory_space<vmem_shared>>)
        tpu.yield
      }) : () -> ()
    }
    %while3A_93 = arith.constant 1 : i32
    scf.for %while3A_187 = %while3A_91 to %while3A_87 step %while3A_93  : i32 {
      %mul3A_188 = arith.constant 16 : i32
      %mul3A_189 = arith.muli %while3A_187, %mul3A_188 : i32
      %add3A_190 = arith.addi %mul3A_8, %mul3A_189 : i32
      "tpu.region"() ({
        %run_scoped3A_412 = tpu.sem_alloc : memref<!tpu.dma_semaphore, #tpu.memory_space<semaphore_mem>>
        %dma_start3A_413 = arith.constant 0 : i32
        %dma_start3A_414 = tpu.memref_slice %arg2[%add3A_190, %dma_start3A_413] : memref<2560x128xi32, #tpu.memory_space<hbm>> -> memref<16x128xi32, #tpu.memory_space<hbm>>
        %dma_start3A_415 = arith.constant 0 : i32
        %dma_start3A_416 = tpu.memref_slice %arg2[%add3A_190, %dma_start3A_415] : memref<2560x128xi32, #tpu.memory_space<hbm>> -> memref<16x128xi32, #tpu.memory_space<hbm>>
        tpu.enqueue_dma source(%dma_start3A_416 : memref<16x128xi32, #tpu.memory_space<hbm>>) target(%arg8 : memref<16x128xi32, #tpu.memory_space<vmem>>) target_semaphore(%run_scoped3A_412 : memref<!tpu.dma_semaphore, #tpu.memory_space<semaphore_mem>>)
        %dma_wait3A_417 = arith.constant 0 : i32
        %dma_wait3A_418 = tpu.memref_slice %arg2[%add3A_190, %dma_wait3A_417] : memref<2560x128xi32, #tpu.memory_space<hbm>> -> memref<16x128xi32, #tpu.memory_space<hbm>>
        %dma_wait3A_419 = arith.constant 0 : i32
        %dma_wait3A_420 = tpu.memref_slice %arg2[%add3A_190, %dma_wait3A_419] : memref<2560x128xi32, #tpu.memory_space<hbm>> -> memref<16x128xi32, #tpu.memory_space<hbm>>
        tpu.wait_dma2 semaphore(%run_scoped3A_412 : memref<!tpu.dma_semaphore, #tpu.memory_space<semaphore_mem>>) src(%dma_wait3A_420 : memref<16x128xi32, #tpu.memory_space<hbm>>) dst(%arg8 : memref<16x128xi32, #tpu.memory_space<vmem>>)
        tpu.yield
      }) : () -> ()
      "tpu.region"() ({
        %run_scoped3A_412 = tpu.sem_alloc : memref<!tpu.dma_semaphore, #tpu.memory_space<semaphore_mem>>
        %dma_start3A_413 = arith.constant 0 : i32
        %dma_start3A_414 = tpu.memref_slice %arg3[%add3A_190, %dma_start3A_413] : memref<2560x128xi32, #tpu.memory_space<hbm>> -> memref<16x128xi32, #tpu.memory_space<hbm>>
        %dma_start3A_415 = arith.constant 0 : i32
        %dma_start3A_416 = tpu.memref_slice %arg3[%add3A_190, %dma_start3A_415] : memref<2560x128xi32, #tpu.memory_space<hbm>> -> memref<16x128xi32, #tpu.memory_space<hbm>>
        tpu.enqueue_dma source(%dma_start3A_416 : memref<16x128xi32, #tpu.memory_space<hbm>>) target(%arg9 : memref<16x128xi32, #tpu.memory_space<vmem>>) target_semaphore(%run_scoped3A_412 : memref<!tpu.dma_semaphore, #tpu.memory_space<semaphore_mem>>)
        %dma_wait3A_417 = arith.constant 0 : i32
        %dma_wait3A_418 = tpu.memref_slice %arg3[%add3A_190, %dma_wait3A_417] : memref<2560x128xi32, #tpu.memory_space<hbm>> -> memref<16x128xi32, #tpu.memory_space<hbm>>
        %dma_wait3A_419 = arith.constant 0 : i32
        %dma_wait3A_420 = tpu.memref_slice %arg3[%add3A_190, %dma_wait3A_419] : memref<2560x128xi32, #tpu.memory_space<hbm>> -> memref<16x128xi32, #tpu.memory_space<hbm>>
        tpu.wait_dma2 semaphore(%run_scoped3A_412 : memref<!tpu.dma_semaphore, #tpu.memory_space<semaphore_mem>>) src(%dma_wait3A_420 : memref<16x128xi32, #tpu.memory_space<hbm>>) dst(%arg9 : memref<16x128xi32, #tpu.memory_space<vmem>>)
        tpu.yield
      }) : () -> ()
      %dma_start3A = arith.constant 0 : i32
      %dma_start3A_191 = arith.constant 0 : i32
      %dma_start3A_192 = tpu.memref_slice %arg8[%dma_start3A, %dma_start3A_191] : memref<16x128xi32, #tpu.memory_space<vmem>> -> memref<1x128xi32, #tpu.memory_space<vmem>>
      %dma_start3A_193 = tpu.memref_squeeze %dma_start3A_192 : memref<1x128xi32, #tpu.memory_space<vmem>> -> memref<128xi32, #tpu.memory_space<vmem>>
      %dma_start3A_194 = arith.constant 0 : i32
      %dma_start3A_195 = arith.constant 0 : i32
      %dma_start3A_196 = tpu.memref_slice %arg12[%dma_start3A_194, %dma_start3A_195] : memref<20480x64xf32, #tpu.memory_space<vmem_shared>> -> memref<20480x64xf32, #tpu.memory_space<vmem_shared>>
      tpu.enqueue_indirect_dma source(%dma_start3A_196 : memref<20480x64xf32, #tpu.memory_space<vmem_shared>>) target(%arg10 : memref<128x64xf32, #tpu.memory_space<vmem>>) offsets(%dma_start3A_193 : memref<128xi32, #tpu.memory_space<vmem>>) semaphore(%arg13 : memref<!tpu.dma_semaphore, #tpu.memory_space<semaphore_mem>>)
      %dma_start3A_197 = arith.constant 1 : i32
      %dma_start3A_198 = arith.constant 0 : i32
      %dma_start3A_199 = tpu.memref_slice %arg8[%dma_start3A_197, %dma_start3A_198] : memref<16x128xi32, #tpu.memory_space<vmem>> -> memref<1x128xi32, #tpu.memory_space<vmem>>
      %dma_start3A_200 = tpu.memref_squeeze %dma_start3A_199 : memref<1x128xi32, #tpu.memory_space<vmem>> -> memref<128xi32, #tpu.memory_space<vmem>>
      %dma_start3A_201 = arith.constant 0 : i32
      %dma_start3A_202 = arith.constant 0 : i32
      %dma_start3A_203 = tpu.memref_slice %arg12[%dma_start3A_201, %dma_start3A_202] : memref<20480x64xf32, #tpu.memory_space<vmem_shared>> -> memref<20480x64xf32, #tpu.memory_space<vmem_shared>>
      tpu.enqueue_indirect_dma source(%dma_start3A_203 : memref<20480x64xf32, #tpu.memory_space<vmem_shared>>) target(%arg11 : memref<128x64xf32, #tpu.memory_space<vmem>>) offsets(%dma_start3A_200 : memref<128xi32, #tpu.memory_space<vmem>>) semaphore(%arg14 : memref<!tpu.dma_semaphore, #tpu.memory_space<semaphore_mem>>)
      %dma_wait3A = arith.constant 0 : i32
      %dma_wait3A_204 = arith.constant 0 : i32
      %dma_wait3A_205 = tpu.memref_slice %arg12[%dma_wait3A, %dma_wait3A_204] : memref<20480x64xf32, #tpu.memory_space<vmem_shared>> -> memref<128x64xf32, #tpu.memory_space<vmem_shared>>
      %dma_wait3A_206 = arith.constant 0 : i32
      %dma_wait3A_207 = arith.constant 0 : i32
      %dma_wait3A_208 = tpu.memref_slice %arg12[%dma_wait3A_206, %dma_wait3A_207] : memref<20480x64xf32, #tpu.memory_space<vmem_shared>> -> memref<128x64xf32, #tpu.memory_space<vmem_shared>>
      tpu.wait_dma2 semaphore(%arg13 : memref<!tpu.dma_semaphore, #tpu.memory_space<semaphore_mem>>) src(%dma_wait3A_208 : memref<128x64xf32, #tpu.memory_space<vmem_shared>>) dst(%arg10 : memref<128x64xf32, #tpu.memory_space<vmem>>)
      %run_scoped3A = arith.constant 0 : i32
      "tpu.region"() ({
        %run_scoped3A_412 = tpu.sem_alloc : memref<!tpu.dma_semaphore, #tpu.memory_space<semaphore_mem>>
        %dma_start3A_413 = arith.constant 0 : i32
        %dma_start3A_414 = tpu.memref_slice %arg9[%run_scoped3A, %dma_start3A_413] : memref<16x128xi32, #tpu.memory_space<vmem>> -> memref<1x128xi32, #tpu.memory_space<vmem>>
        %dma_start3A_415 = tpu.memref_squeeze %dma_start3A_414 : memref<1x128xi32, #tpu.memory_space<vmem>> -> memref<128xi32, #tpu.memory_space<vmem>>
        %dma_start3A_416 = arith.constant 0 : i32
        %dma_start3A_417 = arith.constant 0 : i32
        %dma_start3A_418 = tpu.memref_slice %arg12[%dma_start3A_416, %dma_start3A_417] : memref<20480x64xf32, #tpu.memory_space<vmem_shared>> -> memref<20480x64xf32, #tpu.memory_space<vmem_shared>>
        tpu.enqueue_indirect_dma source(%arg10 : memref<128x64xf32, #tpu.memory_space<vmem>>) target(%dma_start3A_418 : memref<20480x64xf32, #tpu.memory_space<vmem_shared>>) offsets(%dma_start3A_415 : memref<128xi32, #tpu.memory_space<vmem>>) semaphore(%run_scoped3A_412 : memref<!tpu.dma_semaphore, #tpu.memory_space<semaphore_mem>>) {add = true}
        %dma_wait3A_419 = arith.constant 0 : i32
        %dma_wait3A_420 = tpu.memref_slice %arg9[%run_scoped3A, %dma_wait3A_419] : memref<16x128xi32, #tpu.memory_space<vmem>> -> memref<1x128xi32, #tpu.memory_space<vmem>>
        %dma_wait3A_421 = tpu.memref_squeeze %dma_wait3A_420 : memref<1x128xi32, #tpu.memory_space<vmem>> -> memref<128xi32, #tpu.memory_space<vmem>>
        %dma_wait3A_422 = arith.constant 0 : i32
        %dma_wait3A_423 = arith.constant 0 : i32
        %dma_wait3A_424 = tpu.memref_slice %arg12[%dma_wait3A_422, %dma_wait3A_423] : memref<20480x64xf32, #tpu.memory_space<vmem_shared>> -> memref<20480x64xf32, #tpu.memory_space<vmem_shared>>
        tpu.wait_indirect_dma semaphore(%run_scoped3A_412 : memref<!tpu.dma_semaphore, #tpu.memory_space<semaphore_mem>>) src(%arg10 : memref<128x64xf32, #tpu.memory_space<vmem>>) dst(%dma_wait3A_424 : memref<20480x64xf32, #tpu.memory_space<vmem_shared>>)
        tpu.yield
      }) : () -> ()
      %dma_start3A_209 = arith.constant 2 : i32
      %dma_start3A_210 = arith.constant 0 : i32
      %dma_start3A_211 = tpu.memref_slice %arg8[%dma_start3A_209, %dma_start3A_210] : memref<16x128xi32, #tpu.memory_space<vmem>> -> memref<1x128xi32, #tpu.memory_space<vmem>>
      %dma_start3A_212 = tpu.memref_squeeze %dma_start3A_211 : memref<1x128xi32, #tpu.memory_space<vmem>> -> memref<128xi32, #tpu.memory_space<vmem>>
      %dma_start3A_213 = arith.constant 0 : i32
      %dma_start3A_214 = arith.constant 0 : i32
      %dma_start3A_215 = tpu.memref_slice %arg12[%dma_start3A_213, %dma_start3A_214] : memref<20480x64xf32, #tpu.memory_space<vmem_shared>> -> memref<20480x64xf32, #tpu.memory_space<vmem_shared>>
      tpu.enqueue_indirect_dma source(%dma_start3A_215 : memref<20480x64xf32, #tpu.memory_space<vmem_shared>>) target(%arg10 : memref<128x64xf32, #tpu.memory_space<vmem>>) offsets(%dma_start3A_212 : memref<128xi32, #tpu.memory_space<vmem>>) semaphore(%arg13 : memref<!tpu.dma_semaphore, #tpu.memory_space<semaphore_mem>>)
      %dma_wait3A_216 = arith.constant 0 : i32
      %dma_wait3A_217 = arith.constant 0 : i32
      %dma_wait3A_218 = tpu.memref_slice %arg12[%dma_wait3A_216, %dma_wait3A_217] : memref<20480x64xf32, #tpu.memory_space<vmem_shared>> -> memref<128x64xf32, #tpu.memory_space<vmem_shared>>
      %dma_wait3A_219 = arith.constant 0 : i32
      %dma_wait3A_220 = arith.constant 0 : i32
      %dma_wait3A_221 = tpu.memref_slice %arg12[%dma_wait3A_219, %dma_wait3A_220] : memref<20480x64xf32, #tpu.memory_space<vmem_shared>> -> memref<128x64xf32, #tpu.memory_space<vmem_shared>>
      tpu.wait_dma2 semaphore(%arg14 : memref<!tpu.dma_semaphore, #tpu.memory_space<semaphore_mem>>) src(%dma_wait3A_221 : memref<128x64xf32, #tpu.memory_space<vmem_shared>>) dst(%arg11 : memref<128x64xf32, #tpu.memory_space<vmem>>)
      %run_scoped3A_222 = arith.constant 1 : i32
      "tpu.region"() ({
        %run_scoped3A_412 = tpu.sem_alloc : memref<!tpu.dma_semaphore, #tpu.memory_space<semaphore_mem>>
        %dma_start3A_413 = arith.constant 0 : i32
        %dma_start3A_414 = tpu.memref_slice %arg9[%run_scoped3A_222, %dma_start3A_413] : memref<16x128xi32, #tpu.memory_space<vmem>> -> memref<1x128xi32, #tpu.memory_space<vmem>>
        %dma_start3A_415 = tpu.memref_squeeze %dma_start3A_414 : memref<1x128xi32, #tpu.memory_space<vmem>> -> memref<128xi32, #tpu.memory_space<vmem>>
        %dma_start3A_416 = arith.constant 0 : i32
        %dma_start3A_417 = arith.constant 0 : i32
        %dma_start3A_418 = tpu.memref_slice %arg12[%dma_start3A_416, %dma_start3A_417] : memref<20480x64xf32, #tpu.memory_space<vmem_shared>> -> memref<20480x64xf32, #tpu.memory_space<vmem_shared>>
        tpu.enqueue_indirect_dma source(%arg11 : memref<128x64xf32, #tpu.memory_space<vmem>>) target(%dma_start3A_418 : memref<20480x64xf32, #tpu.memory_space<vmem_shared>>) offsets(%dma_start3A_415 : memref<128xi32, #tpu.memory_space<vmem>>) semaphore(%run_scoped3A_412 : memref<!tpu.dma_semaphore, #tpu.memory_space<semaphore_mem>>) {add = true}
        %dma_wait3A_419 = arith.constant 0 : i32
        %dma_wait3A_420 = tpu.memref_slice %arg9[%run_scoped3A_222, %dma_wait3A_419] : memref<16x128xi32, #tpu.memory_space<vmem>> -> memref<1x128xi32, #tpu.memory_space<vmem>>
        %dma_wait3A_421 = tpu.memref_squeeze %dma_wait3A_420 : memref<1x128xi32, #tpu.memory_space<vmem>> -> memref<128xi32, #tpu.memory_space<vmem>>
        %dma_wait3A_422 = arith.constant 0 : i32
        %dma_wait3A_423 = arith.constant 0 : i32
        %dma_wait3A_424 = tpu.memref_slice %arg12[%dma_wait3A_422, %dma_wait3A_423] : memref<20480x64xf32, #tpu.memory_space<vmem_shared>> -> memref<20480x64xf32, #tpu.memory_space<vmem_shared>>
        tpu.wait_indirect_dma semaphore(%run_scoped3A_412 : memref<!tpu.dma_semaphore, #tpu.memory_space<semaphore_mem>>) src(%arg11 : memref<128x64xf32, #tpu.memory_space<vmem>>) dst(%dma_wait3A_424 : memref<20480x64xf32, #tpu.memory_space<vmem_shared>>)
        tpu.yield
      }) : () -> ()
      %dma_start3A_223 = arith.constant 3 : i32
      %dma_start3A_224 = arith.constant 0 : i32
      %dma_start3A_225 = tpu.memref_slice %arg8[%dma_start3A_223, %dma_start3A_224] : memref<16x128xi32, #tpu.memory_space<vmem>> -> memref<1x128xi32, #tpu.memory_space<vmem>>
      %dma_start3A_226 = tpu.memref_squeeze %dma_start3A_225 : memref<1x128xi32, #tpu.memory_space<vmem>> -> memref<128xi32, #tpu.memory_space<vmem>>
      %dma_start3A_227 = arith.constant 0 : i32
      %dma_start3A_228 = arith.constant 0 : i32
      %dma_start3A_229 = tpu.memref_slice %arg12[%dma_start3A_227, %dma_start3A_228] : memref<20480x64xf32, #tpu.memory_space<vmem_shared>> -> memref<20480x64xf32, #tpu.memory_space<vmem_shared>>
      tpu.enqueue_indirect_dma source(%dma_start3A_229 : memref<20480x64xf32, #tpu.memory_space<vmem_shared>>) target(%arg11 : memref<128x64xf32, #tpu.memory_space<vmem>>) offsets(%dma_start3A_226 : memref<128xi32, #tpu.memory_space<vmem>>) semaphore(%arg14 : memref<!tpu.dma_semaphore, #tpu.memory_space<semaphore_mem>>)
      %dma_wait3A_230 = arith.constant 0 : i32
      %dma_wait3A_231 = arith.constant 0 : i32
      %dma_wait3A_232 = tpu.memref_slice %arg12[%dma_wait3A_230, %dma_wait3A_231] : memref<20480x64xf32, #tpu.memory_space<vmem_shared>> -> memref<128x64xf32, #tpu.memory_space<vmem_shared>>
      %dma_wait3A_233 = arith.constant 0 : i32
      %dma_wait3A_234 = arith.constant 0 : i32
      %dma_wait3A_235 = tpu.memref_slice %arg12[%dma_wait3A_233, %dma_wait3A_234] : memref<20480x64xf32, #tpu.memory_space<vmem_shared>> -> memref<128x64xf32, #tpu.memory_space<vmem_shared>>
      tpu.wait_dma2 semaphore(%arg13 : memref<!tpu.dma_semaphore, #tpu.memory_space<semaphore_mem>>) src(%dma_wait3A_235 : memref<128x64xf32, #tpu.memory_space<vmem_shared>>) dst(%arg10 : memref<128x64xf32, #tpu.memory_space<vmem>>)
      %run_scoped3A_236 = arith.constant 2 : i32
      "tpu.region"() ({
        %run_scoped3A_412 = tpu.sem_alloc : memref<!tpu.dma_semaphore, #tpu.memory_space<semaphore_mem>>
        %dma_start3A_413 = arith.constant 0 : i32
        %dma_start3A_414 = tpu.memref_slice %arg9[%run_scoped3A_236, %dma_start3A_413] : memref<16x128xi32, #tpu.memory_space<vmem>> -> memref<1x128xi32, #tpu.memory_space<vmem>>
        %dma_start3A_415 = tpu.memref_squeeze %dma_start3A_414 : memref<1x128xi32, #tpu.memory_space<vmem>> -> memref<128xi32, #tpu.memory_space<vmem>>
        %dma_start3A_416 = arith.constant 0 : i32
        %dma_start3A_417 = arith.constant 0 : i32
        %dma_start3A_418 = tpu.memref_slice %arg12[%dma_start3A_416, %dma_start3A_417] : memref<20480x64xf32, #tpu.memory_space<vmem_shared>> -> memref<20480x64xf32, #tpu.memory_space<vmem_shared>>
        tpu.enqueue_indirect_dma source(%arg10 : memref<128x64xf32, #tpu.memory_space<vmem>>) target(%dma_start3A_418 : memref<20480x64xf32, #tpu.memory_space<vmem_shared>>) offsets(%dma_start3A_415 : memref<128xi32, #tpu.memory_space<vmem>>) semaphore(%run_scoped3A_412 : memref<!tpu.dma_semaphore, #tpu.memory_space<semaphore_mem>>) {add = true}
        %dma_wait3A_419 = arith.constant 0 : i32
        %dma_wait3A_420 = tpu.memref_slice %arg9[%run_scoped3A_236, %dma_wait3A_419] : memref<16x128xi32, #tpu.memory_space<vmem>> -> memref<1x128xi32, #tpu.memory_space<vmem>>
        %dma_wait3A_421 = tpu.memref_squeeze %dma_wait3A_420 : memref<1x128xi32, #tpu.memory_space<vmem>> -> memref<128xi32, #tpu.memory_space<vmem>>
        %dma_wait3A_422 = arith.constant 0 : i32
        %dma_wait3A_423 = arith.constant 0 : i32
        %dma_wait3A_424 = tpu.memref_slice %arg12[%dma_wait3A_422, %dma_wait3A_423] : memref<20480x64xf32, #tpu.memory_space<vmem_shared>> -> memref<20480x64xf32, #tpu.memory_space<vmem_shared>>
        tpu.wait_indirect_dma semaphore(%run_scoped3A_412 : memref<!tpu.dma_semaphore, #tpu.memory_space<semaphore_mem>>) src(%arg10 : memref<128x64xf32, #tpu.memory_space<vmem>>) dst(%dma_wait3A_424 : memref<20480x64xf32, #tpu.memory_space<vmem_shared>>)
        tpu.yield
      }) : () -> ()
      %dma_start3A_237 = arith.constant 4 : i32
      %dma_start3A_238 = arith.constant 0 : i32
      %dma_start3A_239 = tpu.memref_slice %arg8[%dma_start3A_237, %dma_start3A_238] : memref<16x128xi32, #tpu.memory_space<vmem>> -> memref<1x128xi32, #tpu.memory_space<vmem>>
      %dma_start3A_240 = tpu.memref_squeeze %dma_start3A_239 : memref<1x128xi32, #tpu.memory_space<vmem>> -> memref<128xi32, #tpu.memory_space<vmem>>
      %dma_start3A_241 = arith.constant 0 : i32
      %dma_start3A_242 = arith.constant 0 : i32
      %dma_start3A_243 = tpu.memref_slice %arg12[%dma_start3A_241, %dma_start3A_242] : memref<20480x64xf32, #tpu.memory_space<vmem_shared>> -> memref<20480x64xf32, #tpu.memory_space<vmem_shared>>
      tpu.enqueue_indirect_dma source(%dma_start3A_243 : memref<20480x64xf32, #tpu.memory_space<vmem_shared>>) target(%arg10 : memref<128x64xf32, #tpu.memory_space<vmem>>) offsets(%dma_start3A_240 : memref<128xi32, #tpu.memory_space<vmem>>) semaphore(%arg13 : memref<!tpu.dma_semaphore, #tpu.memory_space<semaphore_mem>>)
      %dma_wait3A_244 = arith.constant 0 : i32
      %dma_wait3A_245 = arith.constant 0 : i32
      %dma_wait3A_246 = tpu.memref_slice %arg12[%dma_wait3A_244, %dma_wait3A_245] : memref<20480x64xf32, #tpu.memory_space<vmem_shared>> -> memref<128x64xf32, #tpu.memory_space<vmem_shared>>
      %dma_wait3A_247 = arith.constant 0 : i32
      %dma_wait3A_248 = arith.constant 0 : i32
      %dma_wait3A_249 = tpu.memref_slice %arg12[%dma_wait3A_247, %dma_wait3A_248] : memref<20480x64xf32, #tpu.memory_space<vmem_shared>> -> memref<128x64xf32, #tpu.memory_space<vmem_shared>>
      tpu.wait_dma2 semaphore(%arg14 : memref<!tpu.dma_semaphore, #tpu.memory_space<semaphore_mem>>) src(%dma_wait3A_249 : memref<128x64xf32, #tpu.memory_space<vmem_shared>>) dst(%arg11 : memref<128x64xf32, #tpu.memory_space<vmem>>)
      %run_scoped3A_250 = arith.constant 3 : i32
      "tpu.region"() ({
        %run_scoped3A_412 = tpu.sem_alloc : memref<!tpu.dma_semaphore, #tpu.memory_space<semaphore_mem>>
        %dma_start3A_413 = arith.constant 0 : i32
        %dma_start3A_414 = tpu.memref_slice %arg9[%run_scoped3A_250, %dma_start3A_413] : memref<16x128xi32, #tpu.memory_space<vmem>> -> memref<1x128xi32, #tpu.memory_space<vmem>>
        %dma_start3A_415 = tpu.memref_squeeze %dma_start3A_414 : memref<1x128xi32, #tpu.memory_space<vmem>> -> memref<128xi32, #tpu.memory_space<vmem>>
        %dma_start3A_416 = arith.constant 0 : i32
        %dma_start3A_417 = arith.constant 0 : i32
        %dma_start3A_418 = tpu.memref_slice %arg12[%dma_start3A_416, %dma_start3A_417] : memref<20480x64xf32, #tpu.memory_space<vmem_shared>> -> memref<20480x64xf32, #tpu.memory_space<vmem_shared>>
        tpu.enqueue_indirect_dma source(%arg11 : memref<128x64xf32, #tpu.memory_space<vmem>>) target(%dma_start3A_418 : memref<20480x64xf32, #tpu.memory_space<vmem_shared>>) offsets(%dma_start3A_415 : memref<128xi32, #tpu.memory_space<vmem>>) semaphore(%run_scoped3A_412 : memref<!tpu.dma_semaphore, #tpu.memory_space<semaphore_mem>>) {add = true}
        %dma_wait3A_419 = arith.constant 0 : i32
        %dma_wait3A_420 = tpu.memref_slice %arg9[%run_scoped3A_250, %dma_wait3A_419] : memref<16x128xi32, #tpu.memory_space<vmem>> -> memref<1x128xi32, #tpu.memory_space<vmem>>
        %dma_wait3A_421 = tpu.memref_squeeze %dma_wait3A_420 : memref<1x128xi32, #tpu.memory_space<vmem>> -> memref<128xi32, #tpu.memory_space<vmem>>
        %dma_wait3A_422 = arith.constant 0 : i32
        %dma_wait3A_423 = arith.constant 0 : i32
        %dma_wait3A_424 = tpu.memref_slice %arg12[%dma_wait3A_422, %dma_wait3A_423] : memref<20480x64xf32, #tpu.memory_space<vmem_shared>> -> memref<20480x64xf32, #tpu.memory_space<vmem_shared>>
        tpu.wait_indirect_dma semaphore(%run_scoped3A_412 : memref<!tpu.dma_semaphore, #tpu.memory_space<semaphore_mem>>) src(%arg11 : memref<128x64xf32, #tpu.memory_space<vmem>>) dst(%dma_wait3A_424 : memref<20480x64xf32, #tpu.memory_space<vmem_shared>>)
        tpu.yield
      }) : () -> ()
      %dma_start3A_251 = arith.constant 5 : i32
      %dma_start3A_252 = arith.constant 0 : i32
      %dma_start3A_253 = tpu.memref_slice %arg8[%dma_start3A_251, %dma_start3A_252] : memref<16x128xi32, #tpu.memory_space<vmem>> -> memref<1x128xi32, #tpu.memory_space<vmem>>
      %dma_start3A_254 = tpu.memref_squeeze %dma_start3A_253 : memref<1x128xi32, #tpu.memory_space<vmem>> -> memref<128xi32, #tpu.memory_space<vmem>>
      %dma_start3A_255 = arith.constant 0 : i32
      %dma_start3A_256 = arith.constant 0 : i32
      %dma_start3A_257 = tpu.memref_slice %arg12[%dma_start3A_255, %dma_start3A_256] : memref<20480x64xf32, #tpu.memory_space<vmem_shared>> -> memref<20480x64xf32, #tpu.memory_space<vmem_shared>>
      tpu.enqueue_indirect_dma source(%dma_start3A_257 : memref<20480x64xf32, #tpu.memory_space<vmem_shared>>) target(%arg11 : memref<128x64xf32, #tpu.memory_space<vmem>>) offsets(%dma_start3A_254 : memref<128xi32, #tpu.memory_space<vmem>>) semaphore(%arg14 : memref<!tpu.dma_semaphore, #tpu.memory_space<semaphore_mem>>)
      %dma_wait3A_258 = arith.constant 0 : i32
      %dma_wait3A_259 = arith.constant 0 : i32
      %dma_wait3A_260 = tpu.memref_slice %arg12[%dma_wait3A_258, %dma_wait3A_259] : memref<20480x64xf32, #tpu.memory_space<vmem_shared>> -> memref<128x64xf32, #tpu.memory_space<vmem_shared>>
      %dma_wait3A_261 = arith.constant 0 : i32
      %dma_wait3A_262 = arith.constant 0 : i32
      %dma_wait3A_263 = tpu.memref_slice %arg12[%dma_wait3A_261, %dma_wait3A_262] : memref<20480x64xf32, #tpu.memory_space<vmem_shared>> -> memref<128x64xf32, #tpu.memory_space<vmem_shared>>
      tpu.wait_dma2 semaphore(%arg13 : memref<!tpu.dma_semaphore, #tpu.memory_space<semaphore_mem>>) src(%dma_wait3A_263 : memref<128x64xf32, #tpu.memory_space<vmem_shared>>) dst(%arg10 : memref<128x64xf32, #tpu.memory_space<vmem>>)
      %run_scoped3A_264 = arith.constant 4 : i32
      "tpu.region"() ({
        %run_scoped3A_412 = tpu.sem_alloc : memref<!tpu.dma_semaphore, #tpu.memory_space<semaphore_mem>>
        %dma_start3A_413 = arith.constant 0 : i32
        %dma_start3A_414 = tpu.memref_slice %arg9[%run_scoped3A_264, %dma_start3A_413] : memref<16x128xi32, #tpu.memory_space<vmem>> -> memref<1x128xi32, #tpu.memory_space<vmem>>
        %dma_start3A_415 = tpu.memref_squeeze %dma_start3A_414 : memref<1x128xi32, #tpu.memory_space<vmem>> -> memref<128xi32, #tpu.memory_space<vmem>>
        %dma_start3A_416 = arith.constant 0 : i32
        %dma_start3A_417 = arith.constant 0 : i32
        %dma_start3A_418 = tpu.memref_slice %arg12[%dma_start3A_416, %dma_start3A_417] : memref<20480x64xf32, #tpu.memory_space<vmem_shared>> -> memref<20480x64xf32, #tpu.memory_space<vmem_shared>>
        tpu.enqueue_indirect_dma source(%arg10 : memref<128x64xf32, #tpu.memory_space<vmem>>) target(%dma_start3A_418 : memref<20480x64xf32, #tpu.memory_space<vmem_shared>>) offsets(%dma_start3A_415 : memref<128xi32, #tpu.memory_space<vmem>>) semaphore(%run_scoped3A_412 : memref<!tpu.dma_semaphore, #tpu.memory_space<semaphore_mem>>) {add = true}
        %dma_wait3A_419 = arith.constant 0 : i32
        %dma_wait3A_420 = tpu.memref_slice %arg9[%run_scoped3A_264, %dma_wait3A_419] : memref<16x128xi32, #tpu.memory_space<vmem>> -> memref<1x128xi32, #tpu.memory_space<vmem>>
        %dma_wait3A_421 = tpu.memref_squeeze %dma_wait3A_420 : memref<1x128xi32, #tpu.memory_space<vmem>> -> memref<128xi32, #tpu.memory_space<vmem>>
        %dma_wait3A_422 = arith.constant 0 : i32
        %dma_wait3A_423 = arith.constant 0 : i32
        %dma_wait3A_424 = tpu.memref_slice %arg12[%dma_wait3A_422, %dma_wait3A_423] : memref<20480x64xf32, #tpu.memory_space<vmem_shared>> -> memref<20480x64xf32, #tpu.memory_space<vmem_shared>>
        tpu.wait_indirect_dma semaphore(%run_scoped3A_412 : memref<!tpu.dma_semaphore, #tpu.memory_space<semaphore_mem>>) src(%arg10 : memref<128x64xf32, #tpu.memory_space<vmem>>) dst(%dma_wait3A_424 : memref<20480x64xf32, #tpu.memory_space<vmem_shared>>)
        tpu.yield
      }) : () -> ()
      %dma_start3A_265 = arith.constant 6 : i32
      %dma_start3A_266 = arith.constant 0 : i32
      %dma_start3A_267 = tpu.memref_slice %arg8[%dma_start3A_265, %dma_start3A_266] : memref<16x128xi32, #tpu.memory_space<vmem>> -> memref<1x128xi32, #tpu.memory_space<vmem>>
      %dma_start3A_268 = tpu.memref_squeeze %dma_start3A_267 : memref<1x128xi32, #tpu.memory_space<vmem>> -> memref<128xi32, #tpu.memory_space<vmem>>
      %dma_start3A_269 = arith.constant 0 : i32
      %dma_start3A_270 = arith.constant 0 : i32
      %dma_start3A_271 = tpu.memref_slice %arg12[%dma_start3A_269, %dma_start3A_270] : memref<20480x64xf32, #tpu.memory_space<vmem_shared>> -> memref<20480x64xf32, #tpu.memory_space<vmem_shared>>
      tpu.enqueue_indirect_dma source(%dma_start3A_271 : memref<20480x64xf32, #tpu.memory_space<vmem_shared>>) target(%arg10 : memref<128x64xf32, #tpu.memory_space<vmem>>) offsets(%dma_start3A_268 : memref<128xi32, #tpu.memory_space<vmem>>) semaphore(%arg13 : memref<!tpu.dma_semaphore, #tpu.memory_space<semaphore_mem>>)
      %dma_wait3A_272 = arith.constant 0 : i32
      %dma_wait3A_273 = arith.constant 0 : i32
      %dma_wait3A_274 = tpu.memref_slice %arg12[%dma_wait3A_272, %dma_wait3A_273] : memref<20480x64xf32, #tpu.memory_space<vmem_shared>> -> memref<128x64xf32, #tpu.memory_space<vmem_shared>>
      %dma_wait3A_275 = arith.constant 0 : i32
      %dma_wait3A_276 = arith.constant 0 : i32
      %dma_wait3A_277 = tpu.memref_slice %arg12[%dma_wait3A_275, %dma_wait3A_276] : memref<20480x64xf32, #tpu.memory_space<vmem_shared>> -> memref<128x64xf32, #tpu.memory_space<vmem_shared>>
      tpu.wait_dma2 semaphore(%arg14 : memref<!tpu.dma_semaphore, #tpu.memory_space<semaphore_mem>>) src(%dma_wait3A_277 : memref<128x64xf32, #tpu.memory_space<vmem_shared>>) dst(%arg11 : memref<128x64xf32, #tpu.memory_space<vmem>>)
      %run_scoped3A_278 = arith.constant 5 : i32
      "tpu.region"() ({
        %run_scoped3A_412 = tpu.sem_alloc : memref<!tpu.dma_semaphore, #tpu.memory_space<semaphore_mem>>
        %dma_start3A_413 = arith.constant 0 : i32
        %dma_start3A_414 = tpu.memref_slice %arg9[%run_scoped3A_278, %dma_start3A_413] : memref<16x128xi32, #tpu.memory_space<vmem>> -> memref<1x128xi32, #tpu.memory_space<vmem>>
        %dma_start3A_415 = tpu.memref_squeeze %dma_start3A_414 : memref<1x128xi32, #tpu.memory_space<vmem>> -> memref<128xi32, #tpu.memory_space<vmem>>
        %dma_start3A_416 = arith.constant 0 : i32
        %dma_start3A_417 = arith.constant 0 : i32
        %dma_start3A_418 = tpu.memref_slice %arg12[%dma_start3A_416, %dma_start3A_417] : memref<20480x64xf32, #tpu.memory_space<vmem_shared>> -> memref<20480x64xf32, #tpu.memory_space<vmem_shared>>
        tpu.enqueue_indirect_dma source(%arg11 : memref<128x64xf32, #tpu.memory_space<vmem>>) target(%dma_start3A_418 : memref<20480x64xf32, #tpu.memory_space<vmem_shared>>) offsets(%dma_start3A_415 : memref<128xi32, #tpu.memory_space<vmem>>) semaphore(%run_scoped3A_412 : memref<!tpu.dma_semaphore, #tpu.memory_space<semaphore_mem>>) {add = true}
        %dma_wait3A_419 = arith.constant 0 : i32
        %dma_wait3A_420 = tpu.memref_slice %arg9[%run_scoped3A_278, %dma_wait3A_419] : memref<16x128xi32, #tpu.memory_space<vmem>> -> memref<1x128xi32, #tpu.memory_space<vmem>>
        %dma_wait3A_421 = tpu.memref_squeeze %dma_wait3A_420 : memref<1x128xi32, #tpu.memory_space<vmem>> -> memref<128xi32, #tpu.memory_space<vmem>>
        %dma_wait3A_422 = arith.constant 0 : i32
        %dma_wait3A_423 = arith.constant 0 : i32
        %dma_wait3A_424 = tpu.memref_slice %arg12[%dma_wait3A_422, %dma_wait3A_423] : memref<20480x64xf32, #tpu.memory_space<vmem_shared>> -> memref<20480x64xf32, #tpu.memory_space<vmem_shared>>
        tpu.wait_indirect_dma semaphore(%run_scoped3A_412 : memref<!tpu.dma_semaphore, #tpu.memory_space<semaphore_mem>>) src(%arg11 : memref<128x64xf32, #tpu.memory_space<vmem>>) dst(%dma_wait3A_424 : memref<20480x64xf32, #tpu.memory_space<vmem_shared>>)
        tpu.yield
      }) : () -> ()
      %dma_start3A_279 = arith.constant 7 : i32
      %dma_start3A_280 = arith.constant 0 : i32
      %dma_start3A_281 = tpu.memref_slice %arg8[%dma_start3A_279, %dma_start3A_280] : memref<16x128xi32, #tpu.memory_space<vmem>> -> memref<1x128xi32, #tpu.memory_space<vmem>>
      %dma_start3A_282 = tpu.memref_squeeze %dma_start3A_281 : memref<1x128xi32, #tpu.memory_space<vmem>> -> memref<128xi32, #tpu.memory_space<vmem>>
      %dma_start3A_283 = arith.constant 0 : i32
      %dma_start3A_284 = arith.constant 0 : i32
      %dma_start3A_285 = tpu.memref_slice %arg12[%dma_start3A_283, %dma_start3A_284] : memref<20480x64xf32, #tpu.memory_space<vmem_shared>> -> memref<20480x64xf32, #tpu.memory_space<vmem_shared>>
      tpu.enqueue_indirect_dma source(%dma_start3A_285 : memref<20480x64xf32, #tpu.memory_space<vmem_shared>>) target(%arg11 : memref<128x64xf32, #tpu.memory_space<vmem>>) offsets(%dma_start3A_282 : memref<128xi32, #tpu.memory_space<vmem>>) semaphore(%arg14 : memref<!tpu.dma_semaphore, #tpu.memory_space<semaphore_mem>>)
      %dma_wait3A_286 = arith.constant 0 : i32
      %dma_wait3A_287 = arith.constant 0 : i32
      %dma_wait3A_288 = tpu.memref_slice %arg12[%dma_wait3A_286, %dma_wait3A_287] : memref<20480x64xf32, #tpu.memory_space<vmem_shared>> -> memref<128x64xf32, #tpu.memory_space<vmem_shared>>
      %dma_wait3A_289 = arith.constant 0 : i32
      %dma_wait3A_290 = arith.constant 0 : i32
      %dma_wait3A_291 = tpu.memref_slice %arg12[%dma_wait3A_289, %dma_wait3A_290] : memref<20480x64xf32, #tpu.memory_space<vmem_shared>> -> memref<128x64xf32, #tpu.memory_space<vmem_shared>>
      tpu.wait_dma2 semaphore(%arg13 : memref<!tpu.dma_semaphore, #tpu.memory_space<semaphore_mem>>) src(%dma_wait3A_291 : memref<128x64xf32, #tpu.memory_space<vmem_shared>>) dst(%arg10 : memref<128x64xf32, #tpu.memory_space<vmem>>)
      %run_scoped3A_292 = arith.constant 6 : i32
      "tpu.region"() ({
        %run_scoped3A_412 = tpu.sem_alloc : memref<!tpu.dma_semaphore, #tpu.memory_space<semaphore_mem>>
        %dma_start3A_413 = arith.constant 0 : i32
        %dma_start3A_414 = tpu.memref_slice %arg9[%run_scoped3A_292, %dma_start3A_413] : memref<16x128xi32, #tpu.memory_space<vmem>> -> memref<1x128xi32, #tpu.memory_space<vmem>>
        %dma_start3A_415 = tpu.memref_squeeze %dma_start3A_414 : memref<1x128xi32, #tpu.memory_space<vmem>> -> memref<128xi32, #tpu.memory_space<vmem>>
        %dma_start3A_416 = arith.constant 0 : i32
        %dma_start3A_417 = arith.constant 0 : i32
        %dma_start3A_418 = tpu.memref_slice %arg12[%dma_start3A_416, %dma_start3A_417] : memref<20480x64xf32, #tpu.memory_space<vmem_shared>> -> memref<20480x64xf32, #tpu.memory_space<vmem_shared>>
        tpu.enqueue_indirect_dma source(%arg10 : memref<128x64xf32, #tpu.memory_space<vmem>>) target(%dma_start3A_418 : memref<20480x64xf32, #tpu.memory_space<vmem_shared>>) offsets(%dma_start3A_415 : memref<128xi32, #tpu.memory_space<vmem>>) semaphore(%run_scoped3A_412 : memref<!tpu.dma_semaphore, #tpu.memory_space<semaphore_mem>>) {add = true}
        %dma_wait3A_419 = arith.constant 0 : i32
        %dma_wait3A_420 = tpu.memref_slice %arg9[%run_scoped3A_292, %dma_wait3A_419] : memref<16x128xi32, #tpu.memory_space<vmem>> -> memref<1x128xi32, #tpu.memory_space<vmem>>
        %dma_wait3A_421 = tpu.memref_squeeze %dma_wait3A_420 : memref<1x128xi32, #tpu.memory_space<vmem>> -> memref<128xi32, #tpu.memory_space<vmem>>
        %dma_wait3A_422 = arith.constant 0 : i32
        %dma_wait3A_423 = arith.constant 0 : i32
        %dma_wait3A_424 = tpu.memref_slice %arg12[%dma_wait3A_422, %dma_wait3A_423] : memref<20480x64xf32, #tpu.memory_space<vmem_shared>> -> memref<20480x64xf32, #tpu.memory_space<vmem_shared>>
        tpu.wait_indirect_dma semaphore(%run_scoped3A_412 : memref<!tpu.dma_semaphore, #tpu.memory_space<semaphore_mem>>) src(%arg10 : memref<128x64xf32, #tpu.memory_space<vmem>>) dst(%dma_wait3A_424 : memref<20480x64xf32, #tpu.memory_space<vmem_shared>>)
        tpu.yield
      }) : () -> ()
      %dma_start3A_293 = arith.constant 8 : i32
      %dma_start3A_294 = arith.constant 0 : i32
      %dma_start3A_295 = tpu.memref_slice %arg8[%dma_start3A_293, %dma_start3A_294] : memref<16x128xi32, #tpu.memory_space<vmem>> -> memref<1x128xi32, #tpu.memory_space<vmem>>
      %dma_start3A_296 = tpu.memref_squeeze %dma_start3A_295 : memref<1x128xi32, #tpu.memory_space<vmem>> -> memref<128xi32, #tpu.memory_space<vmem>>
      %dma_start3A_297 = arith.constant 0 : i32
      %dma_start3A_298 = arith.constant 0 : i32
      %dma_start3A_299 = tpu.memref_slice %arg12[%dma_start3A_297, %dma_start3A_298] : memref<20480x64xf32, #tpu.memory_space<vmem_shared>> -> memref<20480x64xf32, #tpu.memory_space<vmem_shared>>
      tpu.enqueue_indirect_dma source(%dma_start3A_299 : memref<20480x64xf32, #tpu.memory_space<vmem_shared>>) target(%arg10 : memref<128x64xf32, #tpu.memory_space<vmem>>) offsets(%dma_start3A_296 : memref<128xi32, #tpu.memory_space<vmem>>) semaphore(%arg13 : memref<!tpu.dma_semaphore, #tpu.memory_space<semaphore_mem>>)
      %dma_wait3A_300 = arith.constant 0 : i32
      %dma_wait3A_301 = arith.constant 0 : i32
      %dma_wait3A_302 = tpu.memref_slice %arg12[%dma_wait3A_300, %dma_wait3A_301] : memref<20480x64xf32, #tpu.memory_space<vmem_shared>> -> memref<128x64xf32, #tpu.memory_space<vmem_shared>>
      %dma_wait3A_303 = arith.constant 0 : i32
      %dma_wait3A_304 = arith.constant 0 : i32
      %dma_wait3A_305 = tpu.memref_slice %arg12[%dma_wait3A_303, %dma_wait3A_304] : memref<20480x64xf32, #tpu.memory_space<vmem_shared>> -> memref<128x64xf32, #tpu.memory_space<vmem_shared>>
      tpu.wait_dma2 semaphore(%arg14 : memref<!tpu.dma_semaphore, #tpu.memory_space<semaphore_mem>>) src(%dma_wait3A_305 : memref<128x64xf32, #tpu.memory_space<vmem_shared>>) dst(%arg11 : memref<128x64xf32, #tpu.memory_space<vmem>>)
      %run_scoped3A_306 = arith.constant 7 : i32
      "tpu.region"() ({
        %run_scoped3A_412 = tpu.sem_alloc : memref<!tpu.dma_semaphore, #tpu.memory_space<semaphore_mem>>
        %dma_start3A_413 = arith.constant 0 : i32
        %dma_start3A_414 = tpu.memref_slice %arg9[%run_scoped3A_306, %dma_start3A_413] : memref<16x128xi32, #tpu.memory_space<vmem>> -> memref<1x128xi32, #tpu.memory_space<vmem>>
        %dma_start3A_415 = tpu.memref_squeeze %dma_start3A_414 : memref<1x128xi32, #tpu.memory_space<vmem>> -> memref<128xi32, #tpu.memory_space<vmem>>
        %dma_start3A_416 = arith.constant 0 : i32
        %dma_start3A_417 = arith.constant 0 : i32
        %dma_start3A_418 = tpu.memref_slice %arg12[%dma_start3A_416, %dma_start3A_417] : memref<20480x64xf32, #tpu.memory_space<vmem_shared>> -> memref<20480x64xf32, #tpu.memory_space<vmem_shared>>
        tpu.enqueue_indirect_dma source(%arg11 : memref<128x64xf32, #tpu.memory_space<vmem>>) target(%dma_start3A_418 : memref<20480x64xf32, #tpu.memory_space<vmem_shared>>) offsets(%dma_start3A_415 : memref<128xi32, #tpu.memory_space<vmem>>) semaphore(%run_scoped3A_412 : memref<!tpu.dma_semaphore, #tpu.memory_space<semaphore_mem>>) {add = true}
        %dma_wait3A_419 = arith.constant 0 : i32
        %dma_wait3A_420 = tpu.memref_slice %arg9[%run_scoped3A_306, %dma_wait3A_419] : memref<16x128xi32, #tpu.memory_space<vmem>> -> memref<1x128xi32, #tpu.memory_space<vmem>>
        %dma_wait3A_421 = tpu.memref_squeeze %dma_wait3A_420 : memref<1x128xi32, #tpu.memory_space<vmem>> -> memref<128xi32, #tpu.memory_space<vmem>>
        %dma_wait3A_422 = arith.constant 0 : i32
        %dma_wait3A_423 = arith.constant 0 : i32
        %dma_wait3A_424 = tpu.memref_slice %arg12[%dma_wait3A_422, %dma_wait3A_423] : memref<20480x64xf32, #tpu.memory_space<vmem_shared>> -> memref<20480x64xf32, #tpu.memory_space<vmem_shared>>
        tpu.wait_indirect_dma semaphore(%run_scoped3A_412 : memref<!tpu.dma_semaphore, #tpu.memory_space<semaphore_mem>>) src(%arg11 : memref<128x64xf32, #tpu.memory_space<vmem>>) dst(%dma_wait3A_424 : memref<20480x64xf32, #tpu.memory_space<vmem_shared>>)
        tpu.yield
      }) : () -> ()
      %dma_start3A_307 = arith.constant 9 : i32
      %dma_start3A_308 = arith.constant 0 : i32
      %dma_start3A_309 = tpu.memref_slice %arg8[%dma_start3A_307, %dma_start3A_308] : memref<16x128xi32, #tpu.memory_space<vmem>> -> memref<1x128xi32, #tpu.memory_space<vmem>>
      %dma_start3A_310 = tpu.memref_squeeze %dma_start3A_309 : memref<1x128xi32, #tpu.memory_space<vmem>> -> memref<128xi32, #tpu.memory_space<vmem>>
      %dma_start3A_311 = arith.constant 0 : i32
      %dma_start3A_312 = arith.constant 0 : i32
      %dma_start3A_313 = tpu.memref_slice %arg12[%dma_start3A_311, %dma_start3A_312] : memref<20480x64xf32, #tpu.memory_space<vmem_shared>> -> memref<20480x64xf32, #tpu.memory_space<vmem_shared>>
      tpu.enqueue_indirect_dma source(%dma_start3A_313 : memref<20480x64xf32, #tpu.memory_space<vmem_shared>>) target(%arg11 : memref<128x64xf32, #tpu.memory_space<vmem>>) offsets(%dma_start3A_310 : memref<128xi32, #tpu.memory_space<vmem>>) semaphore(%arg14 : memref<!tpu.dma_semaphore, #tpu.memory_space<semaphore_mem>>)
      %dma_wait3A_314 = arith.constant 0 : i32
      %dma_wait3A_315 = arith.constant 0 : i32
      %dma_wait3A_316 = tpu.memref_slice %arg12[%dma_wait3A_314, %dma_wait3A_315] : memref<20480x64xf32, #tpu.memory_space<vmem_shared>> -> memref<128x64xf32, #tpu.memory_space<vmem_shared>>
      %dma_wait3A_317 = arith.constant 0 : i32
      %dma_wait3A_318 = arith.constant 0 : i32
      %dma_wait3A_319 = tpu.memref_slice %arg12[%dma_wait3A_317, %dma_wait3A_318] : memref<20480x64xf32, #tpu.memory_space<vmem_shared>> -> memref<128x64xf32, #tpu.memory_space<vmem_shared>>
      tpu.wait_dma2 semaphore(%arg13 : memref<!tpu.dma_semaphore, #tpu.memory_space<semaphore_mem>>) src(%dma_wait3A_319 : memref<128x64xf32, #tpu.memory_space<vmem_shared>>) dst(%arg10 : memref<128x64xf32, #tpu.memory_space<vmem>>)
      %run_scoped3A_320 = arith.constant 8 : i32
      "tpu.region"() ({
        %run_scoped3A_412 = tpu.sem_alloc : memref<!tpu.dma_semaphore, #tpu.memory_space<semaphore_mem>>
        %dma_start3A_413 = arith.constant 0 : i32
        %dma_start3A_414 = tpu.memref_slice %arg9[%run_scoped3A_320, %dma_start3A_413] : memref<16x128xi32, #tpu.memory_space<vmem>> -> memref<1x128xi32, #tpu.memory_space<vmem>>
        %dma_start3A_415 = tpu.memref_squeeze %dma_start3A_414 : memref<1x128xi32, #tpu.memory_space<vmem>> -> memref<128xi32, #tpu.memory_space<vmem>>
        %dma_start3A_416 = arith.constant 0 : i32
        %dma_start3A_417 = arith.constant 0 : i32
        %dma_start3A_418 = tpu.memref_slice %arg12[%dma_start3A_416, %dma_start3A_417] : memref<20480x64xf32, #tpu.memory_space<vmem_shared>> -> memref<20480x64xf32, #tpu.memory_space<vmem_shared>>
        tpu.enqueue_indirect_dma source(%arg10 : memref<128x64xf32, #tpu.memory_space<vmem>>) target(%dma_start3A_418 : memref<20480x64xf32, #tpu.memory_space<vmem_shared>>) offsets(%dma_start3A_415 : memref<128xi32, #tpu.memory_space<vmem>>) semaphore(%run_scoped3A_412 : memref<!tpu.dma_semaphore, #tpu.memory_space<semaphore_mem>>) {add = true}
        %dma_wait3A_419 = arith.constant 0 : i32
        %dma_wait3A_420 = tpu.memref_slice %arg9[%run_scoped3A_320, %dma_wait3A_419] : memref<16x128xi32, #tpu.memory_space<vmem>> -> memref<1x128xi32, #tpu.memory_space<vmem>>
        %dma_wait3A_421 = tpu.memref_squeeze %dma_wait3A_420 : memref<1x128xi32, #tpu.memory_space<vmem>> -> memref<128xi32, #tpu.memory_space<vmem>>
        %dma_wait3A_422 = arith.constant 0 : i32
        %dma_wait3A_423 = arith.constant 0 : i32
        %dma_wait3A_424 = tpu.memref_slice %arg12[%dma_wait3A_422, %dma_wait3A_423] : memref<20480x64xf32, #tpu.memory_space<vmem_shared>> -> memref<20480x64xf32, #tpu.memory_space<vmem_shared>>
        tpu.wait_indirect_dma semaphore(%run_scoped3A_412 : memref<!tpu.dma_semaphore, #tpu.memory_space<semaphore_mem>>) src(%arg10 : memref<128x64xf32, #tpu.memory_space<vmem>>) dst(%dma_wait3A_424 : memref<20480x64xf32, #tpu.memory_space<vmem_shared>>)
        tpu.yield
      }) : () -> ()
      %dma_start3A_321 = arith.constant 10 : i32
      %dma_start3A_322 = arith.constant 0 : i32
      %dma_start3A_323 = tpu.memref_slice %arg8[%dma_start3A_321, %dma_start3A_322] : memref<16x128xi32, #tpu.memory_space<vmem>> -> memref<1x128xi32, #tpu.memory_space<vmem>>
      %dma_start3A_324 = tpu.memref_squeeze %dma_start3A_323 : memref<1x128xi32, #tpu.memory_space<vmem>> -> memref<128xi32, #tpu.memory_space<vmem>>
      %dma_start3A_325 = arith.constant 0 : i32
      %dma_start3A_326 = arith.constant 0 : i32
      %dma_start3A_327 = tpu.memref_slice %arg12[%dma_start3A_325, %dma_start3A_326] : memref<20480x64xf32, #tpu.memory_space<vmem_shared>> -> memref<20480x64xf32, #tpu.memory_space<vmem_shared>>
      tpu.enqueue_indirect_dma source(%dma_start3A_327 : memref<20480x64xf32, #tpu.memory_space<vmem_shared>>) target(%arg10 : memref<128x64xf32, #tpu.memory_space<vmem>>) offsets(%dma_start3A_324 : memref<128xi32, #tpu.memory_space<vmem>>) semaphore(%arg13 : memref<!tpu.dma_semaphore, #tpu.memory_space<semaphore_mem>>)
      %dma_wait3A_328 = arith.constant 0 : i32
      %dma_wait3A_329 = arith.constant 0 : i32
      %dma_wait3A_330 = tpu.memref_slice %arg12[%dma_wait3A_328, %dma_wait3A_329] : memref<20480x64xf32, #tpu.memory_space<vmem_shared>> -> memref<128x64xf32, #tpu.memory_space<vmem_shared>>
      %dma_wait3A_331 = arith.constant 0 : i32
      %dma_wait3A_332 = arith.constant 0 : i32
      %dma_wait3A_333 = tpu.memref_slice %arg12[%dma_wait3A_331, %dma_wait3A_332] : memref<20480x64xf32, #tpu.memory_space<vmem_shared>> -> memref<128x64xf32, #tpu.memory_space<vmem_shared>>
      tpu.wait_dma2 semaphore(%arg14 : memref<!tpu.dma_semaphore, #tpu.memory_space<semaphore_mem>>) src(%dma_wait3A_333 : memref<128x64xf32, #tpu.memory_space<vmem_shared>>) dst(%arg11 : memref<128x64xf32, #tpu.memory_space<vmem>>)
      %run_scoped3A_334 = arith.constant 9 : i32
      "tpu.region"() ({
        %run_scoped3A_412 = tpu.sem_alloc : memref<!tpu.dma_semaphore, #tpu.memory_space<semaphore_mem>>
        %dma_start3A_413 = arith.constant 0 : i32
        %dma_start3A_414 = tpu.memref_slice %arg9[%run_scoped3A_334, %dma_start3A_413] : memref<16x128xi32, #tpu.memory_space<vmem>> -> memref<1x128xi32, #tpu.memory_space<vmem>>
        %dma_start3A_415 = tpu.memref_squeeze %dma_start3A_414 : memref<1x128xi32, #tpu.memory_space<vmem>> -> memref<128xi32, #tpu.memory_space<vmem>>
        %dma_start3A_416 = arith.constant 0 : i32
        %dma_start3A_417 = arith.constant 0 : i32
        %dma_start3A_418 = tpu.memref_slice %arg12[%dma_start3A_416, %dma_start3A_417] : memref<20480x64xf32, #tpu.memory_space<vmem_shared>> -> memref<20480x64xf32, #tpu.memory_space<vmem_shared>>
        tpu.enqueue_indirect_dma source(%arg11 : memref<128x64xf32, #tpu.memory_space<vmem>>) target(%dma_start3A_418 : memref<20480x64xf32, #tpu.memory_space<vmem_shared>>) offsets(%dma_start3A_415 : memref<128xi32, #tpu.memory_space<vmem>>) semaphore(%run_scoped3A_412 : memref<!tpu.dma_semaphore, #tpu.memory_space<semaphore_mem>>) {add = true}
        %dma_wait3A_419 = arith.constant 0 : i32
        %dma_wait3A_420 = tpu.memref_slice %arg9[%run_scoped3A_334, %dma_wait3A_419] : memref<16x128xi32, #tpu.memory_space<vmem>> -> memref<1x128xi32, #tpu.memory_space<vmem>>
        %dma_wait3A_421 = tpu.memref_squeeze %dma_wait3A_420 : memref<1x128xi32, #tpu.memory_space<vmem>> -> memref<128xi32, #tpu.memory_space<vmem>>
        %dma_wait3A_422 = arith.constant 0 : i32
        %dma_wait3A_423 = arith.constant 0 : i32
        %dma_wait3A_424 = tpu.memref_slice %arg12[%dma_wait3A_422, %dma_wait3A_423] : memref<20480x64xf32, #tpu.memory_space<vmem_shared>> -> memref<20480x64xf32, #tpu.memory_space<vmem_shared>>
        tpu.wait_indirect_dma semaphore(%run_scoped3A_412 : memref<!tpu.dma_semaphore, #tpu.memory_space<semaphore_mem>>) src(%arg11 : memref<128x64xf32, #tpu.memory_space<vmem>>) dst(%dma_wait3A_424 : memref<20480x64xf32, #tpu.memory_space<vmem_shared>>)
        tpu.yield
      }) : () -> ()
      %dma_start3A_335 = arith.constant 11 : i32
      %dma_start3A_336 = arith.constant 0 : i32
      %dma_start3A_337 = tpu.memref_slice %arg8[%dma_start3A_335, %dma_start3A_336] : memref<16x128xi32, #tpu.memory_space<vmem>> -> memref<1x128xi32, #tpu.memory_space<vmem>>
      %dma_start3A_338 = tpu.memref_squeeze %dma_start3A_337 : memref<1x128xi32, #tpu.memory_space<vmem>> -> memref<128xi32, #tpu.memory_space<vmem>>
      %dma_start3A_339 = arith.constant 0 : i32
      %dma_start3A_340 = arith.constant 0 : i32
      %dma_start3A_341 = tpu.memref_slice %arg12[%dma_start3A_339, %dma_start3A_340] : memref<20480x64xf32, #tpu.memory_space<vmem_shared>> -> memref<20480x64xf32, #tpu.memory_space<vmem_shared>>
      tpu.enqueue_indirect_dma source(%dma_start3A_341 : memref<20480x64xf32, #tpu.memory_space<vmem_shared>>) target(%arg11 : memref<128x64xf32, #tpu.memory_space<vmem>>) offsets(%dma_start3A_338 : memref<128xi32, #tpu.memory_space<vmem>>) semaphore(%arg14 : memref<!tpu.dma_semaphore, #tpu.memory_space<semaphore_mem>>)
      %dma_wait3A_342 = arith.constant 0 : i32
      %dma_wait3A_343 = arith.constant 0 : i32
      %dma_wait3A_344 = tpu.memref_slice %arg12[%dma_wait3A_342, %dma_wait3A_343] : memref<20480x64xf32, #tpu.memory_space<vmem_shared>> -> memref<128x64xf32, #tpu.memory_space<vmem_shared>>
      %dma_wait3A_345 = arith.constant 0 : i32
      %dma_wait3A_346 = arith.constant 0 : i32
      %dma_wait3A_347 = tpu.memref_slice %arg12[%dma_wait3A_345, %dma_wait3A_346] : memref<20480x64xf32, #tpu.memory_space<vmem_shared>> -> memref<128x64xf32, #tpu.memory_space<vmem_shared>>
      tpu.wait_dma2 semaphore(%arg13 : memref<!tpu.dma_semaphore, #tpu.memory_space<semaphore_mem>>) src(%dma_wait3A_347 : memref<128x64xf32, #tpu.memory_space<vmem_shared>>) dst(%arg10 : memref<128x64xf32, #tpu.memory_space<vmem>>)
      %run_scoped3A_348 = arith.constant 10 : i32
      "tpu.region"() ({
        %run_scoped3A_412 = tpu.sem_alloc : memref<!tpu.dma_semaphore, #tpu.memory_space<semaphore_mem>>
        %dma_start3A_413 = arith.constant 0 : i32
        %dma_start3A_414 = tpu.memref_slice %arg9[%run_scoped3A_348, %dma_start3A_413] : memref<16x128xi32, #tpu.memory_space<vmem>> -> memref<1x128xi32, #tpu.memory_space<vmem>>
        %dma_start3A_415 = tpu.memref_squeeze %dma_start3A_414 : memref<1x128xi32, #tpu.memory_space<vmem>> -> memref<128xi32, #tpu.memory_space<vmem>>
        %dma_start3A_416 = arith.constant 0 : i32
        %dma_start3A_417 = arith.constant 0 : i32
        %dma_start3A_418 = tpu.memref_slice %arg12[%dma_start3A_416, %dma_start3A_417] : memref<20480x64xf32, #tpu.memory_space<vmem_shared>> -> memref<20480x64xf32, #tpu.memory_space<vmem_shared>>
        tpu.enqueue_indirect_dma source(%arg10 : memref<128x64xf32, #tpu.memory_space<vmem>>) target(%dma_start3A_418 : memref<20480x64xf32, #tpu.memory_space<vmem_shared>>) offsets(%dma_start3A_415 : memref<128xi32, #tpu.memory_space<vmem>>) semaphore(%run_scoped3A_412 : memref<!tpu.dma_semaphore, #tpu.memory_space<semaphore_mem>>) {add = true}
        %dma_wait3A_419 = arith.constant 0 : i32
        %dma_wait3A_420 = tpu.memref_slice %arg9[%run_scoped3A_348, %dma_wait3A_419] : memref<16x128xi32, #tpu.memory_space<vmem>> -> memref<1x128xi32, #tpu.memory_space<vmem>>
        %dma_wait3A_421 = tpu.memref_squeeze %dma_wait3A_420 : memref<1x128xi32, #tpu.memory_space<vmem>> -> memref<128xi32, #tpu.memory_space<vmem>>
        %dma_wait3A_422 = arith.constant 0 : i32
        %dma_wait3A_423 = arith.constant 0 : i32
        %dma_wait3A_424 = tpu.memref_slice %arg12[%dma_wait3A_422, %dma_wait3A_423] : memref<20480x64xf32, #tpu.memory_space<vmem_shared>> -> memref<20480x64xf32, #tpu.memory_space<vmem_shared>>
        tpu.wait_indirect_dma semaphore(%run_scoped3A_412 : memref<!tpu.dma_semaphore, #tpu.memory_space<semaphore_mem>>) src(%arg10 : memref<128x64xf32, #tpu.memory_space<vmem>>) dst(%dma_wait3A_424 : memref<20480x64xf32, #tpu.memory_space<vmem_shared>>)
        tpu.yield
      }) : () -> ()
      %dma_start3A_349 = arith.constant 12 : i32
      %dma_start3A_350 = arith.constant 0 : i32
      %dma_start3A_351 = tpu.memref_slice %arg8[%dma_start3A_349, %dma_start3A_350] : memref<16x128xi32, #tpu.memory_space<vmem>> -> memref<1x128xi32, #tpu.memory_space<vmem>>
      %dma_start3A_352 = tpu.memref_squeeze %dma_start3A_351 : memref<1x128xi32, #tpu.memory_space<vmem>> -> memref<128xi32, #tpu.memory_space<vmem>>
      %dma_start3A_353 = arith.constant 0 : i32
      %dma_start3A_354 = arith.constant 0 : i32
      %dma_start3A_355 = tpu.memref_slice %arg12[%dma_start3A_353, %dma_start3A_354] : memref<20480x64xf32, #tpu.memory_space<vmem_shared>> -> memref<20480x64xf32, #tpu.memory_space<vmem_shared>>
      tpu.enqueue_indirect_dma source(%dma_start3A_355 : memref<20480x64xf32, #tpu.memory_space<vmem_shared>>) target(%arg10 : memref<128x64xf32, #tpu.memory_space<vmem>>) offsets(%dma_start3A_352 : memref<128xi32, #tpu.memory_space<vmem>>) semaphore(%arg13 : memref<!tpu.dma_semaphore, #tpu.memory_space<semaphore_mem>>)
      %dma_wait3A_356 = arith.constant 0 : i32
      %dma_wait3A_357 = arith.constant 0 : i32
      %dma_wait3A_358 = tpu.memref_slice %arg12[%dma_wait3A_356, %dma_wait3A_357] : memref<20480x64xf32, #tpu.memory_space<vmem_shared>> -> memref<128x64xf32, #tpu.memory_space<vmem_shared>>
      %dma_wait3A_359 = arith.constant 0 : i32
      %dma_wait3A_360 = arith.constant 0 : i32
      %dma_wait3A_361 = tpu.memref_slice %arg12[%dma_wait3A_359, %dma_wait3A_360] : memref<20480x64xf32, #tpu.memory_space<vmem_shared>> -> memref<128x64xf32, #tpu.memory_space<vmem_shared>>
      tpu.wait_dma2 semaphore(%arg14 : memref<!tpu.dma_semaphore, #tpu.memory_space<semaphore_mem>>) src(%dma_wait3A_361 : memref<128x64xf32, #tpu.memory_space<vmem_shared>>) dst(%arg11 : memref<128x64xf32, #tpu.memory_space<vmem>>)
      %run_scoped3A_362 = arith.constant 11 : i32
      "tpu.region"() ({
        %run_scoped3A_412 = tpu.sem_alloc : memref<!tpu.dma_semaphore, #tpu.memory_space<semaphore_mem>>
        %dma_start3A_413 = arith.constant 0 : i32
        %dma_start3A_414 = tpu.memref_slice %arg9[%run_scoped3A_362, %dma_start3A_413] : memref<16x128xi32, #tpu.memory_space<vmem>> -> memref<1x128xi32, #tpu.memory_space<vmem>>
        %dma_start3A_415 = tpu.memref_squeeze %dma_start3A_414 : memref<1x128xi32, #tpu.memory_space<vmem>> -> memref<128xi32, #tpu.memory_space<vmem>>
        %dma_start3A_416 = arith.constant 0 : i32
        %dma_start3A_417 = arith.constant 0 : i32
        %dma_start3A_418 = tpu.memref_slice %arg12[%dma_start3A_416, %dma_start3A_417] : memref<20480x64xf32, #tpu.memory_space<vmem_shared>> -> memref<20480x64xf32, #tpu.memory_space<vmem_shared>>
        tpu.enqueue_indirect_dma source(%arg11 : memref<128x64xf32, #tpu.memory_space<vmem>>) target(%dma_start3A_418 : memref<20480x64xf32, #tpu.memory_space<vmem_shared>>) offsets(%dma_start3A_415 : memref<128xi32, #tpu.memory_space<vmem>>) semaphore(%run_scoped3A_412 : memref<!tpu.dma_semaphore, #tpu.memory_space<semaphore_mem>>) {add = true}
        %dma_wait3A_419 = arith.constant 0 : i32
        %dma_wait3A_420 = tpu.memref_slice %arg9[%run_scoped3A_362, %dma_wait3A_419] : memref<16x128xi32, #tpu.memory_space<vmem>> -> memref<1x128xi32, #tpu.memory_space<vmem>>
        %dma_wait3A_421 = tpu.memref_squeeze %dma_wait3A_420 : memref<1x128xi32, #tpu.memory_space<vmem>> -> memref<128xi32, #tpu.memory_space<vmem>>
        %dma_wait3A_422 = arith.constant 0 : i32
        %dma_wait3A_423 = arith.constant 0 : i32
        %dma_wait3A_424 = tpu.memref_slice %arg12[%dma_wait3A_422, %dma_wait3A_423] : memref<20480x64xf32, #tpu.memory_space<vmem_shared>> -> memref<20480x64xf32, #tpu.memory_space<vmem_shared>>
        tpu.wait_indirect_dma semaphore(%run_scoped3A_412 : memref<!tpu.dma_semaphore, #tpu.memory_space<semaphore_mem>>) src(%arg11 : memref<128x64xf32, #tpu.memory_space<vmem>>) dst(%dma_wait3A_424 : memref<20480x64xf32, #tpu.memory_space<vmem_shared>>)
        tpu.yield
      }) : () -> ()
      %dma_start3A_363 = arith.constant 13 : i32
      %dma_start3A_364 = arith.constant 0 : i32
      %dma_start3A_365 = tpu.memref_slice %arg8[%dma_start3A_363, %dma_start3A_364] : memref<16x128xi32, #tpu.memory_space<vmem>> -> memref<1x128xi32, #tpu.memory_space<vmem>>
      %dma_start3A_366 = tpu.memref_squeeze %dma_start3A_365 : memref<1x128xi32, #tpu.memory_space<vmem>> -> memref<128xi32, #tpu.memory_space<vmem>>
      %dma_start3A_367 = arith.constant 0 : i32
      %dma_start3A_368 = arith.constant 0 : i32
      %dma_start3A_369 = tpu.memref_slice %arg12[%dma_start3A_367, %dma_start3A_368] : memref<20480x64xf32, #tpu.memory_space<vmem_shared>> -> memref<20480x64xf32, #tpu.memory_space<vmem_shared>>
      tpu.enqueue_indirect_dma source(%dma_start3A_369 : memref<20480x64xf32, #tpu.memory_space<vmem_shared>>) target(%arg11 : memref<128x64xf32, #tpu.memory_space<vmem>>) offsets(%dma_start3A_366 : memref<128xi32, #tpu.memory_space<vmem>>) semaphore(%arg14 : memref<!tpu.dma_semaphore, #tpu.memory_space<semaphore_mem>>)
      %dma_wait3A_370 = arith.constant 0 : i32
      %dma_wait3A_371 = arith.constant 0 : i32
      %dma_wait3A_372 = tpu.memref_slice %arg12[%dma_wait3A_370, %dma_wait3A_371] : memref<20480x64xf32, #tpu.memory_space<vmem_shared>> -> memref<128x64xf32, #tpu.memory_space<vmem_shared>>
      %dma_wait3A_373 = arith.constant 0 : i32
      %dma_wait3A_374 = arith.constant 0 : i32
      %dma_wait3A_375 = tpu.memref_slice %arg12[%dma_wait3A_373, %dma_wait3A_374] : memref<20480x64xf32, #tpu.memory_space<vmem_shared>> -> memref<128x64xf32, #tpu.memory_space<vmem_shared>>
      tpu.wait_dma2 semaphore(%arg13 : memref<!tpu.dma_semaphore, #tpu.memory_space<semaphore_mem>>) src(%dma_wait3A_375 : memref<128x64xf32, #tpu.memory_space<vmem_shared>>) dst(%arg10 : memref<128x64xf32, #tpu.memory_space<vmem>>)
      %run_scoped3A_376 = arith.constant 12 : i32
      "tpu.region"() ({
        %run_scoped3A_412 = tpu.sem_alloc : memref<!tpu.dma_semaphore, #tpu.memory_space<semaphore_mem>>
        %dma_start3A_413 = arith.constant 0 : i32
        %dma_start3A_414 = tpu.memref_slice %arg9[%run_scoped3A_376, %dma_start3A_413] : memref<16x128xi32, #tpu.memory_space<vmem>> -> memref<1x128xi32, #tpu.memory_space<vmem>>
        %dma_start3A_415 = tpu.memref_squeeze %dma_start3A_414 : memref<1x128xi32, #tpu.memory_space<vmem>> -> memref<128xi32, #tpu.memory_space<vmem>>
        %dma_start3A_416 = arith.constant 0 : i32
        %dma_start3A_417 = arith.constant 0 : i32
        %dma_start3A_418 = tpu.memref_slice %arg12[%dma_start3A_416, %dma_start3A_417] : memref<20480x64xf32, #tpu.memory_space<vmem_shared>> -> memref<20480x64xf32, #tpu.memory_space<vmem_shared>>
        tpu.enqueue_indirect_dma source(%arg10 : memref<128x64xf32, #tpu.memory_space<vmem>>) target(%dma_start3A_418 : memref<20480x64xf32, #tpu.memory_space<vmem_shared>>) offsets(%dma_start3A_415 : memref<128xi32, #tpu.memory_space<vmem>>) semaphore(%run_scoped3A_412 : memref<!tpu.dma_semaphore, #tpu.memory_space<semaphore_mem>>) {add = true}
        %dma_wait3A_419 = arith.constant 0 : i32
        %dma_wait3A_420 = tpu.memref_slice %arg9[%run_scoped3A_376, %dma_wait3A_419] : memref<16x128xi32, #tpu.memory_space<vmem>> -> memref<1x128xi32, #tpu.memory_space<vmem>>
        %dma_wait3A_421 = tpu.memref_squeeze %dma_wait3A_420 : memref<1x128xi32, #tpu.memory_space<vmem>> -> memref<128xi32, #tpu.memory_space<vmem>>
        %dma_wait3A_422 = arith.constant 0 : i32
        %dma_wait3A_423 = arith.constant 0 : i32
        %dma_wait3A_424 = tpu.memref_slice %arg12[%dma_wait3A_422, %dma_wait3A_423] : memref<20480x64xf32, #tpu.memory_space<vmem_shared>> -> memref<20480x64xf32, #tpu.memory_space<vmem_shared>>
        tpu.wait_indirect_dma semaphore(%run_scoped3A_412 : memref<!tpu.dma_semaphore, #tpu.memory_space<semaphore_mem>>) src(%arg10 : memref<128x64xf32, #tpu.memory_space<vmem>>) dst(%dma_wait3A_424 : memref<20480x64xf32, #tpu.memory_space<vmem_shared>>)
        tpu.yield
      }) : () -> ()
      %dma_start3A_377 = arith.constant 14 : i32
      %dma_start3A_378 = arith.constant 0 : i32
      %dma_start3A_379 = tpu.memref_slice %arg8[%dma_start3A_377, %dma_start3A_378] : memref<16x128xi32, #tpu.memory_space<vmem>> -> memref<1x128xi32, #tpu.memory_space<vmem>>
      %dma_start3A_380 = tpu.memref_squeeze %dma_start3A_379 : memref<1x128xi32, #tpu.memory_space<vmem>> -> memref<128xi32, #tpu.memory_space<vmem>>
      %dma_start3A_381 = arith.constant 0 : i32
      %dma_start3A_382 = arith.constant 0 : i32
      %dma_start3A_383 = tpu.memref_slice %arg12[%dma_start3A_381, %dma_start3A_382] : memref<20480x64xf32, #tpu.memory_space<vmem_shared>> -> memref<20480x64xf32, #tpu.memory_space<vmem_shared>>
      tpu.enqueue_indirect_dma source(%dma_start3A_383 : memref<20480x64xf32, #tpu.memory_space<vmem_shared>>) target(%arg10 : memref<128x64xf32, #tpu.memory_space<vmem>>) offsets(%dma_start3A_380 : memref<128xi32, #tpu.memory_space<vmem>>) semaphore(%arg13 : memref<!tpu.dma_semaphore, #tpu.memory_space<semaphore_mem>>)
      %dma_wait3A_384 = arith.constant 0 : i32
      %dma_wait3A_385 = arith.constant 0 : i32
      %dma_wait3A_386 = tpu.memref_slice %arg12[%dma_wait3A_384, %dma_wait3A_385] : memref<20480x64xf32, #tpu.memory_space<vmem_shared>> -> memref<128x64xf32, #tpu.memory_space<vmem_shared>>
      %dma_wait3A_387 = arith.constant 0 : i32
      %dma_wait3A_388 = arith.constant 0 : i32
      %dma_wait3A_389 = tpu.memref_slice %arg12[%dma_wait3A_387, %dma_wait3A_388] : memref<20480x64xf32, #tpu.memory_space<vmem_shared>> -> memref<128x64xf32, #tpu.memory_space<vmem_shared>>
      tpu.wait_dma2 semaphore(%arg14 : memref<!tpu.dma_semaphore, #tpu.memory_space<semaphore_mem>>) src(%dma_wait3A_389 : memref<128x64xf32, #tpu.memory_space<vmem_shared>>) dst(%arg11 : memref<128x64xf32, #tpu.memory_space<vmem>>)
      %run_scoped3A_390 = arith.constant 13 : i32
      "tpu.region"() ({
        %run_scoped3A_412 = tpu.sem_alloc : memref<!tpu.dma_semaphore, #tpu.memory_space<semaphore_mem>>
        %dma_start3A_413 = arith.constant 0 : i32
        %dma_start3A_414 = tpu.memref_slice %arg9[%run_scoped3A_390, %dma_start3A_413] : memref<16x128xi32, #tpu.memory_space<vmem>> -> memref<1x128xi32, #tpu.memory_space<vmem>>
        %dma_start3A_415 = tpu.memref_squeeze %dma_start3A_414 : memref<1x128xi32, #tpu.memory_space<vmem>> -> memref<128xi32, #tpu.memory_space<vmem>>
        %dma_start3A_416 = arith.constant 0 : i32
        %dma_start3A_417 = arith.constant 0 : i32
        %dma_start3A_418 = tpu.memref_slice %arg12[%dma_start3A_416, %dma_start3A_417] : memref<20480x64xf32, #tpu.memory_space<vmem_shared>> -> memref<20480x64xf32, #tpu.memory_space<vmem_shared>>
        tpu.enqueue_indirect_dma source(%arg11 : memref<128x64xf32, #tpu.memory_space<vmem>>) target(%dma_start3A_418 : memref<20480x64xf32, #tpu.memory_space<vmem_shared>>) offsets(%dma_start3A_415 : memref<128xi32, #tpu.memory_space<vmem>>) semaphore(%run_scoped3A_412 : memref<!tpu.dma_semaphore, #tpu.memory_space<semaphore_mem>>) {add = true}
        %dma_wait3A_419 = arith.constant 0 : i32
        %dma_wait3A_420 = tpu.memref_slice %arg9[%run_scoped3A_390, %dma_wait3A_419] : memref<16x128xi32, #tpu.memory_space<vmem>> -> memref<1x128xi32, #tpu.memory_space<vmem>>
        %dma_wait3A_421 = tpu.memref_squeeze %dma_wait3A_420 : memref<1x128xi32, #tpu.memory_space<vmem>> -> memref<128xi32, #tpu.memory_space<vmem>>
        %dma_wait3A_422 = arith.constant 0 : i32
        %dma_wait3A_423 = arith.constant 0 : i32
        %dma_wait3A_424 = tpu.memref_slice %arg12[%dma_wait3A_422, %dma_wait3A_423] : memref<20480x64xf32, #tpu.memory_space<vmem_shared>> -> memref<20480x64xf32, #tpu.memory_space<vmem_shared>>
        tpu.wait_indirect_dma semaphore(%run_scoped3A_412 : memref<!tpu.dma_semaphore, #tpu.memory_space<semaphore_mem>>) src(%arg11 : memref<128x64xf32, #tpu.memory_space<vmem>>) dst(%dma_wait3A_424 : memref<20480x64xf32, #tpu.memory_space<vmem_shared>>)
        tpu.yield
      }) : () -> ()
      %dma_start3A_391 = arith.constant 15 : i32
      %dma_start3A_392 = arith.constant 0 : i32
      %dma_start3A_393 = tpu.memref_slice %arg8[%dma_start3A_391, %dma_start3A_392] : memref<16x128xi32, #tpu.memory_space<vmem>> -> memref<1x128xi32, #tpu.memory_space<vmem>>
      %dma_start3A_394 = tpu.memref_squeeze %dma_start3A_393 : memref<1x128xi32, #tpu.memory_space<vmem>> -> memref<128xi32, #tpu.memory_space<vmem>>
      %dma_start3A_395 = arith.constant 0 : i32
      %dma_start3A_396 = arith.constant 0 : i32
      %dma_start3A_397 = tpu.memref_slice %arg12[%dma_start3A_395, %dma_start3A_396] : memref<20480x64xf32, #tpu.memory_space<vmem_shared>> -> memref<20480x64xf32, #tpu.memory_space<vmem_shared>>
      tpu.enqueue_indirect_dma source(%dma_start3A_397 : memref<20480x64xf32, #tpu.memory_space<vmem_shared>>) target(%arg11 : memref<128x64xf32, #tpu.memory_space<vmem>>) offsets(%dma_start3A_394 : memref<128xi32, #tpu.memory_space<vmem>>) semaphore(%arg14 : memref<!tpu.dma_semaphore, #tpu.memory_space<semaphore_mem>>)
      %dma_wait3A_398 = arith.constant 0 : i32
      %dma_wait3A_399 = arith.constant 0 : i32
      %dma_wait3A_400 = tpu.memref_slice %arg12[%dma_wait3A_398, %dma_wait3A_399] : memref<20480x64xf32, #tpu.memory_space<vmem_shared>> -> memref<128x64xf32, #tpu.memory_space<vmem_shared>>
      %dma_wait3A_401 = arith.constant 0 : i32
      %dma_wait3A_402 = arith.constant 0 : i32
      %dma_wait3A_403 = tpu.memref_slice %arg12[%dma_wait3A_401, %dma_wait3A_402] : memref<20480x64xf32, #tpu.memory_space<vmem_shared>> -> memref<128x64xf32, #tpu.memory_space<vmem_shared>>
      tpu.wait_dma2 semaphore(%arg13 : memref<!tpu.dma_semaphore, #tpu.memory_space<semaphore_mem>>) src(%dma_wait3A_403 : memref<128x64xf32, #tpu.memory_space<vmem_shared>>) dst(%arg10 : memref<128x64xf32, #tpu.memory_space<vmem>>)
      %run_scoped3A_404 = arith.constant 14 : i32
      "tpu.region"() ({
        %run_scoped3A_412 = tpu.sem_alloc : memref<!tpu.dma_semaphore, #tpu.memory_space<semaphore_mem>>
        %dma_start3A_413 = arith.constant 0 : i32
        %dma_start3A_414 = tpu.memref_slice %arg9[%run_scoped3A_404, %dma_start3A_413] : memref<16x128xi32, #tpu.memory_space<vmem>> -> memref<1x128xi32, #tpu.memory_space<vmem>>
        %dma_start3A_415 = tpu.memref_squeeze %dma_start3A_414 : memref<1x128xi32, #tpu.memory_space<vmem>> -> memref<128xi32, #tpu.memory_space<vmem>>
        %dma_start3A_416 = arith.constant 0 : i32
        %dma_start3A_417 = arith.constant 0 : i32
        %dma_start3A_418 = tpu.memref_slice %arg12[%dma_start3A_416, %dma_start3A_417] : memref<20480x64xf32, #tpu.memory_space<vmem_shared>> -> memref<20480x64xf32, #tpu.memory_space<vmem_shared>>
        tpu.enqueue_indirect_dma source(%arg10 : memref<128x64xf32, #tpu.memory_space<vmem>>) target(%dma_start3A_418 : memref<20480x64xf32, #tpu.memory_space<vmem_shared>>) offsets(%dma_start3A_415 : memref<128xi32, #tpu.memory_space<vmem>>) semaphore(%run_scoped3A_412 : memref<!tpu.dma_semaphore, #tpu.memory_space<semaphore_mem>>) {add = true}
        %dma_wait3A_419 = arith.constant 0 : i32
        %dma_wait3A_420 = tpu.memref_slice %arg9[%run_scoped3A_404, %dma_wait3A_419] : memref<16x128xi32, #tpu.memory_space<vmem>> -> memref<1x128xi32, #tpu.memory_space<vmem>>
        %dma_wait3A_421 = tpu.memref_squeeze %dma_wait3A_420 : memref<1x128xi32, #tpu.memory_space<vmem>> -> memref<128xi32, #tpu.memory_space<vmem>>
        %dma_wait3A_422 = arith.constant 0 : i32
        %dma_wait3A_423 = arith.constant 0 : i32
        %dma_wait3A_424 = tpu.memref_slice %arg12[%dma_wait3A_422, %dma_wait3A_423] : memref<20480x64xf32, #tpu.memory_space<vmem_shared>> -> memref<20480x64xf32, #tpu.memory_space<vmem_shared>>
        tpu.wait_indirect_dma semaphore(%run_scoped3A_412 : memref<!tpu.dma_semaphore, #tpu.memory_space<semaphore_mem>>) src(%arg10 : memref<128x64xf32, #tpu.memory_space<vmem>>) dst(%dma_wait3A_424 : memref<20480x64xf32, #tpu.memory_space<vmem_shared>>)
        tpu.yield
      }) : () -> ()
      %dma_wait3A_405 = arith.constant 0 : i32
      %dma_wait3A_406 = arith.constant 0 : i32
      %dma_wait3A_407 = tpu.memref_slice %arg12[%dma_wait3A_405, %dma_wait3A_406] : memref<20480x64xf32, #tpu.memory_space<vmem_shared>> -> memref<128x64xf32, #tpu.memory_space<vmem_shared>>
      %dma_wait3A_408 = arith.constant 0 : i32
      %dma_wait3A_409 = arith.constant 0 : i32
      %dma_wait3A_410 = tpu.memref_slice %arg12[%dma_wait3A_408, %dma_wait3A_409] : memref<20480x64xf32, #tpu.memory_space<vmem_shared>> -> memref<128x64xf32, #tpu.memory_space<vmem_shared>>
      tpu.wait_dma2 semaphore(%arg14 : memref<!tpu.dma_semaphore, #tpu.memory_space<semaphore_mem>>) src(%dma_wait3A_410 : memref<128x64xf32, #tpu.memory_space<vmem_shared>>) dst(%arg11 : memref<128x64xf32, #tpu.memory_space<vmem>>)
      %run_scoped3A_411 = arith.constant 15 : i32
      "tpu.region"() ({
        %run_scoped3A_412 = tpu.sem_alloc : memref<!tpu.dma_semaphore, #tpu.memory_space<semaphore_mem>>
        %dma_start3A_413 = arith.constant 0 : i32
        %dma_start3A_414 = tpu.memref_slice %arg9[%run_scoped3A_411, %dma_start3A_413] : memref<16x128xi32, #tpu.memory_space<vmem>> -> memref<1x128xi32, #tpu.memory_space<vmem>>
        %dma_start3A_415 = tpu.memref_squeeze %dma_start3A_414 : memref<1x128xi32, #tpu.memory_space<vmem>> -> memref<128xi32, #tpu.memory_space<vmem>>
        %dma_start3A_416 = arith.constant 0 : i32
        %dma_start3A_417 = arith.constant 0 : i32
        %dma_start3A_418 = tpu.memref_slice %arg12[%dma_start3A_416, %dma_start3A_417] : memref<20480x64xf32, #tpu.memory_space<vmem_shared>> -> memref<20480x64xf32, #tpu.memory_space<vmem_shared>>
        tpu.enqueue_indirect_dma source(%arg11 : memref<128x64xf32, #tpu.memory_space<vmem>>) target(%dma_start3A_418 : memref<20480x64xf32, #tpu.memory_space<vmem_shared>>) offsets(%dma_start3A_415 : memref<128xi32, #tpu.memory_space<vmem>>) semaphore(%run_scoped3A_412 : memref<!tpu.dma_semaphore, #tpu.memory_space<semaphore_mem>>) {add = true}
        %dma_wait3A_419 = arith.constant 0 : i32
        %dma_wait3A_420 = tpu.memref_slice %arg9[%run_scoped3A_411, %dma_wait3A_419] : memref<16x128xi32, #tpu.memory_space<vmem>> -> memref<1x128xi32, #tpu.memory_space<vmem>>
        %dma_wait3A_421 = tpu.memref_squeeze %dma_wait3A_420 : memref<1x128xi32, #tpu.memory_space<vmem>> -> memref<128xi32, #tpu.memory_space<vmem>>
        %dma_wait3A_422 = arith.constant 0 : i32
        %dma_wait3A_423 = arith.constant 0 : i32
        %dma_wait3A_424 = tpu.memref_slice %arg12[%dma_wait3A_422, %dma_wait3A_423] : memref<20480x64xf32, #tpu.memory_space<vmem_shared>> -> memref<20480x64xf32, #tpu.memory_space<vmem_shared>>
        tpu.wait_indirect_dma semaphore(%run_scoped3A_412 : memref<!tpu.dma_semaphore, #tpu.memory_space<semaphore_mem>>) src(%arg11 : memref<128x64xf32, #tpu.memory_space<vmem>>) dst(%dma_wait3A_424 : memref<20480x64xf32, #tpu.memory_space<vmem_shared>>)
        tpu.yield
      }) : () -> ()
    }
    %barrier3A_94 = arith.constant 0 : index
    tpu.barrier barrier_id(%barrier3A_94)
    %mul3A_95 = arith.constant 640 : i32
    %mul3A_96 = arith.muli %arg1, %mul3A_95 : i32
    "tpu.region"() ({
      %run_scoped3A = tpu.sem_alloc : memref<!tpu.dma_semaphore, #tpu.memory_space<semaphore_mem>>
      %dma_start3A = arith.constant 0 : i32
      %dma_start3A_187 = tpu.memref_slice %arg6[%arg0, %mul3A_96, %dma_start3A] : memref<2x10240x64xf32, #tpu.memory_space<hbm>> -> memref<1x640x64xf32, #tpu.memory_space<hbm>>
      %dma_start3A_188 = tpu.memref_squeeze %dma_start3A_187 : memref<1x640x64xf32, #tpu.memory_space<hbm>> -> memref<640x64xf32, #tpu.memory_space<hbm>>
      %dma_start3A_189 = arith.constant 0 : i32
      %dma_start3A_190 = tpu.memref_slice %arg12[%mul3A_96, %dma_start3A_189] : memref<20480x64xf32, #tpu.memory_space<vmem_shared>> -> memref<640x64xf32, #tpu.memory_space<vmem_shared>>
      tpu.enqueue_dma source(%dma_start3A_190 : memref<640x64xf32, #tpu.memory_space<vmem_shared>>) target(%dma_start3A_188 : memref<640x64xf32, #tpu.memory_space<hbm>>) target_semaphore(%run_scoped3A : memref<!tpu.dma_semaphore, #tpu.memory_space<semaphore_mem>>)
      %dma_wait3A = arith.constant 0 : i32
      %dma_wait3A_191 = tpu.memref_slice %arg6[%arg0, %mul3A_96, %dma_wait3A] : memref<2x10240x64xf32, #tpu.memory_space<hbm>> -> memref<1x640x64xf32, #tpu.memory_space<hbm>>
      %dma_wait3A_192 = tpu.memref_squeeze %dma_wait3A_191 : memref<1x640x64xf32, #tpu.memory_space<hbm>> -> memref<640x64xf32, #tpu.memory_space<hbm>>
      %dma_wait3A_193 = arith.constant 0 : i32
      %dma_wait3A_194 = tpu.memref_slice %arg12[%mul3A_96, %dma_wait3A_193] : memref<20480x64xf32, #tpu.memory_space<vmem_shared>> -> memref<640x64xf32, #tpu.memory_space<vmem_shared>>
      tpu.wait_dma2 semaphore(%run_scoped3A : memref<!tpu.dma_semaphore, #tpu.memory_space<semaphore_mem>>) src(%dma_wait3A_194 : memref<640x64xf32, #tpu.memory_space<vmem_shared>>) dst(%dma_wait3A_192 : memref<640x64xf32, #tpu.memory_space<hbm>>)
      tpu.yield
    }) : () -> ()
    %scan3A_97 = arith.constant 0 : i32
    %scan3A_98 = arith.constant 0 : i32
    %scan3A_99 = arith.constant 128 : i32
    %scan3A_100 = arith.addi %scan3A_98, %scan3A_99 : i32
    %scan3A_101 = arith.constant 1 : i32
    scf.for %scan3A_187 = %scan3A_98 to %scan3A_100 step %scan3A_101  : i32 {
      %swap3A = arith.index_cast %scan3A_187 : i32 to index
      %swap3A_188 = arith.constant 0 : index
      %swap3A_189 = tpu.vector_load %arg10[%swap3A, %swap3A_188] {strides = array<i32>} : memref<128x64xf32, #tpu.memory_space<vmem>>, vector<1x16xf32>,
      %swap3A_190 = vector.shape_cast %swap3A_189 : vector<1x16xf32> to vector<16xf32>
      %swap3A_191 = vector.shape_cast %broadcast_in_dim3A_9 : vector<16xf32> to vector<1x16xf32>
      tpu.vector_store %arg10[%swap3A, %swap3A_188], %swap3A_191 {strides = array<i32>} : memref<128x64xf32, #tpu.memory_space<vmem>>, vector<1x16xf32>,
      %swap3A_192 = arith.index_cast %scan3A_187 : i32 to index
      %swap3A_193 = arith.constant 16 : index
      %swap3A_194 = tpu.vector_load %arg10[%swap3A_192, %swap3A_193] {strides = array<i32>} : memref<128x64xf32, #tpu.memory_space<vmem>>, vector<1x16xf32>,
      %swap3A_195 = vector.shape_cast %swap3A_194 : vector<1x16xf32> to vector<16xf32>
      %swap3A_196 = vector.shape_cast %broadcast_in_dim3A_9 : vector<16xf32> to vector<1x16xf32>
      tpu.vector_store %arg10[%swap3A_192, %swap3A_193], %swap3A_196 {strides = array<i32>} : memref<128x64xf32, #tpu.memory_space<vmem>>, vector<1x16xf32>,
      %swap3A_197 = arith.index_cast %scan3A_187 : i32 to index
      %swap3A_198 = arith.constant 32 : index
      %swap3A_199 = tpu.vector_load %arg10[%swap3A_197, %swap3A_198] {strides = array<i32>} : memref<128x64xf32, #tpu.memory_space<vmem>>, vector<1x16xf32>,
      %swap3A_200 = vector.shape_cast %swap3A_199 : vector<1x16xf32> to vector<16xf32>
      %swap3A_201 = vector.shape_cast %broadcast_in_dim3A_9 : vector<16xf32> to vector<1x16xf32>
      tpu.vector_store %arg10[%swap3A_197, %swap3A_198], %swap3A_201 {strides = array<i32>} : memref<128x64xf32, #tpu.memory_space<vmem>>, vector<1x16xf32>,
      %swap3A_202 = arith.index_cast %scan3A_187 : i32 to index
      %swap3A_203 = arith.constant 48 : index
      %swap3A_204 = tpu.vector_load %arg10[%swap3A_202, %swap3A_203] {strides = array<i32>} : memref<128x64xf32, #tpu.memory_space<vmem>>, vector<1x16xf32>,
      %swap3A_205 = vector.shape_cast %swap3A_204 : vector<1x16xf32> to vector<16xf32>
      %swap3A_206 = vector.shape_cast %broadcast_in_dim3A_9 : vector<16xf32> to vector<1x16xf32>
      tpu.vector_store %arg10[%swap3A_202, %swap3A_203], %swap3A_206 {strides = array<i32>} : memref<128x64xf32, #tpu.memory_space<vmem>>, vector<1x16xf32>,
    }
    %scan3A_102 = arith.constant 128 : i32
    %mul3A_103 = arith.constant 640 : i32
    %mul3A_104 = arith.muli %arg1, %mul3A_103 : i32
    %add3A_105 = arith.constant 0 : i32
    %add3A_106 = arith.addi %mul3A_104, %add3A_105 : i32
    "tpu.region"() ({
      %run_scoped3A = tpu.sem_alloc : memref<!tpu.dma_semaphore, #tpu.memory_space<semaphore_mem>>
      %dma_start3A = arith.constant 0 : i32
      %dma_start3A_187 = tpu.memref_slice %arg12[%add3A_106, %dma_start3A] : memref<20480x64xf32, #tpu.memory_space<vmem_shared>> -> memref<128x64xf32, #tpu.memory_space<vmem_shared>>
      %dma_start3A_188 = arith.constant 0 : i32
      %dma_start3A_189 = tpu.memref_slice %arg12[%add3A_106, %dma_start3A_188] : memref<20480x64xf32, #tpu.memory_space<vmem_shared>> -> memref<128x64xf32, #tpu.memory_space<vmem_shared>>
      tpu.enqueue_dma source(%arg10 : memref<128x64xf32, #tpu.memory_space<vmem>>) target(%dma_start3A_189 : memref<128x64xf32, #tpu.memory_space<vmem_shared>>) target_semaphore(%run_scoped3A : memref<!tpu.dma_semaphore, #tpu.memory_space<semaphore_mem>>)
      %dma_wait3A = arith.constant 0 : i32
      %dma_wait3A_190 = tpu.memref_slice %arg12[%add3A_106, %dma_wait3A] : memref<20480x64xf32, #tpu.memory_space<vmem_shared>> -> memref<128x64xf32, #tpu.memory_space<vmem_shared>>
      %dma_wait3A_191 = arith.constant 0 : i32
      %dma_wait3A_192 = tpu.memref_slice %arg12[%add3A_106, %dma_wait3A_191] : memref<20480x64xf32, #tpu.memory_space<vmem_shared>> -> memref<128x64xf32, #tpu.memory_space<vmem_shared>>
      tpu.wait_dma2 semaphore(%run_scoped3A : memref<!tpu.dma_semaphore, #tpu.memory_space<semaphore_mem>>) src(%arg10 : memref<128x64xf32, #tpu.memory_space<vmem>>) dst(%dma_wait3A_192 : memref<128x64xf32, #tpu.memory_space<vmem_shared>>)
      tpu.yield
    }) : () -> ()
    %mul3A_107 = arith.constant 640 : i32
    %mul3A_108 = arith.muli %arg1, %mul3A_107 : i32
    %add3A_109 = arith.constant 128 : i32
    %add3A_110 = arith.addi %mul3A_108, %add3A_109 : i32
    "tpu.region"() ({
      %run_scoped3A = tpu.sem_alloc : memref<!tpu.dma_semaphore, #tpu.memory_space<semaphore_mem>>
      %dma_start3A = arith.constant 0 : i32
      %dma_start3A_187 = tpu.memref_slice %arg12[%add3A_110, %dma_start3A] : memref<20480x64xf32, #tpu.memory_space<vmem_shared>> -> memref<128x64xf32, #tpu.memory_space<vmem_shared>>
      %dma_start3A_188 = arith.constant 0 : i32
      %dma_start3A_189 = tpu.memref_slice %arg12[%add3A_110, %dma_start3A_188] : memref<20480x64xf32, #tpu.memory_space<vmem_shared>> -> memref<128x64xf32, #tpu.memory_space<vmem_shared>>
      tpu.enqueue_dma source(%arg10 : memref<128x64xf32, #tpu.memory_space<vmem>>) target(%dma_start3A_189 : memref<128x64xf32, #tpu.memory_space<vmem_shared>>) target_semaphore(%run_scoped3A : memref<!tpu.dma_semaphore, #tpu.memory_space<semaphore_mem>>)
      %dma_wait3A = arith.constant 0 : i32
      %dma_wait3A_190 = tpu.memref_slice %arg12[%add3A_110, %dma_wait3A] : memref<20480x64xf32, #tpu.memory_space<vmem_shared>> -> memref<128x64xf32, #tpu.memory_space<vmem_shared>>
      %dma_wait3A_191 = arith.constant 0 : i32
      %dma_wait3A_192 = tpu.memref_slice %arg12[%add3A_110, %dma_wait3A_191] : memref<20480x64xf32, #tpu.memory_space<vmem_shared>> -> memref<128x64xf32, #tpu.memory_space<vmem_shared>>
      tpu.wait_dma2 semaphore(%run_scoped3A : memref<!tpu.dma_semaphore, #tpu.memory_space<semaphore_mem>>) src(%arg10 : memref<128x64xf32, #tpu.memory_space<vmem>>) dst(%dma_wait3A_192 : memref<128x64xf32, #tpu.memory_space<vmem_shared>>)
      tpu.yield
    }) : () -> ()
    %mul3A_111 = arith.constant 640 : i32
    %mul3A_112 = arith.muli %arg1, %mul3A_111 : i32
    %add3A_113 = arith.constant 256 : i32
    %add3A_114 = arith.addi %mul3A_112, %add3A_113 : i32
    "tpu.region"() ({
      %run_scoped3A = tpu.sem_alloc : memref<!tpu.dma_semaphore, #tpu.memory_space<semaphore_mem>>
      %dma_start3A = arith.constant 0 : i32
      %dma_start3A_187 = tpu.memref_slice %arg12[%add3A_114, %dma_start3A] : memref<20480x64xf32, #tpu.memory_space<vmem_shared>> -> memref<128x64xf32, #tpu.memory_space<vmem_shared>>
      %dma_start3A_188 = arith.constant 0 : i32
      %dma_start3A_189 = tpu.memref_slice %arg12[%add3A_114, %dma_start3A_188] : memref<20480x64xf32, #tpu.memory_space<vmem_shared>> -> memref<128x64xf32, #tpu.memory_space<vmem_shared>>
      tpu.enqueue_dma source(%arg10 : memref<128x64xf32, #tpu.memory_space<vmem>>) target(%dma_start3A_189 : memref<128x64xf32, #tpu.memory_space<vmem_shared>>) target_semaphore(%run_scoped3A : memref<!tpu.dma_semaphore, #tpu.memory_space<semaphore_mem>>)
      %dma_wait3A = arith.constant 0 : i32
      %dma_wait3A_190 = tpu.memref_slice %arg12[%add3A_114, %dma_wait3A] : memref<20480x64xf32, #tpu.memory_space<vmem_shared>> -> memref<128x64xf32, #tpu.memory_space<vmem_shared>>
      %dma_wait3A_191 = arith.constant 0 : i32
      %dma_wait3A_192 = tpu.memref_slice %arg12[%add3A_114, %dma_wait3A_191] : memref<20480x64xf32, #tpu.memory_space<vmem_shared>> -> memref<128x64xf32, #tpu.memory_space<vmem_shared>>
      tpu.wait_dma2 semaphore(%run_scoped3A : memref<!tpu.dma_semaphore, #tpu.memory_space<semaphore_mem>>) src(%arg10 : memref<128x64xf32, #tpu.memory_space<vmem>>) dst(%dma_wait3A_192 : memref<128x64xf32, #tpu.memory_space<vmem_shared>>)
      tpu.yield
    }) : () -> ()
    %mul3A_115 = arith.constant 640 : i32
    %mul3A_116 = arith.muli %arg1, %mul3A_115 : i32
    %add3A_117 = arith.constant 384 : i32
    %add3A_118 = arith.addi %mul3A_116, %add3A_117 : i32
    "tpu.region"() ({
      %run_scoped3A = tpu.sem_alloc : memref<!tpu.dma_semaphore, #tpu.memory_space<semaphore_mem>>
      %dma_start3A = arith.constant 0 : i32
      %dma_start3A_187 = tpu.memref_slice %arg12[%add3A_118, %dma_start3A] : memref<20480x64xf32, #tpu.memory_space<vmem_shared>> -> memref<128x64xf32, #tpu.memory_space<vmem_shared>>
      %dma_start3A_188 = arith.constant 0 : i32
      %dma_start3A_189 = tpu.memref_slice %arg12[%add3A_118, %dma_start3A_188] : memref<20480x64xf32, #tpu.memory_space<vmem_shared>> -> memref<128x64xf32, #tpu.memory_space<vmem_shared>>
      tpu.enqueue_dma source(%arg10 : memref<128x64xf32, #tpu.memory_space<vmem>>) target(%dma_start3A_189 : memref<128x64xf32, #tpu.memory_space<vmem_shared>>) target_semaphore(%run_scoped3A : memref<!tpu.dma_semaphore, #tpu.memory_space<semaphore_mem>>)
      %dma_wait3A = arith.constant 0 : i32
      %dma_wait3A_190 = tpu.memref_slice %arg12[%add3A_118, %dma_wait3A] : memref<20480x64xf32, #tpu.memory_space<vmem_shared>> -> memref<128x64xf32, #tpu.memory_space<vmem_shared>>
      %dma_wait3A_191 = arith.constant 0 : i32
      %dma_wait3A_192 = tpu.memref_slice %arg12[%add3A_118, %dma_wait3A_191] : memref<20480x64xf32, #tpu.memory_space<vmem_shared>> -> memref<128x64xf32, #tpu.memory_space<vmem_shared>>
      tpu.wait_dma2 semaphore(%run_scoped3A : memref<!tpu.dma_semaphore, #tpu.memory_space<semaphore_mem>>) src(%arg10 : memref<128x64xf32, #tpu.memory_space<vmem>>) dst(%dma_wait3A_192 : memref<128x64xf32, #tpu.memory_space<vmem_shared>>)
      tpu.yield
    }) : () -> ()
    %mul3A_119 = arith.constant 640 : i32
    %mul3A_120 = arith.muli %arg1, %mul3A_119 : i32
    %add3A_121 = arith.constant 512 : i32
    %add3A_122 = arith.addi %mul3A_120, %add3A_121 : i32
    "tpu.region"() ({
      %run_scoped3A = tpu.sem_alloc : memref<!tpu.dma_semaphore, #tpu.memory_space<semaphore_mem>>
      %dma_start3A = arith.constant 0 : i32
      %dma_start3A_187 = tpu.memref_slice %arg12[%add3A_122, %dma_start3A] : memref<20480x64xf32, #tpu.memory_space<vmem_shared>> -> memref<128x64xf32, #tpu.memory_space<vmem_shared>>
      %dma_start3A_188 = arith.constant 0 : i32
      %dma_start3A_189 = tpu.memref_slice %arg12[%add3A_122, %dma_start3A_188] : memref<20480x64xf32, #tpu.memory_space<vmem_shared>> -> memref<128x64xf32, #tpu.memory_space<vmem_shared>>
      tpu.enqueue_dma source(%arg10 : memref<128x64xf32, #tpu.memory_space<vmem>>) target(%dma_start3A_189 : memref<128x64xf32, #tpu.memory_space<vmem_shared>>) target_semaphore(%run_scoped3A : memref<!tpu.dma_semaphore, #tpu.memory_space<semaphore_mem>>)
      %dma_wait3A = arith.constant 0 : i32
      %dma_wait3A_190 = tpu.memref_slice %arg12[%add3A_122, %dma_wait3A] : memref<20480x64xf32, #tpu.memory_space<vmem_shared>> -> memref<128x64xf32, #tpu.memory_space<vmem_shared>>
      %dma_wait3A_191 = arith.constant 0 : i32
      %dma_wait3A_192 = tpu.memref_slice %arg12[%add3A_122, %dma_wait3A_191] : memref<20480x64xf32, #tpu.memory_space<vmem_shared>> -> memref<128x64xf32, #tpu.memory_space<vmem_shared>>
      tpu.wait_dma2 semaphore(%run_scoped3A : memref<!tpu.dma_semaphore, #tpu.memory_space<semaphore_mem>>) src(%arg10 : memref<128x64xf32, #tpu.memory_space<vmem>>) dst(%dma_wait3A_192 : memref<128x64xf32, #tpu.memory_space<vmem_shared>>)
      tpu.yield
    }) : () -> ()
    %mul3A_123 = arith.constant 640 : i32
    %mul3A_124 = arith.muli %arg1, %mul3A_123 : i32
    %add3A_125 = arith.constant 0 : i32
    %add3A_126 = arith.addi %mul3A_124, %add3A_125 : i32
    "tpu.region"() ({
      %run_scoped3A = tpu.sem_alloc : memref<!tpu.dma_semaphore, #tpu.memory_space<semaphore_mem>>
      %dma_start3A = arith.constant 0 : i32
      %dma_start3A_187 = tpu.memref_slice %arg5[%add3A_126, %dma_start3A] : memref<10240x64xf32, #tpu.memory_space<hbm>> -> memref<128x64xf32, #tpu.memory_space<hbm>>
      %dma_start3A_188 = arith.constant 0 : i32
      %dma_start3A_189 = tpu.memref_slice %arg5[%add3A_126, %dma_start3A_188] : memref<10240x64xf32, #tpu.memory_space<hbm>> -> memref<128x64xf32, #tpu.memory_space<hbm>>
      tpu.enqueue_dma source(%dma_start3A_189 : memref<128x64xf32, #tpu.memory_space<hbm>>) target(%arg11 : memref<128x64xf32, #tpu.memory_space<vmem>>) target_semaphore(%run_scoped3A : memref<!tpu.dma_semaphore, #tpu.memory_space<semaphore_mem>>)
      %dma_wait3A = arith.constant 0 : i32
      %dma_wait3A_190 = tpu.memref_slice %arg5[%add3A_126, %dma_wait3A] : memref<10240x64xf32, #tpu.memory_space<hbm>> -> memref<128x64xf32, #tpu.memory_space<hbm>>
      %dma_wait3A_191 = arith.constant 0 : i32
      %dma_wait3A_192 = tpu.memref_slice %arg5[%add3A_126, %dma_wait3A_191] : memref<10240x64xf32, #tpu.memory_space<hbm>> -> memref<128x64xf32, #tpu.memory_space<hbm>>
      tpu.wait_dma2 semaphore(%run_scoped3A : memref<!tpu.dma_semaphore, #tpu.memory_space<semaphore_mem>>) src(%dma_wait3A_192 : memref<128x64xf32, #tpu.memory_space<hbm>>) dst(%arg11 : memref<128x64xf32, #tpu.memory_space<vmem>>)
      tpu.yield
    }) : () -> ()
    %mul3A_127 = arith.constant 640 : i32
    %mul3A_128 = arith.muli %arg1, %mul3A_127 : i32
    %add3A_129 = arith.constant 10240 : i32
    %add3A_130 = arith.addi %add3A_129, %mul3A_128 : i32
    %add3A_131 = arith.constant 0 : i32
    %add3A_132 = arith.addi %add3A_130, %add3A_131 : i32
    "tpu.region"() ({
      %run_scoped3A = tpu.sem_alloc : memref<!tpu.dma_semaphore, #tpu.memory_space<semaphore_mem>>
      %dma_start3A = arith.constant 0 : i32
      %dma_start3A_187 = tpu.memref_slice %arg12[%add3A_132, %dma_start3A] : memref<20480x64xf32, #tpu.memory_space<vmem_shared>> -> memref<128x64xf32, #tpu.memory_space<vmem_shared>>
      %dma_start3A_188 = arith.constant 0 : i32
      %dma_start3A_189 = tpu.memref_slice %arg12[%add3A_132, %dma_start3A_188] : memref<20480x64xf32, #tpu.memory_space<vmem_shared>> -> memref<128x64xf32, #tpu.memory_space<vmem_shared>>
      tpu.enqueue_dma source(%arg11 : memref<128x64xf32, #tpu.memory_space<vmem>>) target(%dma_start3A_189 : memref<128x64xf32, #tpu.memory_space<vmem_shared>>) target_semaphore(%run_scoped3A : memref<!tpu.dma_semaphore, #tpu.memory_space<semaphore_mem>>)
      %dma_wait3A = arith.constant 0 : i32
      %dma_wait3A_190 = tpu.memref_slice %arg12[%add3A_132, %dma_wait3A] : memref<20480x64xf32, #tpu.memory_space<vmem_shared>> -> memref<128x64xf32, #tpu.memory_space<vmem_shared>>
      %dma_wait3A_191 = arith.constant 0 : i32
      %dma_wait3A_192 = tpu.memref_slice %arg12[%add3A_132, %dma_wait3A_191] : memref<20480x64xf32, #tpu.memory_space<vmem_shared>> -> memref<128x64xf32, #tpu.memory_space<vmem_shared>>
      tpu.wait_dma2 semaphore(%run_scoped3A : memref<!tpu.dma_semaphore, #tpu.memory_space<semaphore_mem>>) src(%arg11 : memref<128x64xf32, #tpu.memory_space<vmem>>) dst(%dma_wait3A_192 : memref<128x64xf32, #tpu.memory_space<vmem_shared>>)
      tpu.yield
    }) : () -> ()
    %mul3A_133 = arith.constant 640 : i32
    %mul3A_134 = arith.muli %arg1, %mul3A_133 : i32
    %add3A_135 = arith.constant 128 : i32
    %add3A_136 = arith.addi %mul3A_134, %add3A_135 : i32
    "tpu.region"() ({
      %run_scoped3A = tpu.sem_alloc : memref<!tpu.dma_semaphore, #tpu.memory_space<semaphore_mem>>
      %dma_start3A = arith.constant 0 : i32
      %dma_start3A_187 = tpu.memref_slice %arg5[%add3A_136, %dma_start3A] : memref<10240x64xf32, #tpu.memory_space<hbm>> -> memref<128x64xf32, #tpu.memory_space<hbm>>
      %dma_start3A_188 = arith.constant 0 : i32
      %dma_start3A_189 = tpu.memref_slice %arg5[%add3A_136, %dma_start3A_188] : memref<10240x64xf32, #tpu.memory_space<hbm>> -> memref<128x64xf32, #tpu.memory_space<hbm>>
      tpu.enqueue_dma source(%dma_start3A_189 : memref<128x64xf32, #tpu.memory_space<hbm>>) target(%arg11 : memref<128x64xf32, #tpu.memory_space<vmem>>) target_semaphore(%run_scoped3A : memref<!tpu.dma_semaphore, #tpu.memory_space<semaphore_mem>>)
      %dma_wait3A = arith.constant 0 : i32
      %dma_wait3A_190 = tpu.memref_slice %arg5[%add3A_136, %dma_wait3A] : memref<10240x64xf32, #tpu.memory_space<hbm>> -> memref<128x64xf32, #tpu.memory_space<hbm>>
      %dma_wait3A_191 = arith.constant 0 : i32
      %dma_wait3A_192 = tpu.memref_slice %arg5[%add3A_136, %dma_wait3A_191] : memref<10240x64xf32, #tpu.memory_space<hbm>> -> memref<128x64xf32, #tpu.memory_space<hbm>>
      tpu.wait_dma2 semaphore(%run_scoped3A : memref<!tpu.dma_semaphore, #tpu.memory_space<semaphore_mem>>) src(%dma_wait3A_192 : memref<128x64xf32, #tpu.memory_space<hbm>>) dst(%arg11 : memref<128x64xf32, #tpu.memory_space<vmem>>)
      tpu.yield
    }) : () -> ()
    %mul3A_137 = arith.constant 640 : i32
    %mul3A_138 = arith.muli %arg1, %mul3A_137 : i32
    %add3A_139 = arith.constant 10240 : i32
    %add3A_140 = arith.addi %add3A_139, %mul3A_138 : i32
    %add3A_141 = arith.constant 128 : i32
    %add3A_142 = arith.addi %add3A_140, %add3A_141 : i32
    "tpu.region"() ({
      %run_scoped3A = tpu.sem_alloc : memref<!tpu.dma_semaphore, #tpu.memory_space<semaphore_mem>>
      %dma_start3A = arith.constant 0 : i32
      %dma_start3A_187 = tpu.memref_slice %arg12[%add3A_142, %dma_start3A] : memref<20480x64xf32, #tpu.memory_space<vmem_shared>> -> memref<128x64xf32, #tpu.memory_space<vmem_shared>>
      %dma_start3A_188 = arith.constant 0 : i32
      %dma_start3A_189 = tpu.memref_slice %arg12[%add3A_142, %dma_start3A_188] : memref<20480x64xf32, #tpu.memory_space<vmem_shared>> -> memref<128x64xf32, #tpu.memory_space<vmem_shared>>
      tpu.enqueue_dma source(%arg11 : memref<128x64xf32, #tpu.memory_space<vmem>>) target(%dma_start3A_189 : memref<128x64xf32, #tpu.memory_space<vmem_shared>>) target_semaphore(%run_scoped3A : memref<!tpu.dma_semaphore, #tpu.memory_space<semaphore_mem>>)
      %dma_wait3A = arith.constant 0 : i32
      %dma_wait3A_190 = tpu.memref_slice %arg12[%add3A_142, %dma_wait3A] : memref<20480x64xf32, #tpu.memory_space<vmem_shared>> -> memref<128x64xf32, #tpu.memory_space<vmem_shared>>
      %dma_wait3A_191 = arith.constant 0 : i32
      %dma_wait3A_192 = tpu.memref_slice %arg12[%add3A_142, %dma_wait3A_191] : memref<20480x64xf32, #tpu.memory_space<vmem_shared>> -> memref<128x64xf32, #tpu.memory_space<vmem_shared>>
      tpu.wait_dma2 semaphore(%run_scoped3A : memref<!tpu.dma_semaphore, #tpu.memory_space<semaphore_mem>>) src(%arg11 : memref<128x64xf32, #tpu.memory_space<vmem>>) dst(%dma_wait3A_192 : memref<128x64xf32, #tpu.memory_space<vmem_shared>>)
      tpu.yield
    }) : () -> ()
    %mul3A_143 = arith.constant 640 : i32
    %mul3A_144 = arith.muli %arg1, %mul3A_143 : i32
    %add3A_145 = arith.constant 256 : i32
    %add3A_146 = arith.addi %mul3A_144, %add3A_145 : i32
    "tpu.region"() ({
      %run_scoped3A = tpu.sem_alloc : memref<!tpu.dma_semaphore, #tpu.memory_space<semaphore_mem>>
      %dma_start3A = arith.constant 0 : i32
      %dma_start3A_187 = tpu.memref_slice %arg5[%add3A_146, %dma_start3A] : memref<10240x64xf32, #tpu.memory_space<hbm>> -> memref<128x64xf32, #tpu.memory_space<hbm>>
      %dma_start3A_188 = arith.constant 0 : i32
      %dma_start3A_189 = tpu.memref_slice %arg5[%add3A_146, %dma_start3A_188] : memref<10240x64xf32, #tpu.memory_space<hbm>> -> memref<128x64xf32, #tpu.memory_space<hbm>>
      tpu.enqueue_dma source(%dma_start3A_189 : memref<128x64xf32, #tpu.memory_space<hbm>>) target(%arg11 : memref<128x64xf32, #tpu.memory_space<vmem>>) target_semaphore(%run_scoped3A : memref<!tpu.dma_semaphore, #tpu.memory_space<semaphore_mem>>)
      %dma_wait3A = arith.constant 0 : i32
      %dma_wait3A_190 = tpu.memref_slice %arg5[%add3A_146, %dma_wait3A] : memref<10240x64xf32, #tpu.memory_space<hbm>> -> memref<128x64xf32, #tpu.memory_space<hbm>>
      %dma_wait3A_191 = arith.constant 0 : i32
      %dma_wait3A_192 = tpu.memref_slice %arg5[%add3A_146, %dma_wait3A_191] : memref<10240x64xf32, #tpu.memory_space<hbm>> -> memref<128x64xf32, #tpu.memory_space<hbm>>
      tpu.wait_dma2 semaphore(%run_scoped3A : memref<!tpu.dma_semaphore, #tpu.memory_space<semaphore_mem>>) src(%dma_wait3A_192 : memref<128x64xf32, #tpu.memory_space<hbm>>) dst(%arg11 : memref<128x64xf32, #tpu.memory_space<vmem>>)
      tpu.yield
    }) : () -> ()
    %mul3A_147 = arith.constant 640 : i32
    %mul3A_148 = arith.muli %arg1, %mul3A_147 : i32
    %add3A_149 = arith.constant 10240 : i32
    %add3A_150 = arith.addi %add3A_149, %mul3A_148 : i32
    %add3A_151 = arith.constant 256 : i32
    %add3A_152 = arith.addi %add3A_150, %add3A_151 : i32
    "tpu.region"() ({
      %run_scoped3A = tpu.sem_alloc : memref<!tpu.dma_semaphore, #tpu.memory_space<semaphore_mem>>
      %dma_start3A = arith.constant 0 : i32
      %dma_start3A_187 = tpu.memref_slice %arg12[%add3A_152, %dma_start3A] : memref<20480x64xf32, #tpu.memory_space<vmem_shared>> -> memref<128x64xf32, #tpu.memory_space<vmem_shared>>
      %dma_start3A_188 = arith.constant 0 : i32
      %dma_start3A_189 = tpu.memref_slice %arg12[%add3A_152, %dma_start3A_188] : memref<20480x64xf32, #tpu.memory_space<vmem_shared>> -> memref<128x64xf32, #tpu.memory_space<vmem_shared>>
      tpu.enqueue_dma source(%arg11 : memref<128x64xf32, #tpu.memory_space<vmem>>) target(%dma_start3A_189 : memref<128x64xf32, #tpu.memory_space<vmem_shared>>) target_semaphore(%run_scoped3A : memref<!tpu.dma_semaphore, #tpu.memory_space<semaphore_mem>>)
      %dma_wait3A = arith.constant 0 : i32
      %dma_wait3A_190 = tpu.memref_slice %arg12[%add3A_152, %dma_wait3A] : memref<20480x64xf32, #tpu.memory_space<vmem_shared>> -> memref<128x64xf32, #tpu.memory_space<vmem_shared>>
      %dma_wait3A_191 = arith.constant 0 : i32
      %dma_wait3A_192 = tpu.memref_slice %arg12[%add3A_152, %dma_wait3A_191] : memref<20480x64xf32, #tpu.memory_space<vmem_shared>> -> memref<128x64xf32, #tpu.memory_space<vmem_shared>>
      tpu.wait_dma2 semaphore(%run_scoped3A : memref<!tpu.dma_semaphore, #tpu.memory_space<semaphore_mem>>) src(%arg11 : memref<128x64xf32, #tpu.memory_space<vmem>>) dst(%dma_wait3A_192 : memref<128x64xf32, #tpu.memory_space<vmem_shared>>)
      tpu.yield
    }) : () -> ()
    %mul3A_153 = arith.constant 640 : i32
    %mul3A_154 = arith.muli %arg1, %mul3A_153 : i32
    %add3A_155 = arith.constant 384 : i32
    %add3A_156 = arith.addi %mul3A_154, %add3A_155 : i32
    "tpu.region"() ({
      %run_scoped3A = tpu.sem_alloc : memref<!tpu.dma_semaphore, #tpu.memory_space<semaphore_mem>>
      %dma_start3A = arith.constant 0 : i32
      %dma_start3A_187 = tpu.memref_slice %arg5[%add3A_156, %dma_start3A] : memref<10240x64xf32, #tpu.memory_space<hbm>> -> memref<128x64xf32, #tpu.memory_space<hbm>>
      %dma_start3A_188 = arith.constant 0 : i32
      %dma_start3A_189 = tpu.memref_slice %arg5[%add3A_156, %dma_start3A_188] : memref<10240x64xf32, #tpu.memory_space<hbm>> -> memref<128x64xf32, #tpu.memory_space<hbm>>
      tpu.enqueue_dma source(%dma_start3A_189 : memref<128x64xf32, #tpu.memory_space<hbm>>) target(%arg11 : memref<128x64xf32, #tpu.memory_space<vmem>>) target_semaphore(%run_scoped3A : memref<!tpu.dma_semaphore, #tpu.memory_space<semaphore_mem>>)
      %dma_wait3A = arith.constant 0 : i32
      %dma_wait3A_190 = tpu.memref_slice %arg5[%add3A_156, %dma_wait3A] : memref<10240x64xf32, #tpu.memory_space<hbm>> -> memref<128x64xf32, #tpu.memory_space<hbm>>
      %dma_wait3A_191 = arith.constant 0 : i32
      %dma_wait3A_192 = tpu.memref_slice %arg5[%add3A_156, %dma_wait3A_191] : memref<10240x64xf32, #tpu.memory_space<hbm>> -> memref<128x64xf32, #tpu.memory_space<hbm>>
      tpu.wait_dma2 semaphore(%run_scoped3A : memref<!tpu.dma_semaphore, #tpu.memory_space<semaphore_mem>>) src(%dma_wait3A_192 : memref<128x64xf32, #tpu.memory_space<hbm>>) dst(%arg11 : memref<128x64xf32, #tpu.memory_space<vmem>>)
      tpu.yield
    }) : () -> ()
    %mul3A_157 = arith.constant 640 : i32
    %mul3A_158 = arith.muli %arg1, %mul3A_157 : i32
    %add3A_159 = arith.constant 10240 : i32
    %add3A_160 = arith.addi %add3A_159, %mul3A_158 : i32
    %add3A_161 = arith.constant 384 : i32
    %add3A_162 = arith.addi %add3A_160, %add3A_161 : i32
    "tpu.region"() ({
      %run_scoped3A = tpu.sem_alloc : memref<!tpu.dma_semaphore, #tpu.memory_space<semaphore_mem>>
      %dma_start3A = arith.constant 0 : i32
      %dma_start3A_187 = tpu.memref_slice %arg12[%add3A_162, %dma_start3A] : memref<20480x64xf32, #tpu.memory_space<vmem_shared>> -> memref<128x64xf32, #tpu.memory_space<vmem_shared>>
      %dma_start3A_188 = arith.constant 0 : i32
      %dma_start3A_189 = tpu.memref_slice %arg12[%add3A_162, %dma_start3A_188] : memref<20480x64xf32, #tpu.memory_space<vmem_shared>> -> memref<128x64xf32, #tpu.memory_space<vmem_shared>>
      tpu.enqueue_dma source(%arg11 : memref<128x64xf32, #tpu.memory_space<vmem>>) target(%dma_start3A_189 : memref<128x64xf32, #tpu.memory_space<vmem_shared>>) target_semaphore(%run_scoped3A : memref<!tpu.dma_semaphore, #tpu.memory_space<semaphore_mem>>)
      %dma_wait3A = arith.constant 0 : i32
      %dma_wait3A_190 = tpu.memref_slice %arg12[%add3A_162, %dma_wait3A] : memref<20480x64xf32, #tpu.memory_space<vmem_shared>> -> memref<128x64xf32, #tpu.memory_space<vmem_shared>>
      %dma_wait3A_191 = arith.constant 0 : i32
      %dma_wait3A_192 = tpu.memref_slice %arg12[%add3A_162, %dma_wait3A_191] : memref<20480x64xf32, #tpu.memory_space<vmem_shared>> -> memref<128x64xf32, #tpu.memory_space<vmem_shared>>
      tpu.wait_dma2 semaphore(%run_scoped3A : memref<!tpu.dma_semaphore, #tpu.memory_space<semaphore_mem>>) src(%arg11 : memref<128x64xf32, #tpu.memory_space<vmem>>) dst(%dma_wait3A_192 : memref<128x64xf32, #tpu.memory_space<vmem_shared>>)
      tpu.yield
    }) : () -> ()
    %mul3A_163 = arith.constant 640 : i32
    %mul3A_164 = arith.muli %arg1, %mul3A_163 : i32
    %add3A_165 = arith.constant 512 : i32
    %add3A_166 = arith.addi %mul3A_164, %add3A_165 : i32
    "tpu.region"() ({
      %run_scoped3A = tpu.sem_alloc : memref<!tpu.dma_semaphore, #tpu.memory_space<semaphore_mem>>
      %dma_start3A = arith.constant 0 : i32
      %dma_start3A_187 = tpu.memref_slice %arg5[%add3A_166, %dma_start3A] : memref<10240x64xf32, #tpu.memory_space<hbm>> -> memref<128x64xf32, #tpu.memory_space<hbm>>
      %dma_start3A_188 = arith.constant 0 : i32
      %dma_start3A_189 = tpu.memref_slice %arg5[%add3A_166, %dma_start3A_188] : memref<10240x64xf32, #tpu.memory_space<hbm>> -> memref<128x64xf32, #tpu.memory_space<hbm>>
      tpu.enqueue_dma source(%dma_start3A_189 : memref<128x64xf32, #tpu.memory_space<hbm>>) target(%arg11 : memref<128x64xf32, #tpu.memory_space<vmem>>) target_semaphore(%run_scoped3A : memref<!tpu.dma_semaphore, #tpu.memory_space<semaphore_mem>>)
      %dma_wait3A = arith.constant 0 : i32
      %dma_wait3A_190 = tpu.memref_slice %arg5[%add3A_166, %dma_wait3A] : memref<10240x64xf32, #tpu.memory_space<hbm>> -> memref<128x64xf32, #tpu.memory_space<hbm>>
      %dma_wait3A_191 = arith.constant 0 : i32
      %dma_wait3A_192 = tpu.memref_slice %arg5[%add3A_166, %dma_wait3A_191] : memref<10240x64xf32, #tpu.memory_space<hbm>> -> memref<128x64xf32, #tpu.memory_space<hbm>>
      tpu.wait_dma2 semaphore(%run_scoped3A : memref<!tpu.dma_semaphore, #tpu.memory_space<semaphore_mem>>) src(%dma_wait3A_192 : memref<128x64xf32, #tpu.memory_space<hbm>>) dst(%arg11 : memref<128x64xf32, #tpu.memory_space<vmem>>)
      tpu.yield
    }) : () -> ()
    %mul3A_167 = arith.constant 640 : i32
    %mul3A_168 = arith.muli %arg1, %mul3A_167 : i32
    %add3A_169 = arith.constant 10240 : i32
    %add3A_170 = arith.addi %add3A_169, %mul3A_168 : i32
    %add3A_171 = arith.constant 512 : i32
    %add3A_172 = arith.addi %add3A_170, %add3A_171 : i32
    "tpu.region"() ({
      %run_scoped3A = tpu.sem_alloc : memref<!tpu.dma_semaphore, #tpu.memory_space<semaphore_mem>>
      %dma_start3A = arith.constant 0 : i32
      %dma_start3A_187 = tpu.memref_slice %arg12[%add3A_172, %dma_start3A] : memref<20480x64xf32, #tpu.memory_space<vmem_shared>> -> memref<128x64xf32, #tpu.memory_space<vmem_shared>>
      %dma_start3A_188 = arith.constant 0 : i32
      %dma_start3A_189 = tpu.memref_slice %arg12[%add3A_172, %dma_start3A_188] : memref<20480x64xf32, #tpu.memory_space<vmem_shared>> -> memref<128x64xf32, #tpu.memory_space<vmem_shared>>
      tpu.enqueue_dma source(%arg11 : memref<128x64xf32, #tpu.memory_space<vmem>>) target(%dma_start3A_189 : memref<128x64xf32, #tpu.memory_space<vmem_shared>>) target_semaphore(%run_scoped3A : memref<!tpu.dma_semaphore, #tpu.memory_space<semaphore_mem>>)
      %dma_wait3A = arith.constant 0 : i32
      %dma_wait3A_190 = tpu.memref_slice %arg12[%add3A_172, %dma_wait3A] : memref<20480x64xf32, #tpu.memory_space<vmem_shared>> -> memref<128x64xf32, #tpu.memory_space<vmem_shared>>
      %dma_wait3A_191 = arith.constant 0 : i32
      %dma_wait3A_192 = tpu.memref_slice %arg12[%add3A_172, %dma_wait3A_191] : memref<20480x64xf32, #tpu.memory_space<vmem_shared>> -> memref<128x64xf32, #tpu.memory_space<vmem_shared>>
      tpu.wait_dma2 semaphore(%run_scoped3A : memref<!tpu.dma_semaphore, #tpu.memory_space<semaphore_mem>>) src(%arg11 : memref<128x64xf32, #tpu.memory_space<vmem>>) dst(%dma_wait3A_192 : memref<128x64xf32, #tpu.memory_space<vmem_shared>>)
      tpu.yield
    }) : () -> ()
    %barrier3A_173 = arith.constant 0 : index
    tpu.barrier barrier_id(%barrier3A_173)
    %while3A_174 = arith.constant 0 : i32
    %while3A_175 = arith.constant 0 : i32
    %while3A_176 = arith.subi %select_n3A, %while3A_175 : i32
    %while3A_177 = arith.addi %while3A_175, %while3A_176 : i32
    %while3A_178 = arith.constant 1 : i32
    %while3A_179 = arith.divsi %while3A_176, %while3A_178 : i32
    %while3A_180 = arith.muli %while3A_179, %while3A_178 : i32
    %while3A_181 = arith.addi %while3A_175, %while3A_180 : i32
    %while3A_182 = arith.constant 1 : i32
    scf.for %while3A_187 = %while3A_175 to %while3A_181 step %while3A_182  : i32 {
      %mul3A_188 = arith.constant 16 : i32
      %mul3A_189 = arith.muli %while3A_187, %mul3A_188 : i32
      %add3A_190 = arith.addi %mul3A_8, %mul3A_189 : i32
      "tpu.region"() ({
        %run_scoped3A_412 = tpu.sem_alloc : memref<!tpu.dma_semaphore, #tpu.memory_space<semaphore_mem>>
        %dma_start3A_413 = arith.constant 0 : i32
        %dma_start3A_414 = tpu.memref_slice %arg2[%add3A_190, %dma_start3A_413] : memref<2560x128xi32, #tpu.memory_space<hbm>> -> memref<16x128xi32, #tpu.memory_space<hbm>>
        %dma_start3A_415 = arith.constant 0 : i32
        %dma_start3A_416 = tpu.memref_slice %arg2[%add3A_190, %dma_start3A_415] : memref<2560x128xi32, #tpu.memory_space<hbm>> -> memref<16x128xi32, #tpu.memory_space<hbm>>
        tpu.enqueue_dma source(%dma_start3A_416 : memref<16x128xi32, #tpu.memory_space<hbm>>) target(%arg8 : memref<16x128xi32, #tpu.memory_space<vmem>>) target_semaphore(%run_scoped3A_412 : memref<!tpu.dma_semaphore, #tpu.memory_space<semaphore_mem>>)
        %dma_wait3A_417 = arith.constant 0 : i32
        %dma_wait3A_418 = tpu.memref_slice %arg2[%add3A_190, %dma_wait3A_417] : memref<2560x128xi32, #tpu.memory_space<hbm>> -> memref<16x128xi32, #tpu.memory_space<hbm>>
        %dma_wait3A_419 = arith.constant 0 : i32
        %dma_wait3A_420 = tpu.memref_slice %arg2[%add3A_190, %dma_wait3A_419] : memref<2560x128xi32, #tpu.memory_space<hbm>> -> memref<16x128xi32, #tpu.memory_space<hbm>>
        tpu.wait_dma2 semaphore(%run_scoped3A_412 : memref<!tpu.dma_semaphore, #tpu.memory_space<semaphore_mem>>) src(%dma_wait3A_420 : memref<16x128xi32, #tpu.memory_space<hbm>>) dst(%arg8 : memref<16x128xi32, #tpu.memory_space<vmem>>)
        tpu.yield
      }) : () -> ()
      "tpu.region"() ({
        %run_scoped3A_412 = tpu.sem_alloc : memref<!tpu.dma_semaphore, #tpu.memory_space<semaphore_mem>>
        %dma_start3A_413 = arith.constant 0 : i32
        %dma_start3A_414 = tpu.memref_slice %arg3[%add3A_190, %dma_start3A_413] : memref<2560x128xi32, #tpu.memory_space<hbm>> -> memref<16x128xi32, #tpu.memory_space<hbm>>
        %dma_start3A_415 = arith.constant 0 : i32
        %dma_start3A_416 = tpu.memref_slice %arg3[%add3A_190, %dma_start3A_415] : memref<2560x128xi32, #tpu.memory_space<hbm>> -> memref<16x128xi32, #tpu.memory_space<hbm>>
        tpu.enqueue_dma source(%dma_start3A_416 : memref<16x128xi32, #tpu.memory_space<hbm>>) target(%arg9 : memref<16x128xi32, #tpu.memory_space<vmem>>) target_semaphore(%run_scoped3A_412 : memref<!tpu.dma_semaphore, #tpu.memory_space<semaphore_mem>>)
        %dma_wait3A_417 = arith.constant 0 : i32
        %dma_wait3A_418 = tpu.memref_slice %arg3[%add3A_190, %dma_wait3A_417] : memref<2560x128xi32, #tpu.memory_space<hbm>> -> memref<16x128xi32, #tpu.memory_space<hbm>>
        %dma_wait3A_419 = arith.constant 0 : i32
        %dma_wait3A_420 = tpu.memref_slice %arg3[%add3A_190, %dma_wait3A_419] : memref<2560x128xi32, #tpu.memory_space<hbm>> -> memref<16x128xi32, #tpu.memory_space<hbm>>
        tpu.wait_dma2 semaphore(%run_scoped3A_412 : memref<!tpu.dma_semaphore, #tpu.memory_space<semaphore_mem>>) src(%dma_wait3A_420 : memref<16x128xi32, #tpu.memory_space<hbm>>) dst(%arg9 : memref<16x128xi32, #tpu.memory_space<vmem>>)
        tpu.yield
      }) : () -> ()
      %dma_start3A = arith.constant 0 : i32
      %dma_start3A_191 = arith.constant 0 : i32
      %dma_start3A_192 = tpu.memref_slice %arg8[%dma_start3A, %dma_start3A_191] : memref<16x128xi32, #tpu.memory_space<vmem>> -> memref<1x128xi32, #tpu.memory_space<vmem>>
      %dma_start3A_193 = tpu.memref_squeeze %dma_start3A_192 : memref<1x128xi32, #tpu.memory_space<vmem>> -> memref<128xi32, #tpu.memory_space<vmem>>
      %dma_start3A_194 = arith.constant 0 : i32
      %dma_start3A_195 = arith.constant 0 : i32
      %dma_start3A_196 = tpu.memref_slice %arg12[%dma_start3A_194, %dma_start3A_195] : memref<20480x64xf32, #tpu.memory_space<vmem_shared>> -> memref<20480x64xf32, #tpu.memory_space<vmem_shared>>
      tpu.enqueue_indirect_dma source(%dma_start3A_196 : memref<20480x64xf32, #tpu.memory_space<vmem_shared>>) target(%arg10 : memref<128x64xf32, #tpu.memory_space<vmem>>) offsets(%dma_start3A_193 : memref<128xi32, #tpu.memory_space<vmem>>) semaphore(%arg13 : memref<!tpu.dma_semaphore, #tpu.memory_space<semaphore_mem>>)
      %dma_start3A_197 = arith.constant 1 : i32
      %dma_start3A_198 = arith.constant 0 : i32
      %dma_start3A_199 = tpu.memref_slice %arg8[%dma_start3A_197, %dma_start3A_198] : memref<16x128xi32, #tpu.memory_space<vmem>> -> memref<1x128xi32, #tpu.memory_space<vmem>>
      %dma_start3A_200 = tpu.memref_squeeze %dma_start3A_199 : memref<1x128xi32, #tpu.memory_space<vmem>> -> memref<128xi32, #tpu.memory_space<vmem>>
      %dma_start3A_201 = arith.constant 0 : i32
      %dma_start3A_202 = arith.constant 0 : i32
      %dma_start3A_203 = tpu.memref_slice %arg12[%dma_start3A_201, %dma_start3A_202] : memref<20480x64xf32, #tpu.memory_space<vmem_shared>> -> memref<20480x64xf32, #tpu.memory_space<vmem_shared>>
      tpu.enqueue_indirect_dma source(%dma_start3A_203 : memref<20480x64xf32, #tpu.memory_space<vmem_shared>>) target(%arg11 : memref<128x64xf32, #tpu.memory_space<vmem>>) offsets(%dma_start3A_200 : memref<128xi32, #tpu.memory_space<vmem>>) semaphore(%arg14 : memref<!tpu.dma_semaphore, #tpu.memory_space<semaphore_mem>>)
      %dma_wait3A = arith.constant 0 : i32
      %dma_wait3A_204 = arith.constant 0 : i32
      %dma_wait3A_205 = tpu.memref_slice %arg12[%dma_wait3A, %dma_wait3A_204] : memref<20480x64xf32, #tpu.memory_space<vmem_shared>> -> memref<128x64xf32, #tpu.memory_space<vmem_shared>>
      %dma_wait3A_206 = arith.constant 0 : i32
      %dma_wait3A_207 = arith.constant 0 : i32
      %dma_wait3A_208 = tpu.memref_slice %arg12[%dma_wait3A_206, %dma_wait3A_207] : memref<20480x64xf32, #tpu.memory_space<vmem_shared>> -> memref<128x64xf32, #tpu.memory_space<vmem_shared>>
      tpu.wait_dma2 semaphore(%arg13 : memref<!tpu.dma_semaphore, #tpu.memory_space<semaphore_mem>>) src(%dma_wait3A_208 : memref<128x64xf32, #tpu.memory_space<vmem_shared>>) dst(%arg10 : memref<128x64xf32, #tpu.memory_space<vmem>>)
      %run_scoped3A = arith.constant 0 : i32
      "tpu.region"() ({
        %run_scoped3A_412 = tpu.sem_alloc : memref<!tpu.dma_semaphore, #tpu.memory_space<semaphore_mem>>
        %dma_start3A_413 = arith.constant 0 : i32
        %dma_start3A_414 = tpu.memref_slice %arg9[%run_scoped3A, %dma_start3A_413] : memref<16x128xi32, #tpu.memory_space<vmem>> -> memref<1x128xi32, #tpu.memory_space<vmem>>
        %dma_start3A_415 = tpu.memref_squeeze %dma_start3A_414 : memref<1x128xi32, #tpu.memory_space<vmem>> -> memref<128xi32, #tpu.memory_space<vmem>>
        %dma_start3A_416 = arith.constant 0 : i32
        %dma_start3A_417 = arith.constant 0 : i32
        %dma_start3A_418 = tpu.memref_slice %arg12[%dma_start3A_416, %dma_start3A_417] : memref<20480x64xf32, #tpu.memory_space<vmem_shared>> -> memref<20480x64xf32, #tpu.memory_space<vmem_shared>>
        tpu.enqueue_indirect_dma source(%arg10 : memref<128x64xf32, #tpu.memory_space<vmem>>) target(%dma_start3A_418 : memref<20480x64xf32, #tpu.memory_space<vmem_shared>>) offsets(%dma_start3A_415 : memref<128xi32, #tpu.memory_space<vmem>>) semaphore(%run_scoped3A_412 : memref<!tpu.dma_semaphore, #tpu.memory_space<semaphore_mem>>) {add = true}
        %dma_wait3A_419 = arith.constant 0 : i32
        %dma_wait3A_420 = tpu.memref_slice %arg9[%run_scoped3A, %dma_wait3A_419] : memref<16x128xi32, #tpu.memory_space<vmem>> -> memref<1x128xi32, #tpu.memory_space<vmem>>
        %dma_wait3A_421 = tpu.memref_squeeze %dma_wait3A_420 : memref<1x128xi32, #tpu.memory_space<vmem>> -> memref<128xi32, #tpu.memory_space<vmem>>
        %dma_wait3A_422 = arith.constant 0 : i32
        %dma_wait3A_423 = arith.constant 0 : i32
        %dma_wait3A_424 = tpu.memref_slice %arg12[%dma_wait3A_422, %dma_wait3A_423] : memref<20480x64xf32, #tpu.memory_space<vmem_shared>> -> memref<20480x64xf32, #tpu.memory_space<vmem_shared>>
        tpu.wait_indirect_dma semaphore(%run_scoped3A_412 : memref<!tpu.dma_semaphore, #tpu.memory_space<semaphore_mem>>) src(%arg10 : memref<128x64xf32, #tpu.memory_space<vmem>>) dst(%dma_wait3A_424 : memref<20480x64xf32, #tpu.memory_space<vmem_shared>>)
        tpu.yield
      }) : () -> ()
      %dma_start3A_209 = arith.constant 2 : i32
      %dma_start3A_210 = arith.constant 0 : i32
      %dma_start3A_211 = tpu.memref_slice %arg8[%dma_start3A_209, %dma_start3A_210] : memref<16x128xi32, #tpu.memory_space<vmem>> -> memref<1x128xi32, #tpu.memory_space<vmem>>
      %dma_start3A_212 = tpu.memref_squeeze %dma_start3A_211 : memref<1x128xi32, #tpu.memory_space<vmem>> -> memref<128xi32, #tpu.memory_space<vmem>>
      %dma_start3A_213 = arith.constant 0 : i32
      %dma_start3A_214 = arith.constant 0 : i32
      %dma_start3A_215 = tpu.memref_slice %arg12[%dma_start3A_213, %dma_start3A_214] : memref<20480x64xf32, #tpu.memory_space<vmem_shared>> -> memref<20480x64xf32, #tpu.memory_space<vmem_shared>>
      tpu.enqueue_indirect_dma source(%dma_start3A_215 : memref<20480x64xf32, #tpu.memory_space<vmem_shared>>) target(%arg10 : memref<128x64xf32, #tpu.memory_space<vmem>>) offsets(%dma_start3A_212 : memref<128xi32, #tpu.memory_space<vmem>>) semaphore(%arg13 : memref<!tpu.dma_semaphore, #tpu.memory_space<semaphore_mem>>)
      %dma_wait3A_216 = arith.constant 0 : i32
      %dma_wait3A_217 = arith.constant 0 : i32
      %dma_wait3A_218 = tpu.memref_slice %arg12[%dma_wait3A_216, %dma_wait3A_217] : memref<20480x64xf32, #tpu.memory_space<vmem_shared>> -> memref<128x64xf32, #tpu.memory_space<vmem_shared>>
      %dma_wait3A_219 = arith.constant 0 : i32
      %dma_wait3A_220 = arith.constant 0 : i32
      %dma_wait3A_221 = tpu.memref_slice %arg12[%dma_wait3A_219, %dma_wait3A_220] : memref<20480x64xf32, #tpu.memory_space<vmem_shared>> -> memref<128x64xf32, #tpu.memory_space<vmem_shared>>
      tpu.wait_dma2 semaphore(%arg14 : memref<!tpu.dma_semaphore, #tpu.memory_space<semaphore_mem>>) src(%dma_wait3A_221 : memref<128x64xf32, #tpu.memory_space<vmem_shared>>) dst(%arg11 : memref<128x64xf32, #tpu.memory_space<vmem>>)
      %run_scoped3A_222 = arith.constant 1 : i32
      "tpu.region"() ({
        %run_scoped3A_412 = tpu.sem_alloc : memref<!tpu.dma_semaphore, #tpu.memory_space<semaphore_mem>>
        %dma_start3A_413 = arith.constant 0 : i32
        %dma_start3A_414 = tpu.memref_slice %arg9[%run_scoped3A_222, %dma_start3A_413] : memref<16x128xi32, #tpu.memory_space<vmem>> -> memref<1x128xi32, #tpu.memory_space<vmem>>
        %dma_start3A_415 = tpu.memref_squeeze %dma_start3A_414 : memref<1x128xi32, #tpu.memory_space<vmem>> -> memref<128xi32, #tpu.memory_space<vmem>>
        %dma_start3A_416 = arith.constant 0 : i32
        %dma_start3A_417 = arith.constant 0 : i32
        %dma_start3A_418 = tpu.memref_slice %arg12[%dma_start3A_416, %dma_start3A_417] : memref<20480x64xf32, #tpu.memory_space<vmem_shared>> -> memref<20480x64xf32, #tpu.memory_space<vmem_shared>>
        tpu.enqueue_indirect_dma source(%arg11 : memref<128x64xf32, #tpu.memory_space<vmem>>) target(%dma_start3A_418 : memref<20480x64xf32, #tpu.memory_space<vmem_shared>>) offsets(%dma_start3A_415 : memref<128xi32, #tpu.memory_space<vmem>>) semaphore(%run_scoped3A_412 : memref<!tpu.dma_semaphore, #tpu.memory_space<semaphore_mem>>) {add = true}
        %dma_wait3A_419 = arith.constant 0 : i32
        %dma_wait3A_420 = tpu.memref_slice %arg9[%run_scoped3A_222, %dma_wait3A_419] : memref<16x128xi32, #tpu.memory_space<vmem>> -> memref<1x128xi32, #tpu.memory_space<vmem>>
        %dma_wait3A_421 = tpu.memref_squeeze %dma_wait3A_420 : memref<1x128xi32, #tpu.memory_space<vmem>> -> memref<128xi32, #tpu.memory_space<vmem>>
        %dma_wait3A_422 = arith.constant 0 : i32
        %dma_wait3A_423 = arith.constant 0 : i32
        %dma_wait3A_424 = tpu.memref_slice %arg12[%dma_wait3A_422, %dma_wait3A_423] : memref<20480x64xf32, #tpu.memory_space<vmem_shared>> -> memref<20480x64xf32, #tpu.memory_space<vmem_shared>>
        tpu.wait_indirect_dma semaphore(%run_scoped3A_412 : memref<!tpu.dma_semaphore, #tpu.memory_space<semaphore_mem>>) src(%arg11 : memref<128x64xf32, #tpu.memory_space<vmem>>) dst(%dma_wait3A_424 : memref<20480x64xf32, #tpu.memory_space<vmem_shared>>)
        tpu.yield
      }) : () -> ()
      %dma_start3A_223 = arith.constant 3 : i32
      %dma_start3A_224 = arith.constant 0 : i32
      %dma_start3A_225 = tpu.memref_slice %arg8[%dma_start3A_223, %dma_start3A_224] : memref<16x128xi32, #tpu.memory_space<vmem>> -> memref<1x128xi32, #tpu.memory_space<vmem>>
      %dma_start3A_226 = tpu.memref_squeeze %dma_start3A_225 : memref<1x128xi32, #tpu.memory_space<vmem>> -> memref<128xi32, #tpu.memory_space<vmem>>
      %dma_start3A_227 = arith.constant 0 : i32
      %dma_start3A_228 = arith.constant 0 : i32
      %dma_start3A_229 = tpu.memref_slice %arg12[%dma_start3A_227, %dma_start3A_228] : memref<20480x64xf32, #tpu.memory_space<vmem_shared>> -> memref<20480x64xf32, #tpu.memory_space<vmem_shared>>
      tpu.enqueue_indirect_dma source(%dma_start3A_229 : memref<20480x64xf32, #tpu.memory_space<vmem_shared>>) target(%arg11 : memref<128x64xf32, #tpu.memory_space<vmem>>) offsets(%dma_start3A_226 : memref<128xi32, #tpu.memory_space<vmem>>) semaphore(%arg14 : memref<!tpu.dma_semaphore, #tpu.memory_space<semaphore_mem>>)
      %dma_wait3A_230 = arith.constant 0 : i32
      %dma_wait3A_231 = arith.constant 0 : i32
      %dma_wait3A_232 = tpu.memref_slice %arg12[%dma_wait3A_230, %dma_wait3A_231] : memref<20480x64xf32, #tpu.memory_space<vmem_shared>> -> memref<128x64xf32, #tpu.memory_space<vmem_shared>>
      %dma_wait3A_233 = arith.constant 0 : i32
      %dma_wait3A_234 = arith.constant 0 : i32
      %dma_wait3A_235 = tpu.memref_slice %arg12[%dma_wait3A_233, %dma_wait3A_234] : memref<20480x64xf32, #tpu.memory_space<vmem_shared>> -> memref<128x64xf32, #tpu.memory_space<vmem_shared>>
      tpu.wait_dma2 semaphore(%arg13 : memref<!tpu.dma_semaphore, #tpu.memory_space<semaphore_mem>>) src(%dma_wait3A_235 : memref<128x64xf32, #tpu.memory_space<vmem_shared>>) dst(%arg10 : memref<128x64xf32, #tpu.memory_space<vmem>>)
      %run_scoped3A_236 = arith.constant 2 : i32
      "tpu.region"() ({
        %run_scoped3A_412 = tpu.sem_alloc : memref<!tpu.dma_semaphore, #tpu.memory_space<semaphore_mem>>
        %dma_start3A_413 = arith.constant 0 : i32
        %dma_start3A_414 = tpu.memref_slice %arg9[%run_scoped3A_236, %dma_start3A_413] : memref<16x128xi32, #tpu.memory_space<vmem>> -> memref<1x128xi32, #tpu.memory_space<vmem>>
        %dma_start3A_415 = tpu.memref_squeeze %dma_start3A_414 : memref<1x128xi32, #tpu.memory_space<vmem>> -> memref<128xi32, #tpu.memory_space<vmem>>
        %dma_start3A_416 = arith.constant 0 : i32
        %dma_start3A_417 = arith.constant 0 : i32
        %dma_start3A_418 = tpu.memref_slice %arg12[%dma_start3A_416, %dma_start3A_417] : memref<20480x64xf32, #tpu.memory_space<vmem_shared>> -> memref<20480x64xf32, #tpu.memory_space<vmem_shared>>
        tpu.enqueue_indirect_dma source(%arg10 : memref<128x64xf32, #tpu.memory_space<vmem>>) target(%dma_start3A_418 : memref<20480x64xf32, #tpu.memory_space<vmem_shared>>) offsets(%dma_start3A_415 : memref<128xi32, #tpu.memory_space<vmem>>) semaphore(%run_scoped3A_412 : memref<!tpu.dma_semaphore, #tpu.memory_space<semaphore_mem>>) {add = true}
        %dma_wait3A_419 = arith.constant 0 : i32
        %dma_wait3A_420 = tpu.memref_slice %arg9[%run_scoped3A_236, %dma_wait3A_419] : memref<16x128xi32, #tpu.memory_space<vmem>> -> memref<1x128xi32, #tpu.memory_space<vmem>>
        %dma_wait3A_421 = tpu.memref_squeeze %dma_wait3A_420 : memref<1x128xi32, #tpu.memory_space<vmem>> -> memref<128xi32, #tpu.memory_space<vmem>>
        %dma_wait3A_422 = arith.constant 0 : i32
        %dma_wait3A_423 = arith.constant 0 : i32
        %dma_wait3A_424 = tpu.memref_slice %arg12[%dma_wait3A_422, %dma_wait3A_423] : memref<20480x64xf32, #tpu.memory_space<vmem_shared>> -> memref<20480x64xf32, #tpu.memory_space<vmem_shared>>
        tpu.wait_indirect_dma semaphore(%run_scoped3A_412 : memref<!tpu.dma_semaphore, #tpu.memory_space<semaphore_mem>>) src(%arg10 : memref<128x64xf32, #tpu.memory_space<vmem>>) dst(%dma_wait3A_424 : memref<20480x64xf32, #tpu.memory_space<vmem_shared>>)
        tpu.yield
      }) : () -> ()
      %dma_start3A_237 = arith.constant 4 : i32
      %dma_start3A_238 = arith.constant 0 : i32
      %dma_start3A_239 = tpu.memref_slice %arg8[%dma_start3A_237, %dma_start3A_238] : memref<16x128xi32, #tpu.memory_space<vmem>> -> memref<1x128xi32, #tpu.memory_space<vmem>>
      %dma_start3A_240 = tpu.memref_squeeze %dma_start3A_239 : memref<1x128xi32, #tpu.memory_space<vmem>> -> memref<128xi32, #tpu.memory_space<vmem>>
      %dma_start3A_241 = arith.constant 0 : i32
      %dma_start3A_242 = arith.constant 0 : i32
      %dma_start3A_243 = tpu.memref_slice %arg12[%dma_start3A_241, %dma_start3A_242] : memref<20480x64xf32, #tpu.memory_space<vmem_shared>> -> memref<20480x64xf32, #tpu.memory_space<vmem_shared>>
      tpu.enqueue_indirect_dma source(%dma_start3A_243 : memref<20480x64xf32, #tpu.memory_space<vmem_shared>>) target(%arg10 : memref<128x64xf32, #tpu.memory_space<vmem>>) offsets(%dma_start3A_240 : memref<128xi32, #tpu.memory_space<vmem>>) semaphore(%arg13 : memref<!tpu.dma_semaphore, #tpu.memory_space<semaphore_mem>>)
      %dma_wait3A_244 = arith.constant 0 : i32
      %dma_wait3A_245 = arith.constant 0 : i32
      %dma_wait3A_246 = tpu.memref_slice %arg12[%dma_wait3A_244, %dma_wait3A_245] : memref<20480x64xf32, #tpu.memory_space<vmem_shared>> -> memref<128x64xf32, #tpu.memory_space<vmem_shared>>
      %dma_wait3A_247 = arith.constant 0 : i32
      %dma_wait3A_248 = arith.constant 0 : i32
      %dma_wait3A_249 = tpu.memref_slice %arg12[%dma_wait3A_247, %dma_wait3A_248] : memref<20480x64xf32, #tpu.memory_space<vmem_shared>> -> memref<128x64xf32, #tpu.memory_space<vmem_shared>>
      tpu.wait_dma2 semaphore(%arg14 : memref<!tpu.dma_semaphore, #tpu.memory_space<semaphore_mem>>) src(%dma_wait3A_249 : memref<128x64xf32, #tpu.memory_space<vmem_shared>>) dst(%arg11 : memref<128x64xf32, #tpu.memory_space<vmem>>)
      %run_scoped3A_250 = arith.constant 3 : i32
      "tpu.region"() ({
        %run_scoped3A_412 = tpu.sem_alloc : memref<!tpu.dma_semaphore, #tpu.memory_space<semaphore_mem>>
        %dma_start3A_413 = arith.constant 0 : i32
        %dma_start3A_414 = tpu.memref_slice %arg9[%run_scoped3A_250, %dma_start3A_413] : memref<16x128xi32, #tpu.memory_space<vmem>> -> memref<1x128xi32, #tpu.memory_space<vmem>>
        %dma_start3A_415 = tpu.memref_squeeze %dma_start3A_414 : memref<1x128xi32, #tpu.memory_space<vmem>> -> memref<128xi32, #tpu.memory_space<vmem>>
        %dma_start3A_416 = arith.constant 0 : i32
        %dma_start3A_417 = arith.constant 0 : i32
        %dma_start3A_418 = tpu.memref_slice %arg12[%dma_start3A_416, %dma_start3A_417] : memref<20480x64xf32, #tpu.memory_space<vmem_shared>> -> memref<20480x64xf32, #tpu.memory_space<vmem_shared>>
        tpu.enqueue_indirect_dma source(%arg11 : memref<128x64xf32, #tpu.memory_space<vmem>>) target(%dma_start3A_418 : memref<20480x64xf32, #tpu.memory_space<vmem_shared>>) offsets(%dma_start3A_415 : memref<128xi32, #tpu.memory_space<vmem>>) semaphore(%run_scoped3A_412 : memref<!tpu.dma_semaphore, #tpu.memory_space<semaphore_mem>>) {add = true}
        %dma_wait3A_419 = arith.constant 0 : i32
        %dma_wait3A_420 = tpu.memref_slice %arg9[%run_scoped3A_250, %dma_wait3A_419] : memref<16x128xi32, #tpu.memory_space<vmem>> -> memref<1x128xi32, #tpu.memory_space<vmem>>
        %dma_wait3A_421 = tpu.memref_squeeze %dma_wait3A_420 : memref<1x128xi32, #tpu.memory_space<vmem>> -> memref<128xi32, #tpu.memory_space<vmem>>
        %dma_wait3A_422 = arith.constant 0 : i32
        %dma_wait3A_423 = arith.constant 0 : i32
        %dma_wait3A_424 = tpu.memref_slice %arg12[%dma_wait3A_422, %dma_wait3A_423] : memref<20480x64xf32, #tpu.memory_space<vmem_shared>> -> memref<20480x64xf32, #tpu.memory_space<vmem_shared>>
        tpu.wait_indirect_dma semaphore(%run_scoped3A_412 : memref<!tpu.dma_semaphore, #tpu.memory_space<semaphore_mem>>) src(%arg11 : memref<128x64xf32, #tpu.memory_space<vmem>>) dst(%dma_wait3A_424 : memref<20480x64xf32, #tpu.memory_space<vmem_shared>>)
        tpu.yield
      }) : () -> ()
      %dma_start3A_251 = arith.constant 5 : i32
      %dma_start3A_252 = arith.constant 0 : i32
      %dma_start3A_253 = tpu.memref_slice %arg8[%dma_start3A_251, %dma_start3A_252] : memref<16x128xi32, #tpu.memory_space<vmem>> -> memref<1x128xi32, #tpu.memory_space<vmem>>
      %dma_start3A_254 = tpu.memref_squeeze %dma_start3A_253 : memref<1x128xi32, #tpu.memory_space<vmem>> -> memref<128xi32, #tpu.memory_space<vmem>>
      %dma_start3A_255 = arith.constant 0 : i32
      %dma_start3A_256 = arith.constant 0 : i32
      %dma_start3A_257 = tpu.memref_slice %arg12[%dma_start3A_255, %dma_start3A_256] : memref<20480x64xf32, #tpu.memory_space<vmem_shared>> -> memref<20480x64xf32, #tpu.memory_space<vmem_shared>>
      tpu.enqueue_indirect_dma source(%dma_start3A_257 : memref<20480x64xf32, #tpu.memory_space<vmem_shared>>) target(%arg11 : memref<128x64xf32, #tpu.memory_space<vmem>>) offsets(%dma_start3A_254 : memref<128xi32, #tpu.memory_space<vmem>>) semaphore(%arg14 : memref<!tpu.dma_semaphore, #tpu.memory_space<semaphore_mem>>)
      %dma_wait3A_258 = arith.constant 0 : i32
      %dma_wait3A_259 = arith.constant 0 : i32
      %dma_wait3A_260 = tpu.memref_slice %arg12[%dma_wait3A_258, %dma_wait3A_259] : memref<20480x64xf32, #tpu.memory_space<vmem_shared>> -> memref<128x64xf32, #tpu.memory_space<vmem_shared>>
      %dma_wait3A_261 = arith.constant 0 : i32
      %dma_wait3A_262 = arith.constant 0 : i32
      %dma_wait3A_263 = tpu.memref_slice %arg12[%dma_wait3A_261, %dma_wait3A_262] : memref<20480x64xf32, #tpu.memory_space<vmem_shared>> -> memref<128x64xf32, #tpu.memory_space<vmem_shared>>
      tpu.wait_dma2 semaphore(%arg13 : memref<!tpu.dma_semaphore, #tpu.memory_space<semaphore_mem>>) src(%dma_wait3A_263 : memref<128x64xf32, #tpu.memory_space<vmem_shared>>) dst(%arg10 : memref<128x64xf32, #tpu.memory_space<vmem>>)
      %run_scoped3A_264 = arith.constant 4 : i32
      "tpu.region"() ({
        %run_scoped3A_412 = tpu.sem_alloc : memref<!tpu.dma_semaphore, #tpu.memory_space<semaphore_mem>>
        %dma_start3A_413 = arith.constant 0 : i32
        %dma_start3A_414 = tpu.memref_slice %arg9[%run_scoped3A_264, %dma_start3A_413] : memref<16x128xi32, #tpu.memory_space<vmem>> -> memref<1x128xi32, #tpu.memory_space<vmem>>
        %dma_start3A_415 = tpu.memref_squeeze %dma_start3A_414 : memref<1x128xi32, #tpu.memory_space<vmem>> -> memref<128xi32, #tpu.memory_space<vmem>>
        %dma_start3A_416 = arith.constant 0 : i32
        %dma_start3A_417 = arith.constant 0 : i32
        %dma_start3A_418 = tpu.memref_slice %arg12[%dma_start3A_416, %dma_start3A_417] : memref<20480x64xf32, #tpu.memory_space<vmem_shared>> -> memref<20480x64xf32, #tpu.memory_space<vmem_shared>>
        tpu.enqueue_indirect_dma source(%arg10 : memref<128x64xf32, #tpu.memory_space<vmem>>) target(%dma_start3A_418 : memref<20480x64xf32, #tpu.memory_space<vmem_shared>>) offsets(%dma_start3A_415 : memref<128xi32, #tpu.memory_space<vmem>>) semaphore(%run_scoped3A_412 : memref<!tpu.dma_semaphore, #tpu.memory_space<semaphore_mem>>) {add = true}
        %dma_wait3A_419 = arith.constant 0 : i32
        %dma_wait3A_420 = tpu.memref_slice %arg9[%run_scoped3A_264, %dma_wait3A_419] : memref<16x128xi32, #tpu.memory_space<vmem>> -> memref<1x128xi32, #tpu.memory_space<vmem>>
        %dma_wait3A_421 = tpu.memref_squeeze %dma_wait3A_420 : memref<1x128xi32, #tpu.memory_space<vmem>> -> memref<128xi32, #tpu.memory_space<vmem>>
        %dma_wait3A_422 = arith.constant 0 : i32
        %dma_wait3A_423 = arith.constant 0 : i32
        %dma_wait3A_424 = tpu.memref_slice %arg12[%dma_wait3A_422, %dma_wait3A_423] : memref<20480x64xf32, #tpu.memory_space<vmem_shared>> -> memref<20480x64xf32, #tpu.memory_space<vmem_shared>>
        tpu.wait_indirect_dma semaphore(%run_scoped3A_412 : memref<!tpu.dma_semaphore, #tpu.memory_space<semaphore_mem>>) src(%arg10 : memref<128x64xf32, #tpu.memory_space<vmem>>) dst(%dma_wait3A_424 : memref<20480x64xf32, #tpu.memory_space<vmem_shared>>)
        tpu.yield
      }) : () -> ()
      %dma_start3A_265 = arith.constant 6 : i32
      %dma_start3A_266 = arith.constant 0 : i32
      %dma_start3A_267 = tpu.memref_slice %arg8[%dma_start3A_265, %dma_start3A_266] : memref<16x128xi32, #tpu.memory_space<vmem>> -> memref<1x128xi32, #tpu.memory_space<vmem>>
      %dma_start3A_268 = tpu.memref_squeeze %dma_start3A_267 : memref<1x128xi32, #tpu.memory_space<vmem>> -> memref<128xi32, #tpu.memory_space<vmem>>
      %dma_start3A_269 = arith.constant 0 : i32
      %dma_start3A_270 = arith.constant 0 : i32
      %dma_start3A_271 = tpu.memref_slice %arg12[%dma_start3A_269, %dma_start3A_270] : memref<20480x64xf32, #tpu.memory_space<vmem_shared>> -> memref<20480x64xf32, #tpu.memory_space<vmem_shared>>
      tpu.enqueue_indirect_dma source(%dma_start3A_271 : memref<20480x64xf32, #tpu.memory_space<vmem_shared>>) target(%arg10 : memref<128x64xf32, #tpu.memory_space<vmem>>) offsets(%dma_start3A_268 : memref<128xi32, #tpu.memory_space<vmem>>) semaphore(%arg13 : memref<!tpu.dma_semaphore, #tpu.memory_space<semaphore_mem>>)
      %dma_wait3A_272 = arith.constant 0 : i32
      %dma_wait3A_273 = arith.constant 0 : i32
      %dma_wait3A_274 = tpu.memref_slice %arg12[%dma_wait3A_272, %dma_wait3A_273] : memref<20480x64xf32, #tpu.memory_space<vmem_shared>> -> memref<128x64xf32, #tpu.memory_space<vmem_shared>>
      %dma_wait3A_275 = arith.constant 0 : i32
      %dma_wait3A_276 = arith.constant 0 : i32
      %dma_wait3A_277 = tpu.memref_slice %arg12[%dma_wait3A_275, %dma_wait3A_276] : memref<20480x64xf32, #tpu.memory_space<vmem_shared>> -> memref<128x64xf32, #tpu.memory_space<vmem_shared>>
      tpu.wait_dma2 semaphore(%arg14 : memref<!tpu.dma_semaphore, #tpu.memory_space<semaphore_mem>>) src(%dma_wait3A_277 : memref<128x64xf32, #tpu.memory_space<vmem_shared>>) dst(%arg11 : memref<128x64xf32, #tpu.memory_space<vmem>>)
      %run_scoped3A_278 = arith.constant 5 : i32
      "tpu.region"() ({
        %run_scoped3A_412 = tpu.sem_alloc : memref<!tpu.dma_semaphore, #tpu.memory_space<semaphore_mem>>
        %dma_start3A_413 = arith.constant 0 : i32
        %dma_start3A_414 = tpu.memref_slice %arg9[%run_scoped3A_278, %dma_start3A_413] : memref<16x128xi32, #tpu.memory_space<vmem>> -> memref<1x128xi32, #tpu.memory_space<vmem>>
        %dma_start3A_415 = tpu.memref_squeeze %dma_start3A_414 : memref<1x128xi32, #tpu.memory_space<vmem>> -> memref<128xi32, #tpu.memory_space<vmem>>
        %dma_start3A_416 = arith.constant 0 : i32
        %dma_start3A_417 = arith.constant 0 : i32
        %dma_start3A_418 = tpu.memref_slice %arg12[%dma_start3A_416, %dma_start3A_417] : memref<20480x64xf32, #tpu.memory_space<vmem_shared>> -> memref<20480x64xf32, #tpu.memory_space<vmem_shared>>
        tpu.enqueue_indirect_dma source(%arg11 : memref<128x64xf32, #tpu.memory_space<vmem>>) target(%dma_start3A_418 : memref<20480x64xf32, #tpu.memory_space<vmem_shared>>) offsets(%dma_start3A_415 : memref<128xi32, #tpu.memory_space<vmem>>) semaphore(%run_scoped3A_412 : memref<!tpu.dma_semaphore, #tpu.memory_space<semaphore_mem>>) {add = true}
        %dma_wait3A_419 = arith.constant 0 : i32
        %dma_wait3A_420 = tpu.memref_slice %arg9[%run_scoped3A_278, %dma_wait3A_419] : memref<16x128xi32, #tpu.memory_space<vmem>> -> memref<1x128xi32, #tpu.memory_space<vmem>>
        %dma_wait3A_421 = tpu.memref_squeeze %dma_wait3A_420 : memref<1x128xi32, #tpu.memory_space<vmem>> -> memref<128xi32, #tpu.memory_space<vmem>>
        %dma_wait3A_422 = arith.constant 0 : i32
        %dma_wait3A_423 = arith.constant 0 : i32
        %dma_wait3A_424 = tpu.memref_slice %arg12[%dma_wait3A_422, %dma_wait3A_423] : memref<20480x64xf32, #tpu.memory_space<vmem_shared>> -> memref<20480x64xf32, #tpu.memory_space<vmem_shared>>
        tpu.wait_indirect_dma semaphore(%run_scoped3A_412 : memref<!tpu.dma_semaphore, #tpu.memory_space<semaphore_mem>>) src(%arg11 : memref<128x64xf32, #tpu.memory_space<vmem>>) dst(%dma_wait3A_424 : memref<20480x64xf32, #tpu.memory_space<vmem_shared>>)
        tpu.yield
      }) : () -> ()
      %dma_start3A_279 = arith.constant 7 : i32
      %dma_start3A_280 = arith.constant 0 : i32
      %dma_start3A_281 = tpu.memref_slice %arg8[%dma_start3A_279, %dma_start3A_280] : memref<16x128xi32, #tpu.memory_space<vmem>> -> memref<1x128xi32, #tpu.memory_space<vmem>>
      %dma_start3A_282 = tpu.memref_squeeze %dma_start3A_281 : memref<1x128xi32, #tpu.memory_space<vmem>> -> memref<128xi32, #tpu.memory_space<vmem>>
      %dma_start3A_283 = arith.constant 0 : i32
      %dma_start3A_284 = arith.constant 0 : i32
      %dma_start3A_285 = tpu.memref_slice %arg12[%dma_start3A_283, %dma_start3A_284] : memref<20480x64xf32, #tpu.memory_space<vmem_shared>> -> memref<20480x64xf32, #tpu.memory_space<vmem_shared>>
      tpu.enqueue_indirect_dma source(%dma_start3A_285 : memref<20480x64xf32, #tpu.memory_space<vmem_shared>>) target(%arg11 : memref<128x64xf32, #tpu.memory_space<vmem>>) offsets(%dma_start3A_282 : memref<128xi32, #tpu.memory_space<vmem>>) semaphore(%arg14 : memref<!tpu.dma_semaphore, #tpu.memory_space<semaphore_mem>>)
      %dma_wait3A_286 = arith.constant 0 : i32
      %dma_wait3A_287 = arith.constant 0 : i32
      %dma_wait3A_288 = tpu.memref_slice %arg12[%dma_wait3A_286, %dma_wait3A_287] : memref<20480x64xf32, #tpu.memory_space<vmem_shared>> -> memref<128x64xf32, #tpu.memory_space<vmem_shared>>
      %dma_wait3A_289 = arith.constant 0 : i32
      %dma_wait3A_290 = arith.constant 0 : i32
      %dma_wait3A_291 = tpu.memref_slice %arg12[%dma_wait3A_289, %dma_wait3A_290] : memref<20480x64xf32, #tpu.memory_space<vmem_shared>> -> memref<128x64xf32, #tpu.memory_space<vmem_shared>>
      tpu.wait_dma2 semaphore(%arg13 : memref<!tpu.dma_semaphore, #tpu.memory_space<semaphore_mem>>) src(%dma_wait3A_291 : memref<128x64xf32, #tpu.memory_space<vmem_shared>>) dst(%arg10 : memref<128x64xf32, #tpu.memory_space<vmem>>)
      %run_scoped3A_292 = arith.constant 6 : i32
      "tpu.region"() ({
        %run_scoped3A_412 = tpu.sem_alloc : memref<!tpu.dma_semaphore, #tpu.memory_space<semaphore_mem>>
        %dma_start3A_413 = arith.constant 0 : i32
        %dma_start3A_414 = tpu.memref_slice %arg9[%run_scoped3A_292, %dma_start3A_413] : memref<16x128xi32, #tpu.memory_space<vmem>> -> memref<1x128xi32, #tpu.memory_space<vmem>>
        %dma_start3A_415 = tpu.memref_squeeze %dma_start3A_414 : memref<1x128xi32, #tpu.memory_space<vmem>> -> memref<128xi32, #tpu.memory_space<vmem>>
        %dma_start3A_416 = arith.constant 0 : i32
        %dma_start3A_417 = arith.constant 0 : i32
        %dma_start3A_418 = tpu.memref_slice %arg12[%dma_start3A_416, %dma_start3A_417] : memref<20480x64xf32, #tpu.memory_space<vmem_shared>> -> memref<20480x64xf32, #tpu.memory_space<vmem_shared>>
        tpu.enqueue_indirect_dma source(%arg10 : memref<128x64xf32, #tpu.memory_space<vmem>>) target(%dma_start3A_418 : memref<20480x64xf32, #tpu.memory_space<vmem_shared>>) offsets(%dma_start3A_415 : memref<128xi32, #tpu.memory_space<vmem>>) semaphore(%run_scoped3A_412 : memref<!tpu.dma_semaphore, #tpu.memory_space<semaphore_mem>>) {add = true}
        %dma_wait3A_419 = arith.constant 0 : i32
        %dma_wait3A_420 = tpu.memref_slice %arg9[%run_scoped3A_292, %dma_wait3A_419] : memref<16x128xi32, #tpu.memory_space<vmem>> -> memref<1x128xi32, #tpu.memory_space<vmem>>
        %dma_wait3A_421 = tpu.memref_squeeze %dma_wait3A_420 : memref<1x128xi32, #tpu.memory_space<vmem>> -> memref<128xi32, #tpu.memory_space<vmem>>
        %dma_wait3A_422 = arith.constant 0 : i32
        %dma_wait3A_423 = arith.constant 0 : i32
        %dma_wait3A_424 = tpu.memref_slice %arg12[%dma_wait3A_422, %dma_wait3A_423] : memref<20480x64xf32, #tpu.memory_space<vmem_shared>> -> memref<20480x64xf32, #tpu.memory_space<vmem_shared>>
        tpu.wait_indirect_dma semaphore(%run_scoped3A_412 : memref<!tpu.dma_semaphore, #tpu.memory_space<semaphore_mem>>) src(%arg10 : memref<128x64xf32, #tpu.memory_space<vmem>>) dst(%dma_wait3A_424 : memref<20480x64xf32, #tpu.memory_space<vmem_shared>>)
        tpu.yield
      }) : () -> ()
      %dma_start3A_293 = arith.constant 8 : i32
      %dma_start3A_294 = arith.constant 0 : i32
      %dma_start3A_295 = tpu.memref_slice %arg8[%dma_start3A_293, %dma_start3A_294] : memref<16x128xi32, #tpu.memory_space<vmem>> -> memref<1x128xi32, #tpu.memory_space<vmem>>
      %dma_start3A_296 = tpu.memref_squeeze %dma_start3A_295 : memref<1x128xi32, #tpu.memory_space<vmem>> -> memref<128xi32, #tpu.memory_space<vmem>>
      %dma_start3A_297 = arith.constant 0 : i32
      %dma_start3A_298 = arith.constant 0 : i32
      %dma_start3A_299 = tpu.memref_slice %arg12[%dma_start3A_297, %dma_start3A_298] : memref<20480x64xf32, #tpu.memory_space<vmem_shared>> -> memref<20480x64xf32, #tpu.memory_space<vmem_shared>>
      tpu.enqueue_indirect_dma source(%dma_start3A_299 : memref<20480x64xf32, #tpu.memory_space<vmem_shared>>) target(%arg10 : memref<128x64xf32, #tpu.memory_space<vmem>>) offsets(%dma_start3A_296 : memref<128xi32, #tpu.memory_space<vmem>>) semaphore(%arg13 : memref<!tpu.dma_semaphore, #tpu.memory_space<semaphore_mem>>)
      %dma_wait3A_300 = arith.constant 0 : i32
      %dma_wait3A_301 = arith.constant 0 : i32
      %dma_wait3A_302 = tpu.memref_slice %arg12[%dma_wait3A_300, %dma_wait3A_301] : memref<20480x64xf32, #tpu.memory_space<vmem_shared>> -> memref<128x64xf32, #tpu.memory_space<vmem_shared>>
      %dma_wait3A_303 = arith.constant 0 : i32
      %dma_wait3A_304 = arith.constant 0 : i32
      %dma_wait3A_305 = tpu.memref_slice %arg12[%dma_wait3A_303, %dma_wait3A_304] : memref<20480x64xf32, #tpu.memory_space<vmem_shared>> -> memref<128x64xf32, #tpu.memory_space<vmem_shared>>
      tpu.wait_dma2 semaphore(%arg14 : memref<!tpu.dma_semaphore, #tpu.memory_space<semaphore_mem>>) src(%dma_wait3A_305 : memref<128x64xf32, #tpu.memory_space<vmem_shared>>) dst(%arg11 : memref<128x64xf32, #tpu.memory_space<vmem>>)
      %run_scoped3A_306 = arith.constant 7 : i32
      "tpu.region"() ({
        %run_scoped3A_412 = tpu.sem_alloc : memref<!tpu.dma_semaphore, #tpu.memory_space<semaphore_mem>>
        %dma_start3A_413 = arith.constant 0 : i32
        %dma_start3A_414 = tpu.memref_slice %arg9[%run_scoped3A_306, %dma_start3A_413] : memref<16x128xi32, #tpu.memory_space<vmem>> -> memref<1x128xi32, #tpu.memory_space<vmem>>
        %dma_start3A_415 = tpu.memref_squeeze %dma_start3A_414 : memref<1x128xi32, #tpu.memory_space<vmem>> -> memref<128xi32, #tpu.memory_space<vmem>>
        %dma_start3A_416 = arith.constant 0 : i32
        %dma_start3A_417 = arith.constant 0 : i32
        %dma_start3A_418 = tpu.memref_slice %arg12[%dma_start3A_416, %dma_start3A_417] : memref<20480x64xf32, #tpu.memory_space<vmem_shared>> -> memref<20480x64xf32, #tpu.memory_space<vmem_shared>>
        tpu.enqueue_indirect_dma source(%arg11 : memref<128x64xf32, #tpu.memory_space<vmem>>) target(%dma_start3A_418 : memref<20480x64xf32, #tpu.memory_space<vmem_shared>>) offsets(%dma_start3A_415 : memref<128xi32, #tpu.memory_space<vmem>>) semaphore(%run_scoped3A_412 : memref<!tpu.dma_semaphore, #tpu.memory_space<semaphore_mem>>) {add = true}
        %dma_wait3A_419 = arith.constant 0 : i32
        %dma_wait3A_420 = tpu.memref_slice %arg9[%run_scoped3A_306, %dma_wait3A_419] : memref<16x128xi32, #tpu.memory_space<vmem>> -> memref<1x128xi32, #tpu.memory_space<vmem>>
        %dma_wait3A_421 = tpu.memref_squeeze %dma_wait3A_420 : memref<1x128xi32, #tpu.memory_space<vmem>> -> memref<128xi32, #tpu.memory_space<vmem>>
        %dma_wait3A_422 = arith.constant 0 : i32
        %dma_wait3A_423 = arith.constant 0 : i32
        %dma_wait3A_424 = tpu.memref_slice %arg12[%dma_wait3A_422, %dma_wait3A_423] : memref<20480x64xf32, #tpu.memory_space<vmem_shared>> -> memref<20480x64xf32, #tpu.memory_space<vmem_shared>>
        tpu.wait_indirect_dma semaphore(%run_scoped3A_412 : memref<!tpu.dma_semaphore, #tpu.memory_space<semaphore_mem>>) src(%arg11 : memref<128x64xf32, #tpu.memory_space<vmem>>) dst(%dma_wait3A_424 : memref<20480x64xf32, #tpu.memory_space<vmem_shared>>)
        tpu.yield
      }) : () -> ()
      %dma_start3A_307 = arith.constant 9 : i32
      %dma_start3A_308 = arith.constant 0 : i32
      %dma_start3A_309 = tpu.memref_slice %arg8[%dma_start3A_307, %dma_start3A_308] : memref<16x128xi32, #tpu.memory_space<vmem>> -> memref<1x128xi32, #tpu.memory_space<vmem>>
      %dma_start3A_310 = tpu.memref_squeeze %dma_start3A_309 : memref<1x128xi32, #tpu.memory_space<vmem>> -> memref<128xi32, #tpu.memory_space<vmem>>
      %dma_start3A_311 = arith.constant 0 : i32
      %dma_start3A_312 = arith.constant 0 : i32
      %dma_start3A_313 = tpu.memref_slice %arg12[%dma_start3A_311, %dma_start3A_312] : memref<20480x64xf32, #tpu.memory_space<vmem_shared>> -> memref<20480x64xf32, #tpu.memory_space<vmem_shared>>
      tpu.enqueue_indirect_dma source(%dma_start3A_313 : memref<20480x64xf32, #tpu.memory_space<vmem_shared>>) target(%arg11 : memref<128x64xf32, #tpu.memory_space<vmem>>) offsets(%dma_start3A_310 : memref<128xi32, #tpu.memory_space<vmem>>) semaphore(%arg14 : memref<!tpu.dma_semaphore, #tpu.memory_space<semaphore_mem>>)
      %dma_wait3A_314 = arith.constant 0 : i32
      %dma_wait3A_315 = arith.constant 0 : i32
      %dma_wait3A_316 = tpu.memref_slice %arg12[%dma_wait3A_314, %dma_wait3A_315] : memref<20480x64xf32, #tpu.memory_space<vmem_shared>> -> memref<128x64xf32, #tpu.memory_space<vmem_shared>>
      %dma_wait3A_317 = arith.constant 0 : i32
      %dma_wait3A_318 = arith.constant 0 : i32
      %dma_wait3A_319 = tpu.memref_slice %arg12[%dma_wait3A_317, %dma_wait3A_318] : memref<20480x64xf32, #tpu.memory_space<vmem_shared>> -> memref<128x64xf32, #tpu.memory_space<vmem_shared>>
      tpu.wait_dma2 semaphore(%arg13 : memref<!tpu.dma_semaphore, #tpu.memory_space<semaphore_mem>>) src(%dma_wait3A_319 : memref<128x64xf32, #tpu.memory_space<vmem_shared>>) dst(%arg10 : memref<128x64xf32, #tpu.memory_space<vmem>>)
      %run_scoped3A_320 = arith.constant 8 : i32
      "tpu.region"() ({
        %run_scoped3A_412 = tpu.sem_alloc : memref<!tpu.dma_semaphore, #tpu.memory_space<semaphore_mem>>
        %dma_start3A_413 = arith.constant 0 : i32
        %dma_start3A_414 = tpu.memref_slice %arg9[%run_scoped3A_320, %dma_start3A_413] : memref<16x128xi32, #tpu.memory_space<vmem>> -> memref<1x128xi32, #tpu.memory_space<vmem>>
        %dma_start3A_415 = tpu.memref_squeeze %dma_start3A_414 : memref<1x128xi32, #tpu.memory_space<vmem>> -> memref<128xi32, #tpu.memory_space<vmem>>
        %dma_start3A_416 = arith.constant 0 : i32
        %dma_start3A_417 = arith.constant 0 : i32
        %dma_start3A_418 = tpu.memref_slice %arg12[%dma_start3A_416, %dma_start3A_417] : memref<20480x64xf32, #tpu.memory_space<vmem_shared>> -> memref<20480x64xf32, #tpu.memory_space<vmem_shared>>
        tpu.enqueue_indirect_dma source(%arg10 : memref<128x64xf32, #tpu.memory_space<vmem>>) target(%dma_start3A_418 : memref<20480x64xf32, #tpu.memory_space<vmem_shared>>) offsets(%dma_start3A_415 : memref<128xi32, #tpu.memory_space<vmem>>) semaphore(%run_scoped3A_412 : memref<!tpu.dma_semaphore, #tpu.memory_space<semaphore_mem>>) {add = true}
        %dma_wait3A_419 = arith.constant 0 : i32
        %dma_wait3A_420 = tpu.memref_slice %arg9[%run_scoped3A_320, %dma_wait3A_419] : memref<16x128xi32, #tpu.memory_space<vmem>> -> memref<1x128xi32, #tpu.memory_space<vmem>>
        %dma_wait3A_421 = tpu.memref_squeeze %dma_wait3A_420 : memref<1x128xi32, #tpu.memory_space<vmem>> -> memref<128xi32, #tpu.memory_space<vmem>>
        %dma_wait3A_422 = arith.constant 0 : i32
        %dma_wait3A_423 = arith.constant 0 : i32
        %dma_wait3A_424 = tpu.memref_slice %arg12[%dma_wait3A_422, %dma_wait3A_423] : memref<20480x64xf32, #tpu.memory_space<vmem_shared>> -> memref<20480x64xf32, #tpu.memory_space<vmem_shared>>
        tpu.wait_indirect_dma semaphore(%run_scoped3A_412 : memref<!tpu.dma_semaphore, #tpu.memory_space<semaphore_mem>>) src(%arg10 : memref<128x64xf32, #tpu.memory_space<vmem>>) dst(%dma_wait3A_424 : memref<20480x64xf32, #tpu.memory_space<vmem_shared>>)
        tpu.yield
      }) : () -> ()
      %dma_start3A_321 = arith.constant 10 : i32
      %dma_start3A_322 = arith.constant 0 : i32
      %dma_start3A_323 = tpu.memref_slice %arg8[%dma_start3A_321, %dma_start3A_322] : memref<16x128xi32, #tpu.memory_space<vmem>> -> memref<1x128xi32, #tpu.memory_space<vmem>>
      %dma_start3A_324 = tpu.memref_squeeze %dma_start3A_323 : memref<1x128xi32, #tpu.memory_space<vmem>> -> memref<128xi32, #tpu.memory_space<vmem>>
      %dma_start3A_325 = arith.constant 0 : i32
      %dma_start3A_326 = arith.constant 0 : i32
      %dma_start3A_327 = tpu.memref_slice %arg12[%dma_start3A_325, %dma_start3A_326] : memref<20480x64xf32, #tpu.memory_space<vmem_shared>> -> memref<20480x64xf32, #tpu.memory_space<vmem_shared>>
      tpu.enqueue_indirect_dma source(%dma_start3A_327 : memref<20480x64xf32, #tpu.memory_space<vmem_shared>>) target(%arg10 : memref<128x64xf32, #tpu.memory_space<vmem>>) offsets(%dma_start3A_324 : memref<128xi32, #tpu.memory_space<vmem>>) semaphore(%arg13 : memref<!tpu.dma_semaphore, #tpu.memory_space<semaphore_mem>>)
      %dma_wait3A_328 = arith.constant 0 : i32
      %dma_wait3A_329 = arith.constant 0 : i32
      %dma_wait3A_330 = tpu.memref_slice %arg12[%dma_wait3A_328, %dma_wait3A_329] : memref<20480x64xf32, #tpu.memory_space<vmem_shared>> -> memref<128x64xf32, #tpu.memory_space<vmem_shared>>
      %dma_wait3A_331 = arith.constant 0 : i32
      %dma_wait3A_332 = arith.constant 0 : i32
      %dma_wait3A_333 = tpu.memref_slice %arg12[%dma_wait3A_331, %dma_wait3A_332] : memref<20480x64xf32, #tpu.memory_space<vmem_shared>> -> memref<128x64xf32, #tpu.memory_space<vmem_shared>>
      tpu.wait_dma2 semaphore(%arg14 : memref<!tpu.dma_semaphore, #tpu.memory_space<semaphore_mem>>) src(%dma_wait3A_333 : memref<128x64xf32, #tpu.memory_space<vmem_shared>>) dst(%arg11 : memref<128x64xf32, #tpu.memory_space<vmem>>)
      %run_scoped3A_334 = arith.constant 9 : i32
      "tpu.region"() ({
        %run_scoped3A_412 = tpu.sem_alloc : memref<!tpu.dma_semaphore, #tpu.memory_space<semaphore_mem>>
        %dma_start3A_413 = arith.constant 0 : i32
        %dma_start3A_414 = tpu.memref_slice %arg9[%run_scoped3A_334, %dma_start3A_413] : memref<16x128xi32, #tpu.memory_space<vmem>> -> memref<1x128xi32, #tpu.memory_space<vmem>>
        %dma_start3A_415 = tpu.memref_squeeze %dma_start3A_414 : memref<1x128xi32, #tpu.memory_space<vmem>> -> memref<128xi32, #tpu.memory_space<vmem>>
        %dma_start3A_416 = arith.constant 0 : i32
        %dma_start3A_417 = arith.constant 0 : i32
        %dma_start3A_418 = tpu.memref_slice %arg12[%dma_start3A_416, %dma_start3A_417] : memref<20480x64xf32, #tpu.memory_space<vmem_shared>> -> memref<20480x64xf32, #tpu.memory_space<vmem_shared>>
        tpu.enqueue_indirect_dma source(%arg11 : memref<128x64xf32, #tpu.memory_space<vmem>>) target(%dma_start3A_418 : memref<20480x64xf32, #tpu.memory_space<vmem_shared>>) offsets(%dma_start3A_415 : memref<128xi32, #tpu.memory_space<vmem>>) semaphore(%run_scoped3A_412 : memref<!tpu.dma_semaphore, #tpu.memory_space<semaphore_mem>>) {add = true}
        %dma_wait3A_419 = arith.constant 0 : i32
        %dma_wait3A_420 = tpu.memref_slice %arg9[%run_scoped3A_334, %dma_wait3A_419] : memref<16x128xi32, #tpu.memory_space<vmem>> -> memref<1x128xi32, #tpu.memory_space<vmem>>
        %dma_wait3A_421 = tpu.memref_squeeze %dma_wait3A_420 : memref<1x128xi32, #tpu.memory_space<vmem>> -> memref<128xi32, #tpu.memory_space<vmem>>
        %dma_wait3A_422 = arith.constant 0 : i32
        %dma_wait3A_423 = arith.constant 0 : i32
        %dma_wait3A_424 = tpu.memref_slice %arg12[%dma_wait3A_422, %dma_wait3A_423] : memref<20480x64xf32, #tpu.memory_space<vmem_shared>> -> memref<20480x64xf32, #tpu.memory_space<vmem_shared>>
        tpu.wait_indirect_dma semaphore(%run_scoped3A_412 : memref<!tpu.dma_semaphore, #tpu.memory_space<semaphore_mem>>) src(%arg11 : memref<128x64xf32, #tpu.memory_space<vmem>>) dst(%dma_wait3A_424 : memref<20480x64xf32, #tpu.memory_space<vmem_shared>>)
        tpu.yield
      }) : () -> ()
      %dma_start3A_335 = arith.constant 11 : i32
      %dma_start3A_336 = arith.constant 0 : i32
      %dma_start3A_337 = tpu.memref_slice %arg8[%dma_start3A_335, %dma_start3A_336] : memref<16x128xi32, #tpu.memory_space<vmem>> -> memref<1x128xi32, #tpu.memory_space<vmem>>
      %dma_start3A_338 = tpu.memref_squeeze %dma_start3A_337 : memref<1x128xi32, #tpu.memory_space<vmem>> -> memref<128xi32, #tpu.memory_space<vmem>>
      %dma_start3A_339 = arith.constant 0 : i32
      %dma_start3A_340 = arith.constant 0 : i32
      %dma_start3A_341 = tpu.memref_slice %arg12[%dma_start3A_339, %dma_start3A_340] : memref<20480x64xf32, #tpu.memory_space<vmem_shared>> -> memref<20480x64xf32, #tpu.memory_space<vmem_shared>>
      tpu.enqueue_indirect_dma source(%dma_start3A_341 : memref<20480x64xf32, #tpu.memory_space<vmem_shared>>) target(%arg11 : memref<128x64xf32, #tpu.memory_space<vmem>>) offsets(%dma_start3A_338 : memref<128xi32, #tpu.memory_space<vmem>>) semaphore(%arg14 : memref<!tpu.dma_semaphore, #tpu.memory_space<semaphore_mem>>)
      %dma_wait3A_342 = arith.constant 0 : i32
      %dma_wait3A_343 = arith.constant 0 : i32
      %dma_wait3A_344 = tpu.memref_slice %arg12[%dma_wait3A_342, %dma_wait3A_343] : memref<20480x64xf32, #tpu.memory_space<vmem_shared>> -> memref<128x64xf32, #tpu.memory_space<vmem_shared>>
      %dma_wait3A_345 = arith.constant 0 : i32
      %dma_wait3A_346 = arith.constant 0 : i32
      %dma_wait3A_347 = tpu.memref_slice %arg12[%dma_wait3A_345, %dma_wait3A_346] : memref<20480x64xf32, #tpu.memory_space<vmem_shared>> -> memref<128x64xf32, #tpu.memory_space<vmem_shared>>
      tpu.wait_dma2 semaphore(%arg13 : memref<!tpu.dma_semaphore, #tpu.memory_space<semaphore_mem>>) src(%dma_wait3A_347 : memref<128x64xf32, #tpu.memory_space<vmem_shared>>) dst(%arg10 : memref<128x64xf32, #tpu.memory_space<vmem>>)
      %run_scoped3A_348 = arith.constant 10 : i32
      "tpu.region"() ({
        %run_scoped3A_412 = tpu.sem_alloc : memref<!tpu.dma_semaphore, #tpu.memory_space<semaphore_mem>>
        %dma_start3A_413 = arith.constant 0 : i32
        %dma_start3A_414 = tpu.memref_slice %arg9[%run_scoped3A_348, %dma_start3A_413] : memref<16x128xi32, #tpu.memory_space<vmem>> -> memref<1x128xi32, #tpu.memory_space<vmem>>
        %dma_start3A_415 = tpu.memref_squeeze %dma_start3A_414 : memref<1x128xi32, #tpu.memory_space<vmem>> -> memref<128xi32, #tpu.memory_space<vmem>>
        %dma_start3A_416 = arith.constant 0 : i32
        %dma_start3A_417 = arith.constant 0 : i32
        %dma_start3A_418 = tpu.memref_slice %arg12[%dma_start3A_416, %dma_start3A_417] : memref<20480x64xf32, #tpu.memory_space<vmem_shared>> -> memref<20480x64xf32, #tpu.memory_space<vmem_shared>>
        tpu.enqueue_indirect_dma source(%arg10 : memref<128x64xf32, #tpu.memory_space<vmem>>) target(%dma_start3A_418 : memref<20480x64xf32, #tpu.memory_space<vmem_shared>>) offsets(%dma_start3A_415 : memref<128xi32, #tpu.memory_space<vmem>>) semaphore(%run_scoped3A_412 : memref<!tpu.dma_semaphore, #tpu.memory_space<semaphore_mem>>) {add = true}
        %dma_wait3A_419 = arith.constant 0 : i32
        %dma_wait3A_420 = tpu.memref_slice %arg9[%run_scoped3A_348, %dma_wait3A_419] : memref<16x128xi32, #tpu.memory_space<vmem>> -> memref<1x128xi32, #tpu.memory_space<vmem>>
        %dma_wait3A_421 = tpu.memref_squeeze %dma_wait3A_420 : memref<1x128xi32, #tpu.memory_space<vmem>> -> memref<128xi32, #tpu.memory_space<vmem>>
        %dma_wait3A_422 = arith.constant 0 : i32
        %dma_wait3A_423 = arith.constant 0 : i32
        %dma_wait3A_424 = tpu.memref_slice %arg12[%dma_wait3A_422, %dma_wait3A_423] : memref<20480x64xf32, #tpu.memory_space<vmem_shared>> -> memref<20480x64xf32, #tpu.memory_space<vmem_shared>>
        tpu.wait_indirect_dma semaphore(%run_scoped3A_412 : memref<!tpu.dma_semaphore, #tpu.memory_space<semaphore_mem>>) src(%arg10 : memref<128x64xf32, #tpu.memory_space<vmem>>) dst(%dma_wait3A_424 : memref<20480x64xf32, #tpu.memory_space<vmem_shared>>)
        tpu.yield
      }) : () -> ()
      %dma_start3A_349 = arith.constant 12 : i32
      %dma_start3A_350 = arith.constant 0 : i32
      %dma_start3A_351 = tpu.memref_slice %arg8[%dma_start3A_349, %dma_start3A_350] : memref<16x128xi32, #tpu.memory_space<vmem>> -> memref<1x128xi32, #tpu.memory_space<vmem>>
      %dma_start3A_352 = tpu.memref_squeeze %dma_start3A_351 : memref<1x128xi32, #tpu.memory_space<vmem>> -> memref<128xi32, #tpu.memory_space<vmem>>
      %dma_start3A_353 = arith.constant 0 : i32
      %dma_start3A_354 = arith.constant 0 : i32
      %dma_start3A_355 = tpu.memref_slice %arg12[%dma_start3A_353, %dma_start3A_354] : memref<20480x64xf32, #tpu.memory_space<vmem_shared>> -> memref<20480x64xf32, #tpu.memory_space<vmem_shared>>
      tpu.enqueue_indirect_dma source(%dma_start3A_355 : memref<20480x64xf32, #tpu.memory_space<vmem_shared>>) target(%arg10 : memref<128x64xf32, #tpu.memory_space<vmem>>) offsets(%dma_start3A_352 : memref<128xi32, #tpu.memory_space<vmem>>) semaphore(%arg13 : memref<!tpu.dma_semaphore, #tpu.memory_space<semaphore_mem>>)
      %dma_wait3A_356 = arith.constant 0 : i32
      %dma_wait3A_357 = arith.constant 0 : i32
      %dma_wait3A_358 = tpu.memref_slice %arg12[%dma_wait3A_356, %dma_wait3A_357] : memref<20480x64xf32, #tpu.memory_space<vmem_shared>> -> memref<128x64xf32, #tpu.memory_space<vmem_shared>>
      %dma_wait3A_359 = arith.constant 0 : i32
      %dma_wait3A_360 = arith.constant 0 : i32
      %dma_wait3A_361 = tpu.memref_slice %arg12[%dma_wait3A_359, %dma_wait3A_360] : memref<20480x64xf32, #tpu.memory_space<vmem_shared>> -> memref<128x64xf32, #tpu.memory_space<vmem_shared>>
      tpu.wait_dma2 semaphore(%arg14 : memref<!tpu.dma_semaphore, #tpu.memory_space<semaphore_mem>>) src(%dma_wait3A_361 : memref<128x64xf32, #tpu.memory_space<vmem_shared>>) dst(%arg11 : memref<128x64xf32, #tpu.memory_space<vmem>>)
      %run_scoped3A_362 = arith.constant 11 : i32
      "tpu.region"() ({
        %run_scoped3A_412 = tpu.sem_alloc : memref<!tpu.dma_semaphore, #tpu.memory_space<semaphore_mem>>
        %dma_start3A_413 = arith.constant 0 : i32
        %dma_start3A_414 = tpu.memref_slice %arg9[%run_scoped3A_362, %dma_start3A_413] : memref<16x128xi32, #tpu.memory_space<vmem>> -> memref<1x128xi32, #tpu.memory_space<vmem>>
        %dma_start3A_415 = tpu.memref_squeeze %dma_start3A_414 : memref<1x128xi32, #tpu.memory_space<vmem>> -> memref<128xi32, #tpu.memory_space<vmem>>
        %dma_start3A_416 = arith.constant 0 : i32
        %dma_start3A_417 = arith.constant 0 : i32
        %dma_start3A_418 = tpu.memref_slice %arg12[%dma_start3A_416, %dma_start3A_417] : memref<20480x64xf32, #tpu.memory_space<vmem_shared>> -> memref<20480x64xf32, #tpu.memory_space<vmem_shared>>
        tpu.enqueue_indirect_dma source(%arg11 : memref<128x64xf32, #tpu.memory_space<vmem>>) target(%dma_start3A_418 : memref<20480x64xf32, #tpu.memory_space<vmem_shared>>) offsets(%dma_start3A_415 : memref<128xi32, #tpu.memory_space<vmem>>) semaphore(%run_scoped3A_412 : memref<!tpu.dma_semaphore, #tpu.memory_space<semaphore_mem>>) {add = true}
        %dma_wait3A_419 = arith.constant 0 : i32
        %dma_wait3A_420 = tpu.memref_slice %arg9[%run_scoped3A_362, %dma_wait3A_419] : memref<16x128xi32, #tpu.memory_space<vmem>> -> memref<1x128xi32, #tpu.memory_space<vmem>>
        %dma_wait3A_421 = tpu.memref_squeeze %dma_wait3A_420 : memref<1x128xi32, #tpu.memory_space<vmem>> -> memref<128xi32, #tpu.memory_space<vmem>>
        %dma_wait3A_422 = arith.constant 0 : i32
        %dma_wait3A_423 = arith.constant 0 : i32
        %dma_wait3A_424 = tpu.memref_slice %arg12[%dma_wait3A_422, %dma_wait3A_423] : memref<20480x64xf32, #tpu.memory_space<vmem_shared>> -> memref<20480x64xf32, #tpu.memory_space<vmem_shared>>
        tpu.wait_indirect_dma semaphore(%run_scoped3A_412 : memref<!tpu.dma_semaphore, #tpu.memory_space<semaphore_mem>>) src(%arg11 : memref<128x64xf32, #tpu.memory_space<vmem>>) dst(%dma_wait3A_424 : memref<20480x64xf32, #tpu.memory_space<vmem_shared>>)
        tpu.yield
      }) : () -> ()
      %dma_start3A_363 = arith.constant 13 : i32
      %dma_start3A_364 = arith.constant 0 : i32
      %dma_start3A_365 = tpu.memref_slice %arg8[%dma_start3A_363, %dma_start3A_364] : memref<16x128xi32, #tpu.memory_space<vmem>> -> memref<1x128xi32, #tpu.memory_space<vmem>>
      %dma_start3A_366 = tpu.memref_squeeze %dma_start3A_365 : memref<1x128xi32, #tpu.memory_space<vmem>> -> memref<128xi32, #tpu.memory_space<vmem>>
      %dma_start3A_367 = arith.constant 0 : i32
      %dma_start3A_368 = arith.constant 0 : i32
      %dma_start3A_369 = tpu.memref_slice %arg12[%dma_start3A_367, %dma_start3A_368] : memref<20480x64xf32, #tpu.memory_space<vmem_shared>> -> memref<20480x64xf32, #tpu.memory_space<vmem_shared>>
      tpu.enqueue_indirect_dma source(%dma_start3A_369 : memref<20480x64xf32, #tpu.memory_space<vmem_shared>>) target(%arg11 : memref<128x64xf32, #tpu.memory_space<vmem>>) offsets(%dma_start3A_366 : memref<128xi32, #tpu.memory_space<vmem>>) semaphore(%arg14 : memref<!tpu.dma_semaphore, #tpu.memory_space<semaphore_mem>>)
      %dma_wait3A_370 = arith.constant 0 : i32
      %dma_wait3A_371 = arith.constant 0 : i32
      %dma_wait3A_372 = tpu.memref_slice %arg12[%dma_wait3A_370, %dma_wait3A_371] : memref<20480x64xf32, #tpu.memory_space<vmem_shared>> -> memref<128x64xf32, #tpu.memory_space<vmem_shared>>
      %dma_wait3A_373 = arith.constant 0 : i32
      %dma_wait3A_374 = arith.constant 0 : i32
      %dma_wait3A_375 = tpu.memref_slice %arg12[%dma_wait3A_373, %dma_wait3A_374] : memref<20480x64xf32, #tpu.memory_space<vmem_shared>> -> memref<128x64xf32, #tpu.memory_space<vmem_shared>>
      tpu.wait_dma2 semaphore(%arg13 : memref<!tpu.dma_semaphore, #tpu.memory_space<semaphore_mem>>) src(%dma_wait3A_375 : memref<128x64xf32, #tpu.memory_space<vmem_shared>>) dst(%arg10 : memref<128x64xf32, #tpu.memory_space<vmem>>)
      %run_scoped3A_376 = arith.constant 12 : i32
      "tpu.region"() ({
        %run_scoped3A_412 = tpu.sem_alloc : memref<!tpu.dma_semaphore, #tpu.memory_space<semaphore_mem>>
        %dma_start3A_413 = arith.constant 0 : i32
        %dma_start3A_414 = tpu.memref_slice %arg9[%run_scoped3A_376, %dma_start3A_413] : memref<16x128xi32, #tpu.memory_space<vmem>> -> memref<1x128xi32, #tpu.memory_space<vmem>>
        %dma_start3A_415 = tpu.memref_squeeze %dma_start3A_414 : memref<1x128xi32, #tpu.memory_space<vmem>> -> memref<128xi32, #tpu.memory_space<vmem>>
        %dma_start3A_416 = arith.constant 0 : i32
        %dma_start3A_417 = arith.constant 0 : i32
        %dma_start3A_418 = tpu.memref_slice %arg12[%dma_start3A_416, %dma_start3A_417] : memref<20480x64xf32, #tpu.memory_space<vmem_shared>> -> memref<20480x64xf32, #tpu.memory_space<vmem_shared>>
        tpu.enqueue_indirect_dma source(%arg10 : memref<128x64xf32, #tpu.memory_space<vmem>>) target(%dma_start3A_418 : memref<20480x64xf32, #tpu.memory_space<vmem_shared>>) offsets(%dma_start3A_415 : memref<128xi32, #tpu.memory_space<vmem>>) semaphore(%run_scoped3A_412 : memref<!tpu.dma_semaphore, #tpu.memory_space<semaphore_mem>>) {add = true}
        %dma_wait3A_419 = arith.constant 0 : i32
        %dma_wait3A_420 = tpu.memref_slice %arg9[%run_scoped3A_376, %dma_wait3A_419] : memref<16x128xi32, #tpu.memory_space<vmem>> -> memref<1x128xi32, #tpu.memory_space<vmem>>
        %dma_wait3A_421 = tpu.memref_squeeze %dma_wait3A_420 : memref<1x128xi32, #tpu.memory_space<vmem>> -> memref<128xi32, #tpu.memory_space<vmem>>
        %dma_wait3A_422 = arith.constant 0 : i32
        %dma_wait3A_423 = arith.constant 0 : i32
        %dma_wait3A_424 = tpu.memref_slice %arg12[%dma_wait3A_422, %dma_wait3A_423] : memref<20480x64xf32, #tpu.memory_space<vmem_shared>> -> memref<20480x64xf32, #tpu.memory_space<vmem_shared>>
        tpu.wait_indirect_dma semaphore(%run_scoped3A_412 : memref<!tpu.dma_semaphore, #tpu.memory_space<semaphore_mem>>) src(%arg10 : memref<128x64xf32, #tpu.memory_space<vmem>>) dst(%dma_wait3A_424 : memref<20480x64xf32, #tpu.memory_space<vmem_shared>>)
        tpu.yield
      }) : () -> ()
      %dma_start3A_377 = arith.constant 14 : i32
      %dma_start3A_378 = arith.constant 0 : i32
      %dma_start3A_379 = tpu.memref_slice %arg8[%dma_start3A_377, %dma_start3A_378] : memref<16x128xi32, #tpu.memory_space<vmem>> -> memref<1x128xi32, #tpu.memory_space<vmem>>
      %dma_start3A_380 = tpu.memref_squeeze %dma_start3A_379 : memref<1x128xi32, #tpu.memory_space<vmem>> -> memref<128xi32, #tpu.memory_space<vmem>>
      %dma_start3A_381 = arith.constant 0 : i32
      %dma_start3A_382 = arith.constant 0 : i32
      %dma_start3A_383 = tpu.memref_slice %arg12[%dma_start3A_381, %dma_start3A_382] : memref<20480x64xf32, #tpu.memory_space<vmem_shared>> -> memref<20480x64xf32, #tpu.memory_space<vmem_shared>>
      tpu.enqueue_indirect_dma source(%dma_start3A_383 : memref<20480x64xf32, #tpu.memory_space<vmem_shared>>) target(%arg10 : memref<128x64xf32, #tpu.memory_space<vmem>>) offsets(%dma_start3A_380 : memref<128xi32, #tpu.memory_space<vmem>>) semaphore(%arg13 : memref<!tpu.dma_semaphore, #tpu.memory_space<semaphore_mem>>)
      %dma_wait3A_384 = arith.constant 0 : i32
      %dma_wait3A_385 = arith.constant 0 : i32
      %dma_wait3A_386 = tpu.memref_slice %arg12[%dma_wait3A_384, %dma_wait3A_385] : memref<20480x64xf32, #tpu.memory_space<vmem_shared>> -> memref<128x64xf32, #tpu.memory_space<vmem_shared>>
      %dma_wait3A_387 = arith.constant 0 : i32
      %dma_wait3A_388 = arith.constant 0 : i32
      %dma_wait3A_389 = tpu.memref_slice %arg12[%dma_wait3A_387, %dma_wait3A_388] : memref<20480x64xf32, #tpu.memory_space<vmem_shared>> -> memref<128x64xf32, #tpu.memory_space<vmem_shared>>
      tpu.wait_dma2 semaphore(%arg14 : memref<!tpu.dma_semaphore, #tpu.memory_space<semaphore_mem>>) src(%dma_wait3A_389 : memref<128x64xf32, #tpu.memory_space<vmem_shared>>) dst(%arg11 : memref<128x64xf32, #tpu.memory_space<vmem>>)
      %run_scoped3A_390 = arith.constant 13 : i32
      "tpu.region"() ({
        %run_scoped3A_412 = tpu.sem_alloc : memref<!tpu.dma_semaphore, #tpu.memory_space<semaphore_mem>>
        %dma_start3A_413 = arith.constant 0 : i32
        %dma_start3A_414 = tpu.memref_slice %arg9[%run_scoped3A_390, %dma_start3A_413] : memref<16x128xi32, #tpu.memory_space<vmem>> -> memref<1x128xi32, #tpu.memory_space<vmem>>
        %dma_start3A_415 = tpu.memref_squeeze %dma_start3A_414 : memref<1x128xi32, #tpu.memory_space<vmem>> -> memref<128xi32, #tpu.memory_space<vmem>>
        %dma_start3A_416 = arith.constant 0 : i32
        %dma_start3A_417 = arith.constant 0 : i32
        %dma_start3A_418 = tpu.memref_slice %arg12[%dma_start3A_416, %dma_start3A_417] : memref<20480x64xf32, #tpu.memory_space<vmem_shared>> -> memref<20480x64xf32, #tpu.memory_space<vmem_shared>>
        tpu.enqueue_indirect_dma source(%arg11 : memref<128x64xf32, #tpu.memory_space<vmem>>) target(%dma_start3A_418 : memref<20480x64xf32, #tpu.memory_space<vmem_shared>>) offsets(%dma_start3A_415 : memref<128xi32, #tpu.memory_space<vmem>>) semaphore(%run_scoped3A_412 : memref<!tpu.dma_semaphore, #tpu.memory_space<semaphore_mem>>) {add = true}
        %dma_wait3A_419 = arith.constant 0 : i32
        %dma_wait3A_420 = tpu.memref_slice %arg9[%run_scoped3A_390, %dma_wait3A_419] : memref<16x128xi32, #tpu.memory_space<vmem>> -> memref<1x128xi32, #tpu.memory_space<vmem>>
        %dma_wait3A_421 = tpu.memref_squeeze %dma_wait3A_420 : memref<1x128xi32, #tpu.memory_space<vmem>> -> memref<128xi32, #tpu.memory_space<vmem>>
        %dma_wait3A_422 = arith.constant 0 : i32
        %dma_wait3A_423 = arith.constant 0 : i32
        %dma_wait3A_424 = tpu.memref_slice %arg12[%dma_wait3A_422, %dma_wait3A_423] : memref<20480x64xf32, #tpu.memory_space<vmem_shared>> -> memref<20480x64xf32, #tpu.memory_space<vmem_shared>>
        tpu.wait_indirect_dma semaphore(%run_scoped3A_412 : memref<!tpu.dma_semaphore, #tpu.memory_space<semaphore_mem>>) src(%arg11 : memref<128x64xf32, #tpu.memory_space<vmem>>) dst(%dma_wait3A_424 : memref<20480x64xf32, #tpu.memory_space<vmem_shared>>)
        tpu.yield
      }) : () -> ()
      %dma_start3A_391 = arith.constant 15 : i32
      %dma_start3A_392 = arith.constant 0 : i32
      %dma_start3A_393 = tpu.memref_slice %arg8[%dma_start3A_391, %dma_start3A_392] : memref<16x128xi32, #tpu.memory_space<vmem>> -> memref<1x128xi32, #tpu.memory_space<vmem>>
      %dma_start3A_394 = tpu.memref_squeeze %dma_start3A_393 : memref<1x128xi32, #tpu.memory_space<vmem>> -> memref<128xi32, #tpu.memory_space<vmem>>
      %dma_start3A_395 = arith.constant 0 : i32
      %dma_start3A_396 = arith.constant 0 : i32
      %dma_start3A_397 = tpu.memref_slice %arg12[%dma_start3A_395, %dma_start3A_396] : memref<20480x64xf32, #tpu.memory_space<vmem_shared>> -> memref<20480x64xf32, #tpu.memory_space<vmem_shared>>
      tpu.enqueue_indirect_dma source(%dma_start3A_397 : memref<20480x64xf32, #tpu.memory_space<vmem_shared>>) target(%arg11 : memref<128x64xf32, #tpu.memory_space<vmem>>) offsets(%dma_start3A_394 : memref<128xi32, #tpu.memory_space<vmem>>) semaphore(%arg14 : memref<!tpu.dma_semaphore, #tpu.memory_space<semaphore_mem>>)
      %dma_wait3A_398 = arith.constant 0 : i32
      %dma_wait3A_399 = arith.constant 0 : i32
      %dma_wait3A_400 = tpu.memref_slice %arg12[%dma_wait3A_398, %dma_wait3A_399] : memref<20480x64xf32, #tpu.memory_space<vmem_shared>> -> memref<128x64xf32, #tpu.memory_space<vmem_shared>>
      %dma_wait3A_401 = arith.constant 0 : i32
      %dma_wait3A_402 = arith.constant 0 : i32
      %dma_wait3A_403 = tpu.memref_slice %arg12[%dma_wait3A_401, %dma_wait3A_402] : memref<20480x64xf32, #tpu.memory_space<vmem_shared>> -> memref<128x64xf32, #tpu.memory_space<vmem_shared>>
      tpu.wait_dma2 semaphore(%arg13 : memref<!tpu.dma_semaphore, #tpu.memory_space<semaphore_mem>>) src(%dma_wait3A_403 : memref<128x64xf32, #tpu.memory_space<vmem_shared>>) dst(%arg10 : memref<128x64xf32, #tpu.memory_space<vmem>>)
      %run_scoped3A_404 = arith.constant 14 : i32
      "tpu.region"() ({
        %run_scoped3A_412 = tpu.sem_alloc : memref<!tpu.dma_semaphore, #tpu.memory_space<semaphore_mem>>
        %dma_start3A_413 = arith.constant 0 : i32
        %dma_start3A_414 = tpu.memref_slice %arg9[%run_scoped3A_404, %dma_start3A_413] : memref<16x128xi32, #tpu.memory_space<vmem>> -> memref<1x128xi32, #tpu.memory_space<vmem>>
        %dma_start3A_415 = tpu.memref_squeeze %dma_start3A_414 : memref<1x128xi32, #tpu.memory_space<vmem>> -> memref<128xi32, #tpu.memory_space<vmem>>
        %dma_start3A_416 = arith.constant 0 : i32
        %dma_start3A_417 = arith.constant 0 : i32
        %dma_start3A_418 = tpu.memref_slice %arg12[%dma_start3A_416, %dma_start3A_417] : memref<20480x64xf32, #tpu.memory_space<vmem_shared>> -> memref<20480x64xf32, #tpu.memory_space<vmem_shared>>
        tpu.enqueue_indirect_dma source(%arg10 : memref<128x64xf32, #tpu.memory_space<vmem>>) target(%dma_start3A_418 : memref<20480x64xf32, #tpu.memory_space<vmem_shared>>) offsets(%dma_start3A_415 : memref<128xi32, #tpu.memory_space<vmem>>) semaphore(%run_scoped3A_412 : memref<!tpu.dma_semaphore, #tpu.memory_space<semaphore_mem>>) {add = true}
        %dma_wait3A_419 = arith.constant 0 : i32
        %dma_wait3A_420 = tpu.memref_slice %arg9[%run_scoped3A_404, %dma_wait3A_419] : memref<16x128xi32, #tpu.memory_space<vmem>> -> memref<1x128xi32, #tpu.memory_space<vmem>>
        %dma_wait3A_421 = tpu.memref_squeeze %dma_wait3A_420 : memref<1x128xi32, #tpu.memory_space<vmem>> -> memref<128xi32, #tpu.memory_space<vmem>>
        %dma_wait3A_422 = arith.constant 0 : i32
        %dma_wait3A_423 = arith.constant 0 : i32
        %dma_wait3A_424 = tpu.memref_slice %arg12[%dma_wait3A_422, %dma_wait3A_423] : memref<20480x64xf32, #tpu.memory_space<vmem_shared>> -> memref<20480x64xf32, #tpu.memory_space<vmem_shared>>
        tpu.wait_indirect_dma semaphore(%run_scoped3A_412 : memref<!tpu.dma_semaphore, #tpu.memory_space<semaphore_mem>>) src(%arg10 : memref<128x64xf32, #tpu.memory_space<vmem>>) dst(%dma_wait3A_424 : memref<20480x64xf32, #tpu.memory_space<vmem_shared>>)
        tpu.yield
      }) : () -> ()
      %dma_wait3A_405 = arith.constant 0 : i32
      %dma_wait3A_406 = arith.constant 0 : i32
      %dma_wait3A_407 = tpu.memref_slice %arg12[%dma_wait3A_405, %dma_wait3A_406] : memref<20480x64xf32, #tpu.memory_space<vmem_shared>> -> memref<128x64xf32, #tpu.memory_space<vmem_shared>>
      %dma_wait3A_408 = arith.constant 0 : i32
      %dma_wait3A_409 = arith.constant 0 : i32
      %dma_wait3A_410 = tpu.memref_slice %arg12[%dma_wait3A_408, %dma_wait3A_409] : memref<20480x64xf32, #tpu.memory_space<vmem_shared>> -> memref<128x64xf32, #tpu.memory_space<vmem_shared>>
      tpu.wait_dma2 semaphore(%arg14 : memref<!tpu.dma_semaphore, #tpu.memory_space<semaphore_mem>>) src(%dma_wait3A_410 : memref<128x64xf32, #tpu.memory_space<vmem_shared>>) dst(%arg11 : memref<128x64xf32, #tpu.memory_space<vmem>>)
      %run_scoped3A_411 = arith.constant 15 : i32
      "tpu.region"() ({
        %run_scoped3A_412 = tpu.sem_alloc : memref<!tpu.dma_semaphore, #tpu.memory_space<semaphore_mem>>
        %dma_start3A_413 = arith.constant 0 : i32
        %dma_start3A_414 = tpu.memref_slice %arg9[%run_scoped3A_411, %dma_start3A_413] : memref<16x128xi32, #tpu.memory_space<vmem>> -> memref<1x128xi32, #tpu.memory_space<vmem>>
        %dma_start3A_415 = tpu.memref_squeeze %dma_start3A_414 : memref<1x128xi32, #tpu.memory_space<vmem>> -> memref<128xi32, #tpu.memory_space<vmem>>
        %dma_start3A_416 = arith.constant 0 : i32
        %dma_start3A_417 = arith.constant 0 : i32
        %dma_start3A_418 = tpu.memref_slice %arg12[%dma_start3A_416, %dma_start3A_417] : memref<20480x64xf32, #tpu.memory_space<vmem_shared>> -> memref<20480x64xf32, #tpu.memory_space<vmem_shared>>
        tpu.enqueue_indirect_dma source(%arg11 : memref<128x64xf32, #tpu.memory_space<vmem>>) target(%dma_start3A_418 : memref<20480x64xf32, #tpu.memory_space<vmem_shared>>) offsets(%dma_start3A_415 : memref<128xi32, #tpu.memory_space<vmem>>) semaphore(%run_scoped3A_412 : memref<!tpu.dma_semaphore, #tpu.memory_space<semaphore_mem>>) {add = true}
        %dma_wait3A_419 = arith.constant 0 : i32
        %dma_wait3A_420 = tpu.memref_slice %arg9[%run_scoped3A_411, %dma_wait3A_419] : memref<16x128xi32, #tpu.memory_space<vmem>> -> memref<1x128xi32, #tpu.memory_space<vmem>>
        %dma_wait3A_421 = tpu.memref_squeeze %dma_wait3A_420 : memref<1x128xi32, #tpu.memory_space<vmem>> -> memref<128xi32, #tpu.memory_space<vmem>>
        %dma_wait3A_422 = arith.constant 0 : i32
        %dma_wait3A_423 = arith.constant 0 : i32
        %dma_wait3A_424 = tpu.memref_slice %arg12[%dma_wait3A_422, %dma_wait3A_423] : memref<20480x64xf32, #tpu.memory_space<vmem_shared>> -> memref<20480x64xf32, #tpu.memory_space<vmem_shared>>
        tpu.wait_indirect_dma semaphore(%run_scoped3A_412 : memref<!tpu.dma_semaphore, #tpu.memory_space<semaphore_mem>>) src(%arg11 : memref<128x64xf32, #tpu.memory_space<vmem>>) dst(%dma_wait3A_424 : memref<20480x64xf32, #tpu.memory_space<vmem_shared>>)
        tpu.yield
      }) : () -> ()
    }
    %while3A_183 = arith.constant 1 : i32
    scf.for %while3A_187 = %while3A_181 to %while3A_177 step %while3A_183  : i32 {
      %mul3A_188 = arith.constant 16 : i32
      %mul3A_189 = arith.muli %while3A_187, %mul3A_188 : i32
      %add3A_190 = arith.addi %mul3A_8, %mul3A_189 : i32
      "tpu.region"() ({
        %run_scoped3A_412 = tpu.sem_alloc : memref<!tpu.dma_semaphore, #tpu.memory_space<semaphore_mem>>
        %dma_start3A_413 = arith.constant 0 : i32
        %dma_start3A_414 = tpu.memref_slice %arg2[%add3A_190, %dma_start3A_413] : memref<2560x128xi32, #tpu.memory_space<hbm>> -> memref<16x128xi32, #tpu.memory_space<hbm>>
        %dma_start3A_415 = arith.constant 0 : i32
        %dma_start3A_416 = tpu.memref_slice %arg2[%add3A_190, %dma_start3A_415] : memref<2560x128xi32, #tpu.memory_space<hbm>> -> memref<16x128xi32, #tpu.memory_space<hbm>>
        tpu.enqueue_dma source(%dma_start3A_416 : memref<16x128xi32, #tpu.memory_space<hbm>>) target(%arg8 : memref<16x128xi32, #tpu.memory_space<vmem>>) target_semaphore(%run_scoped3A_412 : memref<!tpu.dma_semaphore, #tpu.memory_space<semaphore_mem>>)
        %dma_wait3A_417 = arith.constant 0 : i32
        %dma_wait3A_418 = tpu.memref_slice %arg2[%add3A_190, %dma_wait3A_417] : memref<2560x128xi32, #tpu.memory_space<hbm>> -> memref<16x128xi32, #tpu.memory_space<hbm>>
        %dma_wait3A_419 = arith.constant 0 : i32
        %dma_wait3A_420 = tpu.memref_slice %arg2[%add3A_190, %dma_wait3A_419] : memref<2560x128xi32, #tpu.memory_space<hbm>> -> memref<16x128xi32, #tpu.memory_space<hbm>>
        tpu.wait_dma2 semaphore(%run_scoped3A_412 : memref<!tpu.dma_semaphore, #tpu.memory_space<semaphore_mem>>) src(%dma_wait3A_420 : memref<16x128xi32, #tpu.memory_space<hbm>>) dst(%arg8 : memref<16x128xi32, #tpu.memory_space<vmem>>)
        tpu.yield
      }) : () -> ()
      "tpu.region"() ({
        %run_scoped3A_412 = tpu.sem_alloc : memref<!tpu.dma_semaphore, #tpu.memory_space<semaphore_mem>>
        %dma_start3A_413 = arith.constant 0 : i32
        %dma_start3A_414 = tpu.memref_slice %arg3[%add3A_190, %dma_start3A_413] : memref<2560x128xi32, #tpu.memory_space<hbm>> -> memref<16x128xi32, #tpu.memory_space<hbm>>
        %dma_start3A_415 = arith.constant 0 : i32
        %dma_start3A_416 = tpu.memref_slice %arg3[%add3A_190, %dma_start3A_415] : memref<2560x128xi32, #tpu.memory_space<hbm>> -> memref<16x128xi32, #tpu.memory_space<hbm>>
        tpu.enqueue_dma source(%dma_start3A_416 : memref<16x128xi32, #tpu.memory_space<hbm>>) target(%arg9 : memref<16x128xi32, #tpu.memory_space<vmem>>) target_semaphore(%run_scoped3A_412 : memref<!tpu.dma_semaphore, #tpu.memory_space<semaphore_mem>>)
        %dma_wait3A_417 = arith.constant 0 : i32
        %dma_wait3A_418 = tpu.memref_slice %arg3[%add3A_190, %dma_wait3A_417] : memref<2560x128xi32, #tpu.memory_space<hbm>> -> memref<16x128xi32, #tpu.memory_space<hbm>>
        %dma_wait3A_419 = arith.constant 0 : i32
        %dma_wait3A_420 = tpu.memref_slice %arg3[%add3A_190, %dma_wait3A_419] : memref<2560x128xi32, #tpu.memory_space<hbm>> -> memref<16x128xi32, #tpu.memory_space<hbm>>
        tpu.wait_dma2 semaphore(%run_scoped3A_412 : memref<!tpu.dma_semaphore, #tpu.memory_space<semaphore_mem>>) src(%dma_wait3A_420 : memref<16x128xi32, #tpu.memory_space<hbm>>) dst(%arg9 : memref<16x128xi32, #tpu.memory_space<vmem>>)
        tpu.yield
      }) : () -> ()
      %dma_start3A = arith.constant 0 : i32
      %dma_start3A_191 = arith.constant 0 : i32
      %dma_start3A_192 = tpu.memref_slice %arg8[%dma_start3A, %dma_start3A_191] : memref<16x128xi32, #tpu.memory_space<vmem>> -> memref<1x128xi32, #tpu.memory_space<vmem>>
      %dma_start3A_193 = tpu.memref_squeeze %dma_start3A_192 : memref<1x128xi32, #tpu.memory_space<vmem>> -> memref<128xi32, #tpu.memory_space<vmem>>
      %dma_start3A_194 = arith.constant 0 : i32
      %dma_start3A_195 = arith.constant 0 : i32
      %dma_start3A_196 = tpu.memref_slice %arg12[%dma_start3A_194, %dma_start3A_195] : memref<20480x64xf32, #tpu.memory_space<vmem_shared>> -> memref<20480x64xf32, #tpu.memory_space<vmem_shared>>
      tpu.enqueue_indirect_dma source(%dma_start3A_196 : memref<20480x64xf32, #tpu.memory_space<vmem_shared>>) target(%arg10 : memref<128x64xf32, #tpu.memory_space<vmem>>) offsets(%dma_start3A_193 : memref<128xi32, #tpu.memory_space<vmem>>) semaphore(%arg13 : memref<!tpu.dma_semaphore, #tpu.memory_space<semaphore_mem>>)
      %dma_start3A_197 = arith.constant 1 : i32
      %dma_start3A_198 = arith.constant 0 : i32
      %dma_start3A_199 = tpu.memref_slice %arg8[%dma_start3A_197, %dma_start3A_198] : memref<16x128xi32, #tpu.memory_space<vmem>> -> memref<1x128xi32, #tpu.memory_space<vmem>>
      %dma_start3A_200 = tpu.memref_squeeze %dma_start3A_199 : memref<1x128xi32, #tpu.memory_space<vmem>> -> memref<128xi32, #tpu.memory_space<vmem>>
      %dma_start3A_201 = arith.constant 0 : i32
      %dma_start3A_202 = arith.constant 0 : i32
      %dma_start3A_203 = tpu.memref_slice %arg12[%dma_start3A_201, %dma_start3A_202] : memref<20480x64xf32, #tpu.memory_space<vmem_shared>> -> memref<20480x64xf32, #tpu.memory_space<vmem_shared>>
      tpu.enqueue_indirect_dma source(%dma_start3A_203 : memref<20480x64xf32, #tpu.memory_space<vmem_shared>>) target(%arg11 : memref<128x64xf32, #tpu.memory_space<vmem>>) offsets(%dma_start3A_200 : memref<128xi32, #tpu.memory_space<vmem>>) semaphore(%arg14 : memref<!tpu.dma_semaphore, #tpu.memory_space<semaphore_mem>>)
      %dma_wait3A = arith.constant 0 : i32
      %dma_wait3A_204 = arith.constant 0 : i32
      %dma_wait3A_205 = tpu.memref_slice %arg12[%dma_wait3A, %dma_wait3A_204] : memref<20480x64xf32, #tpu.memory_space<vmem_shared>> -> memref<128x64xf32, #tpu.memory_space<vmem_shared>>
      %dma_wait3A_206 = arith.constant 0 : i32
      %dma_wait3A_207 = arith.constant 0 : i32
      %dma_wait3A_208 = tpu.memref_slice %arg12[%dma_wait3A_206, %dma_wait3A_207] : memref<20480x64xf32, #tpu.memory_space<vmem_shared>> -> memref<128x64xf32, #tpu.memory_space<vmem_shared>>
      tpu.wait_dma2 semaphore(%arg13 : memref<!tpu.dma_semaphore, #tpu.memory_space<semaphore_mem>>) src(%dma_wait3A_208 : memref<128x64xf32, #tpu.memory_space<vmem_shared>>) dst(%arg10 : memref<128x64xf32, #tpu.memory_space<vmem>>)
      %run_scoped3A = arith.constant 0 : i32
      "tpu.region"() ({
        %run_scoped3A_412 = tpu.sem_alloc : memref<!tpu.dma_semaphore, #tpu.memory_space<semaphore_mem>>
        %dma_start3A_413 = arith.constant 0 : i32
        %dma_start3A_414 = tpu.memref_slice %arg9[%run_scoped3A, %dma_start3A_413] : memref<16x128xi32, #tpu.memory_space<vmem>> -> memref<1x128xi32, #tpu.memory_space<vmem>>
        %dma_start3A_415 = tpu.memref_squeeze %dma_start3A_414 : memref<1x128xi32, #tpu.memory_space<vmem>> -> memref<128xi32, #tpu.memory_space<vmem>>
        %dma_start3A_416 = arith.constant 0 : i32
        %dma_start3A_417 = arith.constant 0 : i32
        %dma_start3A_418 = tpu.memref_slice %arg12[%dma_start3A_416, %dma_start3A_417] : memref<20480x64xf32, #tpu.memory_space<vmem_shared>> -> memref<20480x64xf32, #tpu.memory_space<vmem_shared>>
        tpu.enqueue_indirect_dma source(%arg10 : memref<128x64xf32, #tpu.memory_space<vmem>>) target(%dma_start3A_418 : memref<20480x64xf32, #tpu.memory_space<vmem_shared>>) offsets(%dma_start3A_415 : memref<128xi32, #tpu.memory_space<vmem>>) semaphore(%run_scoped3A_412 : memref<!tpu.dma_semaphore, #tpu.memory_space<semaphore_mem>>) {add = true}
        %dma_wait3A_419 = arith.constant 0 : i32
        %dma_wait3A_420 = tpu.memref_slice %arg9[%run_scoped3A, %dma_wait3A_419] : memref<16x128xi32, #tpu.memory_space<vmem>> -> memref<1x128xi32, #tpu.memory_space<vmem>>
        %dma_wait3A_421 = tpu.memref_squeeze %dma_wait3A_420 : memref<1x128xi32, #tpu.memory_space<vmem>> -> memref<128xi32, #tpu.memory_space<vmem>>
        %dma_wait3A_422 = arith.constant 0 : i32
        %dma_wait3A_423 = arith.constant 0 : i32
        %dma_wait3A_424 = tpu.memref_slice %arg12[%dma_wait3A_422, %dma_wait3A_423] : memref<20480x64xf32, #tpu.memory_space<vmem_shared>> -> memref<20480x64xf32, #tpu.memory_space<vmem_shared>>
        tpu.wait_indirect_dma semaphore(%run_scoped3A_412 : memref<!tpu.dma_semaphore, #tpu.memory_space<semaphore_mem>>) src(%arg10 : memref<128x64xf32, #tpu.memory_space<vmem>>) dst(%dma_wait3A_424 : memref<20480x64xf32, #tpu.memory_space<vmem_shared>>)
        tpu.yield
      }) : () -> ()
      %dma_start3A_209 = arith.constant 2 : i32
      %dma_start3A_210 = arith.constant 0 : i32
      %dma_start3A_211 = tpu.memref_slice %arg8[%dma_start3A_209, %dma_start3A_210] : memref<16x128xi32, #tpu.memory_space<vmem>> -> memref<1x128xi32, #tpu.memory_space<vmem>>
      %dma_start3A_212 = tpu.memref_squeeze %dma_start3A_211 : memref<1x128xi32, #tpu.memory_space<vmem>> -> memref<128xi32, #tpu.memory_space<vmem>>
      %dma_start3A_213 = arith.constant 0 : i32
      %dma_start3A_214 = arith.constant 0 : i32
      %dma_start3A_215 = tpu.memref_slice %arg12[%dma_start3A_213, %dma_start3A_214] : memref<20480x64xf32, #tpu.memory_space<vmem_shared>> -> memref<20480x64xf32, #tpu.memory_space<vmem_shared>>
      tpu.enqueue_indirect_dma source(%dma_start3A_215 : memref<20480x64xf32, #tpu.memory_space<vmem_shared>>) target(%arg10 : memref<128x64xf32, #tpu.memory_space<vmem>>) offsets(%dma_start3A_212 : memref<128xi32, #tpu.memory_space<vmem>>) semaphore(%arg13 : memref<!tpu.dma_semaphore, #tpu.memory_space<semaphore_mem>>)
      %dma_wait3A_216 = arith.constant 0 : i32
      %dma_wait3A_217 = arith.constant 0 : i32
      %dma_wait3A_218 = tpu.memref_slice %arg12[%dma_wait3A_216, %dma_wait3A_217] : memref<20480x64xf32, #tpu.memory_space<vmem_shared>> -> memref<128x64xf32, #tpu.memory_space<vmem_shared>>
      %dma_wait3A_219 = arith.constant 0 : i32
      %dma_wait3A_220 = arith.constant 0 : i32
      %dma_wait3A_221 = tpu.memref_slice %arg12[%dma_wait3A_219, %dma_wait3A_220] : memref<20480x64xf32, #tpu.memory_space<vmem_shared>> -> memref<128x64xf32, #tpu.memory_space<vmem_shared>>
      tpu.wait_dma2 semaphore(%arg14 : memref<!tpu.dma_semaphore, #tpu.memory_space<semaphore_mem>>) src(%dma_wait3A_221 : memref<128x64xf32, #tpu.memory_space<vmem_shared>>) dst(%arg11 : memref<128x64xf32, #tpu.memory_space<vmem>>)
      %run_scoped3A_222 = arith.constant 1 : i32
      "tpu.region"() ({
        %run_scoped3A_412 = tpu.sem_alloc : memref<!tpu.dma_semaphore, #tpu.memory_space<semaphore_mem>>
        %dma_start3A_413 = arith.constant 0 : i32
        %dma_start3A_414 = tpu.memref_slice %arg9[%run_scoped3A_222, %dma_start3A_413] : memref<16x128xi32, #tpu.memory_space<vmem>> -> memref<1x128xi32, #tpu.memory_space<vmem>>
        %dma_start3A_415 = tpu.memref_squeeze %dma_start3A_414 : memref<1x128xi32, #tpu.memory_space<vmem>> -> memref<128xi32, #tpu.memory_space<vmem>>
        %dma_start3A_416 = arith.constant 0 : i32
        %dma_start3A_417 = arith.constant 0 : i32
        %dma_start3A_418 = tpu.memref_slice %arg12[%dma_start3A_416, %dma_start3A_417] : memref<20480x64xf32, #tpu.memory_space<vmem_shared>> -> memref<20480x64xf32, #tpu.memory_space<vmem_shared>>
        tpu.enqueue_indirect_dma source(%arg11 : memref<128x64xf32, #tpu.memory_space<vmem>>) target(%dma_start3A_418 : memref<20480x64xf32, #tpu.memory_space<vmem_shared>>) offsets(%dma_start3A_415 : memref<128xi32, #tpu.memory_space<vmem>>) semaphore(%run_scoped3A_412 : memref<!tpu.dma_semaphore, #tpu.memory_space<semaphore_mem>>) {add = true}
        %dma_wait3A_419 = arith.constant 0 : i32
        %dma_wait3A_420 = tpu.memref_slice %arg9[%run_scoped3A_222, %dma_wait3A_419] : memref<16x128xi32, #tpu.memory_space<vmem>> -> memref<1x128xi32, #tpu.memory_space<vmem>>
        %dma_wait3A_421 = tpu.memref_squeeze %dma_wait3A_420 : memref<1x128xi32, #tpu.memory_space<vmem>> -> memref<128xi32, #tpu.memory_space<vmem>>
        %dma_wait3A_422 = arith.constant 0 : i32
        %dma_wait3A_423 = arith.constant 0 : i32
        %dma_wait3A_424 = tpu.memref_slice %arg12[%dma_wait3A_422, %dma_wait3A_423] : memref<20480x64xf32, #tpu.memory_space<vmem_shared>> -> memref<20480x64xf32, #tpu.memory_space<vmem_shared>>
        tpu.wait_indirect_dma semaphore(%run_scoped3A_412 : memref<!tpu.dma_semaphore, #tpu.memory_space<semaphore_mem>>) src(%arg11 : memref<128x64xf32, #tpu.memory_space<vmem>>) dst(%dma_wait3A_424 : memref<20480x64xf32, #tpu.memory_space<vmem_shared>>)
        tpu.yield
      }) : () -> ()
      %dma_start3A_223 = arith.constant 3 : i32
      %dma_start3A_224 = arith.constant 0 : i32
      %dma_start3A_225 = tpu.memref_slice %arg8[%dma_start3A_223, %dma_start3A_224] : memref<16x128xi32, #tpu.memory_space<vmem>> -> memref<1x128xi32, #tpu.memory_space<vmem>>
      %dma_start3A_226 = tpu.memref_squeeze %dma_start3A_225 : memref<1x128xi32, #tpu.memory_space<vmem>> -> memref<128xi32, #tpu.memory_space<vmem>>
      %dma_start3A_227 = arith.constant 0 : i32
      %dma_start3A_228 = arith.constant 0 : i32
      %dma_start3A_229 = tpu.memref_slice %arg12[%dma_start3A_227, %dma_start3A_228] : memref<20480x64xf32, #tpu.memory_space<vmem_shared>> -> memref<20480x64xf32, #tpu.memory_space<vmem_shared>>
      tpu.enqueue_indirect_dma source(%dma_start3A_229 : memref<20480x64xf32, #tpu.memory_space<vmem_shared>>) target(%arg11 : memref<128x64xf32, #tpu.memory_space<vmem>>) offsets(%dma_start3A_226 : memref<128xi32, #tpu.memory_space<vmem>>) semaphore(%arg14 : memref<!tpu.dma_semaphore, #tpu.memory_space<semaphore_mem>>)
      %dma_wait3A_230 = arith.constant 0 : i32
      %dma_wait3A_231 = arith.constant 0 : i32
      %dma_wait3A_232 = tpu.memref_slice %arg12[%dma_wait3A_230, %dma_wait3A_231] : memref<20480x64xf32, #tpu.memory_space<vmem_shared>> -> memref<128x64xf32, #tpu.memory_space<vmem_shared>>
      %dma_wait3A_233 = arith.constant 0 : i32
      %dma_wait3A_234 = arith.constant 0 : i32
      %dma_wait3A_235 = tpu.memref_slice %arg12[%dma_wait3A_233, %dma_wait3A_234] : memref<20480x64xf32, #tpu.memory_space<vmem_shared>> -> memref<128x64xf32, #tpu.memory_space<vmem_shared>>
      tpu.wait_dma2 semaphore(%arg13 : memref<!tpu.dma_semaphore, #tpu.memory_space<semaphore_mem>>) src(%dma_wait3A_235 : memref<128x64xf32, #tpu.memory_space<vmem_shared>>) dst(%arg10 : memref<128x64xf32, #tpu.memory_space<vmem>>)
      %run_scoped3A_236 = arith.constant 2 : i32
      "tpu.region"() ({
        %run_scoped3A_412 = tpu.sem_alloc : memref<!tpu.dma_semaphore, #tpu.memory_space<semaphore_mem>>
        %dma_start3A_413 = arith.constant 0 : i32
        %dma_start3A_414 = tpu.memref_slice %arg9[%run_scoped3A_236, %dma_start3A_413] : memref<16x128xi32, #tpu.memory_space<vmem>> -> memref<1x128xi32, #tpu.memory_space<vmem>>
        %dma_start3A_415 = tpu.memref_squeeze %dma_start3A_414 : memref<1x128xi32, #tpu.memory_space<vmem>> -> memref<128xi32, #tpu.memory_space<vmem>>
        %dma_start3A_416 = arith.constant 0 : i32
        %dma_start3A_417 = arith.constant 0 : i32
        %dma_start3A_418 = tpu.memref_slice %arg12[%dma_start3A_416, %dma_start3A_417] : memref<20480x64xf32, #tpu.memory_space<vmem_shared>> -> memref<20480x64xf32, #tpu.memory_space<vmem_shared>>
        tpu.enqueue_indirect_dma source(%arg10 : memref<128x64xf32, #tpu.memory_space<vmem>>) target(%dma_start3A_418 : memref<20480x64xf32, #tpu.memory_space<vmem_shared>>) offsets(%dma_start3A_415 : memref<128xi32, #tpu.memory_space<vmem>>) semaphore(%run_scoped3A_412 : memref<!tpu.dma_semaphore, #tpu.memory_space<semaphore_mem>>) {add = true}
        %dma_wait3A_419 = arith.constant 0 : i32
        %dma_wait3A_420 = tpu.memref_slice %arg9[%run_scoped3A_236, %dma_wait3A_419] : memref<16x128xi32, #tpu.memory_space<vmem>> -> memref<1x128xi32, #tpu.memory_space<vmem>>
        %dma_wait3A_421 = tpu.memref_squeeze %dma_wait3A_420 : memref<1x128xi32, #tpu.memory_space<vmem>> -> memref<128xi32, #tpu.memory_space<vmem>>
        %dma_wait3A_422 = arith.constant 0 : i32
        %dma_wait3A_423 = arith.constant 0 : i32
        %dma_wait3A_424 = tpu.memref_slice %arg12[%dma_wait3A_422, %dma_wait3A_423] : memref<20480x64xf32, #tpu.memory_space<vmem_shared>> -> memref<20480x64xf32, #tpu.memory_space<vmem_shared>>
        tpu.wait_indirect_dma semaphore(%run_scoped3A_412 : memref<!tpu.dma_semaphore, #tpu.memory_space<semaphore_mem>>) src(%arg10 : memref<128x64xf32, #tpu.memory_space<vmem>>) dst(%dma_wait3A_424 : memref<20480x64xf32, #tpu.memory_space<vmem_shared>>)
        tpu.yield
      }) : () -> ()
      %dma_start3A_237 = arith.constant 4 : i32
      %dma_start3A_238 = arith.constant 0 : i32
      %dma_start3A_239 = tpu.memref_slice %arg8[%dma_start3A_237, %dma_start3A_238] : memref<16x128xi32, #tpu.memory_space<vmem>> -> memref<1x128xi32, #tpu.memory_space<vmem>>
      %dma_start3A_240 = tpu.memref_squeeze %dma_start3A_239 : memref<1x128xi32, #tpu.memory_space<vmem>> -> memref<128xi32, #tpu.memory_space<vmem>>
      %dma_start3A_241 = arith.constant 0 : i32
      %dma_start3A_242 = arith.constant 0 : i32
      %dma_start3A_243 = tpu.memref_slice %arg12[%dma_start3A_241, %dma_start3A_242] : memref<20480x64xf32, #tpu.memory_space<vmem_shared>> -> memref<20480x64xf32, #tpu.memory_space<vmem_shared>>
      tpu.enqueue_indirect_dma source(%dma_start3A_243 : memref<20480x64xf32, #tpu.memory_space<vmem_shared>>) target(%arg10 : memref<128x64xf32, #tpu.memory_space<vmem>>) offsets(%dma_start3A_240 : memref<128xi32, #tpu.memory_space<vmem>>) semaphore(%arg13 : memref<!tpu.dma_semaphore, #tpu.memory_space<semaphore_mem>>)
      %dma_wait3A_244 = arith.constant 0 : i32
      %dma_wait3A_245 = arith.constant 0 : i32
      %dma_wait3A_246 = tpu.memref_slice %arg12[%dma_wait3A_244, %dma_wait3A_245] : memref<20480x64xf32, #tpu.memory_space<vmem_shared>> -> memref<128x64xf32, #tpu.memory_space<vmem_shared>>
      %dma_wait3A_247 = arith.constant 0 : i32
      %dma_wait3A_248 = arith.constant 0 : i32
      %dma_wait3A_249 = tpu.memref_slice %arg12[%dma_wait3A_247, %dma_wait3A_248] : memref<20480x64xf32, #tpu.memory_space<vmem_shared>> -> memref<128x64xf32, #tpu.memory_space<vmem_shared>>
      tpu.wait_dma2 semaphore(%arg14 : memref<!tpu.dma_semaphore, #tpu.memory_space<semaphore_mem>>) src(%dma_wait3A_249 : memref<128x64xf32, #tpu.memory_space<vmem_shared>>) dst(%arg11 : memref<128x64xf32, #tpu.memory_space<vmem>>)
      %run_scoped3A_250 = arith.constant 3 : i32
      "tpu.region"() ({
        %run_scoped3A_412 = tpu.sem_alloc : memref<!tpu.dma_semaphore, #tpu.memory_space<semaphore_mem>>
        %dma_start3A_413 = arith.constant 0 : i32
        %dma_start3A_414 = tpu.memref_slice %arg9[%run_scoped3A_250, %dma_start3A_413] : memref<16x128xi32, #tpu.memory_space<vmem>> -> memref<1x128xi32, #tpu.memory_space<vmem>>
        %dma_start3A_415 = tpu.memref_squeeze %dma_start3A_414 : memref<1x128xi32, #tpu.memory_space<vmem>> -> memref<128xi32, #tpu.memory_space<vmem>>
        %dma_start3A_416 = arith.constant 0 : i32
        %dma_start3A_417 = arith.constant 0 : i32
        %dma_start3A_418 = tpu.memref_slice %arg12[%dma_start3A_416, %dma_start3A_417] : memref<20480x64xf32, #tpu.memory_space<vmem_shared>> -> memref<20480x64xf32, #tpu.memory_space<vmem_shared>>
        tpu.enqueue_indirect_dma source(%arg11 : memref<128x64xf32, #tpu.memory_space<vmem>>) target(%dma_start3A_418 : memref<20480x64xf32, #tpu.memory_space<vmem_shared>>) offsets(%dma_start3A_415 : memref<128xi32, #tpu.memory_space<vmem>>) semaphore(%run_scoped3A_412 : memref<!tpu.dma_semaphore, #tpu.memory_space<semaphore_mem>>) {add = true}
        %dma_wait3A_419 = arith.constant 0 : i32
        %dma_wait3A_420 = tpu.memref_slice %arg9[%run_scoped3A_250, %dma_wait3A_419] : memref<16x128xi32, #tpu.memory_space<vmem>> -> memref<1x128xi32, #tpu.memory_space<vmem>>
        %dma_wait3A_421 = tpu.memref_squeeze %dma_wait3A_420 : memref<1x128xi32, #tpu.memory_space<vmem>> -> memref<128xi32, #tpu.memory_space<vmem>>
        %dma_wait3A_422 = arith.constant 0 : i32
        %dma_wait3A_423 = arith.constant 0 : i32
        %dma_wait3A_424 = tpu.memref_slice %arg12[%dma_wait3A_422, %dma_wait3A_423] : memref<20480x64xf32, #tpu.memory_space<vmem_shared>> -> memref<20480x64xf32, #tpu.memory_space<vmem_shared>>
        tpu.wait_indirect_dma semaphore(%run_scoped3A_412 : memref<!tpu.dma_semaphore, #tpu.memory_space<semaphore_mem>>) src(%arg11 : memref<128x64xf32, #tpu.memory_space<vmem>>) dst(%dma_wait3A_424 : memref<20480x64xf32, #tpu.memory_space<vmem_shared>>)
        tpu.yield
      }) : () -> ()
      %dma_start3A_251 = arith.constant 5 : i32
      %dma_start3A_252 = arith.constant 0 : i32
      %dma_start3A_253 = tpu.memref_slice %arg8[%dma_start3A_251, %dma_start3A_252] : memref<16x128xi32, #tpu.memory_space<vmem>> -> memref<1x128xi32, #tpu.memory_space<vmem>>
      %dma_start3A_254 = tpu.memref_squeeze %dma_start3A_253 : memref<1x128xi32, #tpu.memory_space<vmem>> -> memref<128xi32, #tpu.memory_space<vmem>>
      %dma_start3A_255 = arith.constant 0 : i32
      %dma_start3A_256 = arith.constant 0 : i32
      %dma_start3A_257 = tpu.memref_slice %arg12[%dma_start3A_255, %dma_start3A_256] : memref<20480x64xf32, #tpu.memory_space<vmem_shared>> -> memref<20480x64xf32, #tpu.memory_space<vmem_shared>>
      tpu.enqueue_indirect_dma source(%dma_start3A_257 : memref<20480x64xf32, #tpu.memory_space<vmem_shared>>) target(%arg11 : memref<128x64xf32, #tpu.memory_space<vmem>>) offsets(%dma_start3A_254 : memref<128xi32, #tpu.memory_space<vmem>>) semaphore(%arg14 : memref<!tpu.dma_semaphore, #tpu.memory_space<semaphore_mem>>)
      %dma_wait3A_258 = arith.constant 0 : i32
      %dma_wait3A_259 = arith.constant 0 : i32
      %dma_wait3A_260 = tpu.memref_slice %arg12[%dma_wait3A_258, %dma_wait3A_259] : memref<20480x64xf32, #tpu.memory_space<vmem_shared>> -> memref<128x64xf32, #tpu.memory_space<vmem_shared>>
      %dma_wait3A_261 = arith.constant 0 : i32
      %dma_wait3A_262 = arith.constant 0 : i32
      %dma_wait3A_263 = tpu.memref_slice %arg12[%dma_wait3A_261, %dma_wait3A_262] : memref<20480x64xf32, #tpu.memory_space<vmem_shared>> -> memref<128x64xf32, #tpu.memory_space<vmem_shared>>
      tpu.wait_dma2 semaphore(%arg13 : memref<!tpu.dma_semaphore, #tpu.memory_space<semaphore_mem>>) src(%dma_wait3A_263 : memref<128x64xf32, #tpu.memory_space<vmem_shared>>) dst(%arg10 : memref<128x64xf32, #tpu.memory_space<vmem>>)
      %run_scoped3A_264 = arith.constant 4 : i32
      "tpu.region"() ({
        %run_scoped3A_412 = tpu.sem_alloc : memref<!tpu.dma_semaphore, #tpu.memory_space<semaphore_mem>>
        %dma_start3A_413 = arith.constant 0 : i32
        %dma_start3A_414 = tpu.memref_slice %arg9[%run_scoped3A_264, %dma_start3A_413] : memref<16x128xi32, #tpu.memory_space<vmem>> -> memref<1x128xi32, #tpu.memory_space<vmem>>
        %dma_start3A_415 = tpu.memref_squeeze %dma_start3A_414 : memref<1x128xi32, #tpu.memory_space<vmem>> -> memref<128xi32, #tpu.memory_space<vmem>>
        %dma_start3A_416 = arith.constant 0 : i32
        %dma_start3A_417 = arith.constant 0 : i32
        %dma_start3A_418 = tpu.memref_slice %arg12[%dma_start3A_416, %dma_start3A_417] : memref<20480x64xf32, #tpu.memory_space<vmem_shared>> -> memref<20480x64xf32, #tpu.memory_space<vmem_shared>>
        tpu.enqueue_indirect_dma source(%arg10 : memref<128x64xf32, #tpu.memory_space<vmem>>) target(%dma_start3A_418 : memref<20480x64xf32, #tpu.memory_space<vmem_shared>>) offsets(%dma_start3A_415 : memref<128xi32, #tpu.memory_space<vmem>>) semaphore(%run_scoped3A_412 : memref<!tpu.dma_semaphore, #tpu.memory_space<semaphore_mem>>) {add = true}
        %dma_wait3A_419 = arith.constant 0 : i32
        %dma_wait3A_420 = tpu.memref_slice %arg9[%run_scoped3A_264, %dma_wait3A_419] : memref<16x128xi32, #tpu.memory_space<vmem>> -> memref<1x128xi32, #tpu.memory_space<vmem>>
        %dma_wait3A_421 = tpu.memref_squeeze %dma_wait3A_420 : memref<1x128xi32, #tpu.memory_space<vmem>> -> memref<128xi32, #tpu.memory_space<vmem>>
        %dma_wait3A_422 = arith.constant 0 : i32
        %dma_wait3A_423 = arith.constant 0 : i32
        %dma_wait3A_424 = tpu.memref_slice %arg12[%dma_wait3A_422, %dma_wait3A_423] : memref<20480x64xf32, #tpu.memory_space<vmem_shared>> -> memref<20480x64xf32, #tpu.memory_space<vmem_shared>>
        tpu.wait_indirect_dma semaphore(%run_scoped3A_412 : memref<!tpu.dma_semaphore, #tpu.memory_space<semaphore_mem>>) src(%arg10 : memref<128x64xf32, #tpu.memory_space<vmem>>) dst(%dma_wait3A_424 : memref<20480x64xf32, #tpu.memory_space<vmem_shared>>)
        tpu.yield
      }) : () -> ()
      %dma_start3A_265 = arith.constant 6 : i32
      %dma_start3A_266 = arith.constant 0 : i32
      %dma_start3A_267 = tpu.memref_slice %arg8[%dma_start3A_265, %dma_start3A_266] : memref<16x128xi32, #tpu.memory_space<vmem>> -> memref<1x128xi32, #tpu.memory_space<vmem>>
      %dma_start3A_268 = tpu.memref_squeeze %dma_start3A_267 : memref<1x128xi32, #tpu.memory_space<vmem>> -> memref<128xi32, #tpu.memory_space<vmem>>
      %dma_start3A_269 = arith.constant 0 : i32
      %dma_start3A_270 = arith.constant 0 : i32
      %dma_start3A_271 = tpu.memref_slice %arg12[%dma_start3A_269, %dma_start3A_270] : memref<20480x64xf32, #tpu.memory_space<vmem_shared>> -> memref<20480x64xf32, #tpu.memory_space<vmem_shared>>
      tpu.enqueue_indirect_dma source(%dma_start3A_271 : memref<20480x64xf32, #tpu.memory_space<vmem_shared>>) target(%arg10 : memref<128x64xf32, #tpu.memory_space<vmem>>) offsets(%dma_start3A_268 : memref<128xi32, #tpu.memory_space<vmem>>) semaphore(%arg13 : memref<!tpu.dma_semaphore, #tpu.memory_space<semaphore_mem>>)
      %dma_wait3A_272 = arith.constant 0 : i32
      %dma_wait3A_273 = arith.constant 0 : i32
      %dma_wait3A_274 = tpu.memref_slice %arg12[%dma_wait3A_272, %dma_wait3A_273] : memref<20480x64xf32, #tpu.memory_space<vmem_shared>> -> memref<128x64xf32, #tpu.memory_space<vmem_shared>>
      %dma_wait3A_275 = arith.constant 0 : i32
      %dma_wait3A_276 = arith.constant 0 : i32
      %dma_wait3A_277 = tpu.memref_slice %arg12[%dma_wait3A_275, %dma_wait3A_276] : memref<20480x64xf32, #tpu.memory_space<vmem_shared>> -> memref<128x64xf32, #tpu.memory_space<vmem_shared>>
      tpu.wait_dma2 semaphore(%arg14 : memref<!tpu.dma_semaphore, #tpu.memory_space<semaphore_mem>>) src(%dma_wait3A_277 : memref<128x64xf32, #tpu.memory_space<vmem_shared>>) dst(%arg11 : memref<128x64xf32, #tpu.memory_space<vmem>>)
      %run_scoped3A_278 = arith.constant 5 : i32
      "tpu.region"() ({
        %run_scoped3A_412 = tpu.sem_alloc : memref<!tpu.dma_semaphore, #tpu.memory_space<semaphore_mem>>
        %dma_start3A_413 = arith.constant 0 : i32
        %dma_start3A_414 = tpu.memref_slice %arg9[%run_scoped3A_278, %dma_start3A_413] : memref<16x128xi32, #tpu.memory_space<vmem>> -> memref<1x128xi32, #tpu.memory_space<vmem>>
        %dma_start3A_415 = tpu.memref_squeeze %dma_start3A_414 : memref<1x128xi32, #tpu.memory_space<vmem>> -> memref<128xi32, #tpu.memory_space<vmem>>
        %dma_start3A_416 = arith.constant 0 : i32
        %dma_start3A_417 = arith.constant 0 : i32
        %dma_start3A_418 = tpu.memref_slice %arg12[%dma_start3A_416, %dma_start3A_417] : memref<20480x64xf32, #tpu.memory_space<vmem_shared>> -> memref<20480x64xf32, #tpu.memory_space<vmem_shared>>
        tpu.enqueue_indirect_dma source(%arg11 : memref<128x64xf32, #tpu.memory_space<vmem>>) target(%dma_start3A_418 : memref<20480x64xf32, #tpu.memory_space<vmem_shared>>) offsets(%dma_start3A_415 : memref<128xi32, #tpu.memory_space<vmem>>) semaphore(%run_scoped3A_412 : memref<!tpu.dma_semaphore, #tpu.memory_space<semaphore_mem>>) {add = true}
        %dma_wait3A_419 = arith.constant 0 : i32
        %dma_wait3A_420 = tpu.memref_slice %arg9[%run_scoped3A_278, %dma_wait3A_419] : memref<16x128xi32, #tpu.memory_space<vmem>> -> memref<1x128xi32, #tpu.memory_space<vmem>>
        %dma_wait3A_421 = tpu.memref_squeeze %dma_wait3A_420 : memref<1x128xi32, #tpu.memory_space<vmem>> -> memref<128xi32, #tpu.memory_space<vmem>>
        %dma_wait3A_422 = arith.constant 0 : i32
        %dma_wait3A_423 = arith.constant 0 : i32
        %dma_wait3A_424 = tpu.memref_slice %arg12[%dma_wait3A_422, %dma_wait3A_423] : memref<20480x64xf32, #tpu.memory_space<vmem_shared>> -> memref<20480x64xf32, #tpu.memory_space<vmem_shared>>
        tpu.wait_indirect_dma semaphore(%run_scoped3A_412 : memref<!tpu.dma_semaphore, #tpu.memory_space<semaphore_mem>>) src(%arg11 : memref<128x64xf32, #tpu.memory_space<vmem>>) dst(%dma_wait3A_424 : memref<20480x64xf32, #tpu.memory_space<vmem_shared>>)
        tpu.yield
      }) : () -> ()
      %dma_start3A_279 = arith.constant 7 : i32
      %dma_start3A_280 = arith.constant 0 : i32
      %dma_start3A_281 = tpu.memref_slice %arg8[%dma_start3A_279, %dma_start3A_280] : memref<16x128xi32, #tpu.memory_space<vmem>> -> memref<1x128xi32, #tpu.memory_space<vmem>>
      %dma_start3A_282 = tpu.memref_squeeze %dma_start3A_281 : memref<1x128xi32, #tpu.memory_space<vmem>> -> memref<128xi32, #tpu.memory_space<vmem>>
      %dma_start3A_283 = arith.constant 0 : i32
      %dma_start3A_284 = arith.constant 0 : i32
      %dma_start3A_285 = tpu.memref_slice %arg12[%dma_start3A_283, %dma_start3A_284] : memref<20480x64xf32, #tpu.memory_space<vmem_shared>> -> memref<20480x64xf32, #tpu.memory_space<vmem_shared>>
      tpu.enqueue_indirect_dma source(%dma_start3A_285 : memref<20480x64xf32, #tpu.memory_space<vmem_shared>>) target(%arg11 : memref<128x64xf32, #tpu.memory_space<vmem>>) offsets(%dma_start3A_282 : memref<128xi32, #tpu.memory_space<vmem>>) semaphore(%arg14 : memref<!tpu.dma_semaphore, #tpu.memory_space<semaphore_mem>>)
      %dma_wait3A_286 = arith.constant 0 : i32
      %dma_wait3A_287 = arith.constant 0 : i32
      %dma_wait3A_288 = tpu.memref_slice %arg12[%dma_wait3A_286, %dma_wait3A_287] : memref<20480x64xf32, #tpu.memory_space<vmem_shared>> -> memref<128x64xf32, #tpu.memory_space<vmem_shared>>
      %dma_wait3A_289 = arith.constant 0 : i32
      %dma_wait3A_290 = arith.constant 0 : i32
      %dma_wait3A_291 = tpu.memref_slice %arg12[%dma_wait3A_289, %dma_wait3A_290] : memref<20480x64xf32, #tpu.memory_space<vmem_shared>> -> memref<128x64xf32, #tpu.memory_space<vmem_shared>>
      tpu.wait_dma2 semaphore(%arg13 : memref<!tpu.dma_semaphore, #tpu.memory_space<semaphore_mem>>) src(%dma_wait3A_291 : memref<128x64xf32, #tpu.memory_space<vmem_shared>>) dst(%arg10 : memref<128x64xf32, #tpu.memory_space<vmem>>)
      %run_scoped3A_292 = arith.constant 6 : i32
      "tpu.region"() ({
        %run_scoped3A_412 = tpu.sem_alloc : memref<!tpu.dma_semaphore, #tpu.memory_space<semaphore_mem>>
        %dma_start3A_413 = arith.constant 0 : i32
        %dma_start3A_414 = tpu.memref_slice %arg9[%run_scoped3A_292, %dma_start3A_413] : memref<16x128xi32, #tpu.memory_space<vmem>> -> memref<1x128xi32, #tpu.memory_space<vmem>>
        %dma_start3A_415 = tpu.memref_squeeze %dma_start3A_414 : memref<1x128xi32, #tpu.memory_space<vmem>> -> memref<128xi32, #tpu.memory_space<vmem>>
        %dma_start3A_416 = arith.constant 0 : i32
        %dma_start3A_417 = arith.constant 0 : i32
        %dma_start3A_418 = tpu.memref_slice %arg12[%dma_start3A_416, %dma_start3A_417] : memref<20480x64xf32, #tpu.memory_space<vmem_shared>> -> memref<20480x64xf32, #tpu.memory_space<vmem_shared>>
        tpu.enqueue_indirect_dma source(%arg10 : memref<128x64xf32, #tpu.memory_space<vmem>>) target(%dma_start3A_418 : memref<20480x64xf32, #tpu.memory_space<vmem_shared>>) offsets(%dma_start3A_415 : memref<128xi32, #tpu.memory_space<vmem>>) semaphore(%run_scoped3A_412 : memref<!tpu.dma_semaphore, #tpu.memory_space<semaphore_mem>>) {add = true}
        %dma_wait3A_419 = arith.constant 0 : i32
        %dma_wait3A_420 = tpu.memref_slice %arg9[%run_scoped3A_292, %dma_wait3A_419] : memref<16x128xi32, #tpu.memory_space<vmem>> -> memref<1x128xi32, #tpu.memory_space<vmem>>
        %dma_wait3A_421 = tpu.memref_squeeze %dma_wait3A_420 : memref<1x128xi32, #tpu.memory_space<vmem>> -> memref<128xi32, #tpu.memory_space<vmem>>
        %dma_wait3A_422 = arith.constant 0 : i32
        %dma_wait3A_423 = arith.constant 0 : i32
        %dma_wait3A_424 = tpu.memref_slice %arg12[%dma_wait3A_422, %dma_wait3A_423] : memref<20480x64xf32, #tpu.memory_space<vmem_shared>> -> memref<20480x64xf32, #tpu.memory_space<vmem_shared>>
        tpu.wait_indirect_dma semaphore(%run_scoped3A_412 : memref<!tpu.dma_semaphore, #tpu.memory_space<semaphore_mem>>) src(%arg10 : memref<128x64xf32, #tpu.memory_space<vmem>>) dst(%dma_wait3A_424 : memref<20480x64xf32, #tpu.memory_space<vmem_shared>>)
        tpu.yield
      }) : () -> ()
      %dma_start3A_293 = arith.constant 8 : i32
      %dma_start3A_294 = arith.constant 0 : i32
      %dma_start3A_295 = tpu.memref_slice %arg8[%dma_start3A_293, %dma_start3A_294] : memref<16x128xi32, #tpu.memory_space<vmem>> -> memref<1x128xi32, #tpu.memory_space<vmem>>
      %dma_start3A_296 = tpu.memref_squeeze %dma_start3A_295 : memref<1x128xi32, #tpu.memory_space<vmem>> -> memref<128xi32, #tpu.memory_space<vmem>>
      %dma_start3A_297 = arith.constant 0 : i32
      %dma_start3A_298 = arith.constant 0 : i32
      %dma_start3A_299 = tpu.memref_slice %arg12[%dma_start3A_297, %dma_start3A_298] : memref<20480x64xf32, #tpu.memory_space<vmem_shared>> -> memref<20480x64xf32, #tpu.memory_space<vmem_shared>>
      tpu.enqueue_indirect_dma source(%dma_start3A_299 : memref<20480x64xf32, #tpu.memory_space<vmem_shared>>) target(%arg10 : memref<128x64xf32, #tpu.memory_space<vmem>>) offsets(%dma_start3A_296 : memref<128xi32, #tpu.memory_space<vmem>>) semaphore(%arg13 : memref<!tpu.dma_semaphore, #tpu.memory_space<semaphore_mem>>)
      %dma_wait3A_300 = arith.constant 0 : i32
      %dma_wait3A_301 = arith.constant 0 : i32
      %dma_wait3A_302 = tpu.memref_slice %arg12[%dma_wait3A_300, %dma_wait3A_301] : memref<20480x64xf32, #tpu.memory_space<vmem_shared>> -> memref<128x64xf32, #tpu.memory_space<vmem_shared>>
      %dma_wait3A_303 = arith.constant 0 : i32
      %dma_wait3A_304 = arith.constant 0 : i32
      %dma_wait3A_305 = tpu.memref_slice %arg12[%dma_wait3A_303, %dma_wait3A_304] : memref<20480x64xf32, #tpu.memory_space<vmem_shared>> -> memref<128x64xf32, #tpu.memory_space<vmem_shared>>
      tpu.wait_dma2 semaphore(%arg14 : memref<!tpu.dma_semaphore, #tpu.memory_space<semaphore_mem>>) src(%dma_wait3A_305 : memref<128x64xf32, #tpu.memory_space<vmem_shared>>) dst(%arg11 : memref<128x64xf32, #tpu.memory_space<vmem>>)
      %run_scoped3A_306 = arith.constant 7 : i32
      "tpu.region"() ({
        %run_scoped3A_412 = tpu.sem_alloc : memref<!tpu.dma_semaphore, #tpu.memory_space<semaphore_mem>>
        %dma_start3A_413 = arith.constant 0 : i32
        %dma_start3A_414 = tpu.memref_slice %arg9[%run_scoped3A_306, %dma_start3A_413] : memref<16x128xi32, #tpu.memory_space<vmem>> -> memref<1x128xi32, #tpu.memory_space<vmem>>
        %dma_start3A_415 = tpu.memref_squeeze %dma_start3A_414 : memref<1x128xi32, #tpu.memory_space<vmem>> -> memref<128xi32, #tpu.memory_space<vmem>>
        %dma_start3A_416 = arith.constant 0 : i32
        %dma_start3A_417 = arith.constant 0 : i32
        %dma_start3A_418 = tpu.memref_slice %arg12[%dma_start3A_416, %dma_start3A_417] : memref<20480x64xf32, #tpu.memory_space<vmem_shared>> -> memref<20480x64xf32, #tpu.memory_space<vmem_shared>>
        tpu.enqueue_indirect_dma source(%arg11 : memref<128x64xf32, #tpu.memory_space<vmem>>) target(%dma_start3A_418 : memref<20480x64xf32, #tpu.memory_space<vmem_shared>>) offsets(%dma_start3A_415 : memref<128xi32, #tpu.memory_space<vmem>>) semaphore(%run_scoped3A_412 : memref<!tpu.dma_semaphore, #tpu.memory_space<semaphore_mem>>) {add = true}
        %dma_wait3A_419 = arith.constant 0 : i32
        %dma_wait3A_420 = tpu.memref_slice %arg9[%run_scoped3A_306, %dma_wait3A_419] : memref<16x128xi32, #tpu.memory_space<vmem>> -> memref<1x128xi32, #tpu.memory_space<vmem>>
        %dma_wait3A_421 = tpu.memref_squeeze %dma_wait3A_420 : memref<1x128xi32, #tpu.memory_space<vmem>> -> memref<128xi32, #tpu.memory_space<vmem>>
        %dma_wait3A_422 = arith.constant 0 : i32
        %dma_wait3A_423 = arith.constant 0 : i32
        %dma_wait3A_424 = tpu.memref_slice %arg12[%dma_wait3A_422, %dma_wait3A_423] : memref<20480x64xf32, #tpu.memory_space<vmem_shared>> -> memref<20480x64xf32, #tpu.memory_space<vmem_shared>>
        tpu.wait_indirect_dma semaphore(%run_scoped3A_412 : memref<!tpu.dma_semaphore, #tpu.memory_space<semaphore_mem>>) src(%arg11 : memref<128x64xf32, #tpu.memory_space<vmem>>) dst(%dma_wait3A_424 : memref<20480x64xf32, #tpu.memory_space<vmem_shared>>)
        tpu.yield
      }) : () -> ()
      %dma_start3A_307 = arith.constant 9 : i32
      %dma_start3A_308 = arith.constant 0 : i32
      %dma_start3A_309 = tpu.memref_slice %arg8[%dma_start3A_307, %dma_start3A_308] : memref<16x128xi32, #tpu.memory_space<vmem>> -> memref<1x128xi32, #tpu.memory_space<vmem>>
      %dma_start3A_310 = tpu.memref_squeeze %dma_start3A_309 : memref<1x128xi32, #tpu.memory_space<vmem>> -> memref<128xi32, #tpu.memory_space<vmem>>
      %dma_start3A_311 = arith.constant 0 : i32
      %dma_start3A_312 = arith.constant 0 : i32
      %dma_start3A_313 = tpu.memref_slice %arg12[%dma_start3A_311, %dma_start3A_312] : memref<20480x64xf32, #tpu.memory_space<vmem_shared>> -> memref<20480x64xf32, #tpu.memory_space<vmem_shared>>
      tpu.enqueue_indirect_dma source(%dma_start3A_313 : memref<20480x64xf32, #tpu.memory_space<vmem_shared>>) target(%arg11 : memref<128x64xf32, #tpu.memory_space<vmem>>) offsets(%dma_start3A_310 : memref<128xi32, #tpu.memory_space<vmem>>) semaphore(%arg14 : memref<!tpu.dma_semaphore, #tpu.memory_space<semaphore_mem>>)
      %dma_wait3A_314 = arith.constant 0 : i32
      %dma_wait3A_315 = arith.constant 0 : i32
      %dma_wait3A_316 = tpu.memref_slice %arg12[%dma_wait3A_314, %dma_wait3A_315] : memref<20480x64xf32, #tpu.memory_space<vmem_shared>> -> memref<128x64xf32, #tpu.memory_space<vmem_shared>>
      %dma_wait3A_317 = arith.constant 0 : i32
      %dma_wait3A_318 = arith.constant 0 : i32
      %dma_wait3A_319 = tpu.memref_slice %arg12[%dma_wait3A_317, %dma_wait3A_318] : memref<20480x64xf32, #tpu.memory_space<vmem_shared>> -> memref<128x64xf32, #tpu.memory_space<vmem_shared>>
      tpu.wait_dma2 semaphore(%arg13 : memref<!tpu.dma_semaphore, #tpu.memory_space<semaphore_mem>>) src(%dma_wait3A_319 : memref<128x64xf32, #tpu.memory_space<vmem_shared>>) dst(%arg10 : memref<128x64xf32, #tpu.memory_space<vmem>>)
      %run_scoped3A_320 = arith.constant 8 : i32
      "tpu.region"() ({
        %run_scoped3A_412 = tpu.sem_alloc : memref<!tpu.dma_semaphore, #tpu.memory_space<semaphore_mem>>
        %dma_start3A_413 = arith.constant 0 : i32
        %dma_start3A_414 = tpu.memref_slice %arg9[%run_scoped3A_320, %dma_start3A_413] : memref<16x128xi32, #tpu.memory_space<vmem>> -> memref<1x128xi32, #tpu.memory_space<vmem>>
        %dma_start3A_415 = tpu.memref_squeeze %dma_start3A_414 : memref<1x128xi32, #tpu.memory_space<vmem>> -> memref<128xi32, #tpu.memory_space<vmem>>
        %dma_start3A_416 = arith.constant 0 : i32
        %dma_start3A_417 = arith.constant 0 : i32
        %dma_start3A_418 = tpu.memref_slice %arg12[%dma_start3A_416, %dma_start3A_417] : memref<20480x64xf32, #tpu.memory_space<vmem_shared>> -> memref<20480x64xf32, #tpu.memory_space<vmem_shared>>
        tpu.enqueue_indirect_dma source(%arg10 : memref<128x64xf32, #tpu.memory_space<vmem>>) target(%dma_start3A_418 : memref<20480x64xf32, #tpu.memory_space<vmem_shared>>) offsets(%dma_start3A_415 : memref<128xi32, #tpu.memory_space<vmem>>) semaphore(%run_scoped3A_412 : memref<!tpu.dma_semaphore, #tpu.memory_space<semaphore_mem>>) {add = true}
        %dma_wait3A_419 = arith.constant 0 : i32
        %dma_wait3A_420 = tpu.memref_slice %arg9[%run_scoped3A_320, %dma_wait3A_419] : memref<16x128xi32, #tpu.memory_space<vmem>> -> memref<1x128xi32, #tpu.memory_space<vmem>>
        %dma_wait3A_421 = tpu.memref_squeeze %dma_wait3A_420 : memref<1x128xi32, #tpu.memory_space<vmem>> -> memref<128xi32, #tpu.memory_space<vmem>>
        %dma_wait3A_422 = arith.constant 0 : i32
        %dma_wait3A_423 = arith.constant 0 : i32
        %dma_wait3A_424 = tpu.memref_slice %arg12[%dma_wait3A_422, %dma_wait3A_423] : memref<20480x64xf32, #tpu.memory_space<vmem_shared>> -> memref<20480x64xf32, #tpu.memory_space<vmem_shared>>
        tpu.wait_indirect_dma semaphore(%run_scoped3A_412 : memref<!tpu.dma_semaphore, #tpu.memory_space<semaphore_mem>>) src(%arg10 : memref<128x64xf32, #tpu.memory_space<vmem>>) dst(%dma_wait3A_424 : memref<20480x64xf32, #tpu.memory_space<vmem_shared>>)
        tpu.yield
      }) : () -> ()
      %dma_start3A_321 = arith.constant 10 : i32
      %dma_start3A_322 = arith.constant 0 : i32
      %dma_start3A_323 = tpu.memref_slice %arg8[%dma_start3A_321, %dma_start3A_322] : memref<16x128xi32, #tpu.memory_space<vmem>> -> memref<1x128xi32, #tpu.memory_space<vmem>>
      %dma_start3A_324 = tpu.memref_squeeze %dma_start3A_323 : memref<1x128xi32, #tpu.memory_space<vmem>> -> memref<128xi32, #tpu.memory_space<vmem>>
      %dma_start3A_325 = arith.constant 0 : i32
      %dma_start3A_326 = arith.constant 0 : i32
      %dma_start3A_327 = tpu.memref_slice %arg12[%dma_start3A_325, %dma_start3A_326] : memref<20480x64xf32, #tpu.memory_space<vmem_shared>> -> memref<20480x64xf32, #tpu.memory_space<vmem_shared>>
      tpu.enqueue_indirect_dma source(%dma_start3A_327 : memref<20480x64xf32, #tpu.memory_space<vmem_shared>>) target(%arg10 : memref<128x64xf32, #tpu.memory_space<vmem>>) offsets(%dma_start3A_324 : memref<128xi32, #tpu.memory_space<vmem>>) semaphore(%arg13 : memref<!tpu.dma_semaphore, #tpu.memory_space<semaphore_mem>>)
      %dma_wait3A_328 = arith.constant 0 : i32
      %dma_wait3A_329 = arith.constant 0 : i32
      %dma_wait3A_330 = tpu.memref_slice %arg12[%dma_wait3A_328, %dma_wait3A_329] : memref<20480x64xf32, #tpu.memory_space<vmem_shared>> -> memref<128x64xf32, #tpu.memory_space<vmem_shared>>
      %dma_wait3A_331 = arith.constant 0 : i32
      %dma_wait3A_332 = arith.constant 0 : i32
      %dma_wait3A_333 = tpu.memref_slice %arg12[%dma_wait3A_331, %dma_wait3A_332] : memref<20480x64xf32, #tpu.memory_space<vmem_shared>> -> memref<128x64xf32, #tpu.memory_space<vmem_shared>>
      tpu.wait_dma2 semaphore(%arg14 : memref<!tpu.dma_semaphore, #tpu.memory_space<semaphore_mem>>) src(%dma_wait3A_333 : memref<128x64xf32, #tpu.memory_space<vmem_shared>>) dst(%arg11 : memref<128x64xf32, #tpu.memory_space<vmem>>)
      %run_scoped3A_334 = arith.constant 9 : i32
      "tpu.region"() ({
        %run_scoped3A_412 = tpu.sem_alloc : memref<!tpu.dma_semaphore, #tpu.memory_space<semaphore_mem>>
        %dma_start3A_413 = arith.constant 0 : i32
        %dma_start3A_414 = tpu.memref_slice %arg9[%run_scoped3A_334, %dma_start3A_413] : memref<16x128xi32, #tpu.memory_space<vmem>> -> memref<1x128xi32, #tpu.memory_space<vmem>>
        %dma_start3A_415 = tpu.memref_squeeze %dma_start3A_414 : memref<1x128xi32, #tpu.memory_space<vmem>> -> memref<128xi32, #tpu.memory_space<vmem>>
        %dma_start3A_416 = arith.constant 0 : i32
        %dma_start3A_417 = arith.constant 0 : i32
        %dma_start3A_418 = tpu.memref_slice %arg12[%dma_start3A_416, %dma_start3A_417] : memref<20480x64xf32, #tpu.memory_space<vmem_shared>> -> memref<20480x64xf32, #tpu.memory_space<vmem_shared>>
        tpu.enqueue_indirect_dma source(%arg11 : memref<128x64xf32, #tpu.memory_space<vmem>>) target(%dma_start3A_418 : memref<20480x64xf32, #tpu.memory_space<vmem_shared>>) offsets(%dma_start3A_415 : memref<128xi32, #tpu.memory_space<vmem>>) semaphore(%run_scoped3A_412 : memref<!tpu.dma_semaphore, #tpu.memory_space<semaphore_mem>>) {add = true}
        %dma_wait3A_419 = arith.constant 0 : i32
        %dma_wait3A_420 = tpu.memref_slice %arg9[%run_scoped3A_334, %dma_wait3A_419] : memref<16x128xi32, #tpu.memory_space<vmem>> -> memref<1x128xi32, #tpu.memory_space<vmem>>
        %dma_wait3A_421 = tpu.memref_squeeze %dma_wait3A_420 : memref<1x128xi32, #tpu.memory_space<vmem>> -> memref<128xi32, #tpu.memory_space<vmem>>
        %dma_wait3A_422 = arith.constant 0 : i32
        %dma_wait3A_423 = arith.constant 0 : i32
        %dma_wait3A_424 = tpu.memref_slice %arg12[%dma_wait3A_422, %dma_wait3A_423] : memref<20480x64xf32, #tpu.memory_space<vmem_shared>> -> memref<20480x64xf32, #tpu.memory_space<vmem_shared>>
        tpu.wait_indirect_dma semaphore(%run_scoped3A_412 : memref<!tpu.dma_semaphore, #tpu.memory_space<semaphore_mem>>) src(%arg11 : memref<128x64xf32, #tpu.memory_space<vmem>>) dst(%dma_wait3A_424 : memref<20480x64xf32, #tpu.memory_space<vmem_shared>>)
        tpu.yield
      }) : () -> ()
      %dma_start3A_335 = arith.constant 11 : i32
      %dma_start3A_336 = arith.constant 0 : i32
      %dma_start3A_337 = tpu.memref_slice %arg8[%dma_start3A_335, %dma_start3A_336] : memref<16x128xi32, #tpu.memory_space<vmem>> -> memref<1x128xi32, #tpu.memory_space<vmem>>
      %dma_start3A_338 = tpu.memref_squeeze %dma_start3A_337 : memref<1x128xi32, #tpu.memory_space<vmem>> -> memref<128xi32, #tpu.memory_space<vmem>>
      %dma_start3A_339 = arith.constant 0 : i32
      %dma_start3A_340 = arith.constant 0 : i32
      %dma_start3A_341 = tpu.memref_slice %arg12[%dma_start3A_339, %dma_start3A_340] : memref<20480x64xf32, #tpu.memory_space<vmem_shared>> -> memref<20480x64xf32, #tpu.memory_space<vmem_shared>>
      tpu.enqueue_indirect_dma source(%dma_start3A_341 : memref<20480x64xf32, #tpu.memory_space<vmem_shared>>) target(%arg11 : memref<128x64xf32, #tpu.memory_space<vmem>>) offsets(%dma_start3A_338 : memref<128xi32, #tpu.memory_space<vmem>>) semaphore(%arg14 : memref<!tpu.dma_semaphore, #tpu.memory_space<semaphore_mem>>)
      %dma_wait3A_342 = arith.constant 0 : i32
      %dma_wait3A_343 = arith.constant 0 : i32
      %dma_wait3A_344 = tpu.memref_slice %arg12[%dma_wait3A_342, %dma_wait3A_343] : memref<20480x64xf32, #tpu.memory_space<vmem_shared>> -> memref<128x64xf32, #tpu.memory_space<vmem_shared>>
      %dma_wait3A_345 = arith.constant 0 : i32
      %dma_wait3A_346 = arith.constant 0 : i32
      %dma_wait3A_347 = tpu.memref_slice %arg12[%dma_wait3A_345, %dma_wait3A_346] : memref<20480x64xf32, #tpu.memory_space<vmem_shared>> -> memref<128x64xf32, #tpu.memory_space<vmem_shared>>
      tpu.wait_dma2 semaphore(%arg13 : memref<!tpu.dma_semaphore, #tpu.memory_space<semaphore_mem>>) src(%dma_wait3A_347 : memref<128x64xf32, #tpu.memory_space<vmem_shared>>) dst(%arg10 : memref<128x64xf32, #tpu.memory_space<vmem>>)
      %run_scoped3A_348 = arith.constant 10 : i32
      "tpu.region"() ({
        %run_scoped3A_412 = tpu.sem_alloc : memref<!tpu.dma_semaphore, #tpu.memory_space<semaphore_mem>>
        %dma_start3A_413 = arith.constant 0 : i32
        %dma_start3A_414 = tpu.memref_slice %arg9[%run_scoped3A_348, %dma_start3A_413] : memref<16x128xi32, #tpu.memory_space<vmem>> -> memref<1x128xi32, #tpu.memory_space<vmem>>
        %dma_start3A_415 = tpu.memref_squeeze %dma_start3A_414 : memref<1x128xi32, #tpu.memory_space<vmem>> -> memref<128xi32, #tpu.memory_space<vmem>>
        %dma_start3A_416 = arith.constant 0 : i32
        %dma_start3A_417 = arith.constant 0 : i32
        %dma_start3A_418 = tpu.memref_slice %arg12[%dma_start3A_416, %dma_start3A_417] : memref<20480x64xf32, #tpu.memory_space<vmem_shared>> -> memref<20480x64xf32, #tpu.memory_space<vmem_shared>>
        tpu.enqueue_indirect_dma source(%arg10 : memref<128x64xf32, #tpu.memory_space<vmem>>) target(%dma_start3A_418 : memref<20480x64xf32, #tpu.memory_space<vmem_shared>>) offsets(%dma_start3A_415 : memref<128xi32, #tpu.memory_space<vmem>>) semaphore(%run_scoped3A_412 : memref<!tpu.dma_semaphore, #tpu.memory_space<semaphore_mem>>) {add = true}
        %dma_wait3A_419 = arith.constant 0 : i32
        %dma_wait3A_420 = tpu.memref_slice %arg9[%run_scoped3A_348, %dma_wait3A_419] : memref<16x128xi32, #tpu.memory_space<vmem>> -> memref<1x128xi32, #tpu.memory_space<vmem>>
        %dma_wait3A_421 = tpu.memref_squeeze %dma_wait3A_420 : memref<1x128xi32, #tpu.memory_space<vmem>> -> memref<128xi32, #tpu.memory_space<vmem>>
        %dma_wait3A_422 = arith.constant 0 : i32
        %dma_wait3A_423 = arith.constant 0 : i32
        %dma_wait3A_424 = tpu.memref_slice %arg12[%dma_wait3A_422, %dma_wait3A_423] : memref<20480x64xf32, #tpu.memory_space<vmem_shared>> -> memref<20480x64xf32, #tpu.memory_space<vmem_shared>>
        tpu.wait_indirect_dma semaphore(%run_scoped3A_412 : memref<!tpu.dma_semaphore, #tpu.memory_space<semaphore_mem>>) src(%arg10 : memref<128x64xf32, #tpu.memory_space<vmem>>) dst(%dma_wait3A_424 : memref<20480x64xf32, #tpu.memory_space<vmem_shared>>)
        tpu.yield
      }) : () -> ()
      %dma_start3A_349 = arith.constant 12 : i32
      %dma_start3A_350 = arith.constant 0 : i32
      %dma_start3A_351 = tpu.memref_slice %arg8[%dma_start3A_349, %dma_start3A_350] : memref<16x128xi32, #tpu.memory_space<vmem>> -> memref<1x128xi32, #tpu.memory_space<vmem>>
      %dma_start3A_352 = tpu.memref_squeeze %dma_start3A_351 : memref<1x128xi32, #tpu.memory_space<vmem>> -> memref<128xi32, #tpu.memory_space<vmem>>
      %dma_start3A_353 = arith.constant 0 : i32
      %dma_start3A_354 = arith.constant 0 : i32
      %dma_start3A_355 = tpu.memref_slice %arg12[%dma_start3A_353, %dma_start3A_354] : memref<20480x64xf32, #tpu.memory_space<vmem_shared>> -> memref<20480x64xf32, #tpu.memory_space<vmem_shared>>
      tpu.enqueue_indirect_dma source(%dma_start3A_355 : memref<20480x64xf32, #tpu.memory_space<vmem_shared>>) target(%arg10 : memref<128x64xf32, #tpu.memory_space<vmem>>) offsets(%dma_start3A_352 : memref<128xi32, #tpu.memory_space<vmem>>) semaphore(%arg13 : memref<!tpu.dma_semaphore, #tpu.memory_space<semaphore_mem>>)
      %dma_wait3A_356 = arith.constant 0 : i32
      %dma_wait3A_357 = arith.constant 0 : i32
      %dma_wait3A_358 = tpu.memref_slice %arg12[%dma_wait3A_356, %dma_wait3A_357] : memref<20480x64xf32, #tpu.memory_space<vmem_shared>> -> memref<128x64xf32, #tpu.memory_space<vmem_shared>>
      %dma_wait3A_359 = arith.constant 0 : i32
      %dma_wait3A_360 = arith.constant 0 : i32
      %dma_wait3A_361 = tpu.memref_slice %arg12[%dma_wait3A_359, %dma_wait3A_360] : memref<20480x64xf32, #tpu.memory_space<vmem_shared>> -> memref<128x64xf32, #tpu.memory_space<vmem_shared>>
      tpu.wait_dma2 semaphore(%arg14 : memref<!tpu.dma_semaphore, #tpu.memory_space<semaphore_mem>>) src(%dma_wait3A_361 : memref<128x64xf32, #tpu.memory_space<vmem_shared>>) dst(%arg11 : memref<128x64xf32, #tpu.memory_space<vmem>>)
      %run_scoped3A_362 = arith.constant 11 : i32
      "tpu.region"() ({
        %run_scoped3A_412 = tpu.sem_alloc : memref<!tpu.dma_semaphore, #tpu.memory_space<semaphore_mem>>
        %dma_start3A_413 = arith.constant 0 : i32
        %dma_start3A_414 = tpu.memref_slice %arg9[%run_scoped3A_362, %dma_start3A_413] : memref<16x128xi32, #tpu.memory_space<vmem>> -> memref<1x128xi32, #tpu.memory_space<vmem>>
        %dma_start3A_415 = tpu.memref_squeeze %dma_start3A_414 : memref<1x128xi32, #tpu.memory_space<vmem>> -> memref<128xi32, #tpu.memory_space<vmem>>
        %dma_start3A_416 = arith.constant 0 : i32
        %dma_start3A_417 = arith.constant 0 : i32
        %dma_start3A_418 = tpu.memref_slice %arg12[%dma_start3A_416, %dma_start3A_417] : memref<20480x64xf32, #tpu.memory_space<vmem_shared>> -> memref<20480x64xf32, #tpu.memory_space<vmem_shared>>
        tpu.enqueue_indirect_dma source(%arg11 : memref<128x64xf32, #tpu.memory_space<vmem>>) target(%dma_start3A_418 : memref<20480x64xf32, #tpu.memory_space<vmem_shared>>) offsets(%dma_start3A_415 : memref<128xi32, #tpu.memory_space<vmem>>) semaphore(%run_scoped3A_412 : memref<!tpu.dma_semaphore, #tpu.memory_space<semaphore_mem>>) {add = true}
        %dma_wait3A_419 = arith.constant 0 : i32
        %dma_wait3A_420 = tpu.memref_slice %arg9[%run_scoped3A_362, %dma_wait3A_419] : memref<16x128xi32, #tpu.memory_space<vmem>> -> memref<1x128xi32, #tpu.memory_space<vmem>>
        %dma_wait3A_421 = tpu.memref_squeeze %dma_wait3A_420 : memref<1x128xi32, #tpu.memory_space<vmem>> -> memref<128xi32, #tpu.memory_space<vmem>>
        %dma_wait3A_422 = arith.constant 0 : i32
        %dma_wait3A_423 = arith.constant 0 : i32
        %dma_wait3A_424 = tpu.memref_slice %arg12[%dma_wait3A_422, %dma_wait3A_423] : memref<20480x64xf32, #tpu.memory_space<vmem_shared>> -> memref<20480x64xf32, #tpu.memory_space<vmem_shared>>
        tpu.wait_indirect_dma semaphore(%run_scoped3A_412 : memref<!tpu.dma_semaphore, #tpu.memory_space<semaphore_mem>>) src(%arg11 : memref<128x64xf32, #tpu.memory_space<vmem>>) dst(%dma_wait3A_424 : memref<20480x64xf32, #tpu.memory_space<vmem_shared>>)
        tpu.yield
      }) : () -> ()
      %dma_start3A_363 = arith.constant 13 : i32
      %dma_start3A_364 = arith.constant 0 : i32
      %dma_start3A_365 = tpu.memref_slice %arg8[%dma_start3A_363, %dma_start3A_364] : memref<16x128xi32, #tpu.memory_space<vmem>> -> memref<1x128xi32, #tpu.memory_space<vmem>>
      %dma_start3A_366 = tpu.memref_squeeze %dma_start3A_365 : memref<1x128xi32, #tpu.memory_space<vmem>> -> memref<128xi32, #tpu.memory_space<vmem>>
      %dma_start3A_367 = arith.constant 0 : i32
      %dma_start3A_368 = arith.constant 0 : i32
      %dma_start3A_369 = tpu.memref_slice %arg12[%dma_start3A_367, %dma_start3A_368] : memref<20480x64xf32, #tpu.memory_space<vmem_shared>> -> memref<20480x64xf32, #tpu.memory_space<vmem_shared>>
      tpu.enqueue_indirect_dma source(%dma_start3A_369 : memref<20480x64xf32, #tpu.memory_space<vmem_shared>>) target(%arg11 : memref<128x64xf32, #tpu.memory_space<vmem>>) offsets(%dma_start3A_366 : memref<128xi32, #tpu.memory_space<vmem>>) semaphore(%arg14 : memref<!tpu.dma_semaphore, #tpu.memory_space<semaphore_mem>>)
      %dma_wait3A_370 = arith.constant 0 : i32
      %dma_wait3A_371 = arith.constant 0 : i32
      %dma_wait3A_372 = tpu.memref_slice %arg12[%dma_wait3A_370, %dma_wait3A_371] : memref<20480x64xf32, #tpu.memory_space<vmem_shared>> -> memref<128x64xf32, #tpu.memory_space<vmem_shared>>
      %dma_wait3A_373 = arith.constant 0 : i32
      %dma_wait3A_374 = arith.constant 0 : i32
      %dma_wait3A_375 = tpu.memref_slice %arg12[%dma_wait3A_373, %dma_wait3A_374] : memref<20480x64xf32, #tpu.memory_space<vmem_shared>> -> memref<128x64xf32, #tpu.memory_space<vmem_shared>>
      tpu.wait_dma2 semaphore(%arg13 : memref<!tpu.dma_semaphore, #tpu.memory_space<semaphore_mem>>) src(%dma_wait3A_375 : memref<128x64xf32, #tpu.memory_space<vmem_shared>>) dst(%arg10 : memref<128x64xf32, #tpu.memory_space<vmem>>)
      %run_scoped3A_376 = arith.constant 12 : i32
      "tpu.region"() ({
        %run_scoped3A_412 = tpu.sem_alloc : memref<!tpu.dma_semaphore, #tpu.memory_space<semaphore_mem>>
        %dma_start3A_413 = arith.constant 0 : i32
        %dma_start3A_414 = tpu.memref_slice %arg9[%run_scoped3A_376, %dma_start3A_413] : memref<16x128xi32, #tpu.memory_space<vmem>> -> memref<1x128xi32, #tpu.memory_space<vmem>>
        %dma_start3A_415 = tpu.memref_squeeze %dma_start3A_414 : memref<1x128xi32, #tpu.memory_space<vmem>> -> memref<128xi32, #tpu.memory_space<vmem>>
        %dma_start3A_416 = arith.constant 0 : i32
        %dma_start3A_417 = arith.constant 0 : i32
        %dma_start3A_418 = tpu.memref_slice %arg12[%dma_start3A_416, %dma_start3A_417] : memref<20480x64xf32, #tpu.memory_space<vmem_shared>> -> memref<20480x64xf32, #tpu.memory_space<vmem_shared>>
        tpu.enqueue_indirect_dma source(%arg10 : memref<128x64xf32, #tpu.memory_space<vmem>>) target(%dma_start3A_418 : memref<20480x64xf32, #tpu.memory_space<vmem_shared>>) offsets(%dma_start3A_415 : memref<128xi32, #tpu.memory_space<vmem>>) semaphore(%run_scoped3A_412 : memref<!tpu.dma_semaphore, #tpu.memory_space<semaphore_mem>>) {add = true}
        %dma_wait3A_419 = arith.constant 0 : i32
        %dma_wait3A_420 = tpu.memref_slice %arg9[%run_scoped3A_376, %dma_wait3A_419] : memref<16x128xi32, #tpu.memory_space<vmem>> -> memref<1x128xi32, #tpu.memory_space<vmem>>
        %dma_wait3A_421 = tpu.memref_squeeze %dma_wait3A_420 : memref<1x128xi32, #tpu.memory_space<vmem>> -> memref<128xi32, #tpu.memory_space<vmem>>
        %dma_wait3A_422 = arith.constant 0 : i32
        %dma_wait3A_423 = arith.constant 0 : i32
        %dma_wait3A_424 = tpu.memref_slice %arg12[%dma_wait3A_422, %dma_wait3A_423] : memref<20480x64xf32, #tpu.memory_space<vmem_shared>> -> memref<20480x64xf32, #tpu.memory_space<vmem_shared>>
        tpu.wait_indirect_dma semaphore(%run_scoped3A_412 : memref<!tpu.dma_semaphore, #tpu.memory_space<semaphore_mem>>) src(%arg10 : memref<128x64xf32, #tpu.memory_space<vmem>>) dst(%dma_wait3A_424 : memref<20480x64xf32, #tpu.memory_space<vmem_shared>>)
        tpu.yield
      }) : () -> ()
      %dma_start3A_377 = arith.constant 14 : i32
      %dma_start3A_378 = arith.constant 0 : i32
      %dma_start3A_379 = tpu.memref_slice %arg8[%dma_start3A_377, %dma_start3A_378] : memref<16x128xi32, #tpu.memory_space<vmem>> -> memref<1x128xi32, #tpu.memory_space<vmem>>
      %dma_start3A_380 = tpu.memref_squeeze %dma_start3A_379 : memref<1x128xi32, #tpu.memory_space<vmem>> -> memref<128xi32, #tpu.memory_space<vmem>>
      %dma_start3A_381 = arith.constant 0 : i32
      %dma_start3A_382 = arith.constant 0 : i32
      %dma_start3A_383 = tpu.memref_slice %arg12[%dma_start3A_381, %dma_start3A_382] : memref<20480x64xf32, #tpu.memory_space<vmem_shared>> -> memref<20480x64xf32, #tpu.memory_space<vmem_shared>>
      tpu.enqueue_indirect_dma source(%dma_start3A_383 : memref<20480x64xf32, #tpu.memory_space<vmem_shared>>) target(%arg10 : memref<128x64xf32, #tpu.memory_space<vmem>>) offsets(%dma_start3A_380 : memref<128xi32, #tpu.memory_space<vmem>>) semaphore(%arg13 : memref<!tpu.dma_semaphore, #tpu.memory_space<semaphore_mem>>)
      %dma_wait3A_384 = arith.constant 0 : i32
      %dma_wait3A_385 = arith.constant 0 : i32
      %dma_wait3A_386 = tpu.memref_slice %arg12[%dma_wait3A_384, %dma_wait3A_385] : memref<20480x64xf32, #tpu.memory_space<vmem_shared>> -> memref<128x64xf32, #tpu.memory_space<vmem_shared>>
      %dma_wait3A_387 = arith.constant 0 : i32
      %dma_wait3A_388 = arith.constant 0 : i32
      %dma_wait3A_389 = tpu.memref_slice %arg12[%dma_wait3A_387, %dma_wait3A_388] : memref<20480x64xf32, #tpu.memory_space<vmem_shared>> -> memref<128x64xf32, #tpu.memory_space<vmem_shared>>
      tpu.wait_dma2 semaphore(%arg14 : memref<!tpu.dma_semaphore, #tpu.memory_space<semaphore_mem>>) src(%dma_wait3A_389 : memref<128x64xf32, #tpu.memory_space<vmem_shared>>) dst(%arg11 : memref<128x64xf32, #tpu.memory_space<vmem>>)
      %run_scoped3A_390 = arith.constant 13 : i32
      "tpu.region"() ({
        %run_scoped3A_412 = tpu.sem_alloc : memref<!tpu.dma_semaphore, #tpu.memory_space<semaphore_mem>>
        %dma_start3A_413 = arith.constant 0 : i32
        %dma_start3A_414 = tpu.memref_slice %arg9[%run_scoped3A_390, %dma_start3A_413] : memref<16x128xi32, #tpu.memory_space<vmem>> -> memref<1x128xi32, #tpu.memory_space<vmem>>
        %dma_start3A_415 = tpu.memref_squeeze %dma_start3A_414 : memref<1x128xi32, #tpu.memory_space<vmem>> -> memref<128xi32, #tpu.memory_space<vmem>>
        %dma_start3A_416 = arith.constant 0 : i32
        %dma_start3A_417 = arith.constant 0 : i32
        %dma_start3A_418 = tpu.memref_slice %arg12[%dma_start3A_416, %dma_start3A_417] : memref<20480x64xf32, #tpu.memory_space<vmem_shared>> -> memref<20480x64xf32, #tpu.memory_space<vmem_shared>>
        tpu.enqueue_indirect_dma source(%arg11 : memref<128x64xf32, #tpu.memory_space<vmem>>) target(%dma_start3A_418 : memref<20480x64xf32, #tpu.memory_space<vmem_shared>>) offsets(%dma_start3A_415 : memref<128xi32, #tpu.memory_space<vmem>>) semaphore(%run_scoped3A_412 : memref<!tpu.dma_semaphore, #tpu.memory_space<semaphore_mem>>) {add = true}
        %dma_wait3A_419 = arith.constant 0 : i32
        %dma_wait3A_420 = tpu.memref_slice %arg9[%run_scoped3A_390, %dma_wait3A_419] : memref<16x128xi32, #tpu.memory_space<vmem>> -> memref<1x128xi32, #tpu.memory_space<vmem>>
        %dma_wait3A_421 = tpu.memref_squeeze %dma_wait3A_420 : memref<1x128xi32, #tpu.memory_space<vmem>> -> memref<128xi32, #tpu.memory_space<vmem>>
        %dma_wait3A_422 = arith.constant 0 : i32
        %dma_wait3A_423 = arith.constant 0 : i32
        %dma_wait3A_424 = tpu.memref_slice %arg12[%dma_wait3A_422, %dma_wait3A_423] : memref<20480x64xf32, #tpu.memory_space<vmem_shared>> -> memref<20480x64xf32, #tpu.memory_space<vmem_shared>>
        tpu.wait_indirect_dma semaphore(%run_scoped3A_412 : memref<!tpu.dma_semaphore, #tpu.memory_space<semaphore_mem>>) src(%arg11 : memref<128x64xf32, #tpu.memory_space<vmem>>) dst(%dma_wait3A_424 : memref<20480x64xf32, #tpu.memory_space<vmem_shared>>)
        tpu.yield
      }) : () -> ()
      %dma_start3A_391 = arith.constant 15 : i32
      %dma_start3A_392 = arith.constant 0 : i32
      %dma_start3A_393 = tpu.memref_slice %arg8[%dma_start3A_391, %dma_start3A_392] : memref<16x128xi32, #tpu.memory_space<vmem>> -> memref<1x128xi32, #tpu.memory_space<vmem>>
      %dma_start3A_394 = tpu.memref_squeeze %dma_start3A_393 : memref<1x128xi32, #tpu.memory_space<vmem>> -> memref<128xi32, #tpu.memory_space<vmem>>
      %dma_start3A_395 = arith.constant 0 : i32
      %dma_start3A_396 = arith.constant 0 : i32
      %dma_start3A_397 = tpu.memref_slice %arg12[%dma_start3A_395, %dma_start3A_396] : memref<20480x64xf32, #tpu.memory_space<vmem_shared>> -> memref<20480x64xf32, #tpu.memory_space<vmem_shared>>
      tpu.enqueue_indirect_dma source(%dma_start3A_397 : memref<20480x64xf32, #tpu.memory_space<vmem_shared>>) target(%arg11 : memref<128x64xf32, #tpu.memory_space<vmem>>) offsets(%dma_start3A_394 : memref<128xi32, #tpu.memory_space<vmem>>) semaphore(%arg14 : memref<!tpu.dma_semaphore, #tpu.memory_space<semaphore_mem>>)
      %dma_wait3A_398 = arith.constant 0 : i32
      %dma_wait3A_399 = arith.constant 0 : i32
      %dma_wait3A_400 = tpu.memref_slice %arg12[%dma_wait3A_398, %dma_wait3A_399] : memref<20480x64xf32, #tpu.memory_space<vmem_shared>> -> memref<128x64xf32, #tpu.memory_space<vmem_shared>>
      %dma_wait3A_401 = arith.constant 0 : i32
      %dma_wait3A_402 = arith.constant 0 : i32
      %dma_wait3A_403 = tpu.memref_slice %arg12[%dma_wait3A_401, %dma_wait3A_402] : memref<20480x64xf32, #tpu.memory_space<vmem_shared>> -> memref<128x64xf32, #tpu.memory_space<vmem_shared>>
      tpu.wait_dma2 semaphore(%arg13 : memref<!tpu.dma_semaphore, #tpu.memory_space<semaphore_mem>>) src(%dma_wait3A_403 : memref<128x64xf32, #tpu.memory_space<vmem_shared>>) dst(%arg10 : memref<128x64xf32, #tpu.memory_space<vmem>>)
      %run_scoped3A_404 = arith.constant 14 : i32
      "tpu.region"() ({
        %run_scoped3A_412 = tpu.sem_alloc : memref<!tpu.dma_semaphore, #tpu.memory_space<semaphore_mem>>
        %dma_start3A_413 = arith.constant 0 : i32
        %dma_start3A_414 = tpu.memref_slice %arg9[%run_scoped3A_404, %dma_start3A_413] : memref<16x128xi32, #tpu.memory_space<vmem>> -> memref<1x128xi32, #tpu.memory_space<vmem>>
        %dma_start3A_415 = tpu.memref_squeeze %dma_start3A_414 : memref<1x128xi32, #tpu.memory_space<vmem>> -> memref<128xi32, #tpu.memory_space<vmem>>
        %dma_start3A_416 = arith.constant 0 : i32
        %dma_start3A_417 = arith.constant 0 : i32
        %dma_start3A_418 = tpu.memref_slice %arg12[%dma_start3A_416, %dma_start3A_417] : memref<20480x64xf32, #tpu.memory_space<vmem_shared>> -> memref<20480x64xf32, #tpu.memory_space<vmem_shared>>
        tpu.enqueue_indirect_dma source(%arg10 : memref<128x64xf32, #tpu.memory_space<vmem>>) target(%dma_start3A_418 : memref<20480x64xf32, #tpu.memory_space<vmem_shared>>) offsets(%dma_start3A_415 : memref<128xi32, #tpu.memory_space<vmem>>) semaphore(%run_scoped3A_412 : memref<!tpu.dma_semaphore, #tpu.memory_space<semaphore_mem>>) {add = true}
        %dma_wait3A_419 = arith.constant 0 : i32
        %dma_wait3A_420 = tpu.memref_slice %arg9[%run_scoped3A_404, %dma_wait3A_419] : memref<16x128xi32, #tpu.memory_space<vmem>> -> memref<1x128xi32, #tpu.memory_space<vmem>>
        %dma_wait3A_421 = tpu.memref_squeeze %dma_wait3A_420 : memref<1x128xi32, #tpu.memory_space<vmem>> -> memref<128xi32, #tpu.memory_space<vmem>>
        %dma_wait3A_422 = arith.constant 0 : i32
        %dma_wait3A_423 = arith.constant 0 : i32
        %dma_wait3A_424 = tpu.memref_slice %arg12[%dma_wait3A_422, %dma_wait3A_423] : memref<20480x64xf32, #tpu.memory_space<vmem_shared>> -> memref<20480x64xf32, #tpu.memory_space<vmem_shared>>
        tpu.wait_indirect_dma semaphore(%run_scoped3A_412 : memref<!tpu.dma_semaphore, #tpu.memory_space<semaphore_mem>>) src(%arg10 : memref<128x64xf32, #tpu.memory_space<vmem>>) dst(%dma_wait3A_424 : memref<20480x64xf32, #tpu.memory_space<vmem_shared>>)
        tpu.yield
      }) : () -> ()
      %dma_wait3A_405 = arith.constant 0 : i32
      %dma_wait3A_406 = arith.constant 0 : i32
      %dma_wait3A_407 = tpu.memref_slice %arg12[%dma_wait3A_405, %dma_wait3A_406] : memref<20480x64xf32, #tpu.memory_space<vmem_shared>> -> memref<128x64xf32, #tpu.memory_space<vmem_shared>>
      %dma_wait3A_408 = arith.constant 0 : i32
      %dma_wait3A_409 = arith.constant 0 : i32
      %dma_wait3A_410 = tpu.memref_slice %arg12[%dma_wait3A_408, %dma_wait3A_409] : memref<20480x64xf32, #tpu.memory_space<vmem_shared>> -> memref<128x64xf32, #tpu.memory_space<vmem_shared>>
      tpu.wait_dma2 semaphore(%arg14 : memref<!tpu.dma_semaphore, #tpu.memory_space<semaphore_mem>>) src(%dma_wait3A_410 : memref<128x64xf32, #tpu.memory_space<vmem_shared>>) dst(%arg11 : memref<128x64xf32, #tpu.memory_space<vmem>>)
      %run_scoped3A_411 = arith.constant 15 : i32
      "tpu.region"() ({
        %run_scoped3A_412 = tpu.sem_alloc : memref<!tpu.dma_semaphore, #tpu.memory_space<semaphore_mem>>
        %dma_start3A_413 = arith.constant 0 : i32
        %dma_start3A_414 = tpu.memref_slice %arg9[%run_scoped3A_411, %dma_start3A_413] : memref<16x128xi32, #tpu.memory_space<vmem>> -> memref<1x128xi32, #tpu.memory_space<vmem>>
        %dma_start3A_415 = tpu.memref_squeeze %dma_start3A_414 : memref<1x128xi32, #tpu.memory_space<vmem>> -> memref<128xi32, #tpu.memory_space<vmem>>
        %dma_start3A_416 = arith.constant 0 : i32
        %dma_start3A_417 = arith.constant 0 : i32
        %dma_start3A_418 = tpu.memref_slice %arg12[%dma_start3A_416, %dma_start3A_417] : memref<20480x64xf32, #tpu.memory_space<vmem_shared>> -> memref<20480x64xf32, #tpu.memory_space<vmem_shared>>
        tpu.enqueue_indirect_dma source(%arg11 : memref<128x64xf32, #tpu.memory_space<vmem>>) target(%dma_start3A_418 : memref<20480x64xf32, #tpu.memory_space<vmem_shared>>) offsets(%dma_start3A_415 : memref<128xi32, #tpu.memory_space<vmem>>) semaphore(%run_scoped3A_412 : memref<!tpu.dma_semaphore, #tpu.memory_space<semaphore_mem>>) {add = true}
        %dma_wait3A_419 = arith.constant 0 : i32
        %dma_wait3A_420 = tpu.memref_slice %arg9[%run_scoped3A_411, %dma_wait3A_419] : memref<16x128xi32, #tpu.memory_space<vmem>> -> memref<1x128xi32, #tpu.memory_space<vmem>>
        %dma_wait3A_421 = tpu.memref_squeeze %dma_wait3A_420 : memref<1x128xi32, #tpu.memory_space<vmem>> -> memref<128xi32, #tpu.memory_space<vmem>>
        %dma_wait3A_422 = arith.constant 0 : i32
        %dma_wait3A_423 = arith.constant 0 : i32
        %dma_wait3A_424 = tpu.memref_slice %arg12[%dma_wait3A_422, %dma_wait3A_423] : memref<20480x64xf32, #tpu.memory_space<vmem_shared>> -> memref<20480x64xf32, #tpu.memory_space<vmem_shared>>
        tpu.wait_indirect_dma semaphore(%run_scoped3A_412 : memref<!tpu.dma_semaphore, #tpu.memory_space<semaphore_mem>>) src(%arg11 : memref<128x64xf32, #tpu.memory_space<vmem>>) dst(%dma_wait3A_424 : memref<20480x64xf32, #tpu.memory_space<vmem_shared>>)
        tpu.yield
      }) : () -> ()
    }
    %barrier3A_184 = arith.constant 0 : index
    tpu.barrier barrier_id(%barrier3A_184)
    %mul3A_185 = arith.constant 640 : i32
    %mul3A_186 = arith.muli %arg1, %mul3A_185 : i32
    "tpu.region"() ({
      %run_scoped3A = tpu.sem_alloc : memref<!tpu.dma_semaphore, #tpu.memory_space<semaphore_mem>>
      %dma_start3A = arith.constant 0 : i32
      %dma_start3A_187 = tpu.memref_slice %arg7[%arg0, %mul3A_186, %dma_start3A] : memref<2x10240x64xf32, #tpu.memory_space<hbm>> -> memref<1x640x64xf32, #tpu.memory_space<hbm>>
      %dma_start3A_188 = tpu.memref_squeeze %dma_start3A_187 : memref<1x640x64xf32, #tpu.memory_space<hbm>> -> memref<640x64xf32, #tpu.memory_space<hbm>>
      %dma_start3A_189 = arith.constant 0 : i32
      %dma_start3A_190 = tpu.memref_slice %arg12[%mul3A_186, %dma_start3A_189] : memref<20480x64xf32, #tpu.memory_space<vmem_shared>> -> memref<640x64xf32, #tpu.memory_space<vmem_shared>>
      tpu.enqueue_dma source(%dma_start3A_190 : memref<640x64xf32, #tpu.memory_space<vmem_shared>>) target(%dma_start3A_188 : memref<640x64xf32, #tpu.memory_space<hbm>>) target_semaphore(%run_scoped3A : memref<!tpu.dma_semaphore, #tpu.memory_space<semaphore_mem>>)
      %dma_wait3A = arith.constant 0 : i32
      %dma_wait3A_191 = tpu.memref_slice %arg7[%arg0, %mul3A_186, %dma_wait3A] : memref<2x10240x64xf32, #tpu.memory_space<hbm>> -> memref<1x640x64xf32, #tpu.memory_space<hbm>>
      %dma_wait3A_192 = tpu.memref_squeeze %dma_wait3A_191 : memref<1x640x64xf32, #tpu.memory_space<hbm>> -> memref<640x64xf32, #tpu.memory_space<hbm>>
      %dma_wait3A_193 = arith.constant 0 : i32
      %dma_wait3A_194 = tpu.memref_slice %arg12[%mul3A_186, %dma_wait3A_193] : memref<20480x64xf32, #tpu.memory_space<vmem_shared>> -> memref<640x64xf32, #tpu.memory_space<vmem_shared>>
      tpu.wait_dma2 semaphore(%run_scoped3A : memref<!tpu.dma_semaphore, #tpu.memory_space<semaphore_mem>>) src(%dma_wait3A_194 : memref<640x64xf32, #tpu.memory_space<vmem_shared>>) dst(%dma_wait3A_192 : memref<640x64xf32, #tpu.memory_space<hbm>>)
      tpu.yield
    }) : () -> ()
    return
  }
}

module attributes {stable_mosaic.version = 14 : i64} {
  func.func @_mlp_body(%arg0: i32, %arg1: memref<2000x128xf32, #tpu.memory_space<vmem>>, %arg2: memref<1x2000x64xf32, #tpu.memory_space<vmem>>, %arg3: memref<1x2000x64xf32, #tpu.memory_space<vmem>>, %arg4: memref<1x2000x64xf32, #tpu.memory_space<vmem>>, %arg5: memref<1x2000x64xf32, #tpu.memory_space<vmem>>, %arg6: memref<128x128xf32, #tpu.memory_space<vmem>>, %arg7: memref<1x128xf32, #tpu.memory_space<vmem>>, %arg8: memref<128x128xf32, #tpu.memory_space<vmem>>, %arg9: memref<1x128xf32, #tpu.memory_space<vmem>>, %arg10: memref<128x128xf32, #tpu.memory_space<vmem>>, %arg11: memref<1x128xf32, #tpu.memory_space<vmem>>, %arg12: memref<2000x128xf32, #tpu.memory_space<vmem>>) attributes {dimension_semantics = [#tpu.dimension_semantics<arbitrary>], iteration_bounds = array<i64: 5>, scalar_prefetch = 0 : i64, scratch_operands = 0 : i64, tpu.core_type = #tpu.core_type<tc>, window_params = [{transform_indices = @transform_0, window_bounds = array<i64: 2000, 128>}, {transform_indices = @transform_1, window_bounds = array<i64: 1, 2000, 64>}, {transform_indices = @transform_2, window_bounds = array<i64: 1, 2000, 64>}, {transform_indices = @transform_3, window_bounds = array<i64: 1, 2000, 64>}, {transform_indices = @transform_4, window_bounds = array<i64: 1, 2000, 64>}, {pipeline_mode = #tpu.pipeline_mode<synchronous>, transform_indices = @transform_5, window_bounds = array<i64: 128, 128>}, {pipeline_mode = #tpu.pipeline_mode<synchronous>, transform_indices = @transform_6, window_bounds = array<i64: 1, 128>}, {pipeline_mode = #tpu.pipeline_mode<synchronous>, transform_indices = @transform_7, window_bounds = array<i64: 128, 128>}, {pipeline_mode = #tpu.pipeline_mode<synchronous>, transform_indices = @transform_8, window_bounds = array<i64: 1, 128>}, {pipeline_mode = #tpu.pipeline_mode<synchronous>, transform_indices = @transform_9, window_bounds = array<i64: 128, 128>}, {pipeline_mode = #tpu.pipeline_mode<synchronous>, transform_indices = @transform_10, window_bounds = array<i64: 1, 128>}, {transform_indices = @transform_11, window_bounds = array<i64: 2000, 128>}]} {
    %get3A = arith.constant 0 : index
    %get3A_0 = arith.constant 0 : index
    %get3A_1 = arith.constant 0 : index
    %get3A_2 = vector.load %arg2[%get3A, %get3A_0, %get3A_1] : memref<1x2000x64xf32, #tpu.memory_space<vmem>>, vector<1x2000x64xf32>
    %get3A_3 = vector.shape_cast %get3A_2 : vector<1x2000x64xf32> to vector<2000x64xf32>
    %get3A_4 = arith.constant 0 : index
    %get3A_5 = arith.constant 0 : index
    %get3A_6 = arith.constant 0 : index
    %get3A_7 = vector.load %arg3[%get3A_4, %get3A_5, %get3A_6] : memref<1x2000x64xf32, #tpu.memory_space<vmem>>, vector<1x2000x64xf32>
    %get3A_8 = vector.shape_cast %get3A_7 : vector<1x2000x64xf32> to vector<2000x64xf32>
    %add3A = arith.addf %get3A_3, %get3A_8 : vector<2000x64xf32>
    %get3A_9 = arith.constant 0 : index
    %get3A_10 = arith.constant 0 : index
    %get3A_11 = arith.constant 0 : index
    %get3A_12 = vector.load %arg4[%get3A_9, %get3A_10, %get3A_11] : memref<1x2000x64xf32, #tpu.memory_space<vmem>>, vector<1x2000x64xf32>
    %get3A_13 = vector.shape_cast %get3A_12 : vector<1x2000x64xf32> to vector<2000x64xf32>
    %get3A_14 = arith.constant 0 : index
    %get3A_15 = arith.constant 0 : index
    %get3A_16 = arith.constant 0 : index
    %get3A_17 = vector.load %arg5[%get3A_14, %get3A_15, %get3A_16] : memref<1x2000x64xf32, #tpu.memory_space<vmem>>, vector<1x2000x64xf32>
    %get3A_18 = vector.shape_cast %get3A_17 : vector<1x2000x64xf32> to vector<2000x64xf32>
    %add3A_19 = arith.addf %get3A_13, %get3A_18 : vector<2000x64xf32>
    %concatenate3A = tpu.concatenate %add3A, %add3A_19 in 1 : vector<2000x64xf32>, vector<2000x64xf32> -> vector<2000x128xf32>
    %get3A_20 = arith.constant 0 : index
    %get3A_21 = arith.constant 0 : index
    %get3A_22 = vector.load %arg1[%get3A_20, %get3A_21] : memref<2000x128xf32, #tpu.memory_space<vmem>>, vector<2000x128xf32>
    %add3A_23 = arith.addf %get3A_22, %concatenate3A : vector<2000x128xf32>
    %get3A_24 = arith.constant 0 : index
    %get3A_25 = arith.constant 0 : index
    %get3A_26 = vector.load %arg6[%get3A_24, %get3A_25] : memref<128x128xf32, #tpu.memory_space<vmem>>, vector<128x128xf32>
    %dot_general3A = arith.constant dense<0.000000e+00> : vector<2000x128xf32>
    %dot_general3A_27 = tpu.matmul %add3A_23, %get3A_26, %dot_general3A {dimension_numbers = #tpu.dot_dimension_numbers<[1], [0], [0], [1], [0, 0, 1, 1], [], []>, transpose_lhs_hint = false} : vector<2000x128xf32>, vector<128x128xf32>, vector<2000x128xf32> -> vector<2000x128xf32>
    %get3A_28 = arith.constant 0 : index
    %get3A_29 = arith.constant 0 : index
    %get3A_30 = vector.load %arg7[%get3A_28, %get3A_29] : memref<1x128xf32, #tpu.memory_space<vmem>>, vector<1x128xf32>
    %add3A_31 = vector.broadcast %get3A_30 : vector<1x128xf32> to vector<2000x128xf32>
    %add3A_32 = arith.addf %dot_general3A_27, %add3A_31 : vector<2000x128xf32>
    %max3A = arith.constant 0.000000e+00 : f32
    %max3A_33 = vector.broadcast %max3A : f32 to vector<2000x128xf32>
    %max3A_34 = arith.maximumf %add3A_32, %max3A_33 : vector<2000x128xf32>
    %get3A_35 = arith.constant 0 : index
    %get3A_36 = arith.constant 0 : index
    %get3A_37 = vector.load %arg8[%get3A_35, %get3A_36] : memref<128x128xf32, #tpu.memory_space<vmem>>, vector<128x128xf32>
    %dot_general3A_38 = arith.constant dense<0.000000e+00> : vector<2000x128xf32>
    %dot_general3A_39 = tpu.matmul %max3A_34, %get3A_37, %dot_general3A_38 {dimension_numbers = #tpu.dot_dimension_numbers<[1], [0], [0], [1], [0, 0, 1, 1], [], []>, transpose_lhs_hint = false} : vector<2000x128xf32>, vector<128x128xf32>, vector<2000x128xf32> -> vector<2000x128xf32>
    %get3A_40 = arith.constant 0 : index
    %get3A_41 = arith.constant 0 : index
    %get3A_42 = vector.load %arg9[%get3A_40, %get3A_41] : memref<1x128xf32, #tpu.memory_space<vmem>>, vector<1x128xf32>
    %add3A_43 = vector.broadcast %get3A_42 : vector<1x128xf32> to vector<2000x128xf32>
    %add3A_44 = arith.addf %dot_general3A_39, %add3A_43 : vector<2000x128xf32>
    %max3A_45 = arith.constant 0.000000e+00 : f32
    %max3A_46 = vector.broadcast %max3A_45 : f32 to vector<2000x128xf32>
    %max3A_47 = arith.maximumf %add3A_44, %max3A_46 : vector<2000x128xf32>
    %get3A_48 = arith.constant 0 : index
    %get3A_49 = arith.constant 0 : index
    %get3A_50 = vector.load %arg10[%get3A_48, %get3A_49] : memref<128x128xf32, #tpu.memory_space<vmem>>, vector<128x128xf32>
    %dot_general3A_51 = arith.constant dense<0.000000e+00> : vector<2000x128xf32>
    %dot_general3A_52 = tpu.matmul %max3A_47, %get3A_50, %dot_general3A_51 {dimension_numbers = #tpu.dot_dimension_numbers<[1], [0], [0], [1], [0, 0, 1, 1], [], []>, transpose_lhs_hint = false} : vector<2000x128xf32>, vector<128x128xf32>, vector<2000x128xf32> -> vector<2000x128xf32>
    %get3A_53 = arith.constant 0 : index
    %get3A_54 = arith.constant 0 : index
    %get3A_55 = vector.load %arg11[%get3A_53, %get3A_54] : memref<1x128xf32, #tpu.memory_space<vmem>>, vector<1x128xf32>
    %add3A_56 = vector.broadcast %get3A_55 : vector<1x128xf32> to vector<2000x128xf32>
    %add3A_57 = arith.addf %dot_general3A_52, %add3A_56 : vector<2000x128xf32>
    %swap3A = arith.constant 0 : index
    %swap3A_58 = arith.constant 0 : index
    %swap3A_59 = vector.load %arg12[%swap3A, %swap3A_58] : memref<2000x128xf32, #tpu.memory_space<vmem>>, vector<2000x128xf32>
    tpu.vector_store %arg12[%swap3A, %swap3A_58], %add3A_57 {strides = array<i32>} : memref<2000x128xf32, #tpu.memory_space<vmem>>, vector<2000x128xf32>,
    return
  }
  func.func @transform_0(%arg0: i32) -> (i32, i32) {
    %c0_i32 = arith.constant 0 : i32
    %c0_i32_0 = arith.constant 0 : i32
    return %arg0, %c0_i32 : i32, i32
  }
  func.func @transform_1(%arg0: i32) -> (i32, i32, i32) {
    %c0_i32 = arith.constant 0 : i32
    %c0_i32_0 = arith.constant 0 : i32
    %c0_i32_1 = arith.constant 0 : i32
    return %c0_i32, %arg0, %c0_i32_0 : i32, i32, i32
  }
  func.func @transform_2(%arg0: i32) -> (i32, i32, i32) {
    %c1_i32 = arith.constant 1 : i32
    %c0_i32 = arith.constant 0 : i32
    %c0_i32_0 = arith.constant 0 : i32
    return %c1_i32, %arg0, %c0_i32 : i32, i32, i32
  }
  func.func @transform_3(%arg0: i32) -> (i32, i32, i32) {
    %c0_i32 = arith.constant 0 : i32
    %c0_i32_0 = arith.constant 0 : i32
    %c0_i32_1 = arith.constant 0 : i32
    return %c0_i32, %arg0, %c0_i32_0 : i32, i32, i32
  }
  func.func @transform_4(%arg0: i32) -> (i32, i32, i32) {
    %c1_i32 = arith.constant 1 : i32
    %c0_i32 = arith.constant 0 : i32
    %c0_i32_0 = arith.constant 0 : i32
    return %c1_i32, %arg0, %c0_i32 : i32, i32, i32
  }
  func.func @transform_5(%arg0: i32) -> (i32, i32) {
    %c0_i32 = arith.constant 0 : i32
    %c0_i32_0 = arith.constant 0 : i32
    %c0_i32_1 = arith.constant 0 : i32
    return %c0_i32, %c0_i32_0 : i32, i32
  }
  func.func @transform_6(%arg0: i32) -> (i32, i32) {
    %c0_i32 = arith.constant 0 : i32
    %c0_i32_0 = arith.constant 0 : i32
    %c0_i32_1 = arith.constant 0 : i32
    return %c0_i32, %c0_i32_0 : i32, i32
  }
  func.func @transform_7(%arg0: i32) -> (i32, i32) {
    %c0_i32 = arith.constant 0 : i32
    %c0_i32_0 = arith.constant 0 : i32
    %c0_i32_1 = arith.constant 0 : i32
    return %c0_i32, %c0_i32_0 : i32, i32
  }
  func.func @transform_8(%arg0: i32) -> (i32, i32) {
    %c0_i32 = arith.constant 0 : i32
    %c0_i32_0 = arith.constant 0 : i32
    %c0_i32_1 = arith.constant 0 : i32
    return %c0_i32, %c0_i32_0 : i32, i32
  }
  func.func @transform_9(%arg0: i32) -> (i32, i32) {
    %c0_i32 = arith.constant 0 : i32
    %c0_i32_0 = arith.constant 0 : i32
    %c0_i32_1 = arith.constant 0 : i32
    return %c0_i32, %c0_i32_0 : i32, i32
  }
  func.func @transform_10(%arg0: i32) -> (i32, i32) {
    %c0_i32 = arith.constant 0 : i32
    %c0_i32_0 = arith.constant 0 : i32
    %c0_i32_1 = arith.constant 0 : i32
    return %c0_i32, %c0_i32_0 : i32, i32
  }
  func.func @transform_11(%arg0: i32) -> (i32, i32) {
    %c0_i32 = arith.constant 0 : i32
    %c0_i32_0 = arith.constant 0 : i32
    return %arg0, %c0_i32 : i32, i32
  }
}

</mosaic_0001>

<sc_bundles>
// kernel: kernel.4.cloned.1.call-start
scs
__scs_entry_jumppad:
0x0: {  	(pc) =	sbr.rel $0x88, $3  }
0x1: {  	(tag) =	ssettag $0x0;
	lr =	simm.s32 $0x1  }
0x2: {  	[smem:$0x3F99] =	sst lr;
	_ =	strace $0xD0000000  }
0x3: {  	_ = 	snop  }
0x4: {  	_ = 	snop  }
0x5: {  	_ = 	snop  }
0x6: {  	_ = 	snop  }
0x7: {  	_ = 	snop  }
__scs_overlays_trampoline_lowered:
0x8: {  	[smem:$0x3FA8] =	sst s0  }
0x9: {  	[smem:$0x3FA9] =	sst s1  }
0xa: {  	[smem:$0x3FAA] =	sst s2  }
0xb: {  	[smem:$0x3FAB] =	sst s3  }
0xc: {  	[smem:$0x3FAC] =	sst s4  }
0xd: {  	[smem:$0x3FAD] =	sst s5  }
0xe: {  	[smem:$0x3FAE] =	sst s6  }
0xf: {  	[smem:$0x3FAF] =	sst s7  }
0x10: {  	[smem:$0x3FB0] =	sst s8  }
0x11: {  	[smem:$0x3FB1] =	sst s9;
	s0 =	simm.s32 @!p0 $0x0  }
0x12: {  	s1 =	sld [smem:$0x3F97];
	s0 =	simm.s32 @p0 $0x1  }
0x13: {  	[smem:$0x3FB2] =	sst s0;
	s0 =	simm.s32 @!p1 $0x0  }
0x14: {  	s2 =	sld [smem:$0x3F96];
	s0 =	simm.s32 @p1 $0x1  }
0x15: {  	[smem:$0x3FB3] =	sst s0;
	s0 =	simm.s32 @!p2 $0x0  }
0x16: {  	s3 =	sld [smem:$0x3FDB];
	s0 =	simm.s32 @p2 $0x1  }
0x17: {  	s4 =	simm.s32 $0x1BF5;
	[smem:$0x3FB5] =	sst s0  }
0x18: {  	s0 =	sld [smem:$0x3F98];
	_ =	swait.ge [sflag:s4], $0x0  }
0x19: {  	s7 =	sld [smem:$0x3F99]  }
0x1a: {  	s8 =	sadd.s32 $0xFFFFE003, lr  }
0x1b: {  	s9 =	sadd.s32 $0xFFFFFEF7, lr;
	s5 =	simm.s32 $0xFFFFFFFF;
	p2 =	slt.u32 s8, $0xFFFFF086  }
0x1c: {  	p1 =	slt.u32 s9, $0xF7A;
	s5 =	simm.s32 @!p2 $0x0  }
0x1d: {  	s5 =	simm.s32 @p1 $0x1;
	p0 =	seq.s32 s7, s2  }
0x1e: {  	s7 =	smul.u32 @!p0 $0xF7A, s2;
	p2 =	seq.s32 @!p0 s5, $0x0  }
0x1f: {  	s9 =	smul.u32 $0xF7A, s1;
	s8 =	simm.s32 @!p0 $0x1BF5;
	p2 =	por !p2, p0  }
0x20: {  	[sflag:s8] =	ssyncset.s32 @!p0 $0xFFFFF086;
	s6 =	sadd.s32 @!p0 s3, s7;
	s7 =	simm.s32 @!p0 $0x108  }
0x21: {  	s3 =	sadd.s32 s3, s9;
	s6 =	sadd.s32 @!p0 $0x88, s6;
	s7 =	simm.s32 @p2 $0x1082  }
0x22: {  	[simem:s7], [sflag:s8] =	dma.local @!p0 [hbm:s6], $0xF7A  }
0x23: {  	s9 =	sor.u32 $0xD0000000, s2;
	s6 =	simm.s32 $0x108;
	_ =	swait.ge @!p0 [sflag:s8], $0x0  }
0x24: {  	s3 =	sadd.s32 $0x88, s3;
	s6 =	simm.s32 @!p1 $0x1082;
	[sflag:s4] =	ssyncset.s32 $0xFFFFF086  }
0x25: {  	[simem:s6], [sflag:s4] =	dma.local [hbm:s3], $0xF7A  }
0x26: {  	[smem:$0x3F99] =	sst s1;
	(tag) =	ssettag s2;
	_ =	strace s9  }
0x27: {  	s1 =	sld [smem:$0x3FA9]  }
0x28: {  	s2 =	sld [smem:$0x3FAA]  }
0x29: {  	s4 =	sld [smem:$0x3FAC]  }
0x2a: {  	p0 =	seq.s32 s5, $0x0;
	s5 =	sld [smem:$0x3FAD]  }
0x2b: {  	s6 =	sld [smem:$0x3FAE]  }
0x2c: {  	s7 =	sld [smem:$0x3FAF]  }
0x2d: {  	s3 =	simm.s32 $0x108;
	s8 =	sld [smem:$0x3FB0]  }
0x2e: {  	s3 =	simm.s32 @!p0 $0x1082;
	s9 =	sld [smem:$0x3FB1]  }
0x2f: {  	lr =	sadd.s32 s0, s3;
	s0 =	sld [smem:$0x3FA8]  }
0x30: {  	s3 =	sld [smem:$0x3FAB]  }
0x31: {  	[smem:$0x3FB4] =	sst s10  }
0x32: {  	s10 =	sld [smem:$0x3FB2];
	_ =	sdelay $0x3  }
0x33: {  	p0 =	seq.s32 s10, $0x1;
	s10 =	sld [smem:$0x3FB4];
	_ =	sdelay $0x3  }
0x34: {  	[smem:$0x3FB4] =	sst s10  }
0x35: {  	s10 =	sld [smem:$0x3FB3];
	_ =	sdelay $0x3  }
0x36: {  	p1 =	seq.s32 s10, $0x1;
	s10 =	sld [smem:$0x3FB4];
	_ =	sdelay $0x3  }
0x37: {  	[smem:$0x3FB4] =	sst s10  }
0x38: {  	s10 =	sld [smem:$0x3FB5]  }
0x39: {  	_ = 	snop;
	(pc) =	sbr.ind lr, $3  }
0x3a: {  	_ = 	snop  }
0x3b: {  	_ = 	snop  }
0x3c: {  	p2 =	seq.s32 s10, $0x1;
	s10 =	sld [smem:$0x3FB4]  }
0x3d: {  	_ =	shalt  }
0x3e: {  	_ =	shalt  }
0x3f: {  	_ =	shalt  }
0x40: {  	_ =	shalt  }
0x41: {  	_ =	shalt  }
0x42: {  	_ =	shalt  }
0x43: {  	_ =	shalt  }
0x44: {  	_ =	shalt  }
0x45: {  	_ =	shalt  }
0x46: {  	_ =	shalt  }
0x47: {  	_ =	shalt  }
0x48: {  	_ =	shalt  }
0x49: {  	_ =	shalt  }
0x4a: {  	_ =	shalt  }
0x4b: {  	_ =	shalt  }
0x4c: {  	_ =	shalt  }
0x4d: {  	_ =	shalt  }
0x4e: {  	_ =	shalt  }
0x4f: {  	_ =	shalt  }
0x50: {  	_ =	shalt  }
0x51: {  	_ =	shalt  }
0x52: {  	_ =	shalt  }
0x53: {  	_ =	shalt  }
0x54: {  	_ =	shalt  }
0x55: {  	_ =	shalt  }
0x56: {  	_ =	shalt  }
0x57: {  	_ =	shalt  }
0x58: {  	_ =	shalt  }
0x59: {  	_ =	shalt  }
0x5a: {  	_ =	shalt  }
0x5b: {  	_ =	shalt  }
0x5c: {  	_ =	shalt  }
0x5d: {  	_ =	shalt  }
0x5e: {  	_ =	shalt  }
0x5f: {  	_ =	shalt  }
0x60: {  	_ =	shalt  }
0x61: {  	_ =	shalt  }
0x62: {  	_ =	shalt  }
0x63: {  	_ =	shalt  }
0x64: {  	_ =	shalt  }
0x65: {  	_ =	shalt  }
0x66: {  	_ =	shalt  }
0x67: {  	_ =	shalt  }
0x68: {  	_ =	shalt  }
0x69: {  	_ =	shalt  }
0x6a: {  	_ =	shalt  }
0x6b: {  	_ =	shalt  }
0x6c: {  	_ =	shalt  }
0x6d: {  	_ =	shalt  }
0x6e: {  	_ =	shalt  }
0x6f: {  	_ =	shalt  }
0x70: {  	_ =	shalt  }
0x71: {  	_ =	shalt  }
0x72: {  	_ =	shalt  }
0x73: {  	_ =	shalt  }
0x74: {  	_ =	shalt  }
0x75: {  	_ =	shalt  }
0x76: {  	_ =	shalt  }
0x77: {  	_ =	shalt  }
0x78: {  	_ =	shalt  }
0x79: {  	_ =	shalt  }
0x7a: {  	_ =	shalt  }
0x7b: {  	_ =	shalt  }
0x7c: {  	_ =	shalt  }
0x7d: {  	_ =	shalt  }
0x7e: {  	_ =	shalt  }
0x7f: {  	_ =	shalt  }
0x80: {  	_ =	shalt  }
0x81: {  	_ =	shalt  }
0x82: {  	_ =	shalt  }
0x83: {  	_ =	shalt  }
0x84: {  	_ =	shalt  }
0x85: {  	_ =	shalt  }
0x86: {  	_ =	shalt  }
0x87: {  	_ =	shalt  }
.Lfunc_end0:
.L_simem_size_0:
called_computation_lowered:
.L_overlay_start_0:
0x88: {  	s2 =	sld [smem:$0x3FD9]  }
0x89: {  	s3 =	sld [smem:$0x3FFE];
	_ =	sdelay $0x1  }
0x8a: {  	s1 =	srdreg.scid  }
0x8b: {  	s0 =	sand.u32 $0x1, s1  }
0x8c: {  	s17 =	sshll.u32 s0, $0xA;
	s2 =	sadd.s32 s3, s2  }
0x8d: {  	s2 =	sadd.s32 s2, s17  }
0x8e: {  	[smem:$0x3FC0] =	sst s2  }
0x8f: {  	_ = 	snop  }
0x90: {  	s2 =	sld [smem:$0x3FD0];
	(tm) =	ssettm $0x1  }
0x91: {  	s18 =	sld [smem:$0x3FFB];
	_ =	sdelay $0x3  }
0x92: {  	_ =	strace s18  }
0x93: {  	s3 =	sld [smem:$0x3FFC];
	_ =	sdelay $0x3  }
0x94: {  	_ =	strace s3  }
0x95: {  	s3 =	sld [smem:$0x3FFD];
	_ =	sdelay $0x3  }
0x96: {  	_ =	strace s3  }
0x97: {  	_ =	strace $0x8FFFFFFF  }
0x98: {  	s19 =	sld [smem:$0x3FDB];
	_ =	sdelay $0x1  }
0x99: {  	s4 =	simm.s32 $_scs_section_size  }
0x9a: {  	s5 =	simm.s32 $_size__tile_overlayer_lowered;
	s6 =	simm.s32 $_tile_overlayer_lowered  }
0x9b: {  	s22 =	simm.s32 $0x1BFF;
	s21 =	sshll.u32 s6, $0x1;
	s3 =	sadd.s32 s4, s19  }
0x9c: {  	s7 =	simm.s32 $0x0;
	s20 =	sshll.u32 s5, $0x1;
	s5 =	sadd.s32 s21, s3  }
0x9d: {  	[timem:s7], [sflag:s22] =	dma.local [hbm:s5], s20  }
0x9e: {  	_ =	swait.ge [sflag:s22], s20  }
0x9f: {  	s4 =	ssub.s32 $0x0, s20;
	[sflag:s22] =	ssyncset.done $0x0  }
0xa0: {  	[sflag:s22] =	ssyncadd.s32 s4;
	_ =	sdelay $0x1  }
0xa1: {  	s23 =	simm.s32 $0x1B8B  }
0xa2: {  	_ =	swait.ge [sflag:s23], $0x1  }
0xa3: {  	[sflag:s23] =	ssyncset.done $0x0  }
0xa4: {  	s25 =	simm.s32 $0x1B8E;
	s24 =	sld [smem:$0x3FFE];
	[sflag:s23] =	ssyncadd.s32 $0xFFFFFFFF  }
0xa5: {  	s26 =	simm.s32 $execute0_lowered;
	[smem:$0x3FD2] =	sst s25  }
0xa6: {  	s5 =	sshll.u32 s26, $0x1;
	_ =	strace $0x80000046;
	[dreg:$0x1] =	wrdreg $0xFFFFFFFF  }
0xa7: {  	s28 =	simm.s32 $_size_execute0_lowered;
	s3 =	sadd.s32 s3, s5;
	[dreg:$0x0] =	wrdreg $0x0  }
0xa8: {  	s5 =	sshll.u32 s28, $0x1;
	[dreg:$0x2] =	wrdreg s3  }
0xa9: {  	[dreg:$0x3] =	wrdreg s5  }
0xaa: {  	[dreg:$0x4] =	wrdreg $0xC0  }
0xab: {  	_ =	task [dreg:s7], $0x5FFFF  }
0xac: {  	[dreg:$0x1] =	wrdreg $0xFFFFFFFF  }
0xad: {  	[dreg:$0x0] =	wrdreg $0x60  }
0xae: {  	[dreg:$0x2] =	wrdreg s24  }
0xaf: {  	[dreg:$0x3] =	wrdreg s2  }
0xb0: {  	[dreg:$0x4] =	wrdreg $0x50000  }
0xb1: {  	[dreg:$0x5] =	wrdreg $0x9  }
0xb2: {  	_ =	task.clear_ibuf [dreg:s7], $0x6FFFF;
	_ =	strace $0x90000046  }
0xb3: {  	s29 =	simm.s32 $0x9;
	_ =	strace $0x80000048  }
0xb4: {  	_ =	swait.ge [sflag:s29], $0x1  }
0xb5: {  	[sflag:s29] =	ssyncadd.s32 $0xFFFFFFFF  }
0xb6: {  	_ =	strace $0x90000048  }
0xb7: {  	_ =	sfence  }
0xb8: {  	s30 =	sld [smem:$0x0];
	_ =	sdelay $0x2  }
0xb9: {  	s31 =	sshll.u32 s1, $0xD;
	s1 =	sshrl.u32 s1, $0x2  }
0xba: {  	s3 =	sand.u32 $0x4000, s31;
	s1 =	sadd.s32 s1, s30  }
0xbb: {  	s0 =	sor.u32 s3, s0;
	s1 =	sshll.u32 s1, $0x11  }
0xbc: {  	s0 =	sor.u32 s1, s0  }
0xbd: {  	s0 =	sadd.s32 $0x8F2B, s0  }
0xbe: {  	[sflag:s0] =	ssyncadd.remote.s32 $0x1  }
0xbf: {  	_ =	sfence.sel $0xFFFF  }
0xc0: {  	[dreg:$0x0] =	wrdreg $0xFFFFFFFF;
	(pc) =	sbr.abs _section_cstart, $3  }
0xc1: {  	[dreg:$0x1] =	wrdreg $0xFFFFFFFF  }
0xc2: {  	_ =	task.clear_ibuf [dreg:s7], $0x2FFFF;
	_ =	strace $0x9FFFFFFF  }
0xc3: {  	(tm) =	ssettm $0x7FFFFFFF  }
tec
execute0_lowered:
.L_overlay_start_1:
0x0: {  	(tag) =	ssettag $0x1  }
0x1: {  	s0 =	rddreg [dreg:$0x0]  }
0x2: {  	s1 =	rddreg [dreg:$0x1]  }
0x3: {  	s10 =	stileid.u32;
	s3 =	srdreg.scid  }
0x4: {  	s2 =	rddreg [dreg:$0x2];
	s4 =	smul.u32 $0x500, s10  }
0x5: {  	s30 =	simm.s32 $0x1000;
	s31 =	simm.s32 $0x3;
	s6 =	smul.u32 $0xA000, s10  }
0x6: {  	s5 =	sand.u32 $0x1, s3;
	s3 =	simm.s32 $0x0;
	s10 =	smul.u32 $0x28000, s10  }
0x7: {  	s7 =	smul.u32 $0xA0000, s5;
	[smem:$0x7FF] =	sst s3;
	p0 =	seq.s32 s5, $0x0  }
0x8: {  	s5 =	ssub.s32 $0x2, s5;
	s8 =	sadd.s32 $0x5000, s4;
	_ =	strace $0x80000047  }
0x9: {  	s18 =	sshrl.u32 s5, $0x1;
	s19 =	sadd.s32 s6, s2;
	s20 =	sadd.s32 $0x2000, s6  }
0xa: {  	s21 =	sadd.s32 $0x4000, s6;
	s22 =	sadd.s32 $0x6000, s6;
	s12 =	sadd.s32 $0x8000, s6  }
0xb: {  	s10 =	sshrl.u32 s10, $0x2;
	[dreg:$0x4] =	wrdreg s19;
	s9 =	sadd.s32 s20, s2  }
0xc: {  	s8 =	smov.u32 @p0 s4;
	s11 =	sadd.s32 s21, s2;
	[dreg:$0x5] =	wrdreg s9  }
0xd: {  	s17 =	sadd.s32 s6, s7;
	s13 =	sadd.s32 s22, s2;
	[dreg:$0x6] =	wrdreg s11  }
0xe: {  	s23 =	sadd.s32 s12, s2;
	s6 =	sshrl.u32 s6, $0x3;
	[dreg:$0x7] =	wrdreg s13  }
0xf: {  	s10 =	sadd.s32 s10, s2;
	[dreg:$0x8] =	wrdreg s23;
	s24 =	sadd.s32 s1, s6  }
0x10: {  	s12 =	sshrl.u32 s12, $0x3;
	s25 =	sadd.s32 $0xA0000, s10;
	[dreg:$0x9] =	wrdreg s24  }
0x11: {  	s7 =	sadd.s32 s8, s0;
	s14 =	sadd.s32 $0xA2000, s10;
	[dreg:$0xa] =	wrdreg s25  }
0x12: {  	s11 =	sshrl.u32 s22, $0x3;
	s22 =	sadd.s32 $0xA4000, s10;
	[dreg:$0xc] =	wrdreg s14  }
0x13: {  	s9 =	sshrl.u32 s21, $0x3;
	s23 =	sadd.s32 $0xA6000, s10;
	[dreg:$0x15] =	wrdreg s22  }
0x14: {  	s4 =	sshrl.u32 s17, $0x3;
	s15 =	sadd.s32 s1, s9;
	[dreg:$0x16] =	wrdreg s23  }
0x15: {  	s8 =	sadd.s32 $0x1200, s0;
	s16 =	sadd.s32 s1, s11;
	[dreg:$0xd] =	wrdreg s15  }
0x16: {  	s0 =	sadd.s32 s4, s0;
	s17 =	sadd.s32 s8, s6;
	[dreg:$0xe] =	wrdreg s16  }
0x17: {  	s4 =	ssub.s32 s5, s18;
	s19 =	sadd.s32 s8, s9;
	[dreg:$0x10] =	wrdreg s17  }
0x18: {  	s5 =	sshrl.u32 s20, $0x3;
	s20 =	sadd.s32 s8, s11;
	[dreg:$0x12] =	wrdreg s19  }
0x19: {  	s21 =	sadd.s32 s8, s12;
	s24 =	sadd.s32 $0xA8000, s10;
	[dreg:$0x13] =	wrdreg s20  }
0x1a: {  	s28 =	sadd.s32 $0x1F200, s7;
	s29 =	sadd.s32 $0x15200, s7;
	[dreg:$0x14] =	wrdreg s21  }
0x1b: {  	s9 =	simm.s32 $0x80;
	s26 =	sadd.s32 s1, s5;
	[dreg:$0x17] =	wrdreg s24  }
0x1c: {  	s11 =	simm.s32 $0x1;
	s1 =	sadd.s32 s1, s12;
	[dreg:$0xb] =	wrdreg s26  }
0x1d: {  	s7 =	simm.s32 $0x100;
	s18 =	sadd.s32 s8, s5;
	[dreg:$0xf] =	wrdreg s1  }
0x1e: {  	s14 =	simm.s32 $0x2;
	s25 =	sadd.s32 $0x51200, s0;
	[dreg:$0x11] =	wrdreg s18  }
0x1f: {  	s0 =	sadd.s32 $0x29200, s0;
	s8 =	simm.s32 $0x880;
	[dreg:$0x18] =	wrdreg s25  }
0x20: {  	[dreg:$0x19] =	wrdreg s0;
	s26 =	smax.u32 s4, $0x1;
	s1 =	simm.s32 $0x3000  }
0x21: {  	v0 =	vimm.f32 $0.0e+00;
	s0 =	simm.s32 $0x800;
	s4 =	simm.s32 $0x0;
	[dreg:$0x1a] =	wrdreg s26  }
.LBB2_1:
0x22: {  	[dreg:$0x1b] =	wrdreg s4;
	s26 =	simm.s32 $0x100;
	s5 =	simm.s32 $0x0  }
.LBB2_2:
0x23: {  	p0 =	sne.s32 s26, $0x7F00;
	[tilespmem:s5+$0x1030] =	vst v0;
	s6 =	smov.u32 s26;
	s26 =	sadd.s32 $0x100, s26  }
.Ltmp0:
0x24: {  	[tilespmem:s5+$0x1020] =	vst v0;
	(pc) =	sbr.rel @p0 .LBB2_2-.Ltmp0, $3  }
0x25: {  	[tilespmem:s5+$0x1000] =	vst v0  }
0x26: {  	[tilespmem:s5+$0x1010] =	vst v0;
	_ =	sdelay $0x1  }
0x27: {  	s5 =	sshra.s32 s6, $0x2  }
0x28: {  	[tilespmem:s5+$0x1030] =	vst v0  }
0x29: {  	[tilespmem:s5+$0x1020] =	vst v0  }
0x2a: {  	[tilespmem:s5+$0x1000] =	vst v0  }
0x2b: {  	[tilespmem:s5+$0x1010] =	vst v0;
	s6 =	rddreg [dreg:$0x4]  }
0x2c: {  	[spmem:s6] =	stream.linear.scatter [tilespmem:s30], [sflag:$0x3], $0x2000, $0x38;
	[tilespmem:$0x19000] =	vst v63  }
0x2d: {  	_ =	swait.ge [sflag:s31], $0x2000  }
0x2e: {  	[sflag:s31] =	ssyncset.done $0x0  }
0x2f: {  	s10 =	rddreg [dreg:$0x5];
	[sflag:s31] =	ssyncadd.s32 $0xFFFFE000  }
0x30: {  	[spmem:s10] =	stream.linear.scatter [tilespmem:s30], [sflag:$0x3], $0x2000, $0x38;
	[tilespmem:$0x19000] =	vst v63  }
0x31: {  	_ =	swait.ge [sflag:s31], $0x2000  }
0x32: {  	[sflag:s31] =	ssyncset.done $0x0  }
0x33: {  	s12 =	rddreg [dreg:$0x6];
	[sflag:s31] =	ssyncadd.s32 $0xFFFFE000  }
0x34: {  	[spmem:s12] =	stream.linear.scatter [tilespmem:s30], [sflag:$0x3], $0x2000, $0x38;
	[tilespmem:$0x19000] =	vst v63  }
0x35: {  	_ =	swait.ge [sflag:s31], $0x2000  }
0x36: {  	[sflag:s31] =	ssyncset.done $0x0  }
0x37: {  	s13 =	rddreg [dreg:$0x7];
	[sflag:s31] =	ssyncadd.s32 $0xFFFFE000  }
0x38: {  	[spmem:s13] =	stream.linear.scatter [tilespmem:s30], [sflag:$0x3], $0x2000, $0x38;
	[tilespmem:$0x19000] =	vst v63  }
0x39: {  	_ =	swait.ge [sflag:s31], $0x2000  }
0x3a: {  	[sflag:s31] =	ssyncset.done $0x0  }
0x3b: {  	s15 =	rddreg [dreg:$0x8];
	[sflag:s31] =	ssyncadd.s32 $0xFFFFE000  }
0x3c: {  	[spmem:s15] =	stream.linear.scatter [tilespmem:s30], [sflag:$0x3], $0x2000, $0x38;
	[tilespmem:$0x19000] =	vst v63  }
0x3d: {  	_ =	swait.ge [sflag:s31], $0x2000  }
0x3e: {  	[sflag:s31] =	ssyncset.done $0x0  }
0x3f: {  	s16 =	simm.s32 $0x0;
	s6 =	rddreg [dreg:$0x9];
	[sflag:s31] =	ssyncadd.s32 $0xFFFFE000  }
0x40: {  	[tilespmem:s1], [sflag:$0x3] =	stream.linear.gather [hbm4b:s6+s16], $0x2000, $0x38;
	[tilespmem:$0x19000] =	vst v63  }
0x41: {  	_ =	swait.ge [sflag:s31], $0x2000  }
0x42: {  	[sflag:s31] =	ssyncset.done $0x0  }
0x43: {  	s17 =	rddreg [dreg:$0xa];
	[sflag:s31] =	ssyncadd.s32 $0xFFFFE000  }
0x44: {  	[spmem:s17] =	stream.linear.scatter [tilespmem:s1], [sflag:$0x3], $0x2000, $0x38;
	[tilespmem:$0x19000] =	vst v63  }
0x45: {  	_ =	swait.ge [sflag:s31], $0x2000  }
0x46: {  	[sflag:s31] =	ssyncset.done $0x0  }
0x47: {  	s18 =	rddreg [dreg:$0xb];
	[sflag:s31] =	ssyncadd.s32 $0xFFFFE000  }
0x48: {  	[tilespmem:s1], [sflag:$0x3] =	stream.linear.gather [hbm4b:s18+s16], $0x2000, $0x38;
	[tilespmem:$0x19000] =	vst v63  }
0x49: {  	_ =	swait.ge [sflag:s31], $0x2000  }
0x4a: {  	[sflag:s31] =	ssyncset.done $0x0  }
0x4b: {  	s19 =	rddreg [dreg:$0xc];
	[sflag:s31] =	ssyncadd.s32 $0xFFFFE000  }
0x4c: {  	[spmem:s19] =	stream.linear.scatter [tilespmem:s1], [sflag:$0x3], $0x2000, $0x38;
	[tilespmem:$0x19000] =	vst v63  }
0x4d: {  	_ =	swait.ge [sflag:s31], $0x2000  }
0x4e: {  	[sflag:s31] =	ssyncset.done $0x0  }
0x4f: {  	s20 =	rddreg [dreg:$0xd];
	[sflag:s31] =	ssyncadd.s32 $0xFFFFE000  }
0x50: {  	[tilespmem:s1], [sflag:$0x3] =	stream.linear.gather [hbm4b:s20+s16], $0x2000, $0x38;
	[tilespmem:$0x19000] =	vst v63  }
0x51: {  	_ =	swait.ge [sflag:s31], $0x2000  }
0x52: {  	[sflag:s31] =	ssyncset.done $0x0  }
0x53: {  	s21 =	rddreg [dreg:$0x15];
	[sflag:s31] =	ssyncadd.s32 $0xFFFFE000  }
0x54: {  	[spmem:s21] =	stream.linear.scatter [tilespmem:s1], [sflag:$0x3], $0x2000, $0x38;
	[tilespmem:$0x19000] =	vst v63  }
0x55: {  	_ =	swait.ge [sflag:s31], $0x2000  }
0x56: {  	[sflag:s31] =	ssyncset.done $0x0  }
0x57: {  	s22 =	rddreg [dreg:$0xe];
	[sflag:s31] =	ssyncadd.s32 $0xFFFFE000  }
0x58: {  	[tilespmem:s1], [sflag:$0x3] =	stream.linear.gather [hbm4b:s22+s16], $0x2000, $0x38;
	[tilespmem:$0x19000] =	vst v63  }
0x59: {  	_ =	swait.ge [sflag:s31], $0x2000  }
0x5a: {  	[sflag:s31] =	ssyncset.done $0x0  }
0x5b: {  	s23 =	rddreg [dreg:$0x16];
	[sflag:s31] =	ssyncadd.s32 $0xFFFFE000  }
0x5c: {  	[spmem:s23] =	stream.linear.scatter [tilespmem:s1], [sflag:$0x3], $0x2000, $0x38;
	[tilespmem:$0x19000] =	vst v63  }
0x5d: {  	_ =	swait.ge [sflag:s31], $0x2000  }
0x5e: {  	[sflag:s31] =	ssyncset.done $0x0  }
0x5f: {  	s24 =	rddreg [dreg:$0xf];
	[sflag:s31] =	ssyncadd.s32 $0xFFFFE000  }
0x60: {  	[tilespmem:s1], [sflag:$0x3] =	stream.linear.gather [hbm4b:s24+s16], $0x2000, $0x38;
	[tilespmem:$0x19000] =	vst v63  }
0x61: {  	_ =	swait.ge [sflag:s31], $0x2000  }
0x62: {  	[sflag:s31] =	ssyncset.done $0x0  }
0x63: {  	s25 =	rddreg [dreg:$0x17];
	[sflag:s31] =	ssyncadd.s32 $0xFFFFE000  }
0x64: {  	[spmem:s25] =	stream.linear.scatter [tilespmem:s1], [sflag:$0x3], $0x2000, $0x38;
	[tilespmem:$0x19000] =	vst v63  }
0x65: {  	_ =	swait.ge [sflag:s31], $0x2000  }
0x66: {  	[sflag:s31] =	ssyncset.done $0x0  }
0x67: {  	[sflag:s31] =	ssyncadd.s32 $0xFFFFE000  }
0x68: {  	s26 =	sadd.s32 $0x0, s28;
	[bflag:$0x0] =	sbarrier.arrive $0xFFFF  }
0x69: {  	[tilespmem:s3], [sflag:$0x3] =	stream.linear.gather [hbm4b:s26+s3], $0x800, $0x38;
	[tilespmem:$0x19000] =	vst v63  }
0x6a: {  	_ =	swait.ge [sflag:s31], $0x800  }
0x6b: {  	[sflag:s31] =	ssyncset.done $0x0  }
0x6c: {  	s4 =	sadd.s32 $0x0, s29;
	[sflag:s31] =	ssyncadd.s32 $0xFFFFF800  }
0x6d: {  	[tilespmem:s0], [sflag:$0x3] =	stream.linear.gather [hbm4b:s4+s3], $0x800, $0x38;
	[tilespmem:$0x19000] =	vst v63  }
0x6e: {  	_ =	swait.ge [sflag:s31], $0x800  }
0x6f: {  	[sflag:s31] =	ssyncset.done $0x0  }
0x70: {  	[sflag:s31] =	ssyncadd.s32 $0xFFFFF800  }
0x71: {  	[tilespmem:s30], [sflag:$0x1] =	stream.indirect.gather [spmem:s2], $0x40, s3, s9, $0xb8;
	[tilespmem:$0x19000] =	vst v63  }
0x72: {  	_ = 	snop  }
0x73: {  	[tilespmem:s1], [sflag:$0x2] =	stream.indirect.gather [spmem:s2], $0x40, s9, s9, $0xb8;
	[tilespmem:$0x19000] =	vst v63  }
0x74: {  	_ =	swait.ge [sflag:s11], $0x2000  }
0x75: {  	[sflag:s11] =	ssyncset.done $0x0  }
0x76: {  	[sflag:s11] =	ssyncadd.s32 $0xFFFFE000  }
0x77: {  	[spmem:s2] =	stream.indirect.scatter.add.f32 [tilespmem:s30], [sflag:$0x3], $0x40, s0, s9, $0xb8;
	[tilespmem:$0x19000] =	vst v63  }
0x78: {  	_ =	swait.ge [sflag:s31], $0x2000  }
0x79: {  	[sflag:s31] =	ssyncset.done $0x0  }
0x7a: {  	[sflag:s31] =	ssyncadd.s32 $0xFFFFE000  }
0x7b: {  	[tilespmem:s30], [sflag:$0x1] =	stream.indirect.gather [spmem:s2], $0x40, s7, s9, $0xb8;
	[tilespmem:$0x19000] =	vst v63  }
0x7c: {  	_ =	swait.ge [sflag:s14], $0x2000  }
0x7d: {  	[sflag:s14] =	ssyncset.done $0x0  }
0x7e: {  	[sflag:s14] =	ssyncadd.s32 $0xFFFFE000  }
0x7f: {  	[spmem:s2] =	stream.indirect.scatter.add.f32 [tilespmem:s1], [sflag:$0x3], $0x40, s8, s9, $0xb8;
	[tilespmem:$0x19000] =	vst v63  }
0x80: {  	_ =	swait.ge [sflag:s31], $0x2000  }
0x81: {  	[sflag:s31] =	ssyncset.done $0x0  }
0x82: {  	s10 =	simm.s32 $0x180;
	[sflag:s31] =	ssyncadd.s32 $0xFFFFE000  }
0x83: {  	[tilespmem:s1], [sflag:$0x2] =	stream.indirect.gather [spmem:s2], $0x40, s10, s9, $0xb8;
	[tilespmem:$0x19000] =	vst v63  }
0x84: {  	_ =	swait.ge [sflag:s11], $0x2000  }
0x85: {  	[sflag:s11] =	ssyncset.done $0x0  }
0x86: {  	s12 =	simm.s32 $0x900;
	[sflag:s11] =	ssyncadd.s32 $0xFFFFE000  }
0x87: {  	[spmem:s2] =	stream.indirect.scatter.add.f32 [tilespmem:s30], [sflag:$0x3], $0x40, s12, s9, $0xb8;
	[tilespmem:$0x19000] =	vst v63  }
0x88: {  	_ =	swait.ge [sflag:s31], $0x2000  }
0x89: {  	[sflag:s31] =	ssyncset.done $0x0  }
0x8a: {  	s21 =	simm.s32 $0x200;
	[sflag:s31] =	ssyncadd.s32 $0xFFFFE000  }
0x8b: {  	[tilespmem:s30], [sflag:$0x1] =	stream.indirect.gather [spmem:s2], $0x40, s21, s9, $0xb8;
	[tilespmem:$0x19000] =	vst v63  }
0x8c: {  	_ =	swait.ge [sflag:s14], $0x2000  }
0x8d: {  	[sflag:s14] =	ssyncset.done $0x0  }
0x8e: {  	s22 =	simm.s32 $0x980;
	[sflag:s14] =	ssyncadd.s32 $0xFFFFE000  }
0x8f: {  	[spmem:s2] =	stream.indirect.scatter.add.f32 [tilespmem:s1], [sflag:$0x3], $0x40, s22, s9, $0xb8;
	[tilespmem:$0x19000] =	vst v63  }
0x90: {  	_ =	swait.ge [sflag:s31], $0x2000  }
0x91: {  	[sflag:s31] =	ssyncset.done $0x0  }
0x92: {  	s23 =	simm.s32 $0x280;
	[sflag:s31] =	ssyncadd.s32 $0xFFFFE000  }
0x93: {  	[tilespmem:s1], [sflag:$0x2] =	stream.indirect.gather [spmem:s2], $0x40, s23, s9, $0xb8;
	[tilespmem:$0x19000] =	vst v63  }
0x94: {  	_ =	swait.ge [sflag:s11], $0x2000  }
0x95: {  	[sflag:s11] =	ssyncset.done $0x0  }
0x96: {  	s4 =	simm.s32 $0xA00;
	[sflag:s11] =	ssyncadd.s32 $0xFFFFE000  }
0x97: {  	[spmem:s2] =	stream.indirect.scatter.add.f32 [tilespmem:s30], [sflag:$0x3], $0x40, s4, s9, $0xb8;
	[tilespmem:$0x19000] =	vst v63  }
0x98: {  	_ =	swait.ge [sflag:s31], $0x2000  }
0x99: {  	[sflag:s31] =	ssyncset.done $0x0  }
0x9a: {  	s13 =	simm.s32 $0x300;
	[sflag:s31] =	ssyncadd.s32 $0xFFFFE000  }
0x9b: {  	[tilespmem:s30], [sflag:$0x1] =	stream.indirect.gather [spmem:s2], $0x40, s13, s9, $0xb8;
	[tilespmem:$0x19000] =	vst v63  }
0x9c: {  	_ =	swait.ge [sflag:s14], $0x2000  }
0x9d: {  	[sflag:s14] =	ssyncset.done $0x0  }
0x9e: {  	s15 =	simm.s32 $0xA80;
	[sflag:s14] =	ssyncadd.s32 $0xFFFFE000  }
0x9f: {  	[spmem:s2] =	stream.indirect.scatter.add.f32 [tilespmem:s1], [sflag:$0x3], $0x40, s15, s9, $0xb8;
	[tilespmem:$0x19000] =	vst v63  }
0xa0: {  	_ =	swait.ge [sflag:s31], $0x2000  }
0xa1: {  	[sflag:s31] =	ssyncset.done $0x0  }
0xa2: {  	s16 =	simm.s32 $0x380;
	[sflag:s31] =	ssyncadd.s32 $0xFFFFE000  }
0xa3: {  	[tilespmem:s1], [sflag:$0x2] =	stream.indirect.gather [spmem:s2], $0x40, s16, s9, $0xb8;
	[tilespmem:$0x19000] =	vst v63  }
0xa4: {  	_ =	swait.ge [sflag:s11], $0x2000  }
0xa5: {  	[sflag:s11] =	ssyncset.done $0x0  }
0xa6: {  	s17 =	simm.s32 $0xB00;
	[sflag:s11] =	ssyncadd.s32 $0xFFFFE000  }
0xa7: {  	[spmem:s2] =	stream.indirect.scatter.add.f32 [tilespmem:s30], [sflag:$0x3], $0x40, s17, s9, $0xb8;
	[tilespmem:$0x19000] =	vst v63  }
0xa8: {  	_ =	swait.ge [sflag:s31], $0x2000  }
0xa9: {  	[sflag:s31] =	ssyncset.done $0x0  }
0xaa: {  	s18 =	simm.s32 $0x400;
	[sflag:s31] =	ssyncadd.s32 $0xFFFFE000  }
0xab: {  	[tilespmem:s30], [sflag:$0x1] =	stream.indirect.gather [spmem:s2], $0x40, s18, s9, $0xb8;
	[tilespmem:$0x19000] =	vst v63  }
0xac: {  	_ =	swait.ge [sflag:s14], $0x2000  }
0xad: {  	[sflag:s14] =	ssyncset.done $0x0  }
0xae: {  	s19 =	simm.s32 $0xB80;
	[sflag:s14] =	ssyncadd.s32 $0xFFFFE000  }
0xaf: {  	[spmem:s2] =	stream.indirect.scatter.add.f32 [tilespmem:s1], [sflag:$0x3], $0x40, s19, s9, $0xb8;
	[tilespmem:$0x19000] =	vst v63  }
0xb0: {  	_ =	swait.ge [sflag:s31], $0x2000  }
0xb1: {  	[sflag:s31] =	ssyncset.done $0x0  }
0xb2: {  	s20 =	simm.s32 $0x480;
	[sflag:s31] =	ssyncadd.s32 $0xFFFFE000  }
0xb3: {  	[tilespmem:s1], [sflag:$0x2] =	stream.indirect.gather [spmem:s2], $0x40, s20, s9, $0xb8;
	[tilespmem:$0x19000] =	vst v63  }
0xb4: {  	_ =	swait.ge [sflag:s11], $0x2000  }
0xb5: {  	[sflag:s11] =	ssyncset.done $0x0  }
0xb6: {  	s24 =	simm.s32 $0xC00;
	[sflag:s11] =	ssyncadd.s32 $0xFFFFE000  }
0xb7: {  	[spmem:s2] =	stream.indirect.scatter.add.f32 [tilespmem:s30], [sflag:$0x3], $0x40, s24, s9, $0xb8;
	[tilespmem:$0x19000] =	vst v63  }
0xb8: {  	_ =	swait.ge [sflag:s31], $0x2000  }
0xb9: {  	[sflag:s31] =	ssyncset.done $0x0  }
0xba: {  	s25 =	simm.s32 $0x500;
	[sflag:s31] =	ssyncadd.s32 $0xFFFFE000  }
0xbb: {  	[tilespmem:s30], [sflag:$0x1] =	stream.indirect.gather [spmem:s2], $0x40, s25, s9, $0xb8;
	[tilespmem:$0x19000] =	vst v63  }
0xbc: {  	_ =	swait.ge [sflag:s14], $0x2000  }
0xbd: {  	[sflag:s14] =	ssyncset.done $0x0  }
0xbe: {  	s6 =	simm.s32 $0xC80;
	[sflag:s14] =	ssyncadd.s32 $0xFFFFE000  }
0xbf: {  	[spmem:s2] =	stream.indirect.scatter.add.f32 [tilespmem:s1], [sflag:$0x3], $0x40, s6, s9, $0xb8;
	[tilespmem:$0x19000] =	vst v63  }
0xc0: {  	_ =	swait.ge [sflag:s31], $0x2000  }
0xc1: {  	[sflag:s31] =	ssyncset.done $0x0  }
0xc2: {  	s7 =	simm.s32 $0x580;
	[sflag:s31] =	ssyncadd.s32 $0xFFFFE000  }
0xc3: {  	[tilespmem:s1], [sflag:$0x2] =	stream.indirect.gather [spmem:s2], $0x40, s7, s9, $0xb8;
	[tilespmem:$0x19000] =	vst v63  }
0xc4: {  	_ =	swait.ge [sflag:s11], $0x2000  }
0xc5: {  	[sflag:s11] =	ssyncset.done $0x0  }
0xc6: {  	s8 =	simm.s32 $0xD00;
	[sflag:s11] =	ssyncadd.s32 $0xFFFFE000  }
0xc7: {  	[spmem:s2] =	stream.indirect.scatter.add.f32 [tilespmem:s30], [sflag:$0x3], $0x40, s8, s9, $0xb8;
	[tilespmem:$0x19000] =	vst v63  }
0xc8: {  	_ =	swait.ge [sflag:s31], $0x2000  }
0xc9: {  	[sflag:s31] =	ssyncset.done $0x0  }
0xca: {  	s26 =	simm.s32 $0x600;
	[sflag:s31] =	ssyncadd.s32 $0xFFFFE000  }
0xcb: {  	[tilespmem:s30], [sflag:$0x1] =	stream.indirect.gather [spmem:s2], $0x40, s26, s9, $0xb8;
	[tilespmem:$0x19000] =	vst v63  }
0xcc: {  	_ =	swait.ge [sflag:s14], $0x2000  }
0xcd: {  	[sflag:s14] =	ssyncset.done $0x0  }
0xce: {  	s6 =	simm.s32 $0xD80;
	[sflag:s14] =	ssyncadd.s32 $0xFFFFE000  }
0xcf: {  	[spmem:s2] =	stream.indirect.scatter.add.f32 [tilespmem:s1], [sflag:$0x3], $0x40, s6, s9, $0xb8;
	[tilespmem:$0x19000] =	vst v63  }
0xd0: {  	_ =	swait.ge [sflag:s31], $0x2000  }
0xd1: {  	[sflag:s31] =	ssyncset.done $0x0  }
0xd2: {  	s7 =	simm.s32 $0x680;
	[sflag:s31] =	ssyncadd.s32 $0xFFFFE000  }
0xd3: {  	[tilespmem:s1], [sflag:$0x2] =	stream.indirect.gather [spmem:s2], $0x40, s7, s9, $0xb8;
	[tilespmem:$0x19000] =	vst v63  }
0xd4: {  	_ =	swait.ge [sflag:s11], $0x2000  }
0xd5: {  	[sflag:s11] =	ssyncset.done $0x0  }
0xd6: {  	s8 =	simm.s32 $0xE00;
	[sflag:s11] =	ssyncadd.s32 $0xFFFFE000  }
0xd7: {  	[spmem:s2] =	stream.indirect.scatter.add.f32 [tilespmem:s30], [sflag:$0x3], $0x40, s8, s9, $0xb8;
	[tilespmem:$0x19000] =	vst v63  }
0xd8: {  	_ =	swait.ge [sflag:s31], $0x2000  }
0xd9: {  	[sflag:s31] =	ssyncset.done $0x0  }
0xda: {  	s26 =	simm.s32 $0x700;
	[sflag:s31] =	ssyncadd.s32 $0xFFFFE000  }
0xdb: {  	[tilespmem:s30], [sflag:$0x1] =	stream.indirect.gather [spmem:s2], $0x40, s26, s9, $0xb8;
	[tilespmem:$0x19000] =	vst v63  }
0xdc: {  	_ =	swait.ge [sflag:s14], $0x2000  }
0xdd: {  	[sflag:s14] =	ssyncset.done $0x0  }
0xde: {  	s6 =	simm.s32 $0xE80;
	[sflag:s14] =	ssyncadd.s32 $0xFFFFE000  }
0xdf: {  	[spmem:s2] =	stream.indirect.scatter.add.f32 [tilespmem:s1], [sflag:$0x3], $0x40, s6, s9, $0xb8;
	[tilespmem:$0x19000] =	vst v63  }
0xe0: {  	_ =	swait.ge [sflag:s31], $0x2000  }
0xe1: {  	[sflag:s31] =	ssyncset.done $0x0  }
0xe2: {  	s7 =	simm.s32 $0x780;
	[sflag:s31] =	ssyncadd.s32 $0xFFFFE000  }
0xe3: {  	[tilespmem:s1], [sflag:$0x2] =	stream.indirect.gather [spmem:s2], $0x40, s7, s9, $0xb8;
	[tilespmem:$0x19000] =	vst v63  }
0xe4: {  	_ =	swait.ge [sflag:s11], $0x2000  }
0xe5: {  	[sflag:s11] =	ssyncset.done $0x0  }
0xe6: {  	s8 =	simm.s32 $0xF00;
	[sflag:s11] =	ssyncadd.s32 $0xFFFFE000  }
0xe7: {  	[spmem:s2] =	stream.indirect.scatter.add.f32 [tilespmem:s30], [sflag:$0x3], $0x40, s8, s9, $0xb8;
	[tilespmem:$0x19000] =	vst v63  }
0xe8: {  	_ =	swait.ge [sflag:s31], $0x2000  }
0xe9: {  	[sflag:s31] =	ssyncset.done $0x0  }
0xea: {  	[sflag:s31] =	ssyncadd.s32 $0xFFFFE000  }
0xeb: {  	_ =	swait.ge [sflag:s14], $0x2000  }
0xec: {  	[sflag:s14] =	ssyncset.done $0x0  }
0xed: {  	s26 =	simm.s32 $0xF80;
	[sflag:s14] =	ssyncadd.s32 $0xFFFFE000  }
0xee: {  	[spmem:s2] =	stream.indirect.scatter.add.f32 [tilespmem:s1], [sflag:$0x3], $0x40, s26, s9, $0xb8;
	[tilespmem:$0x19000] =	vst v63  }
0xef: {  	_ =	swait.ge [sflag:s31], $0x2000  }
0xf0: {  	s5 =	simm.s32 $0x200;
	s26 =	simm.s32 $0x100;
	[sflag:s31] =	ssyncset.done $0x0  }
.LBB2_4:
0xf1: {  	s7 =	sadd.s32 s26, s28  }
0xf2: {  	[sflag:s31] =	ssyncadd.s32 $0xFFFFE000;
	s8 =	smov.u32 s5;
	s6 =	sadd.s32 $0x100, s5  }
0xf3: {  	[tilespmem:s3], [sflag:$0x3] =	stream.linear.gather [hbm4b:s7+s3], $0x800, $0x38;
	[tilespmem:$0x19000] =	vst v63  }
0xf4: {  	s7 =	simm.s32 $0x100  }
0xf5: {  	p0 =	sne.s32 s5, $0x400;
	_ =	swait.ge [sflag:s31], $0x800  }
0xf6: {  	s5 =	sadd.s32 s26, s29;
	[sflag:s31] =	ssyncset.done $0x0  }
0xf7: {  	s26 =	smov.u32 s8;
	s8 =	simm.s32 $0x880;
	[sflag:s31] =	ssyncadd.s32 $0xFFFFF800  }
0xf8: {  	[tilespmem:s0], [sflag:$0x3] =	stream.linear.gather [hbm4b:s5+s3], $0x800, $0x38;
	[tilespmem:$0x19000] =	vst v63  }
0xf9: {  	_ =	swait.ge [sflag:s31], $0x800  }
0xfa: {  	[sflag:s31] =	ssyncset.done $0x0  }
0xfb: {  	[sflag:s31] =	ssyncadd.s32 $0xFFFFF800  }
0xfc: {  	[tilespmem:s30], [sflag:$0x1] =	stream.indirect.gather [spmem:s2], $0x40, s3, s9, $0xb8;
	[tilespmem:$0x19000] =	vst v63  }
0xfd: {  	_ = 	snop  }
0xfe: {  	[tilespmem:s1], [sflag:$0x2] =	stream.indirect.gather [spmem:s2], $0x40, s9, s9, $0xb8;
	[tilespmem:$0x19000] =	vst v63  }
0xff: {  	_ =	swait.ge [sflag:s11], $0x2000  }
0x100: {  	[sflag:s11] =	ssyncset.done $0x0  }
0x101: {  	[sflag:s11] =	ssyncadd.s32 $0xFFFFE000  }
0x102: {  	[spmem:s2] =	stream.indirect.scatter.add.f32 [tilespmem:s30], [sflag:$0x3], $0x40, s0, s9, $0xb8;
	[tilespmem:$0x19000] =	vst v63  }
0x103: {  	_ =	swait.ge [sflag:s31], $0x2000  }
0x104: {  	[sflag:s31] =	ssyncset.done $0x0  }
0x105: {  	[sflag:s31] =	ssyncadd.s32 $0xFFFFE000  }
0x106: {  	[tilespmem:s30], [sflag:$0x1] =	stream.indirect.gather [spmem:s2], $0x40, s7, s9, $0xb8;
	[tilespmem:$0x19000] =	vst v63  }
0x107: {  	_ =	swait.ge [sflag:s14], $0x2000  }
0x108: {  	[sflag:s14] =	ssyncset.done $0x0  }
0x109: {  	[sflag:s14] =	ssyncadd.s32 $0xFFFFE000  }
0x10a: {  	[spmem:s2] =	stream.indirect.scatter.add.f32 [tilespmem:s1], [sflag:$0x3], $0x40, s8, s9, $0xb8;
	[tilespmem:$0x19000] =	vst v63  }
0x10b: {  	_ =	swait.ge [sflag:s31], $0x2000  }
0x10c: {  	[sflag:s31] =	ssyncset.done $0x0  }
0x10d: {  	[sflag:s31] =	ssyncadd.s32 $0xFFFFE000  }
0x10e: {  	[tilespmem:s1], [sflag:$0x2] =	stream.indirect.gather [spmem:s2], $0x40, s10, s9, $0xb8;
	[tilespmem:$0x19000] =	vst v63  }
0x10f: {  	_ =	swait.ge [sflag:s11], $0x2000  }
0x110: {  	[sflag:s11] =	ssyncset.done $0x0  }
0x111: {  	[sflag:s11] =	ssyncadd.s32 $0xFFFFE000  }
0x112: {  	[spmem:s2] =	stream.indirect.scatter.add.f32 [tilespmem:s30], [sflag:$0x3], $0x40, s12, s9, $0xb8;
	[tilespmem:$0x19000] =	vst v63  }
0x113: {  	_ =	swait.ge [sflag:s31], $0x2000  }
0x114: {  	[sflag:s31] =	ssyncset.done $0x0  }
0x115: {  	[sflag:s31] =	ssyncadd.s32 $0xFFFFE000  }
0x116: {  	[tilespmem:s30], [sflag:$0x1] =	stream.indirect.gather [spmem:s2], $0x40, s21, s9, $0xb8;
	[tilespmem:$0x19000] =	vst v63  }
0x117: {  	_ =	swait.ge [sflag:s14], $0x2000  }
0x118: {  	[sflag:s14] =	ssyncset.done $0x0  }
0x119: {  	[sflag:s14] =	ssyncadd.s32 $0xFFFFE000  }
0x11a: {  	[spmem:s2] =	stream.indirect.scatter.add.f32 [tilespmem:s1], [sflag:$0x3], $0x40, s22, s9, $0xb8;
	[tilespmem:$0x19000] =	vst v63  }
0x11b: {  	_ =	swait.ge [sflag:s31], $0x2000  }
0x11c: {  	[sflag:s31] =	ssyncset.done $0x0  }
0x11d: {  	[sflag:s31] =	ssyncadd.s32 $0xFFFFE000  }
0x11e: {  	[tilespmem:s1], [sflag:$0x2] =	stream.indirect.gather [spmem:s2], $0x40, s23, s9, $0xb8;
	[tilespmem:$0x19000] =	vst v63  }
0x11f: {  	_ =	swait.ge [sflag:s11], $0x2000  }
0x120: {  	[sflag:s11] =	ssyncset.done $0x0  }
0x121: {  	[sflag:s11] =	ssyncadd.s32 $0xFFFFE000  }
0x122: {  	[spmem:s2] =	stream.indirect.scatter.add.f32 [tilespmem:s30], [sflag:$0x3], $0x40, s4, s9, $0xb8;
	[tilespmem:$0x19000] =	vst v63  }
0x123: {  	_ =	swait.ge [sflag:s31], $0x2000  }
0x124: {  	[sflag:s31] =	ssyncset.done $0x0  }
0x125: {  	[sflag:s31] =	ssyncadd.s32 $0xFFFFE000  }
0x126: {  	[tilespmem:s30], [sflag:$0x1] =	stream.indirect.gather [spmem:s2], $0x40, s13, s9, $0xb8;
	[tilespmem:$0x19000] =	vst v63  }
0x127: {  	_ =	swait.ge [sflag:s14], $0x2000  }
0x128: {  	[sflag:s14] =	ssyncset.done $0x0  }
0x129: {  	[sflag:s14] =	ssyncadd.s32 $0xFFFFE000  }
0x12a: {  	[spmem:s2] =	stream.indirect.scatter.add.f32 [tilespmem:s1], [sflag:$0x3], $0x40, s15, s9, $0xb8;
	[tilespmem:$0x19000] =	vst v63  }
0x12b: {  	_ =	swait.ge [sflag:s31], $0x2000  }
0x12c: {  	[sflag:s31] =	ssyncset.done $0x0  }
0x12d: {  	[sflag:s31] =	ssyncadd.s32 $0xFFFFE000  }
0x12e: {  	[tilespmem:s1], [sflag:$0x2] =	stream.indirect.gather [spmem:s2], $0x40, s16, s9, $0xb8;
	[tilespmem:$0x19000] =	vst v63  }
0x12f: {  	_ =	swait.ge [sflag:s11], $0x2000  }
0x130: {  	[sflag:s11] =	ssyncset.done $0x0  }
0x131: {  	[sflag:s11] =	ssyncadd.s32 $0xFFFFE000  }
0x132: {  	[spmem:s2] =	stream.indirect.scatter.add.f32 [tilespmem:s30], [sflag:$0x3], $0x40, s17, s9, $0xb8;
	[tilespmem:$0x19000] =	vst v63  }
0x133: {  	_ =	swait.ge [sflag:s31], $0x2000  }
0x134: {  	[sflag:s31] =	ssyncset.done $0x0  }
0x135: {  	[sflag:s31] =	ssyncadd.s32 $0xFFFFE000  }
0x136: {  	[tilespmem:s30], [sflag:$0x1] =	stream.indirect.gather [spmem:s2], $0x40, s18, s9, $0xb8;
	[tilespmem:$0x19000] =	vst v63  }
0x137: {  	_ =	swait.ge [sflag:s14], $0x2000  }
0x138: {  	[sflag:s14] =	ssyncset.done $0x0  }
0x139: {  	[sflag:s14] =	ssyncadd.s32 $0xFFFFE000  }
0x13a: {  	[spmem:s2] =	stream.indirect.scatter.add.f32 [tilespmem:s1], [sflag:$0x3], $0x40, s19, s9, $0xb8;
	[tilespmem:$0x19000] =	vst v63  }
0x13b: {  	_ =	swait.ge [sflag:s31], $0x2000  }
0x13c: {  	[sflag:s31] =	ssyncset.done $0x0  }
0x13d: {  	[sflag:s31] =	ssyncadd.s32 $0xFFFFE000  }
0x13e: {  	[tilespmem:s1], [sflag:$0x2] =	stream.indirect.gather [spmem:s2], $0x40, s20, s9, $0xb8;
	[tilespmem:$0x19000] =	vst v63  }
0x13f: {  	_ =	swait.ge [sflag:s11], $0x2000  }
0x140: {  	[sflag:s11] =	ssyncset.done $0x0  }
0x141: {  	[sflag:s11] =	ssyncadd.s32 $0xFFFFE000  }
0x142: {  	[spmem:s2] =	stream.indirect.scatter.add.f32 [tilespmem:s30], [sflag:$0x3], $0x40, s24, s9, $0xb8;
	[tilespmem:$0x19000] =	vst v63  }
0x143: {  	_ =	swait.ge [sflag:s31], $0x2000  }
0x144: {  	[sflag:s31] =	ssyncset.done $0x0  }
0x145: {  	[sflag:s31] =	ssyncadd.s32 $0xFFFFE000  }
0x146: {  	[tilespmem:s30], [sflag:$0x1] =	stream.indirect.gather [spmem:s2], $0x40, s25, s9, $0xb8;
	[tilespmem:$0x19000] =	vst v63  }
0x147: {  	_ =	swait.ge [sflag:s14], $0x2000  }
0x148: {  	[sflag:s14] =	ssyncset.done $0x0  }
0x149: {  	s5 =	simm.s32 $0xC80;
	[sflag:s14] =	ssyncadd.s32 $0xFFFFE000  }
0x14a: {  	[spmem:s2] =	stream.indirect.scatter.add.f32 [tilespmem:s1], [sflag:$0x3], $0x40, s5, s9, $0xb8;
	[tilespmem:$0x19000] =	vst v63  }
0x14b: {  	_ =	swait.ge [sflag:s31], $0x2000  }
0x14c: {  	[sflag:s31] =	ssyncset.done $0x0  }
0x14d: {  	s5 =	simm.s32 $0x580;
	[sflag:s31] =	ssyncadd.s32 $0xFFFFE000  }
0x14e: {  	[tilespmem:s1], [sflag:$0x2] =	stream.indirect.gather [spmem:s2], $0x40, s5, s9, $0xb8;
	[tilespmem:$0x19000] =	vst v63  }
0x14f: {  	_ =	swait.ge [sflag:s11], $0x2000  }
0x150: {  	[sflag:s11] =	ssyncset.done $0x0  }
0x151: {  	s5 =	simm.s32 $0xD00;
	[sflag:s11] =	ssyncadd.s32 $0xFFFFE000  }
0x152: {  	[spmem:s2] =	stream.indirect.scatter.add.f32 [tilespmem:s30], [sflag:$0x3], $0x40, s5, s9, $0xb8;
	[tilespmem:$0x19000] =	vst v63  }
0x153: {  	_ =	swait.ge [sflag:s31], $0x2000  }
0x154: {  	[sflag:s31] =	ssyncset.done $0x0  }
0x155: {  	s5 =	simm.s32 $0x600;
	[sflag:s31] =	ssyncadd.s32 $0xFFFFE000  }
0x156: {  	[tilespmem:s30], [sflag:$0x1] =	stream.indirect.gather [spmem:s2], $0x40, s5, s9, $0xb8;
	[tilespmem:$0x19000] =	vst v63  }
0x157: {  	_ =	swait.ge [sflag:s14], $0x2000  }
0x158: {  	[sflag:s14] =	ssyncset.done $0x0  }
0x159: {  	s5 =	simm.s32 $0xD80;
	[sflag:s14] =	ssyncadd.s32 $0xFFFFE000  }
0x15a: {  	[spmem:s2] =	stream.indirect.scatter.add.f32 [tilespmem:s1], [sflag:$0x3], $0x40, s5, s9, $0xb8;
	[tilespmem:$0x19000] =	vst v63  }
0x15b: {  	_ =	swait.ge [sflag:s31], $0x2000  }
0x15c: {  	[sflag:s31] =	ssyncset.done $0x0  }
0x15d: {  	s5 =	simm.s32 $0x680;
	[sflag:s31] =	ssyncadd.s32 $0xFFFFE000  }
0x15e: {  	[tilespmem:s1], [sflag:$0x2] =	stream.indirect.gather [spmem:s2], $0x40, s5, s9, $0xb8;
	[tilespmem:$0x19000] =	vst v63  }
0x15f: {  	_ =	swait.ge [sflag:s11], $0x2000  }
0x160: {  	[sflag:s11] =	ssyncset.done $0x0  }
0x161: {  	s5 =	simm.s32 $0xE00;
	[sflag:s11] =	ssyncadd.s32 $0xFFFFE000  }
0x162: {  	[spmem:s2] =	stream.indirect.scatter.add.f32 [tilespmem:s30], [sflag:$0x3], $0x40, s5, s9, $0xb8;
	[tilespmem:$0x19000] =	vst v63  }
0x163: {  	_ =	swait.ge [sflag:s31], $0x2000  }
0x164: {  	[sflag:s31] =	ssyncset.done $0x0  }
0x165: {  	s5 =	simm.s32 $0x700;
	[sflag:s31] =	ssyncadd.s32 $0xFFFFE000  }
0x166: {  	[tilespmem:s30], [sflag:$0x1] =	stream.indirect.gather [spmem:s2], $0x40, s5, s9, $0xb8;
	[tilespmem:$0x19000] =	vst v63  }
0x167: {  	_ =	swait.ge [sflag:s14], $0x2000  }
0x168: {  	[sflag:s14] =	ssyncset.done $0x0  }
0x169: {  	s5 =	simm.s32 $0xE80;
	[sflag:s14] =	ssyncadd.s32 $0xFFFFE000  }
0x16a: {  	[spmem:s2] =	stream.indirect.scatter.add.f32 [tilespmem:s1], [sflag:$0x3], $0x40, s5, s9, $0xb8;
	[tilespmem:$0x19000] =	vst v63  }
0x16b: {  	_ =	swait.ge [sflag:s31], $0x2000  }
0x16c: {  	[sflag:s31] =	ssyncset.done $0x0  }
0x16d: {  	s5 =	simm.s32 $0x780;
	[sflag:s31] =	ssyncadd.s32 $0xFFFFE000  }
0x16e: {  	[tilespmem:s1], [sflag:$0x2] =	stream.indirect.gather [spmem:s2], $0x40, s5, s9, $0xb8;
	[tilespmem:$0x19000] =	vst v63  }
0x16f: {  	_ =	swait.ge [sflag:s11], $0x2000  }
0x170: {  	[sflag:s11] =	ssyncset.done $0x0  }
0x171: {  	s5 =	simm.s32 $0xF00;
	[sflag:s11] =	ssyncadd.s32 $0xFFFFE000  }
0x172: {  	[spmem:s2] =	stream.indirect.scatter.add.f32 [tilespmem:s30], [sflag:$0x3], $0x40, s5, s9, $0xb8;
	[tilespmem:$0x19000] =	vst v63  }
0x173: {  	_ =	swait.ge [sflag:s31], $0x2000  }
0x174: {  	[sflag:s31] =	ssyncset.done $0x0  }
0x175: {  	[sflag:s31] =	ssyncadd.s32 $0xFFFFE000  }
0x176: {  	_ =	swait.ge [sflag:s14], $0x2000  }
.Ltmp1:
0x177: {  	[sflag:s14] =	ssyncset.done $0x0;
	(pc) =	sbr.rel @p0 .LBB2_4-.Ltmp1, $4  }
0x178: {  	s5 =	simm.s32 $0xF80;
	[sflag:s14] =	ssyncadd.s32 $0xFFFFE000  }
0x179: {  	[spmem:s2] =	stream.indirect.scatter.add.f32 [tilespmem:s1], [sflag:$0x3], $0x40, s5, s9, $0xb8;
	[tilespmem:$0x19000] =	vst v63  }
0x17a: {  	_ =	swait.ge [sflag:s31], $0x2000  }
0x17b: {  	s5 =	smov.u32 s6;
	[sflag:s31] =	ssyncset.done $0x0  }
0x17c: {  	s5 =	sadd.s32 s26, s28;
	[sflag:s31] =	ssyncadd.s32 $0xFFFFE000  }
0x17d: {  	[tilespmem:s3], [sflag:$0x3] =	stream.linear.gather [hbm4b:s5+s3], $0x800, $0x38;
	[tilespmem:$0x19000] =	vst v63  }
0x17e: {  	_ =	swait.ge [sflag:s31], $0x800  }
0x17f: {  	[sflag:s31] =	ssyncset.done $0x0  }
0x180: {  	s26 =	sadd.s32 s26, s29;
	[sflag:s31] =	ssyncadd.s32 $0xFFFFF800  }
0x181: {  	[tilespmem:s0], [sflag:$0x3] =	stream.linear.gather [hbm4b:s26+s3], $0x800, $0x38;
	[tilespmem:$0x19000] =	vst v63  }
0x182: {  	_ =	swait.ge [sflag:s31], $0x800  }
0x183: {  	[sflag:s31] =	ssyncset.done $0x0  }
0x184: {  	[sflag:s31] =	ssyncadd.s32 $0xFFFFF800  }
0x185: {  	[tilespmem:s30], [sflag:$0x1] =	stream.indirect.gather [spmem:s2], $0x40, s3, s9, $0xb8;
	[tilespmem:$0x19000] =	vst v63  }
0x186: {  	_ = 	snop  }
0x187: {  	[tilespmem:s1], [sflag:$0x2] =	stream.indirect.gather [spmem:s2], $0x40, s9, s9, $0xb8;
	[tilespmem:$0x19000] =	vst v63  }
0x188: {  	_ =	swait.ge [sflag:s11], $0x2000  }
0x189: {  	[sflag:s11] =	ssyncset.done $0x0  }
0x18a: {  	[sflag:s11] =	ssyncadd.s32 $0xFFFFE000  }
0x18b: {  	[spmem:s2] =	stream.indirect.scatter.add.f32 [tilespmem:s30], [sflag:$0x3], $0x40, s0, s9, $0xb8;
	[tilespmem:$0x19000] =	vst v63  }
0x18c: {  	_ =	swait.ge [sflag:s31], $0x2000  }
0x18d: {  	[sflag:s31] =	ssyncset.done $0x0  }
0x18e: {  	[sflag:s31] =	ssyncadd.s32 $0xFFFFE000  }
0x18f: {  	[tilespmem:s30], [sflag:$0x1] =	stream.indirect.gather [spmem:s2], $0x40, s7, s9, $0xb8;
	[tilespmem:$0x19000] =	vst v63  }
0x190: {  	_ =	swait.ge [sflag:s14], $0x2000  }
0x191: {  	[sflag:s14] =	ssyncset.done $0x0  }
0x192: {  	[sflag:s14] =	ssyncadd.s32 $0xFFFFE000  }
0x193: {  	[spmem:s2] =	stream.indirect.scatter.add.f32 [tilespmem:s1], [sflag:$0x3], $0x40, s8, s9, $0xb8;
	[tilespmem:$0x19000] =	vst v63  }
0x194: {  	_ =	swait.ge [sflag:s31], $0x2000  }
0x195: {  	[sflag:s31] =	ssyncset.done $0x0  }
0x196: {  	[sflag:s31] =	ssyncadd.s32 $0xFFFFE000  }
0x197: {  	[tilespmem:s1], [sflag:$0x2] =	stream.indirect.gather [spmem:s2], $0x40, s10, s9, $0xb8;
	[tilespmem:$0x19000] =	vst v63  }
0x198: {  	_ =	swait.ge [sflag:s11], $0x2000  }
0x199: {  	[sflag:s11] =	ssyncset.done $0x0  }
0x19a: {  	[sflag:s11] =	ssyncadd.s32 $0xFFFFE000  }
0x19b: {  	[spmem:s2] =	stream.indirect.scatter.add.f32 [tilespmem:s30], [sflag:$0x3], $0x40, s12, s9, $0xb8;
	[tilespmem:$0x19000] =	vst v63  }
0x19c: {  	_ =	swait.ge [sflag:s31], $0x2000  }
0x19d: {  	[sflag:s31] =	ssyncset.done $0x0  }
0x19e: {  	[sflag:s31] =	ssyncadd.s32 $0xFFFFE000  }
0x19f: {  	[tilespmem:s30], [sflag:$0x1] =	stream.indirect.gather [spmem:s2], $0x40, s21, s9, $0xb8;
	[tilespmem:$0x19000] =	vst v63  }
0x1a0: {  	_ =	swait.ge [sflag:s14], $0x2000  }
0x1a1: {  	[sflag:s14] =	ssyncset.done $0x0  }
0x1a2: {  	[sflag:s14] =	ssyncadd.s32 $0xFFFFE000  }
0x1a3: {  	[spmem:s2] =	stream.indirect.scatter.add.f32 [tilespmem:s1], [sflag:$0x3], $0x40, s22, s9, $0xb8;
	[tilespmem:$0x19000] =	vst v63  }
0x1a4: {  	_ =	swait.ge [sflag:s31], $0x2000  }
0x1a5: {  	[sflag:s31] =	ssyncset.done $0x0  }
0x1a6: {  	[sflag:s31] =	ssyncadd.s32 $0xFFFFE000  }
0x1a7: {  	[tilespmem:s1], [sflag:$0x2] =	stream.indirect.gather [spmem:s2], $0x40, s23, s9, $0xb8;
	[tilespmem:$0x19000] =	vst v63  }
0x1a8: {  	_ =	swait.ge [sflag:s11], $0x2000  }
0x1a9: {  	[sflag:s11] =	ssyncset.done $0x0  }
0x1aa: {  	[sflag:s11] =	ssyncadd.s32 $0xFFFFE000  }
0x1ab: {  	[spmem:s2] =	stream.indirect.scatter.add.f32 [tilespmem:s30], [sflag:$0x3], $0x40, s4, s9, $0xb8;
	[tilespmem:$0x19000] =	vst v63  }
0x1ac: {  	_ =	swait.ge [sflag:s31], $0x2000  }
0x1ad: {  	[sflag:s31] =	ssyncset.done $0x0  }
0x1ae: {  	[sflag:s31] =	ssyncadd.s32 $0xFFFFE000  }
0x1af: {  	[tilespmem:s30], [sflag:$0x1] =	stream.indirect.gather [spmem:s2], $0x40, s13, s9, $0xb8;
	[tilespmem:$0x19000] =	vst v63  }
0x1b0: {  	_ =	swait.ge [sflag:s14], $0x2000  }
0x1b1: {  	[sflag:s14] =	ssyncset.done $0x0  }
0x1b2: {  	[sflag:s14] =	ssyncadd.s32 $0xFFFFE000  }
0x1b3: {  	[spmem:s2] =	stream.indirect.scatter.add.f32 [tilespmem:s1], [sflag:$0x3], $0x40, s15, s9, $0xb8;
	[tilespmem:$0x19000] =	vst v63  }
0x1b4: {  	_ =	swait.ge [sflag:s31], $0x2000  }
0x1b5: {  	[sflag:s31] =	ssyncset.done $0x0  }
0x1b6: {  	[sflag:s31] =	ssyncadd.s32 $0xFFFFE000  }
0x1b7: {  	[tilespmem:s1], [sflag:$0x2] =	stream.indirect.gather [spmem:s2], $0x40, s16, s9, $0xb8;
	[tilespmem:$0x19000] =	vst v63  }
0x1b8: {  	_ =	swait.ge [sflag:s11], $0x2000  }
0x1b9: {  	[sflag:s11] =	ssyncset.done $0x0  }
0x1ba: {  	[sflag:s11] =	ssyncadd.s32 $0xFFFFE000  }
0x1bb: {  	[spmem:s2] =	stream.indirect.scatter.add.f32 [tilespmem:s30], [sflag:$0x3], $0x40, s17, s9, $0xb8;
	[tilespmem:$0x19000] =	vst v63  }
0x1bc: {  	_ =	swait.ge [sflag:s31], $0x2000  }
0x1bd: {  	[sflag:s31] =	ssyncset.done $0x0  }
0x1be: {  	[sflag:s31] =	ssyncadd.s32 $0xFFFFE000  }
0x1bf: {  	[tilespmem:s30], [sflag:$0x1] =	stream.indirect.gather [spmem:s2], $0x40, s18, s9, $0xb8;
	[tilespmem:$0x19000] =	vst v63  }
0x1c0: {  	_ =	swait.ge [sflag:s14], $0x2000  }
0x1c1: {  	[sflag:s14] =	ssyncset.done $0x0  }
0x1c2: {  	[sflag:s14] =	ssyncadd.s32 $0xFFFFE000  }
0x1c3: {  	[spmem:s2] =	stream.indirect.scatter.add.f32 [tilespmem:s1], [sflag:$0x3], $0x40, s19, s9, $0xb8;
	[tilespmem:$0x19000] =	vst v63  }
0x1c4: {  	_ =	swait.ge [sflag:s31], $0x2000  }
0x1c5: {  	[sflag:s31] =	ssyncset.done $0x0  }
0x1c6: {  	[sflag:s31] =	ssyncadd.s32 $0xFFFFE000  }
0x1c7: {  	[tilespmem:s1], [sflag:$0x2] =	stream.indirect.gather [spmem:s2], $0x40, s20, s9, $0xb8;
	[tilespmem:$0x19000] =	vst v63  }
0x1c8: {  	_ =	swait.ge [sflag:s11], $0x2000  }
0x1c9: {  	[sflag:s11] =	ssyncset.done $0x0  }
0x1ca: {  	[sflag:s11] =	ssyncadd.s32 $0xFFFFE000  }
0x1cb: {  	[spmem:s2] =	stream.indirect.scatter.add.f32 [tilespmem:s30], [sflag:$0x3], $0x40, s24, s9, $0xb8;
	[tilespmem:$0x19000] =	vst v63  }
0x1cc: {  	_ =	swait.ge [sflag:s31], $0x2000  }
0x1cd: {  	[sflag:s31] =	ssyncset.done $0x0  }
0x1ce: {  	[sflag:s31] =	ssyncadd.s32 $0xFFFFE000  }
0x1cf: {  	[tilespmem:s30], [sflag:$0x1] =	stream.indirect.gather [spmem:s2], $0x40, s25, s9, $0xb8;
	[tilespmem:$0x19000] =	vst v63  }
0x1d0: {  	_ =	swait.ge [sflag:s14], $0x2000  }
0x1d1: {  	[sflag:s14] =	ssyncset.done $0x0  }
0x1d2: {  	s6 =	simm.s32 $0xC80;
	[sflag:s14] =	ssyncadd.s32 $0xFFFFE000  }
0x1d3: {  	[spmem:s2] =	stream.indirect.scatter.add.f32 [tilespmem:s1], [sflag:$0x3], $0x40, s6, s9, $0xb8;
	[tilespmem:$0x19000] =	vst v63  }
0x1d4: {  	_ =	swait.ge [sflag:s31], $0x2000  }
0x1d5: {  	[sflag:s31] =	ssyncset.done $0x0  }
0x1d6: {  	s10 =	simm.s32 $0x580;
	[sflag:s31] =	ssyncadd.s32 $0xFFFFE000  }
0x1d7: {  	[tilespmem:s1], [sflag:$0x2] =	stream.indirect.gather [spmem:s2], $0x40, s10, s9, $0xb8;
	[tilespmem:$0x19000] =	vst v63  }
0x1d8: {  	_ =	swait.ge [sflag:s11], $0x2000  }
0x1d9: {  	[sflag:s11] =	ssyncset.done $0x0  }
0x1da: {  	s12 =	simm.s32 $0xD00;
	[sflag:s11] =	ssyncadd.s32 $0xFFFFE000  }
0x1db: {  	[spmem:s2] =	stream.indirect.scatter.add.f32 [tilespmem:s30], [sflag:$0x3], $0x40, s12, s9, $0xb8;
	[tilespmem:$0x19000] =	vst v63  }
0x1dc: {  	_ =	swait.ge [sflag:s31], $0x2000  }
0x1dd: {  	[sflag:s31] =	ssyncset.done $0x0  }
0x1de: {  	s13 =	simm.s32 $0x600;
	[sflag:s31] =	ssyncadd.s32 $0xFFFFE000  }
0x1df: {  	[tilespmem:s30], [sflag:$0x1] =	stream.indirect.gather [spmem:s2], $0x40, s13, s9, $0xb8;
	[tilespmem:$0x19000] =	vst v63  }
0x1e0: {  	_ =	swait.ge [sflag:s14], $0x2000  }
0x1e1: {  	[sflag:s14] =	ssyncset.done $0x0  }
0x1e2: {  	s15 =	simm.s32 $0xD80;
	[sflag:s14] =	ssyncadd.s32 $0xFFFFE000  }
0x1e3: {  	[spmem:s2] =	stream.indirect.scatter.add.f32 [tilespmem:s1], [sflag:$0x3], $0x40, s15, s9, $0xb8;
	[tilespmem:$0x19000] =	vst v63  }
0x1e4: {  	_ =	swait.ge [sflag:s31], $0x2000  }
0x1e5: {  	[sflag:s31] =	ssyncset.done $0x0  }
0x1e6: {  	s16 =	simm.s32 $0x680;
	[sflag:s31] =	ssyncadd.s32 $0xFFFFE000  }
0x1e7: {  	[tilespmem:s1], [sflag:$0x2] =	stream.indirect.gather [spmem:s2], $0x40, s16, s9, $0xb8;
	[tilespmem:$0x19000] =	vst v63  }
0x1e8: {  	_ =	swait.ge [sflag:s11], $0x2000  }
0x1e9: {  	[sflag:s11] =	ssyncset.done $0x0  }
0x1ea: {  	s17 =	simm.s32 $0xE00;
	[sflag:s11] =	ssyncadd.s32 $0xFFFFE000  }
0x1eb: {  	[spmem:s2] =	stream.indirect.scatter.add.f32 [tilespmem:s30], [sflag:$0x3], $0x40, s17, s9, $0xb8;
	[tilespmem:$0x19000] =	vst v63  }
0x1ec: {  	_ =	swait.ge [sflag:s31], $0x2000  }
0x1ed: {  	[sflag:s31] =	ssyncset.done $0x0  }
0x1ee: {  	s18 =	simm.s32 $0x700;
	[sflag:s31] =	ssyncadd.s32 $0xFFFFE000  }
0x1ef: {  	[tilespmem:s30], [sflag:$0x1] =	stream.indirect.gather [spmem:s2], $0x40, s18, s9, $0xb8;
	[tilespmem:$0x19000] =	vst v63  }
0x1f0: {  	_ =	swait.ge [sflag:s14], $0x2000  }
0x1f1: {  	[sflag:s14] =	ssyncset.done $0x0  }
0x1f2: {  	s19 =	simm.s32 $0xE80;
	[sflag:s14] =	ssyncadd.s32 $0xFFFFE000  }
0x1f3: {  	[spmem:s2] =	stream.indirect.scatter.add.f32 [tilespmem:s1], [sflag:$0x3], $0x40, s19, s9, $0xb8;
	[tilespmem:$0x19000] =	vst v63  }
0x1f4: {  	_ =	swait.ge [sflag:s31], $0x2000  }
0x1f5: {  	[sflag:s31] =	ssyncset.done $0x0  }
0x1f6: {  	s20 =	simm.s32 $0x780;
	[sflag:s31] =	ssyncadd.s32 $0xFFFFE000  }
0x1f7: {  	[tilespmem:s1], [sflag:$0x2] =	stream.indirect.gather [spmem:s2], $0x40, s20, s9, $0xb8;
	[tilespmem:$0x19000] =	vst v63  }
0x1f8: {  	_ =	swait.ge [sflag:s11], $0x2000  }
0x1f9: {  	[sflag:s11] =	ssyncset.done $0x0  }
0x1fa: {  	s21 =	simm.s32 $0xF00;
	[sflag:s11] =	ssyncadd.s32 $0xFFFFE000  }
0x1fb: {  	[spmem:s2] =	stream.indirect.scatter.add.f32 [tilespmem:s30], [sflag:$0x3], $0x40, s21, s9, $0xb8;
	[tilespmem:$0x19000] =	vst v63  }
0x1fc: {  	_ =	swait.ge [sflag:s31], $0x2000  }
0x1fd: {  	[sflag:s31] =	ssyncset.done $0x0  }
0x1fe: {  	[sflag:s31] =	ssyncadd.s32 $0xFFFFE000  }
0x1ff: {  	_ =	swait.ge [sflag:s14], $0x2000  }
0x200: {  	[sflag:s14] =	ssyncset.done $0x0  }
0x201: {  	s22 =	simm.s32 $0xF80;
	[sflag:s14] =	ssyncadd.s32 $0xFFFFE000  }
0x202: {  	[spmem:s2] =	stream.indirect.scatter.add.f32 [tilespmem:s1], [sflag:$0x3], $0x40, s22, s9, $0xb8;
	[tilespmem:$0x19000] =	vst v63  }
0x203: {  	_ =	swait.ge [sflag:s31], $0x2000  }
0x204: {  	[sflag:s31] =	ssyncset.done $0x0  }
0x205: {  	[sflag:s31] =	ssyncadd.s32 $0xFFFFE000  }
0x206: {  	s23 =	stileid.u32;
	[bflag:$0x0] =	sbarrier.arrive $0xFFFF  }
0x207: {  	s5 =	sshll.u32 s23, $0x6;
	s25 =	rddreg [dreg:$0x4]  }
0x208: {  	s24 =	sor.u32 $0x1C03, s5;
	s26 =	rddreg [dreg:$0x18]  }
0x209: {  	[dreg:$0x1c] =	wrdreg s24;
	s6 =	sshrl.u32 s25, $0x3  }
0x20a: {  	[dreg:$0x1d] =	wrdreg s6  }
0x20b: {  	[hbm:s26], [sflag:s24] =	dma.local [spmem:s6], $0x1400  }
0x20c: {  	_ =	swait.ge [sflag:s31], $0x1400  }
0x20d: {  	[sflag:s31] =	ssyncset.done $0x0  }
0x20e: {  	s5 =	simm.s32 $0x0;
	s26 =	simm.s32 $0x100;
	[sflag:s31] =	ssyncadd.s32 $0xFFFFEC00  }
.LBB2_6:
0x20f: {  	p0 =	sne.s32 s26, $0x7F00;
	[tilespmem:s5+$0x1030] =	vst v0;
	s6 =	smov.u32 s26;
	s26 =	sadd.s32 $0x100, s26  }
.Ltmp2:
0x210: {  	[tilespmem:s5+$0x1020] =	vst v0;
	(pc) =	sbr.rel @p0 .LBB2_6-.Ltmp2, $3  }
0x211: {  	[tilespmem:s5+$0x1000] =	vst v0  }
0x212: {  	[tilespmem:s5+$0x1010] =	vst v0;
	_ =	sdelay $0x1  }
0x213: {  	s5 =	sshra.s32 s6, $0x2  }
0x214: {  	[tilespmem:s5+$0x1030] =	vst v0  }
0x215: {  	[tilespmem:s5+$0x1020] =	vst v0  }
0x216: {  	[tilespmem:s5+$0x1000] =	vst v0  }
0x217: {  	[tilespmem:s5+$0x1010] =	vst v0;
	s6 =	rddreg [dreg:$0x4]  }
0x218: {  	[spmem:s6] =	stream.linear.scatter [tilespmem:s30], [sflag:$0x3], $0x2000, $0x38;
	[tilespmem:$0x19000] =	vst v63  }
0x219: {  	_ =	swait.ge [sflag:s31], $0x2000  }
0x21a: {  	[sflag:s31] =	ssyncset.done $0x0  }
0x21b: {  	s10 =	rddreg [dreg:$0x5];
	[sflag:s31] =	ssyncadd.s32 $0xFFFFE000  }
0x21c: {  	[spmem:s10] =	stream.linear.scatter [tilespmem:s30], [sflag:$0x3], $0x2000, $0x38;
	[tilespmem:$0x19000] =	vst v63  }
0x21d: {  	_ =	swait.ge [sflag:s31], $0x2000  }
0x21e: {  	[sflag:s31] =	ssyncset.done $0x0  }
0x21f: {  	s12 =	rddreg [dreg:$0x6];
	[sflag:s31] =	ssyncadd.s32 $0xFFFFE000  }
0x220: {  	[spmem:s12] =	stream.linear.scatter [tilespmem:s30], [sflag:$0x3], $0x2000, $0x38;
	[tilespmem:$0x19000] =	vst v63  }
0x221: {  	_ =	swait.ge [sflag:s31], $0x2000  }
0x222: {  	[sflag:s31] =	ssyncset.done $0x0  }
0x223: {  	s13 =	rddreg [dreg:$0x7];
	[sflag:s31] =	ssyncadd.s32 $0xFFFFE000  }
0x224: {  	[spmem:s13] =	stream.linear.scatter [tilespmem:s30], [sflag:$0x3], $0x2000, $0x38;
	[tilespmem:$0x19000] =	vst v63  }
0x225: {  	_ =	swait.ge [sflag:s31], $0x2000  }
0x226: {  	[sflag:s31] =	ssyncset.done $0x0  }
0x227: {  	s15 =	rddreg [dreg:$0x8];
	[sflag:s31] =	ssyncadd.s32 $0xFFFFE000  }
0x228: {  	[spmem:s15] =	stream.linear.scatter [tilespmem:s30], [sflag:$0x3], $0x2000, $0x38;
	[tilespmem:$0x19000] =	vst v63  }
0x229: {  	_ =	swait.ge [sflag:s31], $0x2000  }
0x22a: {  	[sflag:s31] =	ssyncset.done $0x0  }
0x22b: {  	s16 =	simm.s32 $0x0;
	s6 =	rddreg [dreg:$0x10];
	[sflag:s31] =	ssyncadd.s32 $0xFFFFE000  }
0x22c: {  	[tilespmem:s1], [sflag:$0x3] =	stream.linear.gather [hbm4b:s6+s16], $0x2000, $0x38;
	[tilespmem:$0x19000] =	vst v63  }
0x22d: {  	_ =	swait.ge [sflag:s31], $0x2000  }
0x22e: {  	[sflag:s31] =	ssyncset.done $0x0  }
0x22f: {  	s17 =	rddreg [dreg:$0xa];
	[sflag:s31] =	ssyncadd.s32 $0xFFFFE000  }
0x230: {  	[spmem:s17] =	stream.linear.scatter [tilespmem:s1], [sflag:$0x3], $0x2000, $0x38;
	[tilespmem:$0x19000] =	vst v63  }
0x231: {  	_ =	swait.ge [sflag:s31], $0x2000  }
0x232: {  	[sflag:s31] =	ssyncset.done $0x0  }
0x233: {  	s18 =	rddreg [dreg:$0x11];
	[sflag:s31] =	ssyncadd.s32 $0xFFFFE000  }
0x234: {  	[tilespmem:s1], [sflag:$0x3] =	stream.linear.gather [hbm4b:s18+s16], $0x2000, $0x38;
	[tilespmem:$0x19000] =	vst v63  }
0x235: {  	_ =	swait.ge [sflag:s31], $0x2000  }
0x236: {  	[sflag:s31] =	ssyncset.done $0x0  }
0x237: {  	s19 =	rddreg [dreg:$0xc];
	[sflag:s31] =	ssyncadd.s32 $0xFFFFE000  }
0x238: {  	[spmem:s19] =	stream.linear.scatter [tilespmem:s1], [sflag:$0x3], $0x2000, $0x38;
	[tilespmem:$0x19000] =	vst v63  }
0x239: {  	_ =	swait.ge [sflag:s31], $0x2000  }
0x23a: {  	[sflag:s31] =	ssyncset.done $0x0  }
0x23b: {  	s20 =	rddreg [dreg:$0x12];
	[sflag:s31] =	ssyncadd.s32 $0xFFFFE000  }
0x23c: {  	[tilespmem:s1], [sflag:$0x3] =	stream.linear.gather [hbm4b:s20+s16], $0x2000, $0x38;
	[tilespmem:$0x19000] =	vst v63  }
0x23d: {  	_ =	swait.ge [sflag:s31], $0x2000  }
0x23e: {  	[sflag:s31] =	ssyncset.done $0x0  }
0x23f: {  	s21 =	rddreg [dreg:$0x15];
	[sflag:s31] =	ssyncadd.s32 $0xFFFFE000  }
0x240: {  	[spmem:s21] =	stream.linear.scatter [tilespmem:s1], [sflag:$0x3], $0x2000, $0x38;
	[tilespmem:$0x19000] =	vst v63  }
0x241: {  	_ =	swait.ge [sflag:s31], $0x2000  }
0x242: {  	[sflag:s31] =	ssyncset.done $0x0  }
0x243: {  	s22 =	rddreg [dreg:$0x13];
	[sflag:s31] =	ssyncadd.s32 $0xFFFFE000  }
0x244: {  	[tilespmem:s1], [sflag:$0x3] =	stream.linear.gather [hbm4b:s22+s16], $0x2000, $0x38;
	[tilespmem:$0x19000] =	vst v63  }
0x245: {  	_ =	swait.ge [sflag:s31], $0x2000  }
0x246: {  	[sflag:s31] =	ssyncset.done $0x0  }
0x247: {  	s23 =	rddreg [dreg:$0x16];
	[sflag:s31] =	ssyncadd.s32 $0xFFFFE000  }
0x248: {  	[spmem:s23] =	stream.linear.scatter [tilespmem:s1], [sflag:$0x3], $0x2000, $0x38;
	[tilespmem:$0x19000] =	vst v63  }
0x249: {  	_ =	swait.ge [sflag:s31], $0x2000  }
0x24a: {  	[sflag:s31] =	ssyncset.done $0x0  }
0x24b: {  	s24 =	rddreg [dreg:$0x14];
	[sflag:s31] =	ssyncadd.s32 $0xFFFFE000  }
0x24c: {  	[tilespmem:s1], [sflag:$0x3] =	stream.linear.gather [hbm4b:s24+s16], $0x2000, $0x38;
	[tilespmem:$0x19000] =	vst v63  }
0x24d: {  	_ =	swait.ge [sflag:s31], $0x2000  }
0x24e: {  	[sflag:s31] =	ssyncset.done $0x0  }
0x24f: {  	s25 =	rddreg [dreg:$0x17];
	[sflag:s31] =	ssyncadd.s32 $0xFFFFE000  }
0x250: {  	[spmem:s25] =	stream.linear.scatter [tilespmem:s1], [sflag:$0x3], $0x2000, $0x38;
	[tilespmem:$0x19000] =	vst v63  }
0x251: {  	_ =	swait.ge [sflag:s31], $0x2000  }
0x252: {  	[sflag:s31] =	ssyncset.done $0x0  }
0x253: {  	[sflag:s31] =	ssyncadd.s32 $0xFFFFE000  }
0x254: {  	s26 =	sadd.s32 $0x0, s28;
	[bflag:$0x0] =	sbarrier.arrive $0xFFFF  }
0x255: {  	[tilespmem:s3], [sflag:$0x3] =	stream.linear.gather [hbm4b:s26+s3], $0x800, $0x38;
	[tilespmem:$0x19000] =	vst v63  }
0x256: {  	_ =	swait.ge [sflag:s31], $0x800  }
0x257: {  	[sflag:s31] =	ssyncset.done $0x0  }
0x258: {  	s4 =	sadd.s32 $0x0, s29;
	[sflag:s31] =	ssyncadd.s32 $0xFFFFF800  }
0x259: {  	[tilespmem:s0], [sflag:$0x3] =	stream.linear.gather [hbm4b:s4+s3], $0x800, $0x38;
	[tilespmem:$0x19000] =	vst v63  }
0x25a: {  	_ =	swait.ge [sflag:s31], $0x800  }
0x25b: {  	[sflag:s31] =	ssyncset.done $0x0  }
0x25c: {  	[sflag:s31] =	ssyncadd.s32 $0xFFFFF800  }
0x25d: {  	[tilespmem:s30], [sflag:$0x1] =	stream.indirect.gather [spmem:s2], $0x40, s3, s9, $0xb8;
	[tilespmem:$0x19000] =	vst v63  }
0x25e: {  	_ = 	snop  }
0x25f: {  	[tilespmem:s1], [sflag:$0x2] =	stream.indirect.gather [spmem:s2], $0x40, s9, s9, $0xb8;
	[tilespmem:$0x19000] =	vst v63  }
0x260: {  	_ =	swait.ge [sflag:s11], $0x2000  }
0x261: {  	[sflag:s11] =	ssyncset.done $0x0  }
0x262: {  	[sflag:s11] =	ssyncadd.s32 $0xFFFFE000  }
0x263: {  	[spmem:s2] =	stream.indirect.scatter.add.f32 [tilespmem:s30], [sflag:$0x3], $0x40, s0, s9, $0xb8;
	[tilespmem:$0x19000] =	vst v63  }
0x264: {  	_ =	swait.ge [sflag:s31], $0x2000  }
0x265: {  	[sflag:s31] =	ssyncset.done $0x0  }
0x266: {  	[sflag:s31] =	ssyncadd.s32 $0xFFFFE000  }
0x267: {  	[tilespmem:s30], [sflag:$0x1] =	stream.indirect.gather [spmem:s2], $0x40, s7, s9, $0xb8;
	[tilespmem:$0x19000] =	vst v63  }
0x268: {  	_ =	swait.ge [sflag:s14], $0x2000  }
0x269: {  	[sflag:s14] =	ssyncset.done $0x0  }
0x26a: {  	[sflag:s14] =	ssyncadd.s32 $0xFFFFE000  }
0x26b: {  	[spmem:s2] =	stream.indirect.scatter.add.f32 [tilespmem:s1], [sflag:$0x3], $0x40, s8, s9, $0xb8;
	[tilespmem:$0x19000] =	vst v63  }
0x26c: {  	_ =	swait.ge [sflag:s31], $0x2000  }
0x26d: {  	[sflag:s31] =	ssyncset.done $0x0  }
0x26e: {  	s10 =	simm.s32 $0x180;
	[sflag:s31] =	ssyncadd.s32 $0xFFFFE000  }
0x26f: {  	[tilespmem:s1], [sflag:$0x2] =	stream.indirect.gather [spmem:s2], $0x40, s10, s9, $0xb8;
	[tilespmem:$0x19000] =	vst v63  }
0x270: {  	_ =	swait.ge [sflag:s11], $0x2000  }
0x271: {  	[sflag:s11] =	ssyncset.done $0x0  }
0x272: {  	s12 =	simm.s32 $0x900;
	[sflag:s11] =	ssyncadd.s32 $0xFFFFE000  }
0x273: {  	[spmem:s2] =	stream.indirect.scatter.add.f32 [tilespmem:s30], [sflag:$0x3], $0x40, s12, s9, $0xb8;
	[tilespmem:$0x19000] =	vst v63  }
0x274: {  	_ =	swait.ge [sflag:s31], $0x2000  }
0x275: {  	[sflag:s31] =	ssyncset.done $0x0  }
0x276: {  	s21 =	simm.s32 $0x200;
	[sflag:s31] =	ssyncadd.s32 $0xFFFFE000  }
0x277: {  	[tilespmem:s30], [sflag:$0x1] =	stream.indirect.gather [spmem:s2], $0x40, s21, s9, $0xb8;
	[tilespmem:$0x19000] =	vst v63  }
0x278: {  	_ =	swait.ge [sflag:s14], $0x2000  }
0x279: {  	[sflag:s14] =	ssyncset.done $0x0  }
0x27a: {  	s22 =	simm.s32 $0x980;
	[sflag:s14] =	ssyncadd.s32 $0xFFFFE000  }
0x27b: {  	[spmem:s2] =	stream.indirect.scatter.add.f32 [tilespmem:s1], [sflag:$0x3], $0x40, s22, s9, $0xb8;
	[tilespmem:$0x19000] =	vst v63  }
0x27c: {  	_ =	swait.ge [sflag:s31], $0x2000  }
0x27d: {  	[sflag:s31] =	ssyncset.done $0x0  }
0x27e: {  	s23 =	simm.s32 $0x280;
	[sflag:s31] =	ssyncadd.s32 $0xFFFFE000  }
0x27f: {  	[tilespmem:s1], [sflag:$0x2] =	stream.indirect.gather [spmem:s2], $0x40, s23, s9, $0xb8;
	[tilespmem:$0x19000] =	vst v63  }
0x280: {  	_ =	swait.ge [sflag:s11], $0x2000  }
0x281: {  	[sflag:s11] =	ssyncset.done $0x0  }
0x282: {  	s4 =	simm.s32 $0xA00;
	[sflag:s11] =	ssyncadd.s32 $0xFFFFE000  }
0x283: {  	[spmem:s2] =	stream.indirect.scatter.add.f32 [tilespmem:s30], [sflag:$0x3], $0x40, s4, s9, $0xb8;
	[tilespmem:$0x19000] =	vst v63  }
0x284: {  	_ =	swait.ge [sflag:s31], $0x2000  }
0x285: {  	[sflag:s31] =	ssyncset.done $0x0  }
0x286: {  	s13 =	simm.s32 $0x300;
	[sflag:s31] =	ssyncadd.s32 $0xFFFFE000  }
0x287: {  	[tilespmem:s30], [sflag:$0x1] =	stream.indirect.gather [spmem:s2], $0x40, s13, s9, $0xb8;
	[tilespmem:$0x19000] =	vst v63  }
0x288: {  	_ =	swait.ge [sflag:s14], $0x2000  }
0x289: {  	[sflag:s14] =	ssyncset.done $0x0  }
0x28a: {  	s15 =	simm.s32 $0xA80;
	[sflag:s14] =	ssyncadd.s32 $0xFFFFE000  }
0x28b: {  	[spmem:s2] =	stream.indirect.scatter.add.f32 [tilespmem:s1], [sflag:$0x3], $0x40, s15, s9, $0xb8;
	[tilespmem:$0x19000] =	vst v63  }
0x28c: {  	_ =	swait.ge [sflag:s31], $0x2000  }
0x28d: {  	[sflag:s31] =	ssyncset.done $0x0  }
0x28e: {  	s16 =	simm.s32 $0x380;
	[sflag:s31] =	ssyncadd.s32 $0xFFFFE000  }
0x28f: {  	[tilespmem:s1], [sflag:$0x2] =	stream.indirect.gather [spmem:s2], $0x40, s16, s9, $0xb8;
	[tilespmem:$0x19000] =	vst v63  }
0x290: {  	_ =	swait.ge [sflag:s11], $0x2000  }
0x291: {  	[sflag:s11] =	ssyncset.done $0x0  }
0x292: {  	s17 =	simm.s32 $0xB00;
	[sflag:s11] =	ssyncadd.s32 $0xFFFFE000  }
0x293: {  	[spmem:s2] =	stream.indirect.scatter.add.f32 [tilespmem:s30], [sflag:$0x3], $0x40, s17, s9, $0xb8;
	[tilespmem:$0x19000] =	vst v63  }
0x294: {  	_ =	swait.ge [sflag:s31], $0x2000  }
0x295: {  	[sflag:s31] =	ssyncset.done $0x0  }
0x296: {  	s18 =	simm.s32 $0x400;
	[sflag:s31] =	ssyncadd.s32 $0xFFFFE000  }
0x297: {  	[tilespmem:s30], [sflag:$0x1] =	stream.indirect.gather [spmem:s2], $0x40, s18, s9, $0xb8;
	[tilespmem:$0x19000] =	vst v63  }
0x298: {  	_ =	swait.ge [sflag:s14], $0x2000  }
0x299: {  	[sflag:s14] =	ssyncset.done $0x0  }
0x29a: {  	s19 =	simm.s32 $0xB80;
	[sflag:s14] =	ssyncadd.s32 $0xFFFFE000  }
0x29b: {  	[spmem:s2] =	stream.indirect.scatter.add.f32 [tilespmem:s1], [sflag:$0x3], $0x40, s19, s9, $0xb8;
	[tilespmem:$0x19000] =	vst v63  }
0x29c: {  	_ =	swait.ge [sflag:s31], $0x2000  }
0x29d: {  	[sflag:s31] =	ssyncset.done $0x0  }
0x29e: {  	s20 =	simm.s32 $0x480;
	[sflag:s31] =	ssyncadd.s32 $0xFFFFE000  }
0x29f: {  	[tilespmem:s1], [sflag:$0x2] =	stream.indirect.gather [spmem:s2], $0x40, s20, s9, $0xb8;
	[tilespmem:$0x19000] =	vst v63  }
0x2a0: {  	_ =	swait.ge [sflag:s11], $0x2000  }
0x2a1: {  	[sflag:s11] =	ssyncset.done $0x0  }
0x2a2: {  	s24 =	simm.s32 $0xC00;
	[sflag:s11] =	ssyncadd.s32 $0xFFFFE000  }
0x2a3: {  	[spmem:s2] =	stream.indirect.scatter.add.f32 [tilespmem:s30], [sflag:$0x3], $0x40, s24, s9, $0xb8;
	[tilespmem:$0x19000] =	vst v63  }
0x2a4: {  	_ =	swait.ge [sflag:s31], $0x2000  }
0x2a5: {  	[sflag:s31] =	ssyncset.done $0x0  }
0x2a6: {  	s25 =	simm.s32 $0x500;
	[sflag:s31] =	ssyncadd.s32 $0xFFFFE000  }
0x2a7: {  	[tilespmem:s30], [sflag:$0x1] =	stream.indirect.gather [spmem:s2], $0x40, s25, s9, $0xb8;
	[tilespmem:$0x19000] =	vst v63  }
0x2a8: {  	_ =	swait.ge [sflag:s14], $0x2000  }
0x2a9: {  	[sflag:s14] =	ssyncset.done $0x0  }
0x2aa: {  	s6 =	simm.s32 $0xC80;
	[sflag:s14] =	ssyncadd.s32 $0xFFFFE000  }
0x2ab: {  	[spmem:s2] =	stream.indirect.scatter.add.f32 [tilespmem:s1], [sflag:$0x3], $0x40, s6, s9, $0xb8;
	[tilespmem:$0x19000] =	vst v63  }
0x2ac: {  	_ =	swait.ge [sflag:s31], $0x2000  }
0x2ad: {  	[sflag:s31] =	ssyncset.done $0x0  }
0x2ae: {  	s7 =	simm.s32 $0x580;
	[sflag:s31] =	ssyncadd.s32 $0xFFFFE000  }
0x2af: {  	[tilespmem:s1], [sflag:$0x2] =	stream.indirect.gather [spmem:s2], $0x40, s7, s9, $0xb8;
	[tilespmem:$0x19000] =	vst v63  }
0x2b0: {  	_ =	swait.ge [sflag:s11], $0x2000  }
0x2b1: {  	[sflag:s11] =	ssyncset.done $0x0  }
0x2b2: {  	s8 =	simm.s32 $0xD00;
	[sflag:s11] =	ssyncadd.s32 $0xFFFFE000  }
0x2b3: {  	[spmem:s2] =	stream.indirect.scatter.add.f32 [tilespmem:s30], [sflag:$0x3], $0x40, s8, s9, $0xb8;
	[tilespmem:$0x19000] =	vst v63  }
0x2b4: {  	_ =	swait.ge [sflag:s31], $0x2000  }
0x2b5: {  	[sflag:s31] =	ssyncset.done $0x0  }
0x2b6: {  	s26 =	simm.s32 $0x600;
	[sflag:s31] =	ssyncadd.s32 $0xFFFFE000  }
0x2b7: {  	[tilespmem:s30], [sflag:$0x1] =	stream.indirect.gather [spmem:s2], $0x40, s26, s9, $0xb8;
	[tilespmem:$0x19000] =	vst v63  }
0x2b8: {  	_ =	swait.ge [sflag:s14], $0x2000  }
0x2b9: {  	[sflag:s14] =	ssyncset.done $0x0  }
0x2ba: {  	s6 =	simm.s32 $0xD80;
	[sflag:s14] =	ssyncadd.s32 $0xFFFFE000  }
0x2bb: {  	[spmem:s2] =	stream.indirect.scatter.add.f32 [tilespmem:s1], [sflag:$0x3], $0x40, s6, s9, $0xb8;
	[tilespmem:$0x19000] =	vst v63  }
0x2bc: {  	_ =	swait.ge [sflag:s31], $0x2000  }
0x2bd: {  	[sflag:s31] =	ssyncset.done $0x0  }
0x2be: {  	s7 =	simm.s32 $0x680;
	[sflag:s31] =	ssyncadd.s32 $0xFFFFE000  }
0x2bf: {  	[tilespmem:s1], [sflag:$0x2] =	stream.indirect.gather [spmem:s2], $0x40, s7, s9, $0xb8;
	[tilespmem:$0x19000] =	vst v63  }
0x2c0: {  	_ =	swait.ge [sflag:s11], $0x2000  }
0x2c1: {  	[sflag:s11] =	ssyncset.done $0x0  }
0x2c2: {  	s8 =	simm.s32 $0xE00;
	[sflag:s11] =	ssyncadd.s32 $0xFFFFE000  }
0x2c3: {  	[spmem:s2] =	stream.indirect.scatter.add.f32 [tilespmem:s30], [sflag:$0x3], $0x40, s8, s9, $0xb8;
	[tilespmem:$0x19000] =	vst v63  }
0x2c4: {  	_ =	swait.ge [sflag:s31], $0x2000  }
0x2c5: {  	[sflag:s31] =	ssyncset.done $0x0  }
0x2c6: {  	s26 =	simm.s32 $0x700;
	[sflag:s31] =	ssyncadd.s32 $0xFFFFE000  }
0x2c7: {  	[tilespmem:s30], [sflag:$0x1] =	stream.indirect.gather [spmem:s2], $0x40, s26, s9, $0xb8;
	[tilespmem:$0x19000] =	vst v63  }
0x2c8: {  	_ =	swait.ge [sflag:s14], $0x2000  }
0x2c9: {  	[sflag:s14] =	ssyncset.done $0x0  }
0x2ca: {  	s6 =	simm.s32 $0xE80;
	[sflag:s14] =	ssyncadd.s32 $0xFFFFE000  }
0x2cb: {  	[spmem:s2] =	stream.indirect.scatter.add.f32 [tilespmem:s1], [sflag:$0x3], $0x40, s6, s9, $0xb8;
	[tilespmem:$0x19000] =	vst v63  }
0x2cc: {  	_ =	swait.ge [sflag:s31], $0x2000  }
0x2cd: {  	[sflag:s31] =	ssyncset.done $0x0  }
0x2ce: {  	s7 =	simm.s32 $0x780;
	[sflag:s31] =	ssyncadd.s32 $0xFFFFE000  }
0x2cf: {  	[tilespmem:s1], [sflag:$0x2] =	stream.indirect.gather [spmem:s2], $0x40, s7, s9, $0xb8;
	[tilespmem:$0x19000] =	vst v63  }
0x2d0: {  	_ =	swait.ge [sflag:s11], $0x2000  }
0x2d1: {  	[sflag:s11] =	ssyncset.done $0x0  }
0x2d2: {  	s8 =	simm.s32 $0xF00;
	[sflag:s11] =	ssyncadd.s32 $0xFFFFE000  }
0x2d3: {  	[spmem:s2] =	stream.indirect.scatter.add.f32 [tilespmem:s30], [sflag:$0x3], $0x40, s8, s9, $0xb8;
	[tilespmem:$0x19000] =	vst v63  }
0x2d4: {  	_ =	swait.ge [sflag:s31], $0x2000  }
0x2d5: {  	[sflag:s31] =	ssyncset.done $0x0  }
0x2d6: {  	[sflag:s31] =	ssyncadd.s32 $0xFFFFE000  }
0x2d7: {  	_ =	swait.ge [sflag:s14], $0x2000  }
0x2d8: {  	[sflag:s14] =	ssyncset.done $0x0  }
0x2d9: {  	s26 =	simm.s32 $0xF80;
	[sflag:s14] =	ssyncadd.s32 $0xFFFFE000  }
0x2da: {  	[spmem:s2] =	stream.indirect.scatter.add.f32 [tilespmem:s1], [sflag:$0x3], $0x40, s26, s9, $0xb8;
	[tilespmem:$0x19000] =	vst v63  }
0x2db: {  	_ =	swait.ge [sflag:s31], $0x2000  }
0x2dc: {  	s6 =	simm.s32 $0x200;
	s26 =	simm.s32 $0x100;
	[sflag:s31] =	ssyncset.done $0x0  }
.LBB2_8:
0x2dd: {  	s7 =	sadd.s32 s26, s28  }
0x2de: {  	[sflag:s31] =	ssyncadd.s32 $0xFFFFE000;
	s8 =	smov.u32 s6;
	s5 =	sadd.s32 $0x100, s6  }
0x2df: {  	[tilespmem:s3], [sflag:$0x3] =	stream.linear.gather [hbm4b:s7+s3], $0x800, $0x38;
	[tilespmem:$0x19000] =	vst v63  }
0x2e0: {  	s7 =	simm.s32 $0x100  }
0x2e1: {  	p0 =	sne.s32 s6, $0x400;
	_ =	swait.ge [sflag:s31], $0x800  }
0x2e2: {  	s6 =	sadd.s32 s26, s29;
	[sflag:s31] =	ssyncset.done $0x0  }
0x2e3: {  	s26 =	smov.u32 s8;
	s8 =	simm.s32 $0x880;
	[sflag:s31] =	ssyncadd.s32 $0xFFFFF800  }
0x2e4: {  	[tilespmem:s0], [sflag:$0x3] =	stream.linear.gather [hbm4b:s6+s3], $0x800, $0x38;
	[tilespmem:$0x19000] =	vst v63  }
0x2e5: {  	_ =	swait.ge [sflag:s31], $0x800  }
0x2e6: {  	[sflag:s31] =	ssyncset.done $0x0  }
0x2e7: {  	[sflag:s31] =	ssyncadd.s32 $0xFFFFF800  }
0x2e8: {  	[tilespmem:s30], [sflag:$0x1] =	stream.indirect.gather [spmem:s2], $0x40, s3, s9, $0xb8;
	[tilespmem:$0x19000] =	vst v63  }
0x2e9: {  	_ = 	snop  }
0x2ea: {  	[tilespmem:s1], [sflag:$0x2] =	stream.indirect.gather [spmem:s2], $0x40, s9, s9, $0xb8;
	[tilespmem:$0x19000] =	vst v63  }
0x2eb: {  	_ =	swait.ge [sflag:s11], $0x2000  }
0x2ec: {  	[sflag:s11] =	ssyncset.done $0x0  }
0x2ed: {  	[sflag:s11] =	ssyncadd.s32 $0xFFFFE000  }
0x2ee: {  	[spmem:s2] =	stream.indirect.scatter.add.f32 [tilespmem:s30], [sflag:$0x3], $0x40, s0, s9, $0xb8;
	[tilespmem:$0x19000] =	vst v63  }
0x2ef: {  	_ =	swait.ge [sflag:s31], $0x2000  }
0x2f0: {  	[sflag:s31] =	ssyncset.done $0x0  }
0x2f1: {  	[sflag:s31] =	ssyncadd.s32 $0xFFFFE000  }
0x2f2: {  	[tilespmem:s30], [sflag:$0x1] =	stream.indirect.gather [spmem:s2], $0x40, s7, s9, $0xb8;
	[tilespmem:$0x19000] =	vst v63  }
0x2f3: {  	_ =	swait.ge [sflag:s14], $0x2000  }
0x2f4: {  	[sflag:s14] =	ssyncset.done $0x0  }
0x2f5: {  	[sflag:s14] =	ssyncadd.s32 $0xFFFFE000  }
0x2f6: {  	[spmem:s2] =	stream.indirect.scatter.add.f32 [tilespmem:s1], [sflag:$0x3], $0x40, s8, s9, $0xb8;
	[tilespmem:$0x19000] =	vst v63  }
0x2f7: {  	_ =	swait.ge [sflag:s31], $0x2000  }
0x2f8: {  	[sflag:s31] =	ssyncset.done $0x0  }
0x2f9: {  	[sflag:s31] =	ssyncadd.s32 $0xFFFFE000  }
0x2fa: {  	[tilespmem:s1], [sflag:$0x2] =	stream.indirect.gather [spmem:s2], $0x40, s10, s9, $0xb8;
	[tilespmem:$0x19000] =	vst v63  }
0x2fb: {  	_ =	swait.ge [sflag:s11], $0x2000  }
0x2fc: {  	[sflag:s11] =	ssyncset.done $0x0  }
0x2fd: {  	[sflag:s11] =	ssyncadd.s32 $0xFFFFE000  }
0x2fe: {  	[spmem:s2] =	stream.indirect.scatter.add.f32 [tilespmem:s30], [sflag:$0x3], $0x40, s12, s9, $0xb8;
	[tilespmem:$0x19000] =	vst v63  }
0x2ff: {  	_ =	swait.ge [sflag:s31], $0x2000  }
0x300: {  	[sflag:s31] =	ssyncset.done $0x0  }
0x301: {  	[sflag:s31] =	ssyncadd.s32 $0xFFFFE000  }
0x302: {  	[tilespmem:s30], [sflag:$0x1] =	stream.indirect.gather [spmem:s2], $0x40, s21, s9, $0xb8;
	[tilespmem:$0x19000] =	vst v63  }
0x303: {  	_ =	swait.ge [sflag:s14], $0x2000  }
0x304: {  	[sflag:s14] =	ssyncset.done $0x0  }
0x305: {  	[sflag:s14] =	ssyncadd.s32 $0xFFFFE000  }
0x306: {  	[spmem:s2] =	stream.indirect.scatter.add.f32 [tilespmem:s1], [sflag:$0x3], $0x40, s22, s9, $0xb8;
	[tilespmem:$0x19000] =	vst v63  }
0x307: {  	_ =	swait.ge [sflag:s31], $0x2000  }
0x308: {  	[sflag:s31] =	ssyncset.done $0x0  }
0x309: {  	[sflag:s31] =	ssyncadd.s32 $0xFFFFE000  }
0x30a: {  	[tilespmem:s1], [sflag:$0x2] =	stream.indirect.gather [spmem:s2], $0x40, s23, s9, $0xb8;
	[tilespmem:$0x19000] =	vst v63  }
0x30b: {  	_ =	swait.ge [sflag:s11], $0x2000  }
0x30c: {  	[sflag:s11] =	ssyncset.done $0x0  }
0x30d: {  	[sflag:s11] =	ssyncadd.s32 $0xFFFFE000  }
0x30e: {  	[spmem:s2] =	stream.indirect.scatter.add.f32 [tilespmem:s30], [sflag:$0x3], $0x40, s4, s9, $0xb8;
	[tilespmem:$0x19000] =	vst v63  }
0x30f: {  	_ =	swait.ge [sflag:s31], $0x2000  }
0x310: {  	[sflag:s31] =	ssyncset.done $0x0  }
0x311: {  	[sflag:s31] =	ssyncadd.s32 $0xFFFFE000  }
0x312: {  	[tilespmem:s30], [sflag:$0x1] =	stream.indirect.gather [spmem:s2], $0x40, s13, s9, $0xb8;
	[tilespmem:$0x19000] =	vst v63  }
0x313: {  	_ =	swait.ge [sflag:s14], $0x2000  }
0x314: {  	[sflag:s14] =	ssyncset.done $0x0  }
0x315: {  	[sflag:s14] =	ssyncadd.s32 $0xFFFFE000  }
0x316: {  	[spmem:s2] =	stream.indirect.scatter.add.f32 [tilespmem:s1], [sflag:$0x3], $0x40, s15, s9, $0xb8;
	[tilespmem:$0x19000] =	vst v63  }
0x317: {  	_ =	swait.ge [sflag:s31], $0x2000  }
0x318: {  	[sflag:s31] =	ssyncset.done $0x0  }
0x319: {  	[sflag:s31] =	ssyncadd.s32 $0xFFFFE000  }
0x31a: {  	[tilespmem:s1], [sflag:$0x2] =	stream.indirect.gather [spmem:s2], $0x40, s16, s9, $0xb8;
	[tilespmem:$0x19000] =	vst v63  }
0x31b: {  	_ =	swait.ge [sflag:s11], $0x2000  }
0x31c: {  	[sflag:s11] =	ssyncset.done $0x0  }
0x31d: {  	[sflag:s11] =	ssyncadd.s32 $0xFFFFE000  }
0x31e: {  	[spmem:s2] =	stream.indirect.scatter.add.f32 [tilespmem:s30], [sflag:$0x3], $0x40, s17, s9, $0xb8;
	[tilespmem:$0x19000] =	vst v63  }
0x31f: {  	_ =	swait.ge [sflag:s31], $0x2000  }
0x320: {  	[sflag:s31] =	ssyncset.done $0x0  }
0x321: {  	[sflag:s31] =	ssyncadd.s32 $0xFFFFE000  }
0x322: {  	[tilespmem:s30], [sflag:$0x1] =	stream.indirect.gather [spmem:s2], $0x40, s18, s9, $0xb8;
	[tilespmem:$0x19000] =	vst v63  }
0x323: {  	_ =	swait.ge [sflag:s14], $0x2000  }
0x324: {  	[sflag:s14] =	ssyncset.done $0x0  }
0x325: {  	[sflag:s14] =	ssyncadd.s32 $0xFFFFE000  }
0x326: {  	[spmem:s2] =	stream.indirect.scatter.add.f32 [tilespmem:s1], [sflag:$0x3], $0x40, s19, s9, $0xb8;
	[tilespmem:$0x19000] =	vst v63  }
0x327: {  	_ =	swait.ge [sflag:s31], $0x2000  }
0x328: {  	[sflag:s31] =	ssyncset.done $0x0  }
0x329: {  	[sflag:s31] =	ssyncadd.s32 $0xFFFFE000  }
0x32a: {  	[tilespmem:s1], [sflag:$0x2] =	stream.indirect.gather [spmem:s2], $0x40, s20, s9, $0xb8;
	[tilespmem:$0x19000] =	vst v63  }
0x32b: {  	_ =	swait.ge [sflag:s11], $0x2000  }
0x32c: {  	[sflag:s11] =	ssyncset.done $0x0  }
0x32d: {  	[sflag:s11] =	ssyncadd.s32 $0xFFFFE000  }
0x32e: {  	[spmem:s2] =	stream.indirect.scatter.add.f32 [tilespmem:s30], [sflag:$0x3], $0x40, s24, s9, $0xb8;
	[tilespmem:$0x19000] =	vst v63  }
0x32f: {  	_ =	swait.ge [sflag:s31], $0x2000  }
0x330: {  	[sflag:s31] =	ssyncset.done $0x0  }
0x331: {  	[sflag:s31] =	ssyncadd.s32 $0xFFFFE000  }
0x332: {  	[tilespmem:s30], [sflag:$0x1] =	stream.indirect.gather [spmem:s2], $0x40, s25, s9, $0xb8;
	[tilespmem:$0x19000] =	vst v63  }
0x333: {  	_ =	swait.ge [sflag:s14], $0x2000  }
0x334: {  	[sflag:s14] =	ssyncset.done $0x0  }
0x335: {  	s6 =	simm.s32 $0xC80;
	[sflag:s14] =	ssyncadd.s32 $0xFFFFE000  }
0x336: {  	[spmem:s2] =	stream.indirect.scatter.add.f32 [tilespmem:s1], [sflag:$0x3], $0x40, s6, s9, $0xb8;
	[tilespmem:$0x19000] =	vst v63  }
0x337: {  	_ =	swait.ge [sflag:s31], $0x2000  }
0x338: {  	[sflag:s31] =	ssyncset.done $0x0  }
0x339: {  	s6 =	simm.s32 $0x580;
	[sflag:s31] =	ssyncadd.s32 $0xFFFFE000  }
0x33a: {  	[tilespmem:s1], [sflag:$0x2] =	stream.indirect.gather [spmem:s2], $0x40, s6, s9, $0xb8;
	[tilespmem:$0x19000] =	vst v63  }
0x33b: {  	_ =	swait.ge [sflag:s11], $0x2000  }
0x33c: {  	[sflag:s11] =	ssyncset.done $0x0  }
0x33d: {  	s6 =	simm.s32 $0xD00;
	[sflag:s11] =	ssyncadd.s32 $0xFFFFE000  }
0x33e: {  	[spmem:s2] =	stream.indirect.scatter.add.f32 [tilespmem:s30], [sflag:$0x3], $0x40, s6, s9, $0xb8;
	[tilespmem:$0x19000] =	vst v63  }
0x33f: {  	_ =	swait.ge [sflag:s31], $0x2000  }
0x340: {  	[sflag:s31] =	ssyncset.done $0x0  }
0x341: {  	s6 =	simm.s32 $0x600;
	[sflag:s31] =	ssyncadd.s32 $0xFFFFE000  }
0x342: {  	[tilespmem:s30], [sflag:$0x1] =	stream.indirect.gather [spmem:s2], $0x40, s6, s9, $0xb8;
	[tilespmem:$0x19000] =	vst v63  }
0x343: {  	_ =	swait.ge [sflag:s14], $0x2000  }
0x344: {  	[sflag:s14] =	ssyncset.done $0x0  }
0x345: {  	s6 =	simm.s32 $0xD80;
	[sflag:s14] =	ssyncadd.s32 $0xFFFFE000  }
0x346: {  	[spmem:s2] =	stream.indirect.scatter.add.f32 [tilespmem:s1], [sflag:$0x3], $0x40, s6, s9, $0xb8;
	[tilespmem:$0x19000] =	vst v63  }
0x347: {  	_ =	swait.ge [sflag:s31], $0x2000  }
0x348: {  	[sflag:s31] =	ssyncset.done $0x0  }
0x349: {  	s6 =	simm.s32 $0x680;
	[sflag:s31] =	ssyncadd.s32 $0xFFFFE000  }
0x34a: {  	[tilespmem:s1], [sflag:$0x2] =	stream.indirect.gather [spmem:s2], $0x40, s6, s9, $0xb8;
	[tilespmem:$0x19000] =	vst v63  }
0x34b: {  	_ =	swait.ge [sflag:s11], $0x2000  }
0x34c: {  	[sflag:s11] =	ssyncset.done $0x0  }
0x34d: {  	s6 =	simm.s32 $0xE00;
	[sflag:s11] =	ssyncadd.s32 $0xFFFFE000  }
0x34e: {  	[spmem:s2] =	stream.indirect.scatter.add.f32 [tilespmem:s30], [sflag:$0x3], $0x40, s6, s9, $0xb8;
	[tilespmem:$0x19000] =	vst v63  }
0x34f: {  	_ =	swait.ge [sflag:s31], $0x2000  }
0x350: {  	[sflag:s31] =	ssyncset.done $0x0  }
0x351: {  	s6 =	simm.s32 $0x700;
	[sflag:s31] =	ssyncadd.s32 $0xFFFFE000  }
0x352: {  	[tilespmem:s30], [sflag:$0x1] =	stream.indirect.gather [spmem:s2], $0x40, s6, s9, $0xb8;
	[tilespmem:$0x19000] =	vst v63  }
0x353: {  	_ =	swait.ge [sflag:s14], $0x2000  }
0x354: {  	[sflag:s14] =	ssyncset.done $0x0  }
0x355: {  	s6 =	simm.s32 $0xE80;
	[sflag:s14] =	ssyncadd.s32 $0xFFFFE000  }
0x356: {  	[spmem:s2] =	stream.indirect.scatter.add.f32 [tilespmem:s1], [sflag:$0x3], $0x40, s6, s9, $0xb8;
	[tilespmem:$0x19000] =	vst v63  }
0x357: {  	_ =	swait.ge [sflag:s31], $0x2000  }
0x358: {  	[sflag:s31] =	ssyncset.done $0x0  }
0x359: {  	s6 =	simm.s32 $0x780;
	[sflag:s31] =	ssyncadd.s32 $0xFFFFE000  }
0x35a: {  	[tilespmem:s1], [sflag:$0x2] =	stream.indirect.gather [spmem:s2], $0x40, s6, s9, $0xb8;
	[tilespmem:$0x19000] =	vst v63  }
0x35b: {  	_ =	swait.ge [sflag:s11], $0x2000  }
0x35c: {  	[sflag:s11] =	ssyncset.done $0x0  }
0x35d: {  	s6 =	simm.s32 $0xF00;
	[sflag:s11] =	ssyncadd.s32 $0xFFFFE000  }
0x35e: {  	[spmem:s2] =	stream.indirect.scatter.add.f32 [tilespmem:s30], [sflag:$0x3], $0x40, s6, s9, $0xb8;
	[tilespmem:$0x19000] =	vst v63  }
0x35f: {  	_ =	swait.ge [sflag:s31], $0x2000  }
0x360: {  	[sflag:s31] =	ssyncset.done $0x0  }
0x361: {  	[sflag:s31] =	ssyncadd.s32 $0xFFFFE000  }
0x362: {  	_ =	swait.ge [sflag:s14], $0x2000  }
.Ltmp3:
0x363: {  	[sflag:s14] =	ssyncset.done $0x0;
	(pc) =	sbr.rel @p0 .LBB2_8-.Ltmp3, $4  }
0x364: {  	s6 =	simm.s32 $0xF80;
	[sflag:s14] =	ssyncadd.s32 $0xFFFFE000  }
0x365: {  	[spmem:s2] =	stream.indirect.scatter.add.f32 [tilespmem:s1], [sflag:$0x3], $0x40, s6, s9, $0xb8;
	[tilespmem:$0x19000] =	vst v63  }
0x366: {  	_ =	swait.ge [sflag:s31], $0x2000  }
0x367: {  	s6 =	smov.u32 s5;
	[sflag:s31] =	ssyncset.done $0x0  }
0x368: {  	s5 =	sadd.s32 s26, s28;
	[sflag:s31] =	ssyncadd.s32 $0xFFFFE000  }
0x369: {  	[tilespmem:s3], [sflag:$0x3] =	stream.linear.gather [hbm4b:s5+s3], $0x800, $0x38;
	[tilespmem:$0x19000] =	vst v63  }
0x36a: {  	_ =	swait.ge [sflag:s31], $0x800  }
0x36b: {  	[sflag:s31] =	ssyncset.done $0x0  }
0x36c: {  	s26 =	sadd.s32 s26, s29;
	[sflag:s31] =	ssyncadd.s32 $0xFFFFF800  }
0x36d: {  	[tilespmem:s0], [sflag:$0x3] =	stream.linear.gather [hbm4b:s26+s3], $0x800, $0x38;
	[tilespmem:$0x19000] =	vst v63  }
0x36e: {  	_ =	swait.ge [sflag:s31], $0x800  }
0x36f: {  	[sflag:s31] =	ssyncset.done $0x0  }
0x370: {  	[sflag:s31] =	ssyncadd.s32 $0xFFFFF800  }
0x371: {  	[tilespmem:s30], [sflag:$0x1] =	stream.indirect.gather [spmem:s2], $0x40, s3, s9, $0xb8;
	[tilespmem:$0x19000] =	vst v63  }
0x372: {  	_ = 	snop  }
0x373: {  	[tilespmem:s1], [sflag:$0x2] =	stream.indirect.gather [spmem:s2], $0x40, s9, s9, $0xb8;
	[tilespmem:$0x19000] =	vst v63  }
0x374: {  	_ =	swait.ge [sflag:s11], $0x2000  }
0x375: {  	[sflag:s11] =	ssyncset.done $0x0  }
0x376: {  	[sflag:s11] =	ssyncadd.s32 $0xFFFFE000  }
0x377: {  	[spmem:s2] =	stream.indirect.scatter.add.f32 [tilespmem:s30], [sflag:$0x3], $0x40, s0, s9, $0xb8;
	[tilespmem:$0x19000] =	vst v63  }
0x378: {  	_ =	swait.ge [sflag:s31], $0x2000  }
0x379: {  	[sflag:s31] =	ssyncset.done $0x0  }
0x37a: {  	[sflag:s31] =	ssyncadd.s32 $0xFFFFE000  }
0x37b: {  	[tilespmem:s30], [sflag:$0x1] =	stream.indirect.gather [spmem:s2], $0x40, s7, s9, $0xb8;
	[tilespmem:$0x19000] =	vst v63  }
0x37c: {  	_ =	swait.ge [sflag:s14], $0x2000  }
0x37d: {  	[sflag:s14] =	ssyncset.done $0x0  }
0x37e: {  	[sflag:s14] =	ssyncadd.s32 $0xFFFFE000  }
0x37f: {  	[spmem:s2] =	stream.indirect.scatter.add.f32 [tilespmem:s1], [sflag:$0x3], $0x40, s8, s9, $0xb8;
	[tilespmem:$0x19000] =	vst v63  }
0x380: {  	_ =	swait.ge [sflag:s31], $0x2000  }
0x381: {  	[sflag:s31] =	ssyncset.done $0x0  }
0x382: {  	[sflag:s31] =	ssyncadd.s32 $0xFFFFE000  }
0x383: {  	[tilespmem:s1], [sflag:$0x2] =	stream.indirect.gather [spmem:s2], $0x40, s10, s9, $0xb8;
	[tilespmem:$0x19000] =	vst v63  }
0x384: {  	_ =	swait.ge [sflag:s11], $0x2000  }
0x385: {  	[sflag:s11] =	ssyncset.done $0x0  }
0x386: {  	[sflag:s11] =	ssyncadd.s32 $0xFFFFE000  }
0x387: {  	[spmem:s2] =	stream.indirect.scatter.add.f32 [tilespmem:s30], [sflag:$0x3], $0x40, s12, s9, $0xb8;
	[tilespmem:$0x19000] =	vst v63  }
0x388: {  	_ =	swait.ge [sflag:s31], $0x2000  }
0x389: {  	[sflag:s31] =	ssyncset.done $0x0  }
0x38a: {  	[sflag:s31] =	ssyncadd.s32 $0xFFFFE000  }
0x38b: {  	[tilespmem:s30], [sflag:$0x1] =	stream.indirect.gather [spmem:s2], $0x40, s21, s9, $0xb8;
	[tilespmem:$0x19000] =	vst v63  }
0x38c: {  	_ =	swait.ge [sflag:s14], $0x2000  }
0x38d: {  	[sflag:s14] =	ssyncset.done $0x0  }
0x38e: {  	[sflag:s14] =	ssyncadd.s32 $0xFFFFE000  }
0x38f: {  	[spmem:s2] =	stream.indirect.scatter.add.f32 [tilespmem:s1], [sflag:$0x3], $0x40, s22, s9, $0xb8;
	[tilespmem:$0x19000] =	vst v63  }
0x390: {  	_ =	swait.ge [sflag:s31], $0x2000  }
0x391: {  	[sflag:s31] =	ssyncset.done $0x0  }
0x392: {  	[sflag:s31] =	ssyncadd.s32 $0xFFFFE000  }
0x393: {  	[tilespmem:s1], [sflag:$0x2] =	stream.indirect.gather [spmem:s2], $0x40, s23, s9, $0xb8;
	[tilespmem:$0x19000] =	vst v63  }
0x394: {  	_ =	swait.ge [sflag:s11], $0x2000  }
0x395: {  	[sflag:s11] =	ssyncset.done $0x0  }
0x396: {  	[sflag:s11] =	ssyncadd.s32 $0xFFFFE000  }
0x397: {  	[spmem:s2] =	stream.indirect.scatter.add.f32 [tilespmem:s30], [sflag:$0x3], $0x40, s4, s9, $0xb8;
	[tilespmem:$0x19000] =	vst v63  }
0x398: {  	_ =	swait.ge [sflag:s31], $0x2000  }
0x399: {  	[sflag:s31] =	ssyncset.done $0x0  }
0x39a: {  	[sflag:s31] =	ssyncadd.s32 $0xFFFFE000  }
0x39b: {  	[tilespmem:s30], [sflag:$0x1] =	stream.indirect.gather [spmem:s2], $0x40, s13, s9, $0xb8;
	[tilespmem:$0x19000] =	vst v63  }
0x39c: {  	_ =	swait.ge [sflag:s14], $0x2000  }
0x39d: {  	[sflag:s14] =	ssyncset.done $0x0  }
0x39e: {  	[sflag:s14] =	ssyncadd.s32 $0xFFFFE000  }
0x39f: {  	[spmem:s2] =	stream.indirect.scatter.add.f32 [tilespmem:s1], [sflag:$0x3], $0x40, s15, s9, $0xb8;
	[tilespmem:$0x19000] =	vst v63  }
0x3a0: {  	_ =	swait.ge [sflag:s31], $0x2000  }
0x3a1: {  	[sflag:s31] =	ssyncset.done $0x0  }
0x3a2: {  	[sflag:s31] =	ssyncadd.s32 $0xFFFFE000  }
0x3a3: {  	[tilespmem:s1], [sflag:$0x2] =	stream.indirect.gather [spmem:s2], $0x40, s16, s9, $0xb8;
	[tilespmem:$0x19000] =	vst v63  }
0x3a4: {  	_ =	swait.ge [sflag:s11], $0x2000  }
0x3a5: {  	[sflag:s11] =	ssyncset.done $0x0  }
0x3a6: {  	[sflag:s11] =	ssyncadd.s32 $0xFFFFE000  }
0x3a7: {  	[spmem:s2] =	stream.indirect.scatter.add.f32 [tilespmem:s30], [sflag:$0x3], $0x40, s17, s9, $0xb8;
	[tilespmem:$0x19000] =	vst v63  }
0x3a8: {  	_ =	swait.ge [sflag:s31], $0x2000  }
0x3a9: {  	[sflag:s31] =	ssyncset.done $0x0  }
0x3aa: {  	[sflag:s31] =	ssyncadd.s32 $0xFFFFE000  }
0x3ab: {  	[tilespmem:s30], [sflag:$0x1] =	stream.indirect.gather [spmem:s2], $0x40, s18, s9, $0xb8;
	[tilespmem:$0x19000] =	vst v63  }
0x3ac: {  	_ =	swait.ge [sflag:s14], $0x2000  }
0x3ad: {  	[sflag:s14] =	ssyncset.done $0x0  }
0x3ae: {  	[sflag:s14] =	ssyncadd.s32 $0xFFFFE000  }
0x3af: {  	[spmem:s2] =	stream.indirect.scatter.add.f32 [tilespmem:s1], [sflag:$0x3], $0x40, s19, s9, $0xb8;
	[tilespmem:$0x19000] =	vst v63  }
0x3b0: {  	_ =	swait.ge [sflag:s31], $0x2000  }
0x3b1: {  	[sflag:s31] =	ssyncset.done $0x0  }
0x3b2: {  	[sflag:s31] =	ssyncadd.s32 $0xFFFFE000  }
0x3b3: {  	[tilespmem:s1], [sflag:$0x2] =	stream.indirect.gather [spmem:s2], $0x40, s20, s9, $0xb8;
	[tilespmem:$0x19000] =	vst v63  }
0x3b4: {  	_ =	swait.ge [sflag:s11], $0x2000  }
0x3b5: {  	[sflag:s11] =	ssyncset.done $0x0  }
0x3b6: {  	[sflag:s11] =	ssyncadd.s32 $0xFFFFE000  }
0x3b7: {  	[spmem:s2] =	stream.indirect.scatter.add.f32 [tilespmem:s30], [sflag:$0x3], $0x40, s24, s9, $0xb8;
	[tilespmem:$0x19000] =	vst v63  }
0x3b8: {  	_ =	swait.ge [sflag:s31], $0x2000  }
0x3b9: {  	[sflag:s31] =	ssyncset.done $0x0  }
0x3ba: {  	[sflag:s31] =	ssyncadd.s32 $0xFFFFE000  }
0x3bb: {  	[tilespmem:s30], [sflag:$0x1] =	stream.indirect.gather [spmem:s2], $0x40, s25, s9, $0xb8;
	[tilespmem:$0x19000] =	vst v63  }
0x3bc: {  	_ =	swait.ge [sflag:s14], $0x2000  }
0x3bd: {  	[sflag:s14] =	ssyncset.done $0x0  }
0x3be: {  	s6 =	simm.s32 $0xC80;
	[sflag:s14] =	ssyncadd.s32 $0xFFFFE000  }
0x3bf: {  	[spmem:s2] =	stream.indirect.scatter.add.f32 [tilespmem:s1], [sflag:$0x3], $0x40, s6, s9, $0xb8;
	[tilespmem:$0x19000] =	vst v63  }
0x3c0: {  	_ =	swait.ge [sflag:s31], $0x2000  }
0x3c1: {  	[sflag:s31] =	ssyncset.done $0x0  }
0x3c2: {  	s10 =	simm.s32 $0x580;
	[sflag:s31] =	ssyncadd.s32 $0xFFFFE000  }
0x3c3: {  	[tilespmem:s1], [sflag:$0x2] =	stream.indirect.gather [spmem:s2], $0x40, s10, s9, $0xb8;
	[tilespmem:$0x19000] =	vst v63  }
0x3c4: {  	_ =	swait.ge [sflag:s11], $0x2000  }
0x3c5: {  	[sflag:s11] =	ssyncset.done $0x0  }
0x3c6: {  	s12 =	simm.s32 $0xD00;
	[sflag:s11] =	ssyncadd.s32 $0xFFFFE000  }
0x3c7: {  	[spmem:s2] =	stream.indirect.scatter.add.f32 [tilespmem:s30], [sflag:$0x3], $0x40, s12, s9, $0xb8;
	[tilespmem:$0x19000] =	vst v63  }
0x3c8: {  	_ =	swait.ge [sflag:s31], $0x2000  }
0x3c9: {  	[sflag:s31] =	ssyncset.done $0x0  }
0x3ca: {  	s13 =	simm.s32 $0x600;
	[sflag:s31] =	ssyncadd.s32 $0xFFFFE000  }
0x3cb: {  	[tilespmem:s30], [sflag:$0x1] =	stream.indirect.gather [spmem:s2], $0x40, s13, s9, $0xb8;
	[tilespmem:$0x19000] =	vst v63  }
0x3cc: {  	_ =	swait.ge [sflag:s14], $0x2000  }
0x3cd: {  	[sflag:s14] =	ssyncset.done $0x0  }
0x3ce: {  	s15 =	simm.s32 $0xD80;
	[sflag:s14] =	ssyncadd.s32 $0xFFFFE000  }
0x3cf: {  	[spmem:s2] =	stream.indirect.scatter.add.f32 [tilespmem:s1], [sflag:$0x3], $0x40, s15, s9, $0xb8;
	[tilespmem:$0x19000] =	vst v63  }
0x3d0: {  	_ =	swait.ge [sflag:s31], $0x2000  }
0x3d1: {  	[sflag:s31] =	ssyncset.done $0x0  }
0x3d2: {  	s16 =	simm.s32 $0x680;
	[sflag:s31] =	ssyncadd.s32 $0xFFFFE000  }
0x3d3: {  	[tilespmem:s1], [sflag:$0x2] =	stream.indirect.gather [spmem:s2], $0x40, s16, s9, $0xb8;
	[tilespmem:$0x19000] =	vst v63  }
0x3d4: {  	_ =	swait.ge [sflag:s11], $0x2000  }
0x3d5: {  	[sflag:s11] =	ssyncset.done $0x0  }
0x3d6: {  	s17 =	simm.s32 $0xE00;
	[sflag:s11] =	ssyncadd.s32 $0xFFFFE000  }
0x3d7: {  	[spmem:s2] =	stream.indirect.scatter.add.f32 [tilespmem:s30], [sflag:$0x3], $0x40, s17, s9, $0xb8;
	[tilespmem:$0x19000] =	vst v63  }
0x3d8: {  	_ =	swait.ge [sflag:s31], $0x2000  }
0x3d9: {  	[sflag:s31] =	ssyncset.done $0x0  }
0x3da: {  	s18 =	simm.s32 $0x700;
	[sflag:s31] =	ssyncadd.s32 $0xFFFFE000  }
0x3db: {  	[tilespmem:s30], [sflag:$0x1] =	stream.indirect.gather [spmem:s2], $0x40, s18, s9, $0xb8;
	[tilespmem:$0x19000] =	vst v63  }
0x3dc: {  	_ =	swait.ge [sflag:s14], $0x2000  }
0x3dd: {  	[sflag:s14] =	ssyncset.done $0x0  }
0x3de: {  	s19 =	simm.s32 $0xE80;
	[sflag:s14] =	ssyncadd.s32 $0xFFFFE000  }
0x3df: {  	[spmem:s2] =	stream.indirect.scatter.add.f32 [tilespmem:s1], [sflag:$0x3], $0x40, s19, s9, $0xb8;
	[tilespmem:$0x19000] =	vst v63  }
0x3e0: {  	_ =	swait.ge [sflag:s31], $0x2000  }
0x3e1: {  	[sflag:s31] =	ssyncset.done $0x0  }
0x3e2: {  	s20 =	simm.s32 $0x780;
	[sflag:s31] =	ssyncadd.s32 $0xFFFFE000  }
0x3e3: {  	[tilespmem:s1], [sflag:$0x2] =	stream.indirect.gather [spmem:s2], $0x40, s20, s9, $0xb8;
	[tilespmem:$0x19000] =	vst v63  }
0x3e4: {  	_ =	swait.ge [sflag:s11], $0x2000  }
0x3e5: {  	[sflag:s11] =	ssyncset.done $0x0  }
0x3e6: {  	s21 =	simm.s32 $0xF00;
	[sflag:s11] =	ssyncadd.s32 $0xFFFFE000  }
0x3e7: {  	[spmem:s2] =	stream.indirect.scatter.add.f32 [tilespmem:s30], [sflag:$0x3], $0x40, s21, s9, $0xb8;
	[tilespmem:$0x19000] =	vst v63  }
0x3e8: {  	_ =	swait.ge [sflag:s31], $0x2000  }
0x3e9: {  	[sflag:s31] =	ssyncset.done $0x0  }
0x3ea: {  	[sflag:s31] =	ssyncadd.s32 $0xFFFFE000  }
0x3eb: {  	_ =	swait.ge [sflag:s14], $0x2000  }
0x3ec: {  	[sflag:s14] =	ssyncset.done $0x0  }
0x3ed: {  	s22 =	simm.s32 $0xF80;
	[sflag:s14] =	ssyncadd.s32 $0xFFFFE000  }
0x3ee: {  	[spmem:s2] =	stream.indirect.scatter.add.f32 [tilespmem:s1], [sflag:$0x3], $0x40, s22, s9, $0xb8;
	[tilespmem:$0x19000] =	vst v63  }
0x3ef: {  	_ =	swait.ge [sflag:s31], $0x2000  }
0x3f0: {  	[sflag:s31] =	ssyncset.done $0x0  }
0x3f1: {  	[sflag:s31] =	ssyncadd.s32 $0xFFFFE000  }
0x3f2: {  	[bflag:$0x0] =	sbarrier.arrive $0xFFFF  }
0x3f3: {  	s23 =	rddreg [dreg:$0x19]  }
0x3f4: {  	s24 =	rddreg [dreg:$0x1c]  }
0x3f5: {  	s6 =	rddreg [dreg:$0x1d]  }
0x3f6: {  	[hbm:s23], [sflag:s24] =	dma.local [spmem:s6], $0x1400  }
0x3f7: {  	_ =	swait.ge [sflag:s31], $0x1400  }
0x3f8: {  	s25 =	rddreg [dreg:$0x1b]  }
0x3f9: {  	s26 =	rddreg [dreg:$0x1a];
	s4 =	sadd.s32 $0x1, s25  }
0x3fa: {  	p0 =	sne.s32 s4, s26  }
.Ltmp4:
0x3fb: {  	_ = 	snop;
	(pc) =	sbr.rel @p0 .LBB2_1-.Ltmp4, $3  }
0x3fc: {  	_ =	sdelay $0x1  }
0x3fd: {  	[sflag:s31] =	ssyncset.done $0x0  }
0x3fe: {  	[sflag:s31] =	ssyncadd.s32 $0xFFFFEC00  }
0x3ff: {  	_ =	sfence.sel $0x180000  }
0x400: {  	[bflag:$0x0] =	sbarrier.arrive $0xFFFF  }
0x401: {  	_ =	strace $0x90000047  }
0x402: {  	s0 =	stileid.u32;
	[bflag:$0x2] =	sbarrier.arrive $0xFFFF  }
0x403: {  	p0 =	sne.s32 s0, $0x0;
	s0 =	rddreg [dreg:$0x3]  }
0x404: {  	s0 =	sadd.s32 @!p0 $0x100000, s0  }
0x405: {  	[sflag:s0] =	ssyncadd.tile.s32 @!p0 $0x1;
	_ =	shalt  }
.Lfunc_end2:
_tile_overlayer_lowered:
.L_overlay_start_2:
0x406: {  	(tag) =	ssettag $0x2  }
0x407: {  	s0 =	rddreg [dreg:$0x0];
	s2 =	stileid.u32  }
0x408: {  	s1 =	rddreg [dreg:$0x1];
	p0 =	sne.s32 s2, $0x0  }
0x409: {  	s3 =	rddreg [dreg:$0x2];
	[bflag:$0x3] =	sbarrier.arrive $0xFFFF;
	s2 =	simm.s32 @!p0 $0x1C03  }
0x40a: {  	[timem:s3], [sflag:s2] =	dma.local @!p0 [hbm:s0], s1  }
0x40b: {  	s0 =	simm.s32 @!p0 $0x3  }
0x40c: {  	_ =	swait.ge @!p0 [sflag:s0], s1  }
0x40d: {  	s1 =	ssub.s32 @!p0 $0x0, s1;
	[sflag:s0] =	ssyncset.done @!p0 $0x0  }
0x40e: {  	[sflag:s0] =	ssyncadd.s32 @!p0 s1  }
0x40f: {  	[bflag:$0x3] =	sbarrier.arrive $0xFFFF  }
0x410: {  	_ =	shalt  }

</sc_bundles>
